<compile_context>
chip_gen: v7x
topology: tpu7x:2x2x1
jax: 0.10.2.dev20260603
libtpu: 0.0.44.dev20260713+nightly
codegen_flags: <defaults>
</compile_context>

<pallas_src>
import jax
import jax.numpy as jnp
from jax import lax
from jax.experimental import pallas as pl
from jax.experimental.pallas import tpu as pltpu
from jax.experimental.pallas import tpu_sc as plsc

MAXLEN = 200
EMB = 32
BATCH = 4096
VOCAB = 2 * MAXLEN + 2

BLK = 8
NBLK = MAXLEN // BLK
PAD_BLOCK = 402
EROWS = 416
CHUNK_ROWS = 8
CHUNK_BLKS = CHUNK_ROWS * NBLK
TRASH = CHUNK_BLKS
LANES = 16


def _build_block_indices(idx_ref, pidx_ref, start_vec, len_vec, lane, r0):
    slots = []
    for r in range(CHUNK_ROWS):
        start_s = start_vec[r0 + r]
        len_s = len_vec[r0 + r]
        jb8_lo = lane * BLK
        v_lo = jnp.clip(start_s + jb8_lo, 0, PAD_BLOCK)
        idx_lo = jnp.where(jb8_lo + BLK <= len_s, v_lo, PAD_BLOCK)
        idx_ref[pl.ds(r * NBLK, LANES)] = idx_lo
        jb8_hi = (lane + 9) * BLK
        v_hi = jnp.clip(start_s + jb8_hi, 0, PAD_BLOCK)
        idx_hi = jnp.where(jb8_hi + BLK <= len_s, v_hi, PAD_BLOCK)
        idx_ref[pl.ds(r * NBLK + 9, LANES)] = idx_hi
        rem = lax.rem(len_s, BLK)
        v_m = start_s + (len_s - rem)
        pvals = jnp.where(lane < rem, jnp.clip(v_m + lane, 0, VOCAB - 1), 0)
        pidx_ref[pl.ds(r * LANES, LANES)] = pvals
        slot = jnp.where(len_s < MAXLEN, r * NBLK + lax.div(len_s, BLK), TRASH)
        slots.append(slot)
    return slots


def _fire_patches(tab_s, pidx_ref, blk_ref, slots, psem):
    copies = []
    for r in range(CHUNK_ROWS):
        copies.append(
            pltpu.async_copy(
                tab_s.at[pidx_ref.at[pl.ds(r * LANES, BLK)]],
                blk_ref.at[slots[r]],
                psem,
            )
        )
    for cp in copies:
        cp.wait()


def _fire_outs(blk_ref, out_hbm, row_base, osem):
    for r in range(CHUNK_ROWS):
        pltpu.async_copy(
            blk_ref.at[pl.ds(r * NBLK, NBLK)],
            out_hbm.at[row_base + r, :, :, pl.ds(0, EMB)],
            osem,
        )


def _drain_outs(blk_ref, out_hbm, row_base, osem):
    for r in range(CHUNK_ROWS):
        pltpu.make_async_copy(
            blk_ref.at[pl.ds(r * NBLK, NBLK)],
            out_hbm.at[row_base + r, :, :, pl.ds(0, EMB)],
            osem,
        ).wait()


def _body(pos_hbm, len_hbm, table_hbm, out_hbm, tab_s, e_s, tabv, padv,
          pos_v, len_v, idx_a, idx_b, pidx_a, pidx_b, blk_a, blk_b,
          bsem, gsem_a, gsem_b, psem, osem_a, osem_b):
    info = plsc.get_sparse_core_info()
    nc = info.num_cores
    nw = nc * info.num_subcores
    rows_per_worker = BATCH // nw
    num_pairs = rows_per_worker // (2 * CHUNK_ROWS)

    sid = lax.axis_index("s")
    wid = sid * nc + lax.axis_index("c")
    base = wid * rows_per_worker

    @pl.when(sid == 0)
    def _():
        pltpu.sync_copy(table_hbm, tab_s)

    pltpu.sync_copy(pos_hbm.at[pl.ds(base, rows_per_worker)], pos_v)
    pltpu.sync_copy(len_hbm.at[pl.ds(base, rows_per_worker)], len_v)
    plsc.subcore_barrier()
    pltpu.sync_copy(tab_s, tabv.at[pl.ds(0, VOCAB)])
    lane = lax.iota(jnp.int32, LANES)

    for t in range(BLK):
        pltpu.sync_copy(tab_s.at[pl.ds(0, 1)], padv.at[pl.ds(t, 1)])

    bcps = []
    for i in range(EROWS // LANES):
        v = sid * 26 + i
        bcps.append(pltpu.async_copy(
            tabv.at[pl.ds(v, BLK)], e_s.at[v], bsem))
    for cp in bcps:
        cp.wait()

    @pl.when(sid == 15)
    def _():
        pltpu.sync_copy(padv, e_s.at[PAD_BLOCK])

    plsc.subcore_barrier()

    def pair_body(k, carry):
        pos_vec = pos_v[pl.ds(k * 2 * CHUNK_ROWS, LANES)]
        len_vec = len_v[pl.ds(k * 2 * CHUNK_ROWS, LANES)]
        start_vec = (MAXLEN + 1) - pos_vec
        row_a = base + k * 2 * CHUNK_ROWS
        row_b = row_a + CHUNK_ROWS

        slots_a = _build_block_indices(idx_a, pidx_a, start_vec, len_vec,
                                       lane, 0)

        @pl.when(k > 0)
        def _():
            _drain_outs(blk_a, out_hbm, row_a, osem_a)

        ga = pltpu.async_copy(e_s.at[idx_a], blk_a.at[pl.ds(0, CHUNK_BLKS)],
                              gsem_a)

        slots_b = _build_block_indices(idx_b, pidx_b, start_vec, len_vec,
                                       lane, CHUNK_ROWS)

        @pl.when(k > 0)
        def _():
            _drain_outs(blk_b, out_hbm, row_b, osem_b)

        gb = pltpu.async_copy(e_s.at[idx_b], blk_b.at[pl.ds(0, CHUNK_BLKS)],
                              gsem_b)

        ga.wait()
        _fire_patches(tab_s, pidx_a, blk_a, slots_a, psem)
        _fire_outs(blk_a, out_hbm, row_a, osem_a)
        gb.wait()
        _fire_patches(tab_s, pidx_b, blk_b, slots_b, psem)
        _fire_outs(blk_b, out_hbm, row_b, osem_b)
        return carry

    lax.fori_loop(0, num_pairs, pair_body, 0)
    last_a = base + rows_per_worker - 2 * CHUNK_ROWS
    _drain_outs(blk_a, out_hbm, last_a, osem_a)
    _drain_outs(blk_b, out_hbm, last_a + CHUNK_ROWS, osem_b)


def kernel(positions, lengths, table):
    info = plsc.get_sparse_core_info()
    nw = info.num_cores * info.num_subcores
    rows_per_worker = BATCH // nw
    mesh = plsc.VectorSubcoreMesh(core_axis_name="c", subcore_axis_name="s")
    k = pl.kernel(
        _body,
        out_type=jax.ShapeDtypeStruct((BATCH, NBLK, BLK, 128), jnp.float32),
        mesh=mesh,
        compiler_params=pltpu.CompilerParams(use_tc_tiling_on_sc=False),
        scratch_types=[
            pltpu.VMEM_SHARED((VOCAB, EMB), jnp.float32),
            pltpu.VMEM_SHARED((EROWS, BLK, EMB), jnp.float32),
            pltpu.VMEM((EROWS + BLK, EMB), jnp.float32),
            pltpu.VMEM((BLK, EMB), jnp.float32),
            pltpu.VMEM((rows_per_worker,), jnp.int32),
            pltpu.VMEM((rows_per_worker,), jnp.int32),
            pltpu.VMEM((CHUNK_BLKS,), jnp.int32),
            pltpu.VMEM((CHUNK_BLKS,), jnp.int32),
            pltpu.VMEM((CHUNK_ROWS * LANES,), jnp.int32),
            pltpu.VMEM((CHUNK_ROWS * LANES,), jnp.int32),
            pltpu.VMEM((CHUNK_BLKS + 1, BLK, EMB), jnp.float32),
            pltpu.VMEM((CHUNK_BLKS + 1, BLK, EMB), jnp.float32),
            pltpu.SemaphoreType.DMA,
            pltpu.SemaphoreType.DMA,
            pltpu.SemaphoreType.DMA,
            pltpu.SemaphoreType.DMA,
            pltpu.SemaphoreType.DMA,
            pltpu.SemaphoreType.DMA,
        ],
    )
    padded = k(positions.astype(jnp.int32), lengths.astype(jnp.int32), table)
    return padded.reshape(BATCH, MAXLEN, 128)[:, :, :EMB]

# --- scband reference (transcript-rebuilt; emitter-appended) ---
"""Pipeline reference for scband-relative-position-embedding-23467701306013 (READ-ONLY COPY).

The authoritative reference and input builder live on the scoring server;
editing this copy changes nothing except your own understanding.
"""

import jax, jax.numpy as jnp
import numpy as np

MAX_LENGTH = 200
EMBED = 32
PAD = 0
BATCH = 4096
VOCAB = 2 * MAX_LENGTH + 2  # PAD slot + offsets -max_length..max_length


def setup_inputs(seed: int = 0) -> dict:
    key = jax.random.key(seed)
    k1, k2, k3 = jax.random.split(key, 3)
    positions = jax.random.randint(k1, (BATCH,), 0, MAX_LENGTH)
    lengths = jax.random.randint(k2, (BATCH,), 0, MAX_LENGTH)
    # pin the max length so the output shape is deterministic (batch, 200, 32)
    lengths = lengths.at[0].set(MAX_LENGTH)
    table = jax.random.normal(k3, (VOCAB, EMBED), dtype=jnp.float32)
    return {"positions": positions, "lengths": lengths, "table": table}


def reference(positions, lengths, table):
    # get_relative_position
    L = MAX_LENGTH
    rel = jnp.arange(L)[None, :]                      # (1, L)
    rel = jnp.broadcast_to(rel, (positions.shape[0], L))
    rel = rel + MAX_LENGTH - positions[:, None] + 1   # (B, L)
    rel = jnp.clip(rel, 1, 2 * MAX_LENGTH + 1)
    # lengths2mask(..., negation=True): True where index >= length (pad positions)
    pad_position = jnp.arange(L)[None, :] >= lengths[:, None]
    rel = jnp.where(pad_position, PAD, rel)
    # embedding lookup
    rp_embedding = jnp.take(table, rel, axis=0)       # (B, L, E)
    return rp_embedding

if __name__ == "__main__":
    import jax
    _d = setup_inputs()
    print(jax.jit(kernel)(*tuple(_d.values())))

</pallas_src>

<mosaic_0001>
#map = affine_map<(d0, d1) -> (0)>
#map1 = affine_map<(d0, d1) -> (0, 0)>
#map2 = affine_map<(d0, d1) -> (0, 0, 0, 0)>
module attributes {stable_mosaic.version = 14 : i64} {
  func.func @_body(%arg0: i32, %arg1: i32, %arg2: memref<4096xi32, #tpu.memory_space<hbm>>, %arg3: memref<4096xi32, #tpu.memory_space<hbm>>, %arg4: memref<402x32xf32, #tpu.memory_space<hbm>>, %arg5: memref<4096x25x8x128xf32, #tpu.memory_space<hbm>>, %arg6: memref<402x32xf32, #tpu.memory_space<vmem_shared>>, %arg7: memref<416x8x32xf32, #tpu.memory_space<vmem_shared>>, %arg8: memref<424x32xf32, #tpu.memory_space<vmem>>, %arg9: memref<8x32xf32, #tpu.memory_space<vmem>>, %arg10: memref<128xi32, #tpu.memory_space<vmem>>, %arg11: memref<128xi32, #tpu.memory_space<vmem>>, %arg12: memref<200xi32, #tpu.memory_space<vmem>>, %arg13: memref<200xi32, #tpu.memory_space<vmem>>, %arg14: memref<128xi32, #tpu.memory_space<vmem>>, %arg15: memref<128xi32, #tpu.memory_space<vmem>>, %arg16: memref<201x8x32xf32, #tpu.memory_space<vmem>>, %arg17: memref<201x8x32xf32, #tpu.memory_space<vmem>>, %arg18: memref<!tpu.dma_semaphore, #tpu.memory_space<semaphore_mem>>, %arg19: memref<!tpu.dma_semaphore, #tpu.memory_space<semaphore_mem>>, %arg20: memref<!tpu.dma_semaphore, #tpu.memory_space<semaphore_mem>>, %arg21: memref<!tpu.dma_semaphore, #tpu.memory_space<semaphore_mem>>, %arg22: memref<!tpu.dma_semaphore, #tpu.memory_space<semaphore_mem>>, %arg23: memref<!tpu.dma_semaphore, #tpu.memory_space<semaphore_mem>>) attributes {dimension_semantics = [#tpu.dimension_semantics<core_parallel>, #tpu.dimension_semantics<subcore_parallel>], iteration_bounds = array<i64: 2, 16>, scalar_prefetch = 0 : i64, scratch_operands = 18 : i64, tpu.core_type = #tpu.core_type<sc_vector_subcore>, window_params = [{transform_indices = #map}, {transform_indices = #map}, {transform_indices = #map1}, {transform_indices = #map2}]} {
    %mul3A = arith.constant 2 : i32
    %mul3A_0 = arith.muli %arg1, %mul3A : i32
    %add3A = arith.addi %mul3A_0, %arg0 : i32
    %mul3A_1 = arith.constant 128 : i32
    %mul3A_2 = arith.muli %add3A, %mul3A_1 : i32
    %eq3A = arith.constant 0 : i32
    %eq3A_3 = arith.cmpi eq, %arg1, %eq3A : i32
    %convert_element_type3A = arith.extui %eq3A_3 : i1 to i32
    %cond3A = arith.constant 0 : i32
    %cond3A_4 = arith.cmpi ne, %convert_element_type3A, %cond3A : i32
    scf.if %cond3A_4 {
      "tpu.region"() ({
        %run_scoped3A = tpu.sem_alloc : memref<!tpu.dma_semaphore, #tpu.memory_space<semaphore_mem>>
        tpu.enqueue_dma source(%arg4 : memref<402x32xf32, #tpu.memory_space<hbm>>) target(%arg6 : memref<402x32xf32, #tpu.memory_space<vmem_shared>>) target_semaphore(%run_scoped3A : memref<!tpu.dma_semaphore, #tpu.memory_space<semaphore_mem>>)
        tpu.wait_dma2 semaphore(%run_scoped3A : memref<!tpu.dma_semaphore, #tpu.memory_space<semaphore_mem>>) src(%arg4 : memref<402x32xf32, #tpu.memory_space<hbm>>) dst(%arg6 : memref<402x32xf32, #tpu.memory_space<vmem_shared>>)
        tpu.yield
      }) : () -> ()
    } else {
    }
    "tpu.region"() ({
      %run_scoped3A = tpu.sem_alloc : memref<!tpu.dma_semaphore, #tpu.memory_space<semaphore_mem>>
      %dma_start3A_1067 = tpu.memref_slice %arg2[%mul3A_2] : memref<4096xi32, #tpu.memory_space<hbm>> -> memref<128xi32, #tpu.memory_space<hbm>>
      %dma_start3A_1068 = tpu.memref_slice %arg2[%mul3A_2] : memref<4096xi32, #tpu.memory_space<hbm>> -> memref<128xi32, #tpu.memory_space<hbm>>
      tpu.enqueue_dma source(%dma_start3A_1068 : memref<128xi32, #tpu.memory_space<hbm>>) target(%arg10 : memref<128xi32, #tpu.memory_space<vmem>>) target_semaphore(%run_scoped3A : memref<!tpu.dma_semaphore, #tpu.memory_space<semaphore_mem>>)
      %dma_wait3A_1069 = tpu.memref_slice %arg2[%mul3A_2] : memref<4096xi32, #tpu.memory_space<hbm>> -> memref<128xi32, #tpu.memory_space<hbm>>
      %dma_wait3A_1070 = tpu.memref_slice %arg2[%mul3A_2] : memref<4096xi32, #tpu.memory_space<hbm>> -> memref<128xi32, #tpu.memory_space<hbm>>
      tpu.wait_dma2 semaphore(%run_scoped3A : memref<!tpu.dma_semaphore, #tpu.memory_space<semaphore_mem>>) src(%dma_wait3A_1070 : memref<128xi32, #tpu.memory_space<hbm>>) dst(%arg10 : memref<128xi32, #tpu.memory_space<vmem>>)
      tpu.yield
    }) : () -> ()
    "tpu.region"() ({
      %run_scoped3A = tpu.sem_alloc : memref<!tpu.dma_semaphore, #tpu.memory_space<semaphore_mem>>
      %dma_start3A_1067 = tpu.memref_slice %arg3[%mul3A_2] : memref<4096xi32, #tpu.memory_space<hbm>> -> memref<128xi32, #tpu.memory_space<hbm>>
      %dma_start3A_1068 = tpu.memref_slice %arg3[%mul3A_2] : memref<4096xi32, #tpu.memory_space<hbm>> -> memref<128xi32, #tpu.memory_space<hbm>>
      tpu.enqueue_dma source(%dma_start3A_1068 : memref<128xi32, #tpu.memory_space<hbm>>) target(%arg11 : memref<128xi32, #tpu.memory_space<vmem>>) target_semaphore(%run_scoped3A : memref<!tpu.dma_semaphore, #tpu.memory_space<semaphore_mem>>)
      %dma_wait3A_1069 = tpu.memref_slice %arg3[%mul3A_2] : memref<4096xi32, #tpu.memory_space<hbm>> -> memref<128xi32, #tpu.memory_space<hbm>>
      %dma_wait3A_1070 = tpu.memref_slice %arg3[%mul3A_2] : memref<4096xi32, #tpu.memory_space<hbm>> -> memref<128xi32, #tpu.memory_space<hbm>>
      tpu.wait_dma2 semaphore(%run_scoped3A : memref<!tpu.dma_semaphore, #tpu.memory_space<semaphore_mem>>) src(%dma_wait3A_1070 : memref<128xi32, #tpu.memory_space<hbm>>) dst(%arg11 : memref<128xi32, #tpu.memory_space<vmem>>)
      tpu.yield
    }) : () -> ()
    %barrier3A = arith.constant 0 : index
    tpu.barrier barrier_id(%barrier3A)
    "tpu.region"() ({
      %run_scoped3A = tpu.sem_alloc : memref<!tpu.dma_semaphore, #tpu.memory_space<semaphore_mem>>
      %dma_start3A_1067 = arith.constant 0 : i32
      %dma_start3A_1068 = arith.constant 0 : i32
      %dma_start3A_1069 = tpu.memref_slice %arg8[%dma_start3A_1067, %dma_start3A_1068] : memref<424x32xf32, #tpu.memory_space<vmem>> -> memref<402x32xf32, #tpu.memory_space<vmem>>
      %dma_start3A_1070 = arith.constant 0 : i32
      %dma_start3A_1071 = arith.constant 0 : i32
      %dma_start3A_1072 = tpu.memref_slice %arg8[%dma_start3A_1070, %dma_start3A_1071] : memref<424x32xf32, #tpu.memory_space<vmem>> -> memref<402x32xf32, #tpu.memory_space<vmem>>
      tpu.enqueue_dma source(%arg6 : memref<402x32xf32, #tpu.memory_space<vmem_shared>>) target(%dma_start3A_1072 : memref<402x32xf32, #tpu.memory_space<vmem>>) target_semaphore(%run_scoped3A : memref<!tpu.dma_semaphore, #tpu.memory_space<semaphore_mem>>)
      %dma_wait3A_1073 = arith.constant 0 : i32
      %dma_wait3A_1074 = arith.constant 0 : i32
      %dma_wait3A_1075 = tpu.memref_slice %arg8[%dma_wait3A_1073, %dma_wait3A_1074] : memref<424x32xf32, #tpu.memory_space<vmem>> -> memref<402x32xf32, #tpu.memory_space<vmem>>
      %dma_wait3A_1076 = arith.constant 0 : i32
      %dma_wait3A_1077 = arith.constant 0 : i32
      %dma_wait3A_1078 = tpu.memref_slice %arg8[%dma_wait3A_1076, %dma_wait3A_1077] : memref<424x32xf32, #tpu.memory_space<vmem>> -> memref<402x32xf32, #tpu.memory_space<vmem>>
      tpu.wait_dma2 semaphore(%run_scoped3A : memref<!tpu.dma_semaphore, #tpu.memory_space<semaphore_mem>>) src(%arg6 : memref<402x32xf32, #tpu.memory_space<vmem_shared>>) dst(%dma_wait3A_1078 : memref<402x32xf32, #tpu.memory_space<vmem>>)
      tpu.yield
    }) : () -> ()
    %iota3A = tpu.iota {dimensions = array<i32: 0>} : vector<16xi32>
    "tpu.region"() ({
      %run_scoped3A = tpu.sem_alloc : memref<!tpu.dma_semaphore, #tpu.memory_space<semaphore_mem>>
      %dma_start3A_1067 = arith.constant 0 : i32
      %dma_start3A_1068 = arith.constant 0 : i32
      %dma_start3A_1069 = tpu.memref_slice %arg9[%dma_start3A_1067, %dma_start3A_1068] : memref<8x32xf32, #tpu.memory_space<vmem>> -> memref<1x32xf32, #tpu.memory_space<vmem>>
      %dma_start3A_1070 = arith.constant 0 : i32
      %dma_start3A_1071 = arith.constant 0 : i32
      %dma_start3A_1072 = tpu.memref_slice %arg6[%dma_start3A_1070, %dma_start3A_1071] : memref<402x32xf32, #tpu.memory_space<vmem_shared>> -> memref<1x32xf32, #tpu.memory_space<vmem_shared>>
      %dma_start3A_1073 = arith.constant 0 : i32
      %dma_start3A_1074 = arith.constant 0 : i32
      %dma_start3A_1075 = tpu.memref_slice %arg9[%dma_start3A_1073, %dma_start3A_1074] : memref<8x32xf32, #tpu.memory_space<vmem>> -> memref<1x32xf32, #tpu.memory_space<vmem>>
      %dma_start3A_1076 = arith.constant 0 : i32
      %dma_start3A_1077 = arith.constant 0 : i32
      %dma_start3A_1078 = tpu.memref_slice %arg6[%dma_start3A_1076, %dma_start3A_1077] : memref<402x32xf32, #tpu.memory_space<vmem_shared>> -> memref<1x32xf32, #tpu.memory_space<vmem_shared>>
      tpu.enqueue_dma source(%dma_start3A_1078 : memref<1x32xf32, #tpu.memory_space<vmem_shared>>) target(%dma_start3A_1075 : memref<1x32xf32, #tpu.memory_space<vmem>>) target_semaphore(%run_scoped3A : memref<!tpu.dma_semaphore, #tpu.memory_space<semaphore_mem>>)
      %dma_wait3A_1079 = arith.constant 0 : i32
      %dma_wait3A_1080 = arith.constant 0 : i32
      %dma_wait3A_1081 = tpu.memref_slice %arg9[%dma_wait3A_1079, %dma_wait3A_1080] : memref<8x32xf32, #tpu.memory_space<vmem>> -> memref<1x32xf32, #tpu.memory_space<vmem>>
      %dma_wait3A_1082 = arith.constant 0 : i32
      %dma_wait3A_1083 = arith.constant 0 : i32
      %dma_wait3A_1084 = tpu.memref_slice %arg6[%dma_wait3A_1082, %dma_wait3A_1083] : memref<402x32xf32, #tpu.memory_space<vmem_shared>> -> memref<1x32xf32, #tpu.memory_space<vmem_shared>>
      %dma_wait3A_1085 = arith.constant 0 : i32
      %dma_wait3A_1086 = arith.constant 0 : i32
      %dma_wait3A_1087 = tpu.memref_slice %arg9[%dma_wait3A_1085, %dma_wait3A_1086] : memref<8x32xf32, #tpu.memory_space<vmem>> -> memref<1x32xf32, #tpu.memory_space<vmem>>
      %dma_wait3A_1088 = arith.constant 0 : i32
      %dma_wait3A_1089 = arith.constant 0 : i32
      %dma_wait3A_1090 = tpu.memref_slice %arg6[%dma_wait3A_1088, %dma_wait3A_1089] : memref<402x32xf32, #tpu.memory_space<vmem_shared>> -> memref<1x32xf32, #tpu.memory_space<vmem_shared>>
      tpu.wait_dma2 semaphore(%run_scoped3A : memref<!tpu.dma_semaphore, #tpu.memory_space<semaphore_mem>>) src(%dma_wait3A_1090 : memref<1x32xf32, #tpu.memory_space<vmem_shared>>) dst(%dma_wait3A_1087 : memref<1x32xf32, #tpu.memory_space<vmem>>)
      tpu.yield
    }) : () -> ()
    "tpu.region"() ({
      %run_scoped3A = tpu.sem_alloc : memref<!tpu.dma_semaphore, #tpu.memory_space<semaphore_mem>>
      %dma_start3A_1067 = arith.constant 1 : i32
      %dma_start3A_1068 = arith.constant 0 : i32
      %dma_start3A_1069 = tpu.memref_slice %arg9[%dma_start3A_1067, %dma_start3A_1068] : memref<8x32xf32, #tpu.memory_space<vmem>> -> memref<1x32xf32, #tpu.memory_space<vmem>>
      %dma_start3A_1070 = arith.constant 0 : i32
      %dma_start3A_1071 = arith.constant 0 : i32
      %dma_start3A_1072 = tpu.memref_slice %arg6[%dma_start3A_1070, %dma_start3A_1071] : memref<402x32xf32, #tpu.memory_space<vmem_shared>> -> memref<1x32xf32, #tpu.memory_space<vmem_shared>>
      %dma_start3A_1073 = arith.constant 1 : i32
      %dma_start3A_1074 = arith.constant 0 : i32
      %dma_start3A_1075 = tpu.memref_slice %arg9[%dma_start3A_1073, %dma_start3A_1074] : memref<8x32xf32, #tpu.memory_space<vmem>> -> memref<1x32xf32, #tpu.memory_space<vmem>>
      %dma_start3A_1076 = arith.constant 0 : i32
      %dma_start3A_1077 = arith.constant 0 : i32
      %dma_start3A_1078 = tpu.memref_slice %arg6[%dma_start3A_1076, %dma_start3A_1077] : memref<402x32xf32, #tpu.memory_space<vmem_shared>> -> memref<1x32xf32, #tpu.memory_space<vmem_shared>>
      tpu.enqueue_dma source(%dma_start3A_1078 : memref<1x32xf32, #tpu.memory_space<vmem_shared>>) target(%dma_start3A_1075 : memref<1x32xf32, #tpu.memory_space<vmem>>) target_semaphore(%run_scoped3A : memref<!tpu.dma_semaphore, #tpu.memory_space<semaphore_mem>>)
      %dma_wait3A_1079 = arith.constant 1 : i32
      %dma_wait3A_1080 = arith.constant 0 : i32
      %dma_wait3A_1081 = tpu.memref_slice %arg9[%dma_wait3A_1079, %dma_wait3A_1080] : memref<8x32xf32, #tpu.memory_space<vmem>> -> memref<1x32xf32, #tpu.memory_space<vmem>>
      %dma_wait3A_1082 = arith.constant 0 : i32
      %dma_wait3A_1083 = arith.constant 0 : i32
      %dma_wait3A_1084 = tpu.memref_slice %arg6[%dma_wait3A_1082, %dma_wait3A_1083] : memref<402x32xf32, #tpu.memory_space<vmem_shared>> -> memref<1x32xf32, #tpu.memory_space<vmem_shared>>
      %dma_wait3A_1085 = arith.constant 1 : i32
      %dma_wait3A_1086 = arith.constant 0 : i32
      %dma_wait3A_1087 = tpu.memref_slice %arg9[%dma_wait3A_1085, %dma_wait3A_1086] : memref<8x32xf32, #tpu.memory_space<vmem>> -> memref<1x32xf32, #tpu.memory_space<vmem>>
      %dma_wait3A_1088 = arith.constant 0 : i32
      %dma_wait3A_1089 = arith.constant 0 : i32
      %dma_wait3A_1090 = tpu.memref_slice %arg6[%dma_wait3A_1088, %dma_wait3A_1089] : memref<402x32xf32, #tpu.memory_space<vmem_shared>> -> memref<1x32xf32, #tpu.memory_space<vmem_shared>>
      tpu.wait_dma2 semaphore(%run_scoped3A : memref<!tpu.dma_semaphore, #tpu.memory_space<semaphore_mem>>) src(%dma_wait3A_1090 : memref<1x32xf32, #tpu.memory_space<vmem_shared>>) dst(%dma_wait3A_1087 : memref<1x32xf32, #tpu.memory_space<vmem>>)
      tpu.yield
    }) : () -> ()
    "tpu.region"() ({
      %run_scoped3A = tpu.sem_alloc : memref<!tpu.dma_semaphore, #tpu.memory_space<semaphore_mem>>
      %dma_start3A_1067 = arith.constant 2 : i32
      %dma_start3A_1068 = arith.constant 0 : i32
      %dma_start3A_1069 = tpu.memref_slice %arg9[%dma_start3A_1067, %dma_start3A_1068] : memref<8x32xf32, #tpu.memory_space<vmem>> -> memref<1x32xf32, #tpu.memory_space<vmem>>
      %dma_start3A_1070 = arith.constant 0 : i32
      %dma_start3A_1071 = arith.constant 0 : i32
      %dma_start3A_1072 = tpu.memref_slice %arg6[%dma_start3A_1070, %dma_start3A_1071] : memref<402x32xf32, #tpu.memory_space<vmem_shared>> -> memref<1x32xf32, #tpu.memory_space<vmem_shared>>
      %dma_start3A_1073 = arith.constant 2 : i32
      %dma_start3A_1074 = arith.constant 0 : i32
      %dma_start3A_1075 = tpu.memref_slice %arg9[%dma_start3A_1073, %dma_start3A_1074] : memref<8x32xf32, #tpu.memory_space<vmem>> -> memref<1x32xf32, #tpu.memory_space<vmem>>
      %dma_start3A_1076 = arith.constant 0 : i32
      %dma_start3A_1077 = arith.constant 0 : i32
      %dma_start3A_1078 = tpu.memref_slice %arg6[%dma_start3A_1076, %dma_start3A_1077] : memref<402x32xf32, #tpu.memory_space<vmem_shared>> -> memref<1x32xf32, #tpu.memory_space<vmem_shared>>
      tpu.enqueue_dma source(%dma_start3A_1078 : memref<1x32xf32, #tpu.memory_space<vmem_shared>>) target(%dma_start3A_1075 : memref<1x32xf32, #tpu.memory_space<vmem>>) target_semaphore(%run_scoped3A : memref<!tpu.dma_semaphore, #tpu.memory_space<semaphore_mem>>)
      %dma_wait3A_1079 = arith.constant 2 : i32
      %dma_wait3A_1080 = arith.constant 0 : i32
      %dma_wait3A_1081 = tpu.memref_slice %arg9[%dma_wait3A_1079, %dma_wait3A_1080] : memref<8x32xf32, #tpu.memory_space<vmem>> -> memref<1x32xf32, #tpu.memory_space<vmem>>
      %dma_wait3A_1082 = arith.constant 0 : i32
      %dma_wait3A_1083 = arith.constant 0 : i32
      %dma_wait3A_1084 = tpu.memref_slice %arg6[%dma_wait3A_1082, %dma_wait3A_1083] : memref<402x32xf32, #tpu.memory_space<vmem_shared>> -> memref<1x32xf32, #tpu.memory_space<vmem_shared>>
      %dma_wait3A_1085 = arith.constant 2 : i32
      %dma_wait3A_1086 = arith.constant 0 : i32
      %dma_wait3A_1087 = tpu.memref_slice %arg9[%dma_wait3A_1085, %dma_wait3A_1086] : memref<8x32xf32, #tpu.memory_space<vmem>> -> memref<1x32xf32, #tpu.memory_space<vmem>>
      %dma_wait3A_1088 = arith.constant 0 : i32
      %dma_wait3A_1089 = arith.constant 0 : i32
      %dma_wait3A_1090 = tpu.memref_slice %arg6[%dma_wait3A_1088, %dma_wait3A_1089] : memref<402x32xf32, #tpu.memory_space<vmem_shared>> -> memref<1x32xf32, #tpu.memory_space<vmem_shared>>
      tpu.wait_dma2 semaphore(%run_scoped3A : memref<!tpu.dma_semaphore, #tpu.memory_space<semaphore_mem>>) src(%dma_wait3A_1090 : memref<1x32xf32, #tpu.memory_space<vmem_shared>>) dst(%dma_wait3A_1087 : memref<1x32xf32, #tpu.memory_space<vmem>>)
      tpu.yield
    }) : () -> ()
    "tpu.region"() ({
      %run_scoped3A = tpu.sem_alloc : memref<!tpu.dma_semaphore, #tpu.memory_space<semaphore_mem>>
      %dma_start3A_1067 = arith.constant 3 : i32
      %dma_start3A_1068 = arith.constant 0 : i32
      %dma_start3A_1069 = tpu.memref_slice %arg9[%dma_start3A_1067, %dma_start3A_1068] : memref<8x32xf32, #tpu.memory_space<vmem>> -> memref<1x32xf32, #tpu.memory_space<vmem>>
      %dma_start3A_1070 = arith.constant 0 : i32
      %dma_start3A_1071 = arith.constant 0 : i32
      %dma_start3A_1072 = tpu.memref_slice %arg6[%dma_start3A_1070, %dma_start3A_1071] : memref<402x32xf32, #tpu.memory_space<vmem_shared>> -> memref<1x32xf32, #tpu.memory_space<vmem_shared>>
      %dma_start3A_1073 = arith.constant 3 : i32
      %dma_start3A_1074 = arith.constant 0 : i32
      %dma_start3A_1075 = tpu.memref_slice %arg9[%dma_start3A_1073, %dma_start3A_1074] : memref<8x32xf32, #tpu.memory_space<vmem>> -> memref<1x32xf32, #tpu.memory_space<vmem>>
      %dma_start3A_1076 = arith.constant 0 : i32
      %dma_start3A_1077 = arith.constant 0 : i32
      %dma_start3A_1078 = tpu.memref_slice %arg6[%dma_start3A_1076, %dma_start3A_1077] : memref<402x32xf32, #tpu.memory_space<vmem_shared>> -> memref<1x32xf32, #tpu.memory_space<vmem_shared>>
      tpu.enqueue_dma source(%dma_start3A_1078 : memref<1x32xf32, #tpu.memory_space<vmem_shared>>) target(%dma_start3A_1075 : memref<1x32xf32, #tpu.memory_space<vmem>>) target_semaphore(%run_scoped3A : memref<!tpu.dma_semaphore, #tpu.memory_space<semaphore_mem>>)
      %dma_wait3A_1079 = arith.constant 3 : i32
      %dma_wait3A_1080 = arith.constant 0 : i32
      %dma_wait3A_1081 = tpu.memref_slice %arg9[%dma_wait3A_1079, %dma_wait3A_1080] : memref<8x32xf32, #tpu.memory_space<vmem>> -> memref<1x32xf32, #tpu.memory_space<vmem>>
      %dma_wait3A_1082 = arith.constant 0 : i32
      %dma_wait3A_1083 = arith.constant 0 : i32
      %dma_wait3A_1084 = tpu.memref_slice %arg6[%dma_wait3A_1082, %dma_wait3A_1083] : memref<402x32xf32, #tpu.memory_space<vmem_shared>> -> memref<1x32xf32, #tpu.memory_space<vmem_shared>>
      %dma_wait3A_1085 = arith.constant 3 : i32
      %dma_wait3A_1086 = arith.constant 0 : i32
      %dma_wait3A_1087 = tpu.memref_slice %arg9[%dma_wait3A_1085, %dma_wait3A_1086] : memref<8x32xf32, #tpu.memory_space<vmem>> -> memref<1x32xf32, #tpu.memory_space<vmem>>
      %dma_wait3A_1088 = arith.constant 0 : i32
      %dma_wait3A_1089 = arith.constant 0 : i32
      %dma_wait3A_1090 = tpu.memref_slice %arg6[%dma_wait3A_1088, %dma_wait3A_1089] : memref<402x32xf32, #tpu.memory_space<vmem_shared>> -> memref<1x32xf32, #tpu.memory_space<vmem_shared>>
      tpu.wait_dma2 semaphore(%run_scoped3A : memref<!tpu.dma_semaphore, #tpu.memory_space<semaphore_mem>>) src(%dma_wait3A_1090 : memref<1x32xf32, #tpu.memory_space<vmem_shared>>) dst(%dma_wait3A_1087 : memref<1x32xf32, #tpu.memory_space<vmem>>)
      tpu.yield
    }) : () -> ()
    "tpu.region"() ({
      %run_scoped3A = tpu.sem_alloc : memref<!tpu.dma_semaphore, #tpu.memory_space<semaphore_mem>>
      %dma_start3A_1067 = arith.constant 4 : i32
      %dma_start3A_1068 = arith.constant 0 : i32
      %dma_start3A_1069 = tpu.memref_slice %arg9[%dma_start3A_1067, %dma_start3A_1068] : memref<8x32xf32, #tpu.memory_space<vmem>> -> memref<1x32xf32, #tpu.memory_space<vmem>>
      %dma_start3A_1070 = arith.constant 0 : i32
      %dma_start3A_1071 = arith.constant 0 : i32
      %dma_start3A_1072 = tpu.memref_slice %arg6[%dma_start3A_1070, %dma_start3A_1071] : memref<402x32xf32, #tpu.memory_space<vmem_shared>> -> memref<1x32xf32, #tpu.memory_space<vmem_shared>>
      %dma_start3A_1073 = arith.constant 4 : i32
      %dma_start3A_1074 = arith.constant 0 : i32
      %dma_start3A_1075 = tpu.memref_slice %arg9[%dma_start3A_1073, %dma_start3A_1074] : memref<8x32xf32, #tpu.memory_space<vmem>> -> memref<1x32xf32, #tpu.memory_space<vmem>>
      %dma_start3A_1076 = arith.constant 0 : i32
      %dma_start3A_1077 = arith.constant 0 : i32
      %dma_start3A_1078 = tpu.memref_slice %arg6[%dma_start3A_1076, %dma_start3A_1077] : memref<402x32xf32, #tpu.memory_space<vmem_shared>> -> memref<1x32xf32, #tpu.memory_space<vmem_shared>>
      tpu.enqueue_dma source(%dma_start3A_1078 : memref<1x32xf32, #tpu.memory_space<vmem_shared>>) target(%dma_start3A_1075 : memref<1x32xf32, #tpu.memory_space<vmem>>) target_semaphore(%run_scoped3A : memref<!tpu.dma_semaphore, #tpu.memory_space<semaphore_mem>>)
      %dma_wait3A_1079 = arith.constant 4 : i32
      %dma_wait3A_1080 = arith.constant 0 : i32
      %dma_wait3A_1081 = tpu.memref_slice %arg9[%dma_wait3A_1079, %dma_wait3A_1080] : memref<8x32xf32, #tpu.memory_space<vmem>> -> memref<1x32xf32, #tpu.memory_space<vmem>>
      %dma_wait3A_1082 = arith.constant 0 : i32
      %dma_wait3A_1083 = arith.constant 0 : i32
      %dma_wait3A_1084 = tpu.memref_slice %arg6[%dma_wait3A_1082, %dma_wait3A_1083] : memref<402x32xf32, #tpu.memory_space<vmem_shared>> -> memref<1x32xf32, #tpu.memory_space<vmem_shared>>
      %dma_wait3A_1085 = arith.constant 4 : i32
      %dma_wait3A_1086 = arith.constant 0 : i32
      %dma_wait3A_1087 = tpu.memref_slice %arg9[%dma_wait3A_1085, %dma_wait3A_1086] : memref<8x32xf32, #tpu.memory_space<vmem>> -> memref<1x32xf32, #tpu.memory_space<vmem>>
      %dma_wait3A_1088 = arith.constant 0 : i32
      %dma_wait3A_1089 = arith.constant 0 : i32
      %dma_wait3A_1090 = tpu.memref_slice %arg6[%dma_wait3A_1088, %dma_wait3A_1089] : memref<402x32xf32, #tpu.memory_space<vmem_shared>> -> memref<1x32xf32, #tpu.memory_space<vmem_shared>>
      tpu.wait_dma2 semaphore(%run_scoped3A : memref<!tpu.dma_semaphore, #tpu.memory_space<semaphore_mem>>) src(%dma_wait3A_1090 : memref<1x32xf32, #tpu.memory_space<vmem_shared>>) dst(%dma_wait3A_1087 : memref<1x32xf32, #tpu.memory_space<vmem>>)
      tpu.yield
    }) : () -> ()
    "tpu.region"() ({
      %run_scoped3A = tpu.sem_alloc : memref<!tpu.dma_semaphore, #tpu.memory_space<semaphore_mem>>
      %dma_start3A_1067 = arith.constant 5 : i32
      %dma_start3A_1068 = arith.constant 0 : i32
      %dma_start3A_1069 = tpu.memref_slice %arg9[%dma_start3A_1067, %dma_start3A_1068] : memref<8x32xf32, #tpu.memory_space<vmem>> -> memref<1x32xf32, #tpu.memory_space<vmem>>
      %dma_start3A_1070 = arith.constant 0 : i32
      %dma_start3A_1071 = arith.constant 0 : i32
      %dma_start3A_1072 = tpu.memref_slice %arg6[%dma_start3A_1070, %dma_start3A_1071] : memref<402x32xf32, #tpu.memory_space<vmem_shared>> -> memref<1x32xf32, #tpu.memory_space<vmem_shared>>
      %dma_start3A_1073 = arith.constant 5 : i32
      %dma_start3A_1074 = arith.constant 0 : i32
      %dma_start3A_1075 = tpu.memref_slice %arg9[%dma_start3A_1073, %dma_start3A_1074] : memref<8x32xf32, #tpu.memory_space<vmem>> -> memref<1x32xf32, #tpu.memory_space<vmem>>
      %dma_start3A_1076 = arith.constant 0 : i32
      %dma_start3A_1077 = arith.constant 0 : i32
      %dma_start3A_1078 = tpu.memref_slice %arg6[%dma_start3A_1076, %dma_start3A_1077] : memref<402x32xf32, #tpu.memory_space<vmem_shared>> -> memref<1x32xf32, #tpu.memory_space<vmem_shared>>
      tpu.enqueue_dma source(%dma_start3A_1078 : memref<1x32xf32, #tpu.memory_space<vmem_shared>>) target(%dma_start3A_1075 : memref<1x32xf32, #tpu.memory_space<vmem>>) target_semaphore(%run_scoped3A : memref<!tpu.dma_semaphore, #tpu.memory_space<semaphore_mem>>)
      %dma_wait3A_1079 = arith.constant 5 : i32
      %dma_wait3A_1080 = arith.constant 0 : i32
      %dma_wait3A_1081 = tpu.memref_slice %arg9[%dma_wait3A_1079, %dma_wait3A_1080] : memref<8x32xf32, #tpu.memory_space<vmem>> -> memref<1x32xf32, #tpu.memory_space<vmem>>
      %dma_wait3A_1082 = arith.constant 0 : i32
      %dma_wait3A_1083 = arith.constant 0 : i32
      %dma_wait3A_1084 = tpu.memref_slice %arg6[%dma_wait3A_1082, %dma_wait3A_1083] : memref<402x32xf32, #tpu.memory_space<vmem_shared>> -> memref<1x32xf32, #tpu.memory_space<vmem_shared>>
      %dma_wait3A_1085 = arith.constant 5 : i32
      %dma_wait3A_1086 = arith.constant 0 : i32
      %dma_wait3A_1087 = tpu.memref_slice %arg9[%dma_wait3A_1085, %dma_wait3A_1086] : memref<8x32xf32, #tpu.memory_space<vmem>> -> memref<1x32xf32, #tpu.memory_space<vmem>>
      %dma_wait3A_1088 = arith.constant 0 : i32
      %dma_wait3A_1089 = arith.constant 0 : i32
      %dma_wait3A_1090 = tpu.memref_slice %arg6[%dma_wait3A_1088, %dma_wait3A_1089] : memref<402x32xf32, #tpu.memory_space<vmem_shared>> -> memref<1x32xf32, #tpu.memory_space<vmem_shared>>
      tpu.wait_dma2 semaphore(%run_scoped3A : memref<!tpu.dma_semaphore, #tpu.memory_space<semaphore_mem>>) src(%dma_wait3A_1090 : memref<1x32xf32, #tpu.memory_space<vmem_shared>>) dst(%dma_wait3A_1087 : memref<1x32xf32, #tpu.memory_space<vmem>>)
      tpu.yield
    }) : () -> ()
    "tpu.region"() ({
      %run_scoped3A = tpu.sem_alloc : memref<!tpu.dma_semaphore, #tpu.memory_space<semaphore_mem>>
      %dma_start3A_1067 = arith.constant 6 : i32
      %dma_start3A_1068 = arith.constant 0 : i32
      %dma_start3A_1069 = tpu.memref_slice %arg9[%dma_start3A_1067, %dma_start3A_1068] : memref<8x32xf32, #tpu.memory_space<vmem>> -> memref<1x32xf32, #tpu.memory_space<vmem>>
      %dma_start3A_1070 = arith.constant 0 : i32
      %dma_start3A_1071 = arith.constant 0 : i32
      %dma_start3A_1072 = tpu.memref_slice %arg6[%dma_start3A_1070, %dma_start3A_1071] : memref<402x32xf32, #tpu.memory_space<vmem_shared>> -> memref<1x32xf32, #tpu.memory_space<vmem_shared>>
      %dma_start3A_1073 = arith.constant 6 : i32
      %dma_start3A_1074 = arith.constant 0 : i32
      %dma_start3A_1075 = tpu.memref_slice %arg9[%dma_start3A_1073, %dma_start3A_1074] : memref<8x32xf32, #tpu.memory_space<vmem>> -> memref<1x32xf32, #tpu.memory_space<vmem>>
      %dma_start3A_1076 = arith.constant 0 : i32
      %dma_start3A_1077 = arith.constant 0 : i32
      %dma_start3A_1078 = tpu.memref_slice %arg6[%dma_start3A_1076, %dma_start3A_1077] : memref<402x32xf32, #tpu.memory_space<vmem_shared>> -> memref<1x32xf32, #tpu.memory_space<vmem_shared>>
      tpu.enqueue_dma source(%dma_start3A_1078 : memref<1x32xf32, #tpu.memory_space<vmem_shared>>) target(%dma_start3A_1075 : memref<1x32xf32, #tpu.memory_space<vmem>>) target_semaphore(%run_scoped3A : memref<!tpu.dma_semaphore, #tpu.memory_space<semaphore_mem>>)
      %dma_wait3A_1079 = arith.constant 6 : i32
      %dma_wait3A_1080 = arith.constant 0 : i32
      %dma_wait3A_1081 = tpu.memref_slice %arg9[%dma_wait3A_1079, %dma_wait3A_1080] : memref<8x32xf32, #tpu.memory_space<vmem>> -> memref<1x32xf32, #tpu.memory_space<vmem>>
      %dma_wait3A_1082 = arith.constant 0 : i32
      %dma_wait3A_1083 = arith.constant 0 : i32
      %dma_wait3A_1084 = tpu.memref_slice %arg6[%dma_wait3A_1082, %dma_wait3A_1083] : memref<402x32xf32, #tpu.memory_space<vmem_shared>> -> memref<1x32xf32, #tpu.memory_space<vmem_shared>>
      %dma_wait3A_1085 = arith.constant 6 : i32
      %dma_wait3A_1086 = arith.constant 0 : i32
      %dma_wait3A_1087 = tpu.memref_slice %arg9[%dma_wait3A_1085, %dma_wait3A_1086] : memref<8x32xf32, #tpu.memory_space<vmem>> -> memref<1x32xf32, #tpu.memory_space<vmem>>
      %dma_wait3A_1088 = arith.constant 0 : i32
      %dma_wait3A_1089 = arith.constant 0 : i32
      %dma_wait3A_1090 = tpu.memref_slice %arg6[%dma_wait3A_1088, %dma_wait3A_1089] : memref<402x32xf32, #tpu.memory_space<vmem_shared>> -> memref<1x32xf32, #tpu.memory_space<vmem_shared>>
      tpu.wait_dma2 semaphore(%run_scoped3A : memref<!tpu.dma_semaphore, #tpu.memory_space<semaphore_mem>>) src(%dma_wait3A_1090 : memref<1x32xf32, #tpu.memory_space<vmem_shared>>) dst(%dma_wait3A_1087 : memref<1x32xf32, #tpu.memory_space<vmem>>)
      tpu.yield
    }) : () -> ()
    "tpu.region"() ({
      %run_scoped3A = tpu.sem_alloc : memref<!tpu.dma_semaphore, #tpu.memory_space<semaphore_mem>>
      %dma_start3A_1067 = arith.constant 7 : i32
      %dma_start3A_1068 = arith.constant 0 : i32
      %dma_start3A_1069 = tpu.memref_slice %arg9[%dma_start3A_1067, %dma_start3A_1068] : memref<8x32xf32, #tpu.memory_space<vmem>> -> memref<1x32xf32, #tpu.memory_space<vmem>>
      %dma_start3A_1070 = arith.constant 0 : i32
      %dma_start3A_1071 = arith.constant 0 : i32
      %dma_start3A_1072 = tpu.memref_slice %arg6[%dma_start3A_1070, %dma_start3A_1071] : memref<402x32xf32, #tpu.memory_space<vmem_shared>> -> memref<1x32xf32, #tpu.memory_space<vmem_shared>>
      %dma_start3A_1073 = arith.constant 7 : i32
      %dma_start3A_1074 = arith.constant 0 : i32
      %dma_start3A_1075 = tpu.memref_slice %arg9[%dma_start3A_1073, %dma_start3A_1074] : memref<8x32xf32, #tpu.memory_space<vmem>> -> memref<1x32xf32, #tpu.memory_space<vmem>>
      %dma_start3A_1076 = arith.constant 0 : i32
      %dma_start3A_1077 = arith.constant 0 : i32
      %dma_start3A_1078 = tpu.memref_slice %arg6[%dma_start3A_1076, %dma_start3A_1077] : memref<402x32xf32, #tpu.memory_space<vmem_shared>> -> memref<1x32xf32, #tpu.memory_space<vmem_shared>>
      tpu.enqueue_dma source(%dma_start3A_1078 : memref<1x32xf32, #tpu.memory_space<vmem_shared>>) target(%dma_start3A_1075 : memref<1x32xf32, #tpu.memory_space<vmem>>) target_semaphore(%run_scoped3A : memref<!tpu.dma_semaphore, #tpu.memory_space<semaphore_mem>>)
      %dma_wait3A_1079 = arith.constant 7 : i32
      %dma_wait3A_1080 = arith.constant 0 : i32
      %dma_wait3A_1081 = tpu.memref_slice %arg9[%dma_wait3A_1079, %dma_wait3A_1080] : memref<8x32xf32, #tpu.memory_space<vmem>> -> memref<1x32xf32, #tpu.memory_space<vmem>>
      %dma_wait3A_1082 = arith.constant 0 : i32
      %dma_wait3A_1083 = arith.constant 0 : i32
      %dma_wait3A_1084 = tpu.memref_slice %arg6[%dma_wait3A_1082, %dma_wait3A_1083] : memref<402x32xf32, #tpu.memory_space<vmem_shared>> -> memref<1x32xf32, #tpu.memory_space<vmem_shared>>
      %dma_wait3A_1085 = arith.constant 7 : i32
      %dma_wait3A_1086 = arith.constant 0 : i32
      %dma_wait3A_1087 = tpu.memref_slice %arg9[%dma_wait3A_1085, %dma_wait3A_1086] : memref<8x32xf32, #tpu.memory_space<vmem>> -> memref<1x32xf32, #tpu.memory_space<vmem>>
      %dma_wait3A_1088 = arith.constant 0 : i32
      %dma_wait3A_1089 = arith.constant 0 : i32
      %dma_wait3A_1090 = tpu.memref_slice %arg6[%dma_wait3A_1088, %dma_wait3A_1089] : memref<402x32xf32, #tpu.memory_space<vmem_shared>> -> memref<1x32xf32, #tpu.memory_space<vmem_shared>>
      tpu.wait_dma2 semaphore(%run_scoped3A : memref<!tpu.dma_semaphore, #tpu.memory_space<semaphore_mem>>) src(%dma_wait3A_1090 : memref<1x32xf32, #tpu.memory_space<vmem_shared>>) dst(%dma_wait3A_1087 : memref<1x32xf32, #tpu.memory_space<vmem>>)
      tpu.yield
    }) : () -> ()
    %mul3A_5 = arith.constant 26 : i32
    %mul3A_6 = arith.muli %arg1, %mul3A_5 : i32
    %add3A_7 = arith.constant 0 : i32
    %add3A_8 = arith.addi %mul3A_6, %add3A_7 : i32
    %dma_start3A = arith.constant 0 : i32
    %dma_start3A_9 = tpu.memref_slice %arg8[%add3A_8, %dma_start3A] : memref<424x32xf32, #tpu.memory_space<vmem>> -> memref<8x32xf32, #tpu.memory_space<vmem>>
    %dma_start3A_10 = arith.constant 0 : i32
    %dma_start3A_11 = arith.constant 0 : i32
    %dma_start3A_12 = tpu.memref_slice %arg7[%add3A_8, %dma_start3A_10, %dma_start3A_11] : memref<416x8x32xf32, #tpu.memory_space<vmem_shared>> -> memref<1x8x32xf32, #tpu.memory_space<vmem_shared>>
    %dma_start3A_13 = tpu.memref_squeeze %dma_start3A_12 : memref<1x8x32xf32, #tpu.memory_space<vmem_shared>> -> memref<8x32xf32, #tpu.memory_space<vmem_shared>>
    %dma_start3A_14 = arith.constant 0 : i32
    %dma_start3A_15 = arith.constant 0 : i32
    %dma_start3A_16 = tpu.memref_slice %arg7[%add3A_8, %dma_start3A_14, %dma_start3A_15] : memref<416x8x32xf32, #tpu.memory_space<vmem_shared>> -> memref<1x8x32xf32, #tpu.memory_space<vmem_shared>>
    %dma_start3A_17 = tpu.memref_squeeze %dma_start3A_16 : memref<1x8x32xf32, #tpu.memory_space<vmem_shared>> -> memref<8x32xf32, #tpu.memory_space<vmem_shared>>
    %dma_start3A_18 = arith.constant 0 : i32
    %dma_start3A_19 = tpu.memref_slice %arg8[%add3A_8, %dma_start3A_18] : memref<424x32xf32, #tpu.memory_space<vmem>> -> memref<8x32xf32, #tpu.memory_space<vmem>>
    tpu.enqueue_dma source(%dma_start3A_19 : memref<8x32xf32, #tpu.memory_space<vmem>>) target(%dma_start3A_17 : memref<8x32xf32, #tpu.memory_space<vmem_shared>>) target_semaphore(%arg18 : memref<!tpu.dma_semaphore, #tpu.memory_space<semaphore_mem>>)
    %mul3A_20 = arith.constant 26 : i32
    %mul3A_21 = arith.muli %arg1, %mul3A_20 : i32
    %add3A_22 = arith.constant 1 : i32
    %add3A_23 = arith.addi %mul3A_21, %add3A_22 : i32
    %dma_start3A_24 = arith.constant 0 : i32
    %dma_start3A_25 = tpu.memref_slice %arg8[%add3A_23, %dma_start3A_24] : memref<424x32xf32, #tpu.memory_space<vmem>> -> memref<8x32xf32, #tpu.memory_space<vmem>>
    %dma_start3A_26 = arith.constant 0 : i32
    %dma_start3A_27 = arith.constant 0 : i32
    %dma_start3A_28 = tpu.memref_slice %arg7[%add3A_23, %dma_start3A_26, %dma_start3A_27] : memref<416x8x32xf32, #tpu.memory_space<vmem_shared>> -> memref<1x8x32xf32, #tpu.memory_space<vmem_shared>>
    %dma_start3A_29 = tpu.memref_squeeze %dma_start3A_28 : memref<1x8x32xf32, #tpu.memory_space<vmem_shared>> -> memref<8x32xf32, #tpu.memory_space<vmem_shared>>
    %dma_start3A_30 = arith.constant 0 : i32
    %dma_start3A_31 = arith.constant 0 : i32
    %dma_start3A_32 = tpu.memref_slice %arg7[%add3A_23, %dma_start3A_30, %dma_start3A_31] : memref<416x8x32xf32, #tpu.memory_space<vmem_shared>> -> memref<1x8x32xf32, #tpu.memory_space<vmem_shared>>
    %dma_start3A_33 = tpu.memref_squeeze %dma_start3A_32 : memref<1x8x32xf32, #tpu.memory_space<vmem_shared>> -> memref<8x32xf32, #tpu.memory_space<vmem_shared>>
    %dma_start3A_34 = arith.constant 0 : i32
    %dma_start3A_35 = tpu.memref_slice %arg8[%add3A_23, %dma_start3A_34] : memref<424x32xf32, #tpu.memory_space<vmem>> -> memref<8x32xf32, #tpu.memory_space<vmem>>
    tpu.enqueue_dma source(%dma_start3A_35 : memref<8x32xf32, #tpu.memory_space<vmem>>) target(%dma_start3A_33 : memref<8x32xf32, #tpu.memory_space<vmem_shared>>) target_semaphore(%arg18 : memref<!tpu.dma_semaphore, #tpu.memory_space<semaphore_mem>>)
    %mul3A_36 = arith.constant 26 : i32
    %mul3A_37 = arith.muli %arg1, %mul3A_36 : i32
    %add3A_38 = arith.constant 2 : i32
    %add3A_39 = arith.addi %mul3A_37, %add3A_38 : i32
    %dma_start3A_40 = arith.constant 0 : i32
    %dma_start3A_41 = tpu.memref_slice %arg8[%add3A_39, %dma_start3A_40] : memref<424x32xf32, #tpu.memory_space<vmem>> -> memref<8x32xf32, #tpu.memory_space<vmem>>
    %dma_start3A_42 = arith.constant 0 : i32
    %dma_start3A_43 = arith.constant 0 : i32
    %dma_start3A_44 = tpu.memref_slice %arg7[%add3A_39, %dma_start3A_42, %dma_start3A_43] : memref<416x8x32xf32, #tpu.memory_space<vmem_shared>> -> memref<1x8x32xf32, #tpu.memory_space<vmem_shared>>
    %dma_start3A_45 = tpu.memref_squeeze %dma_start3A_44 : memref<1x8x32xf32, #tpu.memory_space<vmem_shared>> -> memref<8x32xf32, #tpu.memory_space<vmem_shared>>
    %dma_start3A_46 = arith.constant 0 : i32
    %dma_start3A_47 = arith.constant 0 : i32
    %dma_start3A_48 = tpu.memref_slice %arg7[%add3A_39, %dma_start3A_46, %dma_start3A_47] : memref<416x8x32xf32, #tpu.memory_space<vmem_shared>> -> memref<1x8x32xf32, #tpu.memory_space<vmem_shared>>
    %dma_start3A_49 = tpu.memref_squeeze %dma_start3A_48 : memref<1x8x32xf32, #tpu.memory_space<vmem_shared>> -> memref<8x32xf32, #tpu.memory_space<vmem_shared>>
    %dma_start3A_50 = arith.constant 0 : i32
    %dma_start3A_51 = tpu.memref_slice %arg8[%add3A_39, %dma_start3A_50] : memref<424x32xf32, #tpu.memory_space<vmem>> -> memref<8x32xf32, #tpu.memory_space<vmem>>
    tpu.enqueue_dma source(%dma_start3A_51 : memref<8x32xf32, #tpu.memory_space<vmem>>) target(%dma_start3A_49 : memref<8x32xf32, #tpu.memory_space<vmem_shared>>) target_semaphore(%arg18 : memref<!tpu.dma_semaphore, #tpu.memory_space<semaphore_mem>>)
    %mul3A_52 = arith.constant 26 : i32
    %mul3A_53 = arith.muli %arg1, %mul3A_52 : i32
    %add3A_54 = arith.constant 3 : i32
    %add3A_55 = arith.addi %mul3A_53, %add3A_54 : i32
    %dma_start3A_56 = arith.constant 0 : i32
    %dma_start3A_57 = tpu.memref_slice %arg8[%add3A_55, %dma_start3A_56] : memref<424x32xf32, #tpu.memory_space<vmem>> -> memref<8x32xf32, #tpu.memory_space<vmem>>
    %dma_start3A_58 = arith.constant 0 : i32
    %dma_start3A_59 = arith.constant 0 : i32
    %dma_start3A_60 = tpu.memref_slice %arg7[%add3A_55, %dma_start3A_58, %dma_start3A_59] : memref<416x8x32xf32, #tpu.memory_space<vmem_shared>> -> memref<1x8x32xf32, #tpu.memory_space<vmem_shared>>
    %dma_start3A_61 = tpu.memref_squeeze %dma_start3A_60 : memref<1x8x32xf32, #tpu.memory_space<vmem_shared>> -> memref<8x32xf32, #tpu.memory_space<vmem_shared>>
    %dma_start3A_62 = arith.constant 0 : i32
    %dma_start3A_63 = arith.constant 0 : i32
    %dma_start3A_64 = tpu.memref_slice %arg7[%add3A_55, %dma_start3A_62, %dma_start3A_63] : memref<416x8x32xf32, #tpu.memory_space<vmem_shared>> -> memref<1x8x32xf32, #tpu.memory_space<vmem_shared>>
    %dma_start3A_65 = tpu.memref_squeeze %dma_start3A_64 : memref<1x8x32xf32, #tpu.memory_space<vmem_shared>> -> memref<8x32xf32, #tpu.memory_space<vmem_shared>>
    %dma_start3A_66 = arith.constant 0 : i32
    %dma_start3A_67 = tpu.memref_slice %arg8[%add3A_55, %dma_start3A_66] : memref<424x32xf32, #tpu.memory_space<vmem>> -> memref<8x32xf32, #tpu.memory_space<vmem>>
    tpu.enqueue_dma source(%dma_start3A_67 : memref<8x32xf32, #tpu.memory_space<vmem>>) target(%dma_start3A_65 : memref<8x32xf32, #tpu.memory_space<vmem_shared>>) target_semaphore(%arg18 : memref<!tpu.dma_semaphore, #tpu.memory_space<semaphore_mem>>)
    %mul3A_68 = arith.constant 26 : i32
    %mul3A_69 = arith.muli %arg1, %mul3A_68 : i32
    %add3A_70 = arith.constant 4 : i32
    %add3A_71 = arith.addi %mul3A_69, %add3A_70 : i32
    %dma_start3A_72 = arith.constant 0 : i32
    %dma_start3A_73 = tpu.memref_slice %arg8[%add3A_71, %dma_start3A_72] : memref<424x32xf32, #tpu.memory_space<vmem>> -> memref<8x32xf32, #tpu.memory_space<vmem>>
    %dma_start3A_74 = arith.constant 0 : i32
    %dma_start3A_75 = arith.constant 0 : i32
    %dma_start3A_76 = tpu.memref_slice %arg7[%add3A_71, %dma_start3A_74, %dma_start3A_75] : memref<416x8x32xf32, #tpu.memory_space<vmem_shared>> -> memref<1x8x32xf32, #tpu.memory_space<vmem_shared>>
    %dma_start3A_77 = tpu.memref_squeeze %dma_start3A_76 : memref<1x8x32xf32, #tpu.memory_space<vmem_shared>> -> memref<8x32xf32, #tpu.memory_space<vmem_shared>>
    %dma_start3A_78 = arith.constant 0 : i32
    %dma_start3A_79 = arith.constant 0 : i32
    %dma_start3A_80 = tpu.memref_slice %arg7[%add3A_71, %dma_start3A_78, %dma_start3A_79] : memref<416x8x32xf32, #tpu.memory_space<vmem_shared>> -> memref<1x8x32xf32, #tpu.memory_space<vmem_shared>>
    %dma_start3A_81 = tpu.memref_squeeze %dma_start3A_80 : memref<1x8x32xf32, #tpu.memory_space<vmem_shared>> -> memref<8x32xf32, #tpu.memory_space<vmem_shared>>
    %dma_start3A_82 = arith.constant 0 : i32
    %dma_start3A_83 = tpu.memref_slice %arg8[%add3A_71, %dma_start3A_82] : memref<424x32xf32, #tpu.memory_space<vmem>> -> memref<8x32xf32, #tpu.memory_space<vmem>>
    tpu.enqueue_dma source(%dma_start3A_83 : memref<8x32xf32, #tpu.memory_space<vmem>>) target(%dma_start3A_81 : memref<8x32xf32, #tpu.memory_space<vmem_shared>>) target_semaphore(%arg18 : memref<!tpu.dma_semaphore, #tpu.memory_space<semaphore_mem>>)
    %mul3A_84 = arith.constant 26 : i32
    %mul3A_85 = arith.muli %arg1, %mul3A_84 : i32
    %add3A_86 = arith.constant 5 : i32
    %add3A_87 = arith.addi %mul3A_85, %add3A_86 : i32
    %dma_start3A_88 = arith.constant 0 : i32
    %dma_start3A_89 = tpu.memref_slice %arg8[%add3A_87, %dma_start3A_88] : memref<424x32xf32, #tpu.memory_space<vmem>> -> memref<8x32xf32, #tpu.memory_space<vmem>>
    %dma_start3A_90 = arith.constant 0 : i32
    %dma_start3A_91 = arith.constant 0 : i32
    %dma_start3A_92 = tpu.memref_slice %arg7[%add3A_87, %dma_start3A_90, %dma_start3A_91] : memref<416x8x32xf32, #tpu.memory_space<vmem_shared>> -> memref<1x8x32xf32, #tpu.memory_space<vmem_shared>>
    %dma_start3A_93 = tpu.memref_squeeze %dma_start3A_92 : memref<1x8x32xf32, #tpu.memory_space<vmem_shared>> -> memref<8x32xf32, #tpu.memory_space<vmem_shared>>
    %dma_start3A_94 = arith.constant 0 : i32
    %dma_start3A_95 = arith.constant 0 : i32
    %dma_start3A_96 = tpu.memref_slice %arg7[%add3A_87, %dma_start3A_94, %dma_start3A_95] : memref<416x8x32xf32, #tpu.memory_space<vmem_shared>> -> memref<1x8x32xf32, #tpu.memory_space<vmem_shared>>
    %dma_start3A_97 = tpu.memref_squeeze %dma_start3A_96 : memref<1x8x32xf32, #tpu.memory_space<vmem_shared>> -> memref<8x32xf32, #tpu.memory_space<vmem_shared>>
    %dma_start3A_98 = arith.constant 0 : i32
    %dma_start3A_99 = tpu.memref_slice %arg8[%add3A_87, %dma_start3A_98] : memref<424x32xf32, #tpu.memory_space<vmem>> -> memref<8x32xf32, #tpu.memory_space<vmem>>
    tpu.enqueue_dma source(%dma_start3A_99 : memref<8x32xf32, #tpu.memory_space<vmem>>) target(%dma_start3A_97 : memref<8x32xf32, #tpu.memory_space<vmem_shared>>) target_semaphore(%arg18 : memref<!tpu.dma_semaphore, #tpu.memory_space<semaphore_mem>>)
    %mul3A_100 = arith.constant 26 : i32
    %mul3A_101 = arith.muli %arg1, %mul3A_100 : i32
    %add3A_102 = arith.constant 6 : i32
    %add3A_103 = arith.addi %mul3A_101, %add3A_102 : i32
    %dma_start3A_104 = arith.constant 0 : i32
    %dma_start3A_105 = tpu.memref_slice %arg8[%add3A_103, %dma_start3A_104] : memref<424x32xf32, #tpu.memory_space<vmem>> -> memref<8x32xf32, #tpu.memory_space<vmem>>
    %dma_start3A_106 = arith.constant 0 : i32
    %dma_start3A_107 = arith.constant 0 : i32
    %dma_start3A_108 = tpu.memref_slice %arg7[%add3A_103, %dma_start3A_106, %dma_start3A_107] : memref<416x8x32xf32, #tpu.memory_space<vmem_shared>> -> memref<1x8x32xf32, #tpu.memory_space<vmem_shared>>
    %dma_start3A_109 = tpu.memref_squeeze %dma_start3A_108 : memref<1x8x32xf32, #tpu.memory_space<vmem_shared>> -> memref<8x32xf32, #tpu.memory_space<vmem_shared>>
    %dma_start3A_110 = arith.constant 0 : i32
    %dma_start3A_111 = arith.constant 0 : i32
    %dma_start3A_112 = tpu.memref_slice %arg7[%add3A_103, %dma_start3A_110, %dma_start3A_111] : memref<416x8x32xf32, #tpu.memory_space<vmem_shared>> -> memref<1x8x32xf32, #tpu.memory_space<vmem_shared>>
    %dma_start3A_113 = tpu.memref_squeeze %dma_start3A_112 : memref<1x8x32xf32, #tpu.memory_space<vmem_shared>> -> memref<8x32xf32, #tpu.memory_space<vmem_shared>>
    %dma_start3A_114 = arith.constant 0 : i32
    %dma_start3A_115 = tpu.memref_slice %arg8[%add3A_103, %dma_start3A_114] : memref<424x32xf32, #tpu.memory_space<vmem>> -> memref<8x32xf32, #tpu.memory_space<vmem>>
    tpu.enqueue_dma source(%dma_start3A_115 : memref<8x32xf32, #tpu.memory_space<vmem>>) target(%dma_start3A_113 : memref<8x32xf32, #tpu.memory_space<vmem_shared>>) target_semaphore(%arg18 : memref<!tpu.dma_semaphore, #tpu.memory_space<semaphore_mem>>)
    %mul3A_116 = arith.constant 26 : i32
    %mul3A_117 = arith.muli %arg1, %mul3A_116 : i32
    %add3A_118 = arith.constant 7 : i32
    %add3A_119 = arith.addi %mul3A_117, %add3A_118 : i32
    %dma_start3A_120 = arith.constant 0 : i32
    %dma_start3A_121 = tpu.memref_slice %arg8[%add3A_119, %dma_start3A_120] : memref<424x32xf32, #tpu.memory_space<vmem>> -> memref<8x32xf32, #tpu.memory_space<vmem>>
    %dma_start3A_122 = arith.constant 0 : i32
    %dma_start3A_123 = arith.constant 0 : i32
    %dma_start3A_124 = tpu.memref_slice %arg7[%add3A_119, %dma_start3A_122, %dma_start3A_123] : memref<416x8x32xf32, #tpu.memory_space<vmem_shared>> -> memref<1x8x32xf32, #tpu.memory_space<vmem_shared>>
    %dma_start3A_125 = tpu.memref_squeeze %dma_start3A_124 : memref<1x8x32xf32, #tpu.memory_space<vmem_shared>> -> memref<8x32xf32, #tpu.memory_space<vmem_shared>>
    %dma_start3A_126 = arith.constant 0 : i32
    %dma_start3A_127 = arith.constant 0 : i32
    %dma_start3A_128 = tpu.memref_slice %arg7[%add3A_119, %dma_start3A_126, %dma_start3A_127] : memref<416x8x32xf32, #tpu.memory_space<vmem_shared>> -> memref<1x8x32xf32, #tpu.memory_space<vmem_shared>>
    %dma_start3A_129 = tpu.memref_squeeze %dma_start3A_128 : memref<1x8x32xf32, #tpu.memory_space<vmem_shared>> -> memref<8x32xf32, #tpu.memory_space<vmem_shared>>
    %dma_start3A_130 = arith.constant 0 : i32
    %dma_start3A_131 = tpu.memref_slice %arg8[%add3A_119, %dma_start3A_130] : memref<424x32xf32, #tpu.memory_space<vmem>> -> memref<8x32xf32, #tpu.memory_space<vmem>>
    tpu.enqueue_dma source(%dma_start3A_131 : memref<8x32xf32, #tpu.memory_space<vmem>>) target(%dma_start3A_129 : memref<8x32xf32, #tpu.memory_space<vmem_shared>>) target_semaphore(%arg18 : memref<!tpu.dma_semaphore, #tpu.memory_space<semaphore_mem>>)
    %mul3A_132 = arith.constant 26 : i32
    %mul3A_133 = arith.muli %arg1, %mul3A_132 : i32
    %add3A_134 = arith.constant 8 : i32
    %add3A_135 = arith.addi %mul3A_133, %add3A_134 : i32
    %dma_start3A_136 = arith.constant 0 : i32
    %dma_start3A_137 = tpu.memref_slice %arg8[%add3A_135, %dma_start3A_136] : memref<424x32xf32, #tpu.memory_space<vmem>> -> memref<8x32xf32, #tpu.memory_space<vmem>>
    %dma_start3A_138 = arith.constant 0 : i32
    %dma_start3A_139 = arith.constant 0 : i32
    %dma_start3A_140 = tpu.memref_slice %arg7[%add3A_135, %dma_start3A_138, %dma_start3A_139] : memref<416x8x32xf32, #tpu.memory_space<vmem_shared>> -> memref<1x8x32xf32, #tpu.memory_space<vmem_shared>>
    %dma_start3A_141 = tpu.memref_squeeze %dma_start3A_140 : memref<1x8x32xf32, #tpu.memory_space<vmem_shared>> -> memref<8x32xf32, #tpu.memory_space<vmem_shared>>
    %dma_start3A_142 = arith.constant 0 : i32
    %dma_start3A_143 = arith.constant 0 : i32
    %dma_start3A_144 = tpu.memref_slice %arg7[%add3A_135, %dma_start3A_142, %dma_start3A_143] : memref<416x8x32xf32, #tpu.memory_space<vmem_shared>> -> memref<1x8x32xf32, #tpu.memory_space<vmem_shared>>
    %dma_start3A_145 = tpu.memref_squeeze %dma_start3A_144 : memref<1x8x32xf32, #tpu.memory_space<vmem_shared>> -> memref<8x32xf32, #tpu.memory_space<vmem_shared>>
    %dma_start3A_146 = arith.constant 0 : i32
    %dma_start3A_147 = tpu.memref_slice %arg8[%add3A_135, %dma_start3A_146] : memref<424x32xf32, #tpu.memory_space<vmem>> -> memref<8x32xf32, #tpu.memory_space<vmem>>
    tpu.enqueue_dma source(%dma_start3A_147 : memref<8x32xf32, #tpu.memory_space<vmem>>) target(%dma_start3A_145 : memref<8x32xf32, #tpu.memory_space<vmem_shared>>) target_semaphore(%arg18 : memref<!tpu.dma_semaphore, #tpu.memory_space<semaphore_mem>>)
    %mul3A_148 = arith.constant 26 : i32
    %mul3A_149 = arith.muli %arg1, %mul3A_148 : i32
    %add3A_150 = arith.constant 9 : i32
    %add3A_151 = arith.addi %mul3A_149, %add3A_150 : i32
    %dma_start3A_152 = arith.constant 0 : i32
    %dma_start3A_153 = tpu.memref_slice %arg8[%add3A_151, %dma_start3A_152] : memref<424x32xf32, #tpu.memory_space<vmem>> -> memref<8x32xf32, #tpu.memory_space<vmem>>
    %dma_start3A_154 = arith.constant 0 : i32
    %dma_start3A_155 = arith.constant 0 : i32
    %dma_start3A_156 = tpu.memref_slice %arg7[%add3A_151, %dma_start3A_154, %dma_start3A_155] : memref<416x8x32xf32, #tpu.memory_space<vmem_shared>> -> memref<1x8x32xf32, #tpu.memory_space<vmem_shared>>
    %dma_start3A_157 = tpu.memref_squeeze %dma_start3A_156 : memref<1x8x32xf32, #tpu.memory_space<vmem_shared>> -> memref<8x32xf32, #tpu.memory_space<vmem_shared>>
    %dma_start3A_158 = arith.constant 0 : i32
    %dma_start3A_159 = arith.constant 0 : i32
    %dma_start3A_160 = tpu.memref_slice %arg7[%add3A_151, %dma_start3A_158, %dma_start3A_159] : memref<416x8x32xf32, #tpu.memory_space<vmem_shared>> -> memref<1x8x32xf32, #tpu.memory_space<vmem_shared>>
    %dma_start3A_161 = tpu.memref_squeeze %dma_start3A_160 : memref<1x8x32xf32, #tpu.memory_space<vmem_shared>> -> memref<8x32xf32, #tpu.memory_space<vmem_shared>>
    %dma_start3A_162 = arith.constant 0 : i32
    %dma_start3A_163 = tpu.memref_slice %arg8[%add3A_151, %dma_start3A_162] : memref<424x32xf32, #tpu.memory_space<vmem>> -> memref<8x32xf32, #tpu.memory_space<vmem>>
    tpu.enqueue_dma source(%dma_start3A_163 : memref<8x32xf32, #tpu.memory_space<vmem>>) target(%dma_start3A_161 : memref<8x32xf32, #tpu.memory_space<vmem_shared>>) target_semaphore(%arg18 : memref<!tpu.dma_semaphore, #tpu.memory_space<semaphore_mem>>)
    %mul3A_164 = arith.constant 26 : i32
    %mul3A_165 = arith.muli %arg1, %mul3A_164 : i32
    %add3A_166 = arith.constant 10 : i32
    %add3A_167 = arith.addi %mul3A_165, %add3A_166 : i32
    %dma_start3A_168 = arith.constant 0 : i32
    %dma_start3A_169 = tpu.memref_slice %arg8[%add3A_167, %dma_start3A_168] : memref<424x32xf32, #tpu.memory_space<vmem>> -> memref<8x32xf32, #tpu.memory_space<vmem>>
    %dma_start3A_170 = arith.constant 0 : i32
    %dma_start3A_171 = arith.constant 0 : i32
    %dma_start3A_172 = tpu.memref_slice %arg7[%add3A_167, %dma_start3A_170, %dma_start3A_171] : memref<416x8x32xf32, #tpu.memory_space<vmem_shared>> -> memref<1x8x32xf32, #tpu.memory_space<vmem_shared>>
    %dma_start3A_173 = tpu.memref_squeeze %dma_start3A_172 : memref<1x8x32xf32, #tpu.memory_space<vmem_shared>> -> memref<8x32xf32, #tpu.memory_space<vmem_shared>>
    %dma_start3A_174 = arith.constant 0 : i32
    %dma_start3A_175 = arith.constant 0 : i32
    %dma_start3A_176 = tpu.memref_slice %arg7[%add3A_167, %dma_start3A_174, %dma_start3A_175] : memref<416x8x32xf32, #tpu.memory_space<vmem_shared>> -> memref<1x8x32xf32, #tpu.memory_space<vmem_shared>>
    %dma_start3A_177 = tpu.memref_squeeze %dma_start3A_176 : memref<1x8x32xf32, #tpu.memory_space<vmem_shared>> -> memref<8x32xf32, #tpu.memory_space<vmem_shared>>
    %dma_start3A_178 = arith.constant 0 : i32
    %dma_start3A_179 = tpu.memref_slice %arg8[%add3A_167, %dma_start3A_178] : memref<424x32xf32, #tpu.memory_space<vmem>> -> memref<8x32xf32, #tpu.memory_space<vmem>>
    tpu.enqueue_dma source(%dma_start3A_179 : memref<8x32xf32, #tpu.memory_space<vmem>>) target(%dma_start3A_177 : memref<8x32xf32, #tpu.memory_space<vmem_shared>>) target_semaphore(%arg18 : memref<!tpu.dma_semaphore, #tpu.memory_space<semaphore_mem>>)
    %mul3A_180 = arith.constant 26 : i32
    %mul3A_181 = arith.muli %arg1, %mul3A_180 : i32
    %add3A_182 = arith.constant 11 : i32
    %add3A_183 = arith.addi %mul3A_181, %add3A_182 : i32
    %dma_start3A_184 = arith.constant 0 : i32
    %dma_start3A_185 = tpu.memref_slice %arg8[%add3A_183, %dma_start3A_184] : memref<424x32xf32, #tpu.memory_space<vmem>> -> memref<8x32xf32, #tpu.memory_space<vmem>>
    %dma_start3A_186 = arith.constant 0 : i32
    %dma_start3A_187 = arith.constant 0 : i32
    %dma_start3A_188 = tpu.memref_slice %arg7[%add3A_183, %dma_start3A_186, %dma_start3A_187] : memref<416x8x32xf32, #tpu.memory_space<vmem_shared>> -> memref<1x8x32xf32, #tpu.memory_space<vmem_shared>>
    %dma_start3A_189 = tpu.memref_squeeze %dma_start3A_188 : memref<1x8x32xf32, #tpu.memory_space<vmem_shared>> -> memref<8x32xf32, #tpu.memory_space<vmem_shared>>
    %dma_start3A_190 = arith.constant 0 : i32
    %dma_start3A_191 = arith.constant 0 : i32
    %dma_start3A_192 = tpu.memref_slice %arg7[%add3A_183, %dma_start3A_190, %dma_start3A_191] : memref<416x8x32xf32, #tpu.memory_space<vmem_shared>> -> memref<1x8x32xf32, #tpu.memory_space<vmem_shared>>
    %dma_start3A_193 = tpu.memref_squeeze %dma_start3A_192 : memref<1x8x32xf32, #tpu.memory_space<vmem_shared>> -> memref<8x32xf32, #tpu.memory_space<vmem_shared>>
    %dma_start3A_194 = arith.constant 0 : i32
    %dma_start3A_195 = tpu.memref_slice %arg8[%add3A_183, %dma_start3A_194] : memref<424x32xf32, #tpu.memory_space<vmem>> -> memref<8x32xf32, #tpu.memory_space<vmem>>
    tpu.enqueue_dma source(%dma_start3A_195 : memref<8x32xf32, #tpu.memory_space<vmem>>) target(%dma_start3A_193 : memref<8x32xf32, #tpu.memory_space<vmem_shared>>) target_semaphore(%arg18 : memref<!tpu.dma_semaphore, #tpu.memory_space<semaphore_mem>>)
    %mul3A_196 = arith.constant 26 : i32
    %mul3A_197 = arith.muli %arg1, %mul3A_196 : i32
    %add3A_198 = arith.constant 12 : i32
    %add3A_199 = arith.addi %mul3A_197, %add3A_198 : i32
    %dma_start3A_200 = arith.constant 0 : i32
    %dma_start3A_201 = tpu.memref_slice %arg8[%add3A_199, %dma_start3A_200] : memref<424x32xf32, #tpu.memory_space<vmem>> -> memref<8x32xf32, #tpu.memory_space<vmem>>
    %dma_start3A_202 = arith.constant 0 : i32
    %dma_start3A_203 = arith.constant 0 : i32
    %dma_start3A_204 = tpu.memref_slice %arg7[%add3A_199, %dma_start3A_202, %dma_start3A_203] : memref<416x8x32xf32, #tpu.memory_space<vmem_shared>> -> memref<1x8x32xf32, #tpu.memory_space<vmem_shared>>
    %dma_start3A_205 = tpu.memref_squeeze %dma_start3A_204 : memref<1x8x32xf32, #tpu.memory_space<vmem_shared>> -> memref<8x32xf32, #tpu.memory_space<vmem_shared>>
    %dma_start3A_206 = arith.constant 0 : i32
    %dma_start3A_207 = arith.constant 0 : i32
    %dma_start3A_208 = tpu.memref_slice %arg7[%add3A_199, %dma_start3A_206, %dma_start3A_207] : memref<416x8x32xf32, #tpu.memory_space<vmem_shared>> -> memref<1x8x32xf32, #tpu.memory_space<vmem_shared>>
    %dma_start3A_209 = tpu.memref_squeeze %dma_start3A_208 : memref<1x8x32xf32, #tpu.memory_space<vmem_shared>> -> memref<8x32xf32, #tpu.memory_space<vmem_shared>>
    %dma_start3A_210 = arith.constant 0 : i32
    %dma_start3A_211 = tpu.memref_slice %arg8[%add3A_199, %dma_start3A_210] : memref<424x32xf32, #tpu.memory_space<vmem>> -> memref<8x32xf32, #tpu.memory_space<vmem>>
    tpu.enqueue_dma source(%dma_start3A_211 : memref<8x32xf32, #tpu.memory_space<vmem>>) target(%dma_start3A_209 : memref<8x32xf32, #tpu.memory_space<vmem_shared>>) target_semaphore(%arg18 : memref<!tpu.dma_semaphore, #tpu.memory_space<semaphore_mem>>)
    %mul3A_212 = arith.constant 26 : i32
    %mul3A_213 = arith.muli %arg1, %mul3A_212 : i32
    %add3A_214 = arith.constant 13 : i32
    %add3A_215 = arith.addi %mul3A_213, %add3A_214 : i32
    %dma_start3A_216 = arith.constant 0 : i32
    %dma_start3A_217 = tpu.memref_slice %arg8[%add3A_215, %dma_start3A_216] : memref<424x32xf32, #tpu.memory_space<vmem>> -> memref<8x32xf32, #tpu.memory_space<vmem>>
    %dma_start3A_218 = arith.constant 0 : i32
    %dma_start3A_219 = arith.constant 0 : i32
    %dma_start3A_220 = tpu.memref_slice %arg7[%add3A_215, %dma_start3A_218, %dma_start3A_219] : memref<416x8x32xf32, #tpu.memory_space<vmem_shared>> -> memref<1x8x32xf32, #tpu.memory_space<vmem_shared>>
    %dma_start3A_221 = tpu.memref_squeeze %dma_start3A_220 : memref<1x8x32xf32, #tpu.memory_space<vmem_shared>> -> memref<8x32xf32, #tpu.memory_space<vmem_shared>>
    %dma_start3A_222 = arith.constant 0 : i32
    %dma_start3A_223 = arith.constant 0 : i32
    %dma_start3A_224 = tpu.memref_slice %arg7[%add3A_215, %dma_start3A_222, %dma_start3A_223] : memref<416x8x32xf32, #tpu.memory_space<vmem_shared>> -> memref<1x8x32xf32, #tpu.memory_space<vmem_shared>>
    %dma_start3A_225 = tpu.memref_squeeze %dma_start3A_224 : memref<1x8x32xf32, #tpu.memory_space<vmem_shared>> -> memref<8x32xf32, #tpu.memory_space<vmem_shared>>
    %dma_start3A_226 = arith.constant 0 : i32
    %dma_start3A_227 = tpu.memref_slice %arg8[%add3A_215, %dma_start3A_226] : memref<424x32xf32, #tpu.memory_space<vmem>> -> memref<8x32xf32, #tpu.memory_space<vmem>>
    tpu.enqueue_dma source(%dma_start3A_227 : memref<8x32xf32, #tpu.memory_space<vmem>>) target(%dma_start3A_225 : memref<8x32xf32, #tpu.memory_space<vmem_shared>>) target_semaphore(%arg18 : memref<!tpu.dma_semaphore, #tpu.memory_space<semaphore_mem>>)
    %mul3A_228 = arith.constant 26 : i32
    %mul3A_229 = arith.muli %arg1, %mul3A_228 : i32
    %add3A_230 = arith.constant 14 : i32
    %add3A_231 = arith.addi %mul3A_229, %add3A_230 : i32
    %dma_start3A_232 = arith.constant 0 : i32
    %dma_start3A_233 = tpu.memref_slice %arg8[%add3A_231, %dma_start3A_232] : memref<424x32xf32, #tpu.memory_space<vmem>> -> memref<8x32xf32, #tpu.memory_space<vmem>>
    %dma_start3A_234 = arith.constant 0 : i32
    %dma_start3A_235 = arith.constant 0 : i32
    %dma_start3A_236 = tpu.memref_slice %arg7[%add3A_231, %dma_start3A_234, %dma_start3A_235] : memref<416x8x32xf32, #tpu.memory_space<vmem_shared>> -> memref<1x8x32xf32, #tpu.memory_space<vmem_shared>>
    %dma_start3A_237 = tpu.memref_squeeze %dma_start3A_236 : memref<1x8x32xf32, #tpu.memory_space<vmem_shared>> -> memref<8x32xf32, #tpu.memory_space<vmem_shared>>
    %dma_start3A_238 = arith.constant 0 : i32
    %dma_start3A_239 = arith.constant 0 : i32
    %dma_start3A_240 = tpu.memref_slice %arg7[%add3A_231, %dma_start3A_238, %dma_start3A_239] : memref<416x8x32xf32, #tpu.memory_space<vmem_shared>> -> memref<1x8x32xf32, #tpu.memory_space<vmem_shared>>
    %dma_start3A_241 = tpu.memref_squeeze %dma_start3A_240 : memref<1x8x32xf32, #tpu.memory_space<vmem_shared>> -> memref<8x32xf32, #tpu.memory_space<vmem_shared>>
    %dma_start3A_242 = arith.constant 0 : i32
    %dma_start3A_243 = tpu.memref_slice %arg8[%add3A_231, %dma_start3A_242] : memref<424x32xf32, #tpu.memory_space<vmem>> -> memref<8x32xf32, #tpu.memory_space<vmem>>
    tpu.enqueue_dma source(%dma_start3A_243 : memref<8x32xf32, #tpu.memory_space<vmem>>) target(%dma_start3A_241 : memref<8x32xf32, #tpu.memory_space<vmem_shared>>) target_semaphore(%arg18 : memref<!tpu.dma_semaphore, #tpu.memory_space<semaphore_mem>>)
    %mul3A_244 = arith.constant 26 : i32
    %mul3A_245 = arith.muli %arg1, %mul3A_244 : i32
    %add3A_246 = arith.constant 15 : i32
    %add3A_247 = arith.addi %mul3A_245, %add3A_246 : i32
    %dma_start3A_248 = arith.constant 0 : i32
    %dma_start3A_249 = tpu.memref_slice %arg8[%add3A_247, %dma_start3A_248] : memref<424x32xf32, #tpu.memory_space<vmem>> -> memref<8x32xf32, #tpu.memory_space<vmem>>
    %dma_start3A_250 = arith.constant 0 : i32
    %dma_start3A_251 = arith.constant 0 : i32
    %dma_start3A_252 = tpu.memref_slice %arg7[%add3A_247, %dma_start3A_250, %dma_start3A_251] : memref<416x8x32xf32, #tpu.memory_space<vmem_shared>> -> memref<1x8x32xf32, #tpu.memory_space<vmem_shared>>
    %dma_start3A_253 = tpu.memref_squeeze %dma_start3A_252 : memref<1x8x32xf32, #tpu.memory_space<vmem_shared>> -> memref<8x32xf32, #tpu.memory_space<vmem_shared>>
    %dma_start3A_254 = arith.constant 0 : i32
    %dma_start3A_255 = arith.constant 0 : i32
    %dma_start3A_256 = tpu.memref_slice %arg7[%add3A_247, %dma_start3A_254, %dma_start3A_255] : memref<416x8x32xf32, #tpu.memory_space<vmem_shared>> -> memref<1x8x32xf32, #tpu.memory_space<vmem_shared>>
    %dma_start3A_257 = tpu.memref_squeeze %dma_start3A_256 : memref<1x8x32xf32, #tpu.memory_space<vmem_shared>> -> memref<8x32xf32, #tpu.memory_space<vmem_shared>>
    %dma_start3A_258 = arith.constant 0 : i32
    %dma_start3A_259 = tpu.memref_slice %arg8[%add3A_247, %dma_start3A_258] : memref<424x32xf32, #tpu.memory_space<vmem>> -> memref<8x32xf32, #tpu.memory_space<vmem>>
    tpu.enqueue_dma source(%dma_start3A_259 : memref<8x32xf32, #tpu.memory_space<vmem>>) target(%dma_start3A_257 : memref<8x32xf32, #tpu.memory_space<vmem_shared>>) target_semaphore(%arg18 : memref<!tpu.dma_semaphore, #tpu.memory_space<semaphore_mem>>)
    %mul3A_260 = arith.constant 26 : i32
    %mul3A_261 = arith.muli %arg1, %mul3A_260 : i32
    %add3A_262 = arith.constant 16 : i32
    %add3A_263 = arith.addi %mul3A_261, %add3A_262 : i32
    %dma_start3A_264 = arith.constant 0 : i32
    %dma_start3A_265 = tpu.memref_slice %arg8[%add3A_263, %dma_start3A_264] : memref<424x32xf32, #tpu.memory_space<vmem>> -> memref<8x32xf32, #tpu.memory_space<vmem>>
    %dma_start3A_266 = arith.constant 0 : i32
    %dma_start3A_267 = arith.constant 0 : i32
    %dma_start3A_268 = tpu.memref_slice %arg7[%add3A_263, %dma_start3A_266, %dma_start3A_267] : memref<416x8x32xf32, #tpu.memory_space<vmem_shared>> -> memref<1x8x32xf32, #tpu.memory_space<vmem_shared>>
    %dma_start3A_269 = tpu.memref_squeeze %dma_start3A_268 : memref<1x8x32xf32, #tpu.memory_space<vmem_shared>> -> memref<8x32xf32, #tpu.memory_space<vmem_shared>>
    %dma_start3A_270 = arith.constant 0 : i32
    %dma_start3A_271 = arith.constant 0 : i32
    %dma_start3A_272 = tpu.memref_slice %arg7[%add3A_263, %dma_start3A_270, %dma_start3A_271] : memref<416x8x32xf32, #tpu.memory_space<vmem_shared>> -> memref<1x8x32xf32, #tpu.memory_space<vmem_shared>>
    %dma_start3A_273 = tpu.memref_squeeze %dma_start3A_272 : memref<1x8x32xf32, #tpu.memory_space<vmem_shared>> -> memref<8x32xf32, #tpu.memory_space<vmem_shared>>
    %dma_start3A_274 = arith.constant 0 : i32
    %dma_start3A_275 = tpu.memref_slice %arg8[%add3A_263, %dma_start3A_274] : memref<424x32xf32, #tpu.memory_space<vmem>> -> memref<8x32xf32, #tpu.memory_space<vmem>>
    tpu.enqueue_dma source(%dma_start3A_275 : memref<8x32xf32, #tpu.memory_space<vmem>>) target(%dma_start3A_273 : memref<8x32xf32, #tpu.memory_space<vmem_shared>>) target_semaphore(%arg18 : memref<!tpu.dma_semaphore, #tpu.memory_space<semaphore_mem>>)
    %mul3A_276 = arith.constant 26 : i32
    %mul3A_277 = arith.muli %arg1, %mul3A_276 : i32
    %add3A_278 = arith.constant 17 : i32
    %add3A_279 = arith.addi %mul3A_277, %add3A_278 : i32
    %dma_start3A_280 = arith.constant 0 : i32
    %dma_start3A_281 = tpu.memref_slice %arg8[%add3A_279, %dma_start3A_280] : memref<424x32xf32, #tpu.memory_space<vmem>> -> memref<8x32xf32, #tpu.memory_space<vmem>>
    %dma_start3A_282 = arith.constant 0 : i32
    %dma_start3A_283 = arith.constant 0 : i32
    %dma_start3A_284 = tpu.memref_slice %arg7[%add3A_279, %dma_start3A_282, %dma_start3A_283] : memref<416x8x32xf32, #tpu.memory_space<vmem_shared>> -> memref<1x8x32xf32, #tpu.memory_space<vmem_shared>>
    %dma_start3A_285 = tpu.memref_squeeze %dma_start3A_284 : memref<1x8x32xf32, #tpu.memory_space<vmem_shared>> -> memref<8x32xf32, #tpu.memory_space<vmem_shared>>
    %dma_start3A_286 = arith.constant 0 : i32
    %dma_start3A_287 = arith.constant 0 : i32
    %dma_start3A_288 = tpu.memref_slice %arg7[%add3A_279, %dma_start3A_286, %dma_start3A_287] : memref<416x8x32xf32, #tpu.memory_space<vmem_shared>> -> memref<1x8x32xf32, #tpu.memory_space<vmem_shared>>
    %dma_start3A_289 = tpu.memref_squeeze %dma_start3A_288 : memref<1x8x32xf32, #tpu.memory_space<vmem_shared>> -> memref<8x32xf32, #tpu.memory_space<vmem_shared>>
    %dma_start3A_290 = arith.constant 0 : i32
    %dma_start3A_291 = tpu.memref_slice %arg8[%add3A_279, %dma_start3A_290] : memref<424x32xf32, #tpu.memory_space<vmem>> -> memref<8x32xf32, #tpu.memory_space<vmem>>
    tpu.enqueue_dma source(%dma_start3A_291 : memref<8x32xf32, #tpu.memory_space<vmem>>) target(%dma_start3A_289 : memref<8x32xf32, #tpu.memory_space<vmem_shared>>) target_semaphore(%arg18 : memref<!tpu.dma_semaphore, #tpu.memory_space<semaphore_mem>>)
    %mul3A_292 = arith.constant 26 : i32
    %mul3A_293 = arith.muli %arg1, %mul3A_292 : i32
    %add3A_294 = arith.constant 18 : i32
    %add3A_295 = arith.addi %mul3A_293, %add3A_294 : i32
    %dma_start3A_296 = arith.constant 0 : i32
    %dma_start3A_297 = tpu.memref_slice %arg8[%add3A_295, %dma_start3A_296] : memref<424x32xf32, #tpu.memory_space<vmem>> -> memref<8x32xf32, #tpu.memory_space<vmem>>
    %dma_start3A_298 = arith.constant 0 : i32
    %dma_start3A_299 = arith.constant 0 : i32
    %dma_start3A_300 = tpu.memref_slice %arg7[%add3A_295, %dma_start3A_298, %dma_start3A_299] : memref<416x8x32xf32, #tpu.memory_space<vmem_shared>> -> memref<1x8x32xf32, #tpu.memory_space<vmem_shared>>
    %dma_start3A_301 = tpu.memref_squeeze %dma_start3A_300 : memref<1x8x32xf32, #tpu.memory_space<vmem_shared>> -> memref<8x32xf32, #tpu.memory_space<vmem_shared>>
    %dma_start3A_302 = arith.constant 0 : i32
    %dma_start3A_303 = arith.constant 0 : i32
    %dma_start3A_304 = tpu.memref_slice %arg7[%add3A_295, %dma_start3A_302, %dma_start3A_303] : memref<416x8x32xf32, #tpu.memory_space<vmem_shared>> -> memref<1x8x32xf32, #tpu.memory_space<vmem_shared>>
    %dma_start3A_305 = tpu.memref_squeeze %dma_start3A_304 : memref<1x8x32xf32, #tpu.memory_space<vmem_shared>> -> memref<8x32xf32, #tpu.memory_space<vmem_shared>>
    %dma_start3A_306 = arith.constant 0 : i32
    %dma_start3A_307 = tpu.memref_slice %arg8[%add3A_295, %dma_start3A_306] : memref<424x32xf32, #tpu.memory_space<vmem>> -> memref<8x32xf32, #tpu.memory_space<vmem>>
    tpu.enqueue_dma source(%dma_start3A_307 : memref<8x32xf32, #tpu.memory_space<vmem>>) target(%dma_start3A_305 : memref<8x32xf32, #tpu.memory_space<vmem_shared>>) target_semaphore(%arg18 : memref<!tpu.dma_semaphore, #tpu.memory_space<semaphore_mem>>)
    %mul3A_308 = arith.constant 26 : i32
    %mul3A_309 = arith.muli %arg1, %mul3A_308 : i32
    %add3A_310 = arith.constant 19 : i32
    %add3A_311 = arith.addi %mul3A_309, %add3A_310 : i32
    %dma_start3A_312 = arith.constant 0 : i32
    %dma_start3A_313 = tpu.memref_slice %arg8[%add3A_311, %dma_start3A_312] : memref<424x32xf32, #tpu.memory_space<vmem>> -> memref<8x32xf32, #tpu.memory_space<vmem>>
    %dma_start3A_314 = arith.constant 0 : i32
    %dma_start3A_315 = arith.constant 0 : i32
    %dma_start3A_316 = tpu.memref_slice %arg7[%add3A_311, %dma_start3A_314, %dma_start3A_315] : memref<416x8x32xf32, #tpu.memory_space<vmem_shared>> -> memref<1x8x32xf32, #tpu.memory_space<vmem_shared>>
    %dma_start3A_317 = tpu.memref_squeeze %dma_start3A_316 : memref<1x8x32xf32, #tpu.memory_space<vmem_shared>> -> memref<8x32xf32, #tpu.memory_space<vmem_shared>>
    %dma_start3A_318 = arith.constant 0 : i32
    %dma_start3A_319 = arith.constant 0 : i32
    %dma_start3A_320 = tpu.memref_slice %arg7[%add3A_311, %dma_start3A_318, %dma_start3A_319] : memref<416x8x32xf32, #tpu.memory_space<vmem_shared>> -> memref<1x8x32xf32, #tpu.memory_space<vmem_shared>>
    %dma_start3A_321 = tpu.memref_squeeze %dma_start3A_320 : memref<1x8x32xf32, #tpu.memory_space<vmem_shared>> -> memref<8x32xf32, #tpu.memory_space<vmem_shared>>
    %dma_start3A_322 = arith.constant 0 : i32
    %dma_start3A_323 = tpu.memref_slice %arg8[%add3A_311, %dma_start3A_322] : memref<424x32xf32, #tpu.memory_space<vmem>> -> memref<8x32xf32, #tpu.memory_space<vmem>>
    tpu.enqueue_dma source(%dma_start3A_323 : memref<8x32xf32, #tpu.memory_space<vmem>>) target(%dma_start3A_321 : memref<8x32xf32, #tpu.memory_space<vmem_shared>>) target_semaphore(%arg18 : memref<!tpu.dma_semaphore, #tpu.memory_space<semaphore_mem>>)
    %mul3A_324 = arith.constant 26 : i32
    %mul3A_325 = arith.muli %arg1, %mul3A_324 : i32
    %add3A_326 = arith.constant 20 : i32
    %add3A_327 = arith.addi %mul3A_325, %add3A_326 : i32
    %dma_start3A_328 = arith.constant 0 : i32
    %dma_start3A_329 = tpu.memref_slice %arg8[%add3A_327, %dma_start3A_328] : memref<424x32xf32, #tpu.memory_space<vmem>> -> memref<8x32xf32, #tpu.memory_space<vmem>>
    %dma_start3A_330 = arith.constant 0 : i32
    %dma_start3A_331 = arith.constant 0 : i32
    %dma_start3A_332 = tpu.memref_slice %arg7[%add3A_327, %dma_start3A_330, %dma_start3A_331] : memref<416x8x32xf32, #tpu.memory_space<vmem_shared>> -> memref<1x8x32xf32, #tpu.memory_space<vmem_shared>>
    %dma_start3A_333 = tpu.memref_squeeze %dma_start3A_332 : memref<1x8x32xf32, #tpu.memory_space<vmem_shared>> -> memref<8x32xf32, #tpu.memory_space<vmem_shared>>
    %dma_start3A_334 = arith.constant 0 : i32
    %dma_start3A_335 = arith.constant 0 : i32
    %dma_start3A_336 = tpu.memref_slice %arg7[%add3A_327, %dma_start3A_334, %dma_start3A_335] : memref<416x8x32xf32, #tpu.memory_space<vmem_shared>> -> memref<1x8x32xf32, #tpu.memory_space<vmem_shared>>
    %dma_start3A_337 = tpu.memref_squeeze %dma_start3A_336 : memref<1x8x32xf32, #tpu.memory_space<vmem_shared>> -> memref<8x32xf32, #tpu.memory_space<vmem_shared>>
    %dma_start3A_338 = arith.constant 0 : i32
    %dma_start3A_339 = tpu.memref_slice %arg8[%add3A_327, %dma_start3A_338] : memref<424x32xf32, #tpu.memory_space<vmem>> -> memref<8x32xf32, #tpu.memory_space<vmem>>
    tpu.enqueue_dma source(%dma_start3A_339 : memref<8x32xf32, #tpu.memory_space<vmem>>) target(%dma_start3A_337 : memref<8x32xf32, #tpu.memory_space<vmem_shared>>) target_semaphore(%arg18 : memref<!tpu.dma_semaphore, #tpu.memory_space<semaphore_mem>>)
    %mul3A_340 = arith.constant 26 : i32
    %mul3A_341 = arith.muli %arg1, %mul3A_340 : i32
    %add3A_342 = arith.constant 21 : i32
    %add3A_343 = arith.addi %mul3A_341, %add3A_342 : i32
    %dma_start3A_344 = arith.constant 0 : i32
    %dma_start3A_345 = tpu.memref_slice %arg8[%add3A_343, %dma_start3A_344] : memref<424x32xf32, #tpu.memory_space<vmem>> -> memref<8x32xf32, #tpu.memory_space<vmem>>
    %dma_start3A_346 = arith.constant 0 : i32
    %dma_start3A_347 = arith.constant 0 : i32
    %dma_start3A_348 = tpu.memref_slice %arg7[%add3A_343, %dma_start3A_346, %dma_start3A_347] : memref<416x8x32xf32, #tpu.memory_space<vmem_shared>> -> memref<1x8x32xf32, #tpu.memory_space<vmem_shared>>
    %dma_start3A_349 = tpu.memref_squeeze %dma_start3A_348 : memref<1x8x32xf32, #tpu.memory_space<vmem_shared>> -> memref<8x32xf32, #tpu.memory_space<vmem_shared>>
    %dma_start3A_350 = arith.constant 0 : i32
    %dma_start3A_351 = arith.constant 0 : i32
    %dma_start3A_352 = tpu.memref_slice %arg7[%add3A_343, %dma_start3A_350, %dma_start3A_351] : memref<416x8x32xf32, #tpu.memory_space<vmem_shared>> -> memref<1x8x32xf32, #tpu.memory_space<vmem_shared>>
    %dma_start3A_353 = tpu.memref_squeeze %dma_start3A_352 : memref<1x8x32xf32, #tpu.memory_space<vmem_shared>> -> memref<8x32xf32, #tpu.memory_space<vmem_shared>>
    %dma_start3A_354 = arith.constant 0 : i32
    %dma_start3A_355 = tpu.memref_slice %arg8[%add3A_343, %dma_start3A_354] : memref<424x32xf32, #tpu.memory_space<vmem>> -> memref<8x32xf32, #tpu.memory_space<vmem>>
    tpu.enqueue_dma source(%dma_start3A_355 : memref<8x32xf32, #tpu.memory_space<vmem>>) target(%dma_start3A_353 : memref<8x32xf32, #tpu.memory_space<vmem_shared>>) target_semaphore(%arg18 : memref<!tpu.dma_semaphore, #tpu.memory_space<semaphore_mem>>)
    %mul3A_356 = arith.constant 26 : i32
    %mul3A_357 = arith.muli %arg1, %mul3A_356 : i32
    %add3A_358 = arith.constant 22 : i32
    %add3A_359 = arith.addi %mul3A_357, %add3A_358 : i32
    %dma_start3A_360 = arith.constant 0 : i32
    %dma_start3A_361 = tpu.memref_slice %arg8[%add3A_359, %dma_start3A_360] : memref<424x32xf32, #tpu.memory_space<vmem>> -> memref<8x32xf32, #tpu.memory_space<vmem>>
    %dma_start3A_362 = arith.constant 0 : i32
    %dma_start3A_363 = arith.constant 0 : i32
    %dma_start3A_364 = tpu.memref_slice %arg7[%add3A_359, %dma_start3A_362, %dma_start3A_363] : memref<416x8x32xf32, #tpu.memory_space<vmem_shared>> -> memref<1x8x32xf32, #tpu.memory_space<vmem_shared>>
    %dma_start3A_365 = tpu.memref_squeeze %dma_start3A_364 : memref<1x8x32xf32, #tpu.memory_space<vmem_shared>> -> memref<8x32xf32, #tpu.memory_space<vmem_shared>>
    %dma_start3A_366 = arith.constant 0 : i32
    %dma_start3A_367 = arith.constant 0 : i32
    %dma_start3A_368 = tpu.memref_slice %arg7[%add3A_359, %dma_start3A_366, %dma_start3A_367] : memref<416x8x32xf32, #tpu.memory_space<vmem_shared>> -> memref<1x8x32xf32, #tpu.memory_space<vmem_shared>>
    %dma_start3A_369 = tpu.memref_squeeze %dma_start3A_368 : memref<1x8x32xf32, #tpu.memory_space<vmem_shared>> -> memref<8x32xf32, #tpu.memory_space<vmem_shared>>
    %dma_start3A_370 = arith.constant 0 : i32
    %dma_start3A_371 = tpu.memref_slice %arg8[%add3A_359, %dma_start3A_370] : memref<424x32xf32, #tpu.memory_space<vmem>> -> memref<8x32xf32, #tpu.memory_space<vmem>>
    tpu.enqueue_dma source(%dma_start3A_371 : memref<8x32xf32, #tpu.memory_space<vmem>>) target(%dma_start3A_369 : memref<8x32xf32, #tpu.memory_space<vmem_shared>>) target_semaphore(%arg18 : memref<!tpu.dma_semaphore, #tpu.memory_space<semaphore_mem>>)
    %mul3A_372 = arith.constant 26 : i32
    %mul3A_373 = arith.muli %arg1, %mul3A_372 : i32
    %add3A_374 = arith.constant 23 : i32
    %add3A_375 = arith.addi %mul3A_373, %add3A_374 : i32
    %dma_start3A_376 = arith.constant 0 : i32
    %dma_start3A_377 = tpu.memref_slice %arg8[%add3A_375, %dma_start3A_376] : memref<424x32xf32, #tpu.memory_space<vmem>> -> memref<8x32xf32, #tpu.memory_space<vmem>>
    %dma_start3A_378 = arith.constant 0 : i32
    %dma_start3A_379 = arith.constant 0 : i32
    %dma_start3A_380 = tpu.memref_slice %arg7[%add3A_375, %dma_start3A_378, %dma_start3A_379] : memref<416x8x32xf32, #tpu.memory_space<vmem_shared>> -> memref<1x8x32xf32, #tpu.memory_space<vmem_shared>>
    %dma_start3A_381 = tpu.memref_squeeze %dma_start3A_380 : memref<1x8x32xf32, #tpu.memory_space<vmem_shared>> -> memref<8x32xf32, #tpu.memory_space<vmem_shared>>
    %dma_start3A_382 = arith.constant 0 : i32
    %dma_start3A_383 = arith.constant 0 : i32
    %dma_start3A_384 = tpu.memref_slice %arg7[%add3A_375, %dma_start3A_382, %dma_start3A_383] : memref<416x8x32xf32, #tpu.memory_space<vmem_shared>> -> memref<1x8x32xf32, #tpu.memory_space<vmem_shared>>
    %dma_start3A_385 = tpu.memref_squeeze %dma_start3A_384 : memref<1x8x32xf32, #tpu.memory_space<vmem_shared>> -> memref<8x32xf32, #tpu.memory_space<vmem_shared>>
    %dma_start3A_386 = arith.constant 0 : i32
    %dma_start3A_387 = tpu.memref_slice %arg8[%add3A_375, %dma_start3A_386] : memref<424x32xf32, #tpu.memory_space<vmem>> -> memref<8x32xf32, #tpu.memory_space<vmem>>
    tpu.enqueue_dma source(%dma_start3A_387 : memref<8x32xf32, #tpu.memory_space<vmem>>) target(%dma_start3A_385 : memref<8x32xf32, #tpu.memory_space<vmem_shared>>) target_semaphore(%arg18 : memref<!tpu.dma_semaphore, #tpu.memory_space<semaphore_mem>>)
    %mul3A_388 = arith.constant 26 : i32
    %mul3A_389 = arith.muli %arg1, %mul3A_388 : i32
    %add3A_390 = arith.constant 24 : i32
    %add3A_391 = arith.addi %mul3A_389, %add3A_390 : i32
    %dma_start3A_392 = arith.constant 0 : i32
    %dma_start3A_393 = tpu.memref_slice %arg8[%add3A_391, %dma_start3A_392] : memref<424x32xf32, #tpu.memory_space<vmem>> -> memref<8x32xf32, #tpu.memory_space<vmem>>
    %dma_start3A_394 = arith.constant 0 : i32
    %dma_start3A_395 = arith.constant 0 : i32
    %dma_start3A_396 = tpu.memref_slice %arg7[%add3A_391, %dma_start3A_394, %dma_start3A_395] : memref<416x8x32xf32, #tpu.memory_space<vmem_shared>> -> memref<1x8x32xf32, #tpu.memory_space<vmem_shared>>
    %dma_start3A_397 = tpu.memref_squeeze %dma_start3A_396 : memref<1x8x32xf32, #tpu.memory_space<vmem_shared>> -> memref<8x32xf32, #tpu.memory_space<vmem_shared>>
    %dma_start3A_398 = arith.constant 0 : i32
    %dma_start3A_399 = arith.constant 0 : i32
    %dma_start3A_400 = tpu.memref_slice %arg7[%add3A_391, %dma_start3A_398, %dma_start3A_399] : memref<416x8x32xf32, #tpu.memory_space<vmem_shared>> -> memref<1x8x32xf32, #tpu.memory_space<vmem_shared>>
    %dma_start3A_401 = tpu.memref_squeeze %dma_start3A_400 : memref<1x8x32xf32, #tpu.memory_space<vmem_shared>> -> memref<8x32xf32, #tpu.memory_space<vmem_shared>>
    %dma_start3A_402 = arith.constant 0 : i32
    %dma_start3A_403 = tpu.memref_slice %arg8[%add3A_391, %dma_start3A_402] : memref<424x32xf32, #tpu.memory_space<vmem>> -> memref<8x32xf32, #tpu.memory_space<vmem>>
    tpu.enqueue_dma source(%dma_start3A_403 : memref<8x32xf32, #tpu.memory_space<vmem>>) target(%dma_start3A_401 : memref<8x32xf32, #tpu.memory_space<vmem_shared>>) target_semaphore(%arg18 : memref<!tpu.dma_semaphore, #tpu.memory_space<semaphore_mem>>)
    %mul3A_404 = arith.constant 26 : i32
    %mul3A_405 = arith.muli %arg1, %mul3A_404 : i32
    %add3A_406 = arith.constant 25 : i32
    %add3A_407 = arith.addi %mul3A_405, %add3A_406 : i32
    %dma_start3A_408 = arith.constant 0 : i32
    %dma_start3A_409 = tpu.memref_slice %arg8[%add3A_407, %dma_start3A_408] : memref<424x32xf32, #tpu.memory_space<vmem>> -> memref<8x32xf32, #tpu.memory_space<vmem>>
    %dma_start3A_410 = arith.constant 0 : i32
    %dma_start3A_411 = arith.constant 0 : i32
    %dma_start3A_412 = tpu.memref_slice %arg7[%add3A_407, %dma_start3A_410, %dma_start3A_411] : memref<416x8x32xf32, #tpu.memory_space<vmem_shared>> -> memref<1x8x32xf32, #tpu.memory_space<vmem_shared>>
    %dma_start3A_413 = tpu.memref_squeeze %dma_start3A_412 : memref<1x8x32xf32, #tpu.memory_space<vmem_shared>> -> memref<8x32xf32, #tpu.memory_space<vmem_shared>>
    %dma_start3A_414 = arith.constant 0 : i32
    %dma_start3A_415 = arith.constant 0 : i32
    %dma_start3A_416 = tpu.memref_slice %arg7[%add3A_407, %dma_start3A_414, %dma_start3A_415] : memref<416x8x32xf32, #tpu.memory_space<vmem_shared>> -> memref<1x8x32xf32, #tpu.memory_space<vmem_shared>>
    %dma_start3A_417 = tpu.memref_squeeze %dma_start3A_416 : memref<1x8x32xf32, #tpu.memory_space<vmem_shared>> -> memref<8x32xf32, #tpu.memory_space<vmem_shared>>
    %dma_start3A_418 = arith.constant 0 : i32
    %dma_start3A_419 = tpu.memref_slice %arg8[%add3A_407, %dma_start3A_418] : memref<424x32xf32, #tpu.memory_space<vmem>> -> memref<8x32xf32, #tpu.memory_space<vmem>>
    tpu.enqueue_dma source(%dma_start3A_419 : memref<8x32xf32, #tpu.memory_space<vmem>>) target(%dma_start3A_417 : memref<8x32xf32, #tpu.memory_space<vmem_shared>>) target_semaphore(%arg18 : memref<!tpu.dma_semaphore, #tpu.memory_space<semaphore_mem>>)
    %dma_wait3A = arith.constant 0 : i32
    %dma_wait3A_420 = tpu.memref_slice %arg8[%add3A_8, %dma_wait3A] : memref<424x32xf32, #tpu.memory_space<vmem>> -> memref<8x32xf32, #tpu.memory_space<vmem>>
    %dma_wait3A_421 = arith.constant 0 : i32
    %dma_wait3A_422 = arith.constant 0 : i32
    %dma_wait3A_423 = tpu.memref_slice %arg7[%add3A_8, %dma_wait3A_421, %dma_wait3A_422] : memref<416x8x32xf32, #tpu.memory_space<vmem_shared>> -> memref<1x8x32xf32, #tpu.memory_space<vmem_shared>>
    %dma_wait3A_424 = tpu.memref_squeeze %dma_wait3A_423 : memref<1x8x32xf32, #tpu.memory_space<vmem_shared>> -> memref<8x32xf32, #tpu.memory_space<vmem_shared>>
    %dma_wait3A_425 = arith.constant 0 : i32
    %dma_wait3A_426 = arith.constant 0 : i32
    %dma_wait3A_427 = tpu.memref_slice %arg7[%add3A_8, %dma_wait3A_425, %dma_wait3A_426] : memref<416x8x32xf32, #tpu.memory_space<vmem_shared>> -> memref<1x8x32xf32, #tpu.memory_space<vmem_shared>>
    %dma_wait3A_428 = tpu.memref_squeeze %dma_wait3A_427 : memref<1x8x32xf32, #tpu.memory_space<vmem_shared>> -> memref<8x32xf32, #tpu.memory_space<vmem_shared>>
    %dma_wait3A_429 = arith.constant 0 : i32
    %dma_wait3A_430 = tpu.memref_slice %arg8[%add3A_8, %dma_wait3A_429] : memref<424x32xf32, #tpu.memory_space<vmem>> -> memref<8x32xf32, #tpu.memory_space<vmem>>
    tpu.wait_dma2 semaphore(%arg18 : memref<!tpu.dma_semaphore, #tpu.memory_space<semaphore_mem>>) src(%dma_wait3A_430 : memref<8x32xf32, #tpu.memory_space<vmem>>) dst(%dma_wait3A_428 : memref<8x32xf32, #tpu.memory_space<vmem_shared>>)
    %dma_wait3A_431 = arith.constant 0 : i32
    %dma_wait3A_432 = tpu.memref_slice %arg8[%add3A_23, %dma_wait3A_431] : memref<424x32xf32, #tpu.memory_space<vmem>> -> memref<8x32xf32, #tpu.memory_space<vmem>>
    %dma_wait3A_433 = arith.constant 0 : i32
    %dma_wait3A_434 = arith.constant 0 : i32
    %dma_wait3A_435 = tpu.memref_slice %arg7[%add3A_23, %dma_wait3A_433, %dma_wait3A_434] : memref<416x8x32xf32, #tpu.memory_space<vmem_shared>> -> memref<1x8x32xf32, #tpu.memory_space<vmem_shared>>
    %dma_wait3A_436 = tpu.memref_squeeze %dma_wait3A_435 : memref<1x8x32xf32, #tpu.memory_space<vmem_shared>> -> memref<8x32xf32, #tpu.memory_space<vmem_shared>>
    %dma_wait3A_437 = arith.constant 0 : i32
    %dma_wait3A_438 = arith.constant 0 : i32
    %dma_wait3A_439 = tpu.memref_slice %arg7[%add3A_23, %dma_wait3A_437, %dma_wait3A_438] : memref<416x8x32xf32, #tpu.memory_space<vmem_shared>> -> memref<1x8x32xf32, #tpu.memory_space<vmem_shared>>
    %dma_wait3A_440 = tpu.memref_squeeze %dma_wait3A_439 : memref<1x8x32xf32, #tpu.memory_space<vmem_shared>> -> memref<8x32xf32, #tpu.memory_space<vmem_shared>>
    %dma_wait3A_441 = arith.constant 0 : i32
    %dma_wait3A_442 = tpu.memref_slice %arg8[%add3A_23, %dma_wait3A_441] : memref<424x32xf32, #tpu.memory_space<vmem>> -> memref<8x32xf32, #tpu.memory_space<vmem>>
    tpu.wait_dma2 semaphore(%arg18 : memref<!tpu.dma_semaphore, #tpu.memory_space<semaphore_mem>>) src(%dma_wait3A_442 : memref<8x32xf32, #tpu.memory_space<vmem>>) dst(%dma_wait3A_440 : memref<8x32xf32, #tpu.memory_space<vmem_shared>>)
    %dma_wait3A_443 = arith.constant 0 : i32
    %dma_wait3A_444 = tpu.memref_slice %arg8[%add3A_39, %dma_wait3A_443] : memref<424x32xf32, #tpu.memory_space<vmem>> -> memref<8x32xf32, #tpu.memory_space<vmem>>
    %dma_wait3A_445 = arith.constant 0 : i32
    %dma_wait3A_446 = arith.constant 0 : i32
    %dma_wait3A_447 = tpu.memref_slice %arg7[%add3A_39, %dma_wait3A_445, %dma_wait3A_446] : memref<416x8x32xf32, #tpu.memory_space<vmem_shared>> -> memref<1x8x32xf32, #tpu.memory_space<vmem_shared>>
    %dma_wait3A_448 = tpu.memref_squeeze %dma_wait3A_447 : memref<1x8x32xf32, #tpu.memory_space<vmem_shared>> -> memref<8x32xf32, #tpu.memory_space<vmem_shared>>
    %dma_wait3A_449 = arith.constant 0 : i32
    %dma_wait3A_450 = arith.constant 0 : i32
    %dma_wait3A_451 = tpu.memref_slice %arg7[%add3A_39, %dma_wait3A_449, %dma_wait3A_450] : memref<416x8x32xf32, #tpu.memory_space<vmem_shared>> -> memref<1x8x32xf32, #tpu.memory_space<vmem_shared>>
    %dma_wait3A_452 = tpu.memref_squeeze %dma_wait3A_451 : memref<1x8x32xf32, #tpu.memory_space<vmem_shared>> -> memref<8x32xf32, #tpu.memory_space<vmem_shared>>
    %dma_wait3A_453 = arith.constant 0 : i32
    %dma_wait3A_454 = tpu.memref_slice %arg8[%add3A_39, %dma_wait3A_453] : memref<424x32xf32, #tpu.memory_space<vmem>> -> memref<8x32xf32, #tpu.memory_space<vmem>>
    tpu.wait_dma2 semaphore(%arg18 : memref<!tpu.dma_semaphore, #tpu.memory_space<semaphore_mem>>) src(%dma_wait3A_454 : memref<8x32xf32, #tpu.memory_space<vmem>>) dst(%dma_wait3A_452 : memref<8x32xf32, #tpu.memory_space<vmem_shared>>)
    %dma_wait3A_455 = arith.constant 0 : i32
    %dma_wait3A_456 = tpu.memref_slice %arg8[%add3A_55, %dma_wait3A_455] : memref<424x32xf32, #tpu.memory_space<vmem>> -> memref<8x32xf32, #tpu.memory_space<vmem>>
    %dma_wait3A_457 = arith.constant 0 : i32
    %dma_wait3A_458 = arith.constant 0 : i32
    %dma_wait3A_459 = tpu.memref_slice %arg7[%add3A_55, %dma_wait3A_457, %dma_wait3A_458] : memref<416x8x32xf32, #tpu.memory_space<vmem_shared>> -> memref<1x8x32xf32, #tpu.memory_space<vmem_shared>>
    %dma_wait3A_460 = tpu.memref_squeeze %dma_wait3A_459 : memref<1x8x32xf32, #tpu.memory_space<vmem_shared>> -> memref<8x32xf32, #tpu.memory_space<vmem_shared>>
    %dma_wait3A_461 = arith.constant 0 : i32
    %dma_wait3A_462 = arith.constant 0 : i32
    %dma_wait3A_463 = tpu.memref_slice %arg7[%add3A_55, %dma_wait3A_461, %dma_wait3A_462] : memref<416x8x32xf32, #tpu.memory_space<vmem_shared>> -> memref<1x8x32xf32, #tpu.memory_space<vmem_shared>>
    %dma_wait3A_464 = tpu.memref_squeeze %dma_wait3A_463 : memref<1x8x32xf32, #tpu.memory_space<vmem_shared>> -> memref<8x32xf32, #tpu.memory_space<vmem_shared>>
    %dma_wait3A_465 = arith.constant 0 : i32
    %dma_wait3A_466 = tpu.memref_slice %arg8[%add3A_55, %dma_wait3A_465] : memref<424x32xf32, #tpu.memory_space<vmem>> -> memref<8x32xf32, #tpu.memory_space<vmem>>
    tpu.wait_dma2 semaphore(%arg18 : memref<!tpu.dma_semaphore, #tpu.memory_space<semaphore_mem>>) src(%dma_wait3A_466 : memref<8x32xf32, #tpu.memory_space<vmem>>) dst(%dma_wait3A_464 : memref<8x32xf32, #tpu.memory_space<vmem_shared>>)
    %dma_wait3A_467 = arith.constant 0 : i32
    %dma_wait3A_468 = tpu.memref_slice %arg8[%add3A_71, %dma_wait3A_467] : memref<424x32xf32, #tpu.memory_space<vmem>> -> memref<8x32xf32, #tpu.memory_space<vmem>>
    %dma_wait3A_469 = arith.constant 0 : i32
    %dma_wait3A_470 = arith.constant 0 : i32
    %dma_wait3A_471 = tpu.memref_slice %arg7[%add3A_71, %dma_wait3A_469, %dma_wait3A_470] : memref<416x8x32xf32, #tpu.memory_space<vmem_shared>> -> memref<1x8x32xf32, #tpu.memory_space<vmem_shared>>
    %dma_wait3A_472 = tpu.memref_squeeze %dma_wait3A_471 : memref<1x8x32xf32, #tpu.memory_space<vmem_shared>> -> memref<8x32xf32, #tpu.memory_space<vmem_shared>>
    %dma_wait3A_473 = arith.constant 0 : i32
    %dma_wait3A_474 = arith.constant 0 : i32
    %dma_wait3A_475 = tpu.memref_slice %arg7[%add3A_71, %dma_wait3A_473, %dma_wait3A_474] : memref<416x8x32xf32, #tpu.memory_space<vmem_shared>> -> memref<1x8x32xf32, #tpu.memory_space<vmem_shared>>
    %dma_wait3A_476 = tpu.memref_squeeze %dma_wait3A_475 : memref<1x8x32xf32, #tpu.memory_space<vmem_shared>> -> memref<8x32xf32, #tpu.memory_space<vmem_shared>>
    %dma_wait3A_477 = arith.constant 0 : i32
    %dma_wait3A_478 = tpu.memref_slice %arg8[%add3A_71, %dma_wait3A_477] : memref<424x32xf32, #tpu.memory_space<vmem>> -> memref<8x32xf32, #tpu.memory_space<vmem>>
    tpu.wait_dma2 semaphore(%arg18 : memref<!tpu.dma_semaphore, #tpu.memory_space<semaphore_mem>>) src(%dma_wait3A_478 : memref<8x32xf32, #tpu.memory_space<vmem>>) dst(%dma_wait3A_476 : memref<8x32xf32, #tpu.memory_space<vmem_shared>>)
    %dma_wait3A_479 = arith.constant 0 : i32
    %dma_wait3A_480 = tpu.memref_slice %arg8[%add3A_87, %dma_wait3A_479] : memref<424x32xf32, #tpu.memory_space<vmem>> -> memref<8x32xf32, #tpu.memory_space<vmem>>
    %dma_wait3A_481 = arith.constant 0 : i32
    %dma_wait3A_482 = arith.constant 0 : i32
    %dma_wait3A_483 = tpu.memref_slice %arg7[%add3A_87, %dma_wait3A_481, %dma_wait3A_482] : memref<416x8x32xf32, #tpu.memory_space<vmem_shared>> -> memref<1x8x32xf32, #tpu.memory_space<vmem_shared>>
    %dma_wait3A_484 = tpu.memref_squeeze %dma_wait3A_483 : memref<1x8x32xf32, #tpu.memory_space<vmem_shared>> -> memref<8x32xf32, #tpu.memory_space<vmem_shared>>
    %dma_wait3A_485 = arith.constant 0 : i32
    %dma_wait3A_486 = arith.constant 0 : i32
    %dma_wait3A_487 = tpu.memref_slice %arg7[%add3A_87, %dma_wait3A_485, %dma_wait3A_486] : memref<416x8x32xf32, #tpu.memory_space<vmem_shared>> -> memref<1x8x32xf32, #tpu.memory_space<vmem_shared>>
    %dma_wait3A_488 = tpu.memref_squeeze %dma_wait3A_487 : memref<1x8x32xf32, #tpu.memory_space<vmem_shared>> -> memref<8x32xf32, #tpu.memory_space<vmem_shared>>
    %dma_wait3A_489 = arith.constant 0 : i32
    %dma_wait3A_490 = tpu.memref_slice %arg8[%add3A_87, %dma_wait3A_489] : memref<424x32xf32, #tpu.memory_space<vmem>> -> memref<8x32xf32, #tpu.memory_space<vmem>>
    tpu.wait_dma2 semaphore(%arg18 : memref<!tpu.dma_semaphore, #tpu.memory_space<semaphore_mem>>) src(%dma_wait3A_490 : memref<8x32xf32, #tpu.memory_space<vmem>>) dst(%dma_wait3A_488 : memref<8x32xf32, #tpu.memory_space<vmem_shared>>)
    %dma_wait3A_491 = arith.constant 0 : i32
    %dma_wait3A_492 = tpu.memref_slice %arg8[%add3A_103, %dma_wait3A_491] : memref<424x32xf32, #tpu.memory_space<vmem>> -> memref<8x32xf32, #tpu.memory_space<vmem>>
    %dma_wait3A_493 = arith.constant 0 : i32
    %dma_wait3A_494 = arith.constant 0 : i32
    %dma_wait3A_495 = tpu.memref_slice %arg7[%add3A_103, %dma_wait3A_493, %dma_wait3A_494] : memref<416x8x32xf32, #tpu.memory_space<vmem_shared>> -> memref<1x8x32xf32, #tpu.memory_space<vmem_shared>>
    %dma_wait3A_496 = tpu.memref_squeeze %dma_wait3A_495 : memref<1x8x32xf32, #tpu.memory_space<vmem_shared>> -> memref<8x32xf32, #tpu.memory_space<vmem_shared>>
    %dma_wait3A_497 = arith.constant 0 : i32
    %dma_wait3A_498 = arith.constant 0 : i32
    %dma_wait3A_499 = tpu.memref_slice %arg7[%add3A_103, %dma_wait3A_497, %dma_wait3A_498] : memref<416x8x32xf32, #tpu.memory_space<vmem_shared>> -> memref<1x8x32xf32, #tpu.memory_space<vmem_shared>>
    %dma_wait3A_500 = tpu.memref_squeeze %dma_wait3A_499 : memref<1x8x32xf32, #tpu.memory_space<vmem_shared>> -> memref<8x32xf32, #tpu.memory_space<vmem_shared>>
    %dma_wait3A_501 = arith.constant 0 : i32
    %dma_wait3A_502 = tpu.memref_slice %arg8[%add3A_103, %dma_wait3A_501] : memref<424x32xf32, #tpu.memory_space<vmem>> -> memref<8x32xf32, #tpu.memory_space<vmem>>
    tpu.wait_dma2 semaphore(%arg18 : memref<!tpu.dma_semaphore, #tpu.memory_space<semaphore_mem>>) src(%dma_wait3A_502 : memref<8x32xf32, #tpu.memory_space<vmem>>) dst(%dma_wait3A_500 : memref<8x32xf32, #tpu.memory_space<vmem_shared>>)
    %dma_wait3A_503 = arith.constant 0 : i32
    %dma_wait3A_504 = tpu.memref_slice %arg8[%add3A_119, %dma_wait3A_503] : memref<424x32xf32, #tpu.memory_space<vmem>> -> memref<8x32xf32, #tpu.memory_space<vmem>>
    %dma_wait3A_505 = arith.constant 0 : i32
    %dma_wait3A_506 = arith.constant 0 : i32
    %dma_wait3A_507 = tpu.memref_slice %arg7[%add3A_119, %dma_wait3A_505, %dma_wait3A_506] : memref<416x8x32xf32, #tpu.memory_space<vmem_shared>> -> memref<1x8x32xf32, #tpu.memory_space<vmem_shared>>
    %dma_wait3A_508 = tpu.memref_squeeze %dma_wait3A_507 : memref<1x8x32xf32, #tpu.memory_space<vmem_shared>> -> memref<8x32xf32, #tpu.memory_space<vmem_shared>>
    %dma_wait3A_509 = arith.constant 0 : i32
    %dma_wait3A_510 = arith.constant 0 : i32
    %dma_wait3A_511 = tpu.memref_slice %arg7[%add3A_119, %dma_wait3A_509, %dma_wait3A_510] : memref<416x8x32xf32, #tpu.memory_space<vmem_shared>> -> memref<1x8x32xf32, #tpu.memory_space<vmem_shared>>
    %dma_wait3A_512 = tpu.memref_squeeze %dma_wait3A_511 : memref<1x8x32xf32, #tpu.memory_space<vmem_shared>> -> memref<8x32xf32, #tpu.memory_space<vmem_shared>>
    %dma_wait3A_513 = arith.constant 0 : i32
    %dma_wait3A_514 = tpu.memref_slice %arg8[%add3A_119, %dma_wait3A_513] : memref<424x32xf32, #tpu.memory_space<vmem>> -> memref<8x32xf32, #tpu.memory_space<vmem>>
    tpu.wait_dma2 semaphore(%arg18 : memref<!tpu.dma_semaphore, #tpu.memory_space<semaphore_mem>>) src(%dma_wait3A_514 : memref<8x32xf32, #tpu.memory_space<vmem>>) dst(%dma_wait3A_512 : memref<8x32xf32, #tpu.memory_space<vmem_shared>>)
    %dma_wait3A_515 = arith.constant 0 : i32
    %dma_wait3A_516 = tpu.memref_slice %arg8[%add3A_135, %dma_wait3A_515] : memref<424x32xf32, #tpu.memory_space<vmem>> -> memref<8x32xf32, #tpu.memory_space<vmem>>
    %dma_wait3A_517 = arith.constant 0 : i32
    %dma_wait3A_518 = arith.constant 0 : i32
    %dma_wait3A_519 = tpu.memref_slice %arg7[%add3A_135, %dma_wait3A_517, %dma_wait3A_518] : memref<416x8x32xf32, #tpu.memory_space<vmem_shared>> -> memref<1x8x32xf32, #tpu.memory_space<vmem_shared>>
    %dma_wait3A_520 = tpu.memref_squeeze %dma_wait3A_519 : memref<1x8x32xf32, #tpu.memory_space<vmem_shared>> -> memref<8x32xf32, #tpu.memory_space<vmem_shared>>
    %dma_wait3A_521 = arith.constant 0 : i32
    %dma_wait3A_522 = arith.constant 0 : i32
    %dma_wait3A_523 = tpu.memref_slice %arg7[%add3A_135, %dma_wait3A_521, %dma_wait3A_522] : memref<416x8x32xf32, #tpu.memory_space<vmem_shared>> -> memref<1x8x32xf32, #tpu.memory_space<vmem_shared>>
    %dma_wait3A_524 = tpu.memref_squeeze %dma_wait3A_523 : memref<1x8x32xf32, #tpu.memory_space<vmem_shared>> -> memref<8x32xf32, #tpu.memory_space<vmem_shared>>
    %dma_wait3A_525 = arith.constant 0 : i32
    %dma_wait3A_526 = tpu.memref_slice %arg8[%add3A_135, %dma_wait3A_525] : memref<424x32xf32, #tpu.memory_space<vmem>> -> memref<8x32xf32, #tpu.memory_space<vmem>>
    tpu.wait_dma2 semaphore(%arg18 : memref<!tpu.dma_semaphore, #tpu.memory_space<semaphore_mem>>) src(%dma_wait3A_526 : memref<8x32xf32, #tpu.memory_space<vmem>>) dst(%dma_wait3A_524 : memref<8x32xf32, #tpu.memory_space<vmem_shared>>)
    %dma_wait3A_527 = arith.constant 0 : i32
    %dma_wait3A_528 = tpu.memref_slice %arg8[%add3A_151, %dma_wait3A_527] : memref<424x32xf32, #tpu.memory_space<vmem>> -> memref<8x32xf32, #tpu.memory_space<vmem>>
    %dma_wait3A_529 = arith.constant 0 : i32
    %dma_wait3A_530 = arith.constant 0 : i32
    %dma_wait3A_531 = tpu.memref_slice %arg7[%add3A_151, %dma_wait3A_529, %dma_wait3A_530] : memref<416x8x32xf32, #tpu.memory_space<vmem_shared>> -> memref<1x8x32xf32, #tpu.memory_space<vmem_shared>>
    %dma_wait3A_532 = tpu.memref_squeeze %dma_wait3A_531 : memref<1x8x32xf32, #tpu.memory_space<vmem_shared>> -> memref<8x32xf32, #tpu.memory_space<vmem_shared>>
    %dma_wait3A_533 = arith.constant 0 : i32
    %dma_wait3A_534 = arith.constant 0 : i32
    %dma_wait3A_535 = tpu.memref_slice %arg7[%add3A_151, %dma_wait3A_533, %dma_wait3A_534] : memref<416x8x32xf32, #tpu.memory_space<vmem_shared>> -> memref<1x8x32xf32, #tpu.memory_space<vmem_shared>>
    %dma_wait3A_536 = tpu.memref_squeeze %dma_wait3A_535 : memref<1x8x32xf32, #tpu.memory_space<vmem_shared>> -> memref<8x32xf32, #tpu.memory_space<vmem_shared>>
    %dma_wait3A_537 = arith.constant 0 : i32
    %dma_wait3A_538 = tpu.memref_slice %arg8[%add3A_151, %dma_wait3A_537] : memref<424x32xf32, #tpu.memory_space<vmem>> -> memref<8x32xf32, #tpu.memory_space<vmem>>
    tpu.wait_dma2 semaphore(%arg18 : memref<!tpu.dma_semaphore, #tpu.memory_space<semaphore_mem>>) src(%dma_wait3A_538 : memref<8x32xf32, #tpu.memory_space<vmem>>) dst(%dma_wait3A_536 : memref<8x32xf32, #tpu.memory_space<vmem_shared>>)
    %dma_wait3A_539 = arith.constant 0 : i32
    %dma_wait3A_540 = tpu.memref_slice %arg8[%add3A_167, %dma_wait3A_539] : memref<424x32xf32, #tpu.memory_space<vmem>> -> memref<8x32xf32, #tpu.memory_space<vmem>>
    %dma_wait3A_541 = arith.constant 0 : i32
    %dma_wait3A_542 = arith.constant 0 : i32
    %dma_wait3A_543 = tpu.memref_slice %arg7[%add3A_167, %dma_wait3A_541, %dma_wait3A_542] : memref<416x8x32xf32, #tpu.memory_space<vmem_shared>> -> memref<1x8x32xf32, #tpu.memory_space<vmem_shared>>
    %dma_wait3A_544 = tpu.memref_squeeze %dma_wait3A_543 : memref<1x8x32xf32, #tpu.memory_space<vmem_shared>> -> memref<8x32xf32, #tpu.memory_space<vmem_shared>>
    %dma_wait3A_545 = arith.constant 0 : i32
    %dma_wait3A_546 = arith.constant 0 : i32
    %dma_wait3A_547 = tpu.memref_slice %arg7[%add3A_167, %dma_wait3A_545, %dma_wait3A_546] : memref<416x8x32xf32, #tpu.memory_space<vmem_shared>> -> memref<1x8x32xf32, #tpu.memory_space<vmem_shared>>
    %dma_wait3A_548 = tpu.memref_squeeze %dma_wait3A_547 : memref<1x8x32xf32, #tpu.memory_space<vmem_shared>> -> memref<8x32xf32, #tpu.memory_space<vmem_shared>>
    %dma_wait3A_549 = arith.constant 0 : i32
    %dma_wait3A_550 = tpu.memref_slice %arg8[%add3A_167, %dma_wait3A_549] : memref<424x32xf32, #tpu.memory_space<vmem>> -> memref<8x32xf32, #tpu.memory_space<vmem>>
    tpu.wait_dma2 semaphore(%arg18 : memref<!tpu.dma_semaphore, #tpu.memory_space<semaphore_mem>>) src(%dma_wait3A_550 : memref<8x32xf32, #tpu.memory_space<vmem>>) dst(%dma_wait3A_548 : memref<8x32xf32, #tpu.memory_space<vmem_shared>>)
    %dma_wait3A_551 = arith.constant 0 : i32
    %dma_wait3A_552 = tpu.memref_slice %arg8[%add3A_183, %dma_wait3A_551] : memref<424x32xf32, #tpu.memory_space<vmem>> -> memref<8x32xf32, #tpu.memory_space<vmem>>
    %dma_wait3A_553 = arith.constant 0 : i32
    %dma_wait3A_554 = arith.constant 0 : i32
    %dma_wait3A_555 = tpu.memref_slice %arg7[%add3A_183, %dma_wait3A_553, %dma_wait3A_554] : memref<416x8x32xf32, #tpu.memory_space<vmem_shared>> -> memref<1x8x32xf32, #tpu.memory_space<vmem_shared>>
    %dma_wait3A_556 = tpu.memref_squeeze %dma_wait3A_555 : memref<1x8x32xf32, #tpu.memory_space<vmem_shared>> -> memref<8x32xf32, #tpu.memory_space<vmem_shared>>
    %dma_wait3A_557 = arith.constant 0 : i32
    %dma_wait3A_558 = arith.constant 0 : i32
    %dma_wait3A_559 = tpu.memref_slice %arg7[%add3A_183, %dma_wait3A_557, %dma_wait3A_558] : memref<416x8x32xf32, #tpu.memory_space<vmem_shared>> -> memref<1x8x32xf32, #tpu.memory_space<vmem_shared>>
    %dma_wait3A_560 = tpu.memref_squeeze %dma_wait3A_559 : memref<1x8x32xf32, #tpu.memory_space<vmem_shared>> -> memref<8x32xf32, #tpu.memory_space<vmem_shared>>
    %dma_wait3A_561 = arith.constant 0 : i32
    %dma_wait3A_562 = tpu.memref_slice %arg8[%add3A_183, %dma_wait3A_561] : memref<424x32xf32, #tpu.memory_space<vmem>> -> memref<8x32xf32, #tpu.memory_space<vmem>>
    tpu.wait_dma2 semaphore(%arg18 : memref<!tpu.dma_semaphore, #tpu.memory_space<semaphore_mem>>) src(%dma_wait3A_562 : memref<8x32xf32, #tpu.memory_space<vmem>>) dst(%dma_wait3A_560 : memref<8x32xf32, #tpu.memory_space<vmem_shared>>)
    %dma_wait3A_563 = arith.constant 0 : i32
    %dma_wait3A_564 = tpu.memref_slice %arg8[%add3A_199, %dma_wait3A_563] : memref<424x32xf32, #tpu.memory_space<vmem>> -> memref<8x32xf32, #tpu.memory_space<vmem>>
    %dma_wait3A_565 = arith.constant 0 : i32
    %dma_wait3A_566 = arith.constant 0 : i32
    %dma_wait3A_567 = tpu.memref_slice %arg7[%add3A_199, %dma_wait3A_565, %dma_wait3A_566] : memref<416x8x32xf32, #tpu.memory_space<vmem_shared>> -> memref<1x8x32xf32, #tpu.memory_space<vmem_shared>>
    %dma_wait3A_568 = tpu.memref_squeeze %dma_wait3A_567 : memref<1x8x32xf32, #tpu.memory_space<vmem_shared>> -> memref<8x32xf32, #tpu.memory_space<vmem_shared>>
    %dma_wait3A_569 = arith.constant 0 : i32
    %dma_wait3A_570 = arith.constant 0 : i32
    %dma_wait3A_571 = tpu.memref_slice %arg7[%add3A_199, %dma_wait3A_569, %dma_wait3A_570] : memref<416x8x32xf32, #tpu.memory_space<vmem_shared>> -> memref<1x8x32xf32, #tpu.memory_space<vmem_shared>>
    %dma_wait3A_572 = tpu.memref_squeeze %dma_wait3A_571 : memref<1x8x32xf32, #tpu.memory_space<vmem_shared>> -> memref<8x32xf32, #tpu.memory_space<vmem_shared>>
    %dma_wait3A_573 = arith.constant 0 : i32
    %dma_wait3A_574 = tpu.memref_slice %arg8[%add3A_199, %dma_wait3A_573] : memref<424x32xf32, #tpu.memory_space<vmem>> -> memref<8x32xf32, #tpu.memory_space<vmem>>
    tpu.wait_dma2 semaphore(%arg18 : memref<!tpu.dma_semaphore, #tpu.memory_space<semaphore_mem>>) src(%dma_wait3A_574 : memref<8x32xf32, #tpu.memory_space<vmem>>) dst(%dma_wait3A_572 : memref<8x32xf32, #tpu.memory_space<vmem_shared>>)
    %dma_wait3A_575 = arith.constant 0 : i32
    %dma_wait3A_576 = tpu.memref_slice %arg8[%add3A_215, %dma_wait3A_575] : memref<424x32xf32, #tpu.memory_space<vmem>> -> memref<8x32xf32, #tpu.memory_space<vmem>>
    %dma_wait3A_577 = arith.constant 0 : i32
    %dma_wait3A_578 = arith.constant 0 : i32
    %dma_wait3A_579 = tpu.memref_slice %arg7[%add3A_215, %dma_wait3A_577, %dma_wait3A_578] : memref<416x8x32xf32, #tpu.memory_space<vmem_shared>> -> memref<1x8x32xf32, #tpu.memory_space<vmem_shared>>
    %dma_wait3A_580 = tpu.memref_squeeze %dma_wait3A_579 : memref<1x8x32xf32, #tpu.memory_space<vmem_shared>> -> memref<8x32xf32, #tpu.memory_space<vmem_shared>>
    %dma_wait3A_581 = arith.constant 0 : i32
    %dma_wait3A_582 = arith.constant 0 : i32
    %dma_wait3A_583 = tpu.memref_slice %arg7[%add3A_215, %dma_wait3A_581, %dma_wait3A_582] : memref<416x8x32xf32, #tpu.memory_space<vmem_shared>> -> memref<1x8x32xf32, #tpu.memory_space<vmem_shared>>
    %dma_wait3A_584 = tpu.memref_squeeze %dma_wait3A_583 : memref<1x8x32xf32, #tpu.memory_space<vmem_shared>> -> memref<8x32xf32, #tpu.memory_space<vmem_shared>>
    %dma_wait3A_585 = arith.constant 0 : i32
    %dma_wait3A_586 = tpu.memref_slice %arg8[%add3A_215, %dma_wait3A_585] : memref<424x32xf32, #tpu.memory_space<vmem>> -> memref<8x32xf32, #tpu.memory_space<vmem>>
    tpu.wait_dma2 semaphore(%arg18 : memref<!tpu.dma_semaphore, #tpu.memory_space<semaphore_mem>>) src(%dma_wait3A_586 : memref<8x32xf32, #tpu.memory_space<vmem>>) dst(%dma_wait3A_584 : memref<8x32xf32, #tpu.memory_space<vmem_shared>>)
    %dma_wait3A_587 = arith.constant 0 : i32
    %dma_wait3A_588 = tpu.memref_slice %arg8[%add3A_231, %dma_wait3A_587] : memref<424x32xf32, #tpu.memory_space<vmem>> -> memref<8x32xf32, #tpu.memory_space<vmem>>
    %dma_wait3A_589 = arith.constant 0 : i32
    %dma_wait3A_590 = arith.constant 0 : i32
    %dma_wait3A_591 = tpu.memref_slice %arg7[%add3A_231, %dma_wait3A_589, %dma_wait3A_590] : memref<416x8x32xf32, #tpu.memory_space<vmem_shared>> -> memref<1x8x32xf32, #tpu.memory_space<vmem_shared>>
    %dma_wait3A_592 = tpu.memref_squeeze %dma_wait3A_591 : memref<1x8x32xf32, #tpu.memory_space<vmem_shared>> -> memref<8x32xf32, #tpu.memory_space<vmem_shared>>
    %dma_wait3A_593 = arith.constant 0 : i32
    %dma_wait3A_594 = arith.constant 0 : i32
    %dma_wait3A_595 = tpu.memref_slice %arg7[%add3A_231, %dma_wait3A_593, %dma_wait3A_594] : memref<416x8x32xf32, #tpu.memory_space<vmem_shared>> -> memref<1x8x32xf32, #tpu.memory_space<vmem_shared>>
    %dma_wait3A_596 = tpu.memref_squeeze %dma_wait3A_595 : memref<1x8x32xf32, #tpu.memory_space<vmem_shared>> -> memref<8x32xf32, #tpu.memory_space<vmem_shared>>
    %dma_wait3A_597 = arith.constant 0 : i32
    %dma_wait3A_598 = tpu.memref_slice %arg8[%add3A_231, %dma_wait3A_597] : memref<424x32xf32, #tpu.memory_space<vmem>> -> memref<8x32xf32, #tpu.memory_space<vmem>>
    tpu.wait_dma2 semaphore(%arg18 : memref<!tpu.dma_semaphore, #tpu.memory_space<semaphore_mem>>) src(%dma_wait3A_598 : memref<8x32xf32, #tpu.memory_space<vmem>>) dst(%dma_wait3A_596 : memref<8x32xf32, #tpu.memory_space<vmem_shared>>)
    %dma_wait3A_599 = arith.constant 0 : i32
    %dma_wait3A_600 = tpu.memref_slice %arg8[%add3A_247, %dma_wait3A_599] : memref<424x32xf32, #tpu.memory_space<vmem>> -> memref<8x32xf32, #tpu.memory_space<vmem>>
    %dma_wait3A_601 = arith.constant 0 : i32
    %dma_wait3A_602 = arith.constant 0 : i32
    %dma_wait3A_603 = tpu.memref_slice %arg7[%add3A_247, %dma_wait3A_601, %dma_wait3A_602] : memref<416x8x32xf32, #tpu.memory_space<vmem_shared>> -> memref<1x8x32xf32, #tpu.memory_space<vmem_shared>>
    %dma_wait3A_604 = tpu.memref_squeeze %dma_wait3A_603 : memref<1x8x32xf32, #tpu.memory_space<vmem_shared>> -> memref<8x32xf32, #tpu.memory_space<vmem_shared>>
    %dma_wait3A_605 = arith.constant 0 : i32
    %dma_wait3A_606 = arith.constant 0 : i32
    %dma_wait3A_607 = tpu.memref_slice %arg7[%add3A_247, %dma_wait3A_605, %dma_wait3A_606] : memref<416x8x32xf32, #tpu.memory_space<vmem_shared>> -> memref<1x8x32xf32, #tpu.memory_space<vmem_shared>>
    %dma_wait3A_608 = tpu.memref_squeeze %dma_wait3A_607 : memref<1x8x32xf32, #tpu.memory_space<vmem_shared>> -> memref<8x32xf32, #tpu.memory_space<vmem_shared>>
    %dma_wait3A_609 = arith.constant 0 : i32
    %dma_wait3A_610 = tpu.memref_slice %arg8[%add3A_247, %dma_wait3A_609] : memref<424x32xf32, #tpu.memory_space<vmem>> -> memref<8x32xf32, #tpu.memory_space<vmem>>
    tpu.wait_dma2 semaphore(%arg18 : memref<!tpu.dma_semaphore, #tpu.memory_space<semaphore_mem>>) src(%dma_wait3A_610 : memref<8x32xf32, #tpu.memory_space<vmem>>) dst(%dma_wait3A_608 : memref<8x32xf32, #tpu.memory_space<vmem_shared>>)
    %dma_wait3A_611 = arith.constant 0 : i32
    %dma_wait3A_612 = tpu.memref_slice %arg8[%add3A_263, %dma_wait3A_611] : memref<424x32xf32, #tpu.memory_space<vmem>> -> memref<8x32xf32, #tpu.memory_space<vmem>>
    %dma_wait3A_613 = arith.constant 0 : i32
    %dma_wait3A_614 = arith.constant 0 : i32
    %dma_wait3A_615 = tpu.memref_slice %arg7[%add3A_263, %dma_wait3A_613, %dma_wait3A_614] : memref<416x8x32xf32, #tpu.memory_space<vmem_shared>> -> memref<1x8x32xf32, #tpu.memory_space<vmem_shared>>
    %dma_wait3A_616 = tpu.memref_squeeze %dma_wait3A_615 : memref<1x8x32xf32, #tpu.memory_space<vmem_shared>> -> memref<8x32xf32, #tpu.memory_space<vmem_shared>>
    %dma_wait3A_617 = arith.constant 0 : i32
    %dma_wait3A_618 = arith.constant 0 : i32
    %dma_wait3A_619 = tpu.memref_slice %arg7[%add3A_263, %dma_wait3A_617, %dma_wait3A_618] : memref<416x8x32xf32, #tpu.memory_space<vmem_shared>> -> memref<1x8x32xf32, #tpu.memory_space<vmem_shared>>
    %dma_wait3A_620 = tpu.memref_squeeze %dma_wait3A_619 : memref<1x8x32xf32, #tpu.memory_space<vmem_shared>> -> memref<8x32xf32, #tpu.memory_space<vmem_shared>>
    %dma_wait3A_621 = arith.constant 0 : i32
    %dma_wait3A_622 = tpu.memref_slice %arg8[%add3A_263, %dma_wait3A_621] : memref<424x32xf32, #tpu.memory_space<vmem>> -> memref<8x32xf32, #tpu.memory_space<vmem>>
    tpu.wait_dma2 semaphore(%arg18 : memref<!tpu.dma_semaphore, #tpu.memory_space<semaphore_mem>>) src(%dma_wait3A_622 : memref<8x32xf32, #tpu.memory_space<vmem>>) dst(%dma_wait3A_620 : memref<8x32xf32, #tpu.memory_space<vmem_shared>>)
    %dma_wait3A_623 = arith.constant 0 : i32
    %dma_wait3A_624 = tpu.memref_slice %arg8[%add3A_279, %dma_wait3A_623] : memref<424x32xf32, #tpu.memory_space<vmem>> -> memref<8x32xf32, #tpu.memory_space<vmem>>
    %dma_wait3A_625 = arith.constant 0 : i32
    %dma_wait3A_626 = arith.constant 0 : i32
    %dma_wait3A_627 = tpu.memref_slice %arg7[%add3A_279, %dma_wait3A_625, %dma_wait3A_626] : memref<416x8x32xf32, #tpu.memory_space<vmem_shared>> -> memref<1x8x32xf32, #tpu.memory_space<vmem_shared>>
    %dma_wait3A_628 = tpu.memref_squeeze %dma_wait3A_627 : memref<1x8x32xf32, #tpu.memory_space<vmem_shared>> -> memref<8x32xf32, #tpu.memory_space<vmem_shared>>
    %dma_wait3A_629 = arith.constant 0 : i32
    %dma_wait3A_630 = arith.constant 0 : i32
    %dma_wait3A_631 = tpu.memref_slice %arg7[%add3A_279, %dma_wait3A_629, %dma_wait3A_630] : memref<416x8x32xf32, #tpu.memory_space<vmem_shared>> -> memref<1x8x32xf32, #tpu.memory_space<vmem_shared>>
    %dma_wait3A_632 = tpu.memref_squeeze %dma_wait3A_631 : memref<1x8x32xf32, #tpu.memory_space<vmem_shared>> -> memref<8x32xf32, #tpu.memory_space<vmem_shared>>
    %dma_wait3A_633 = arith.constant 0 : i32
    %dma_wait3A_634 = tpu.memref_slice %arg8[%add3A_279, %dma_wait3A_633] : memref<424x32xf32, #tpu.memory_space<vmem>> -> memref<8x32xf32, #tpu.memory_space<vmem>>
    tpu.wait_dma2 semaphore(%arg18 : memref<!tpu.dma_semaphore, #tpu.memory_space<semaphore_mem>>) src(%dma_wait3A_634 : memref<8x32xf32, #tpu.memory_space<vmem>>) dst(%dma_wait3A_632 : memref<8x32xf32, #tpu.memory_space<vmem_shared>>)
    %dma_wait3A_635 = arith.constant 0 : i32
    %dma_wait3A_636 = tpu.memref_slice %arg8[%add3A_295, %dma_wait3A_635] : memref<424x32xf32, #tpu.memory_space<vmem>> -> memref<8x32xf32, #tpu.memory_space<vmem>>
    %dma_wait3A_637 = arith.constant 0 : i32
    %dma_wait3A_638 = arith.constant 0 : i32
    %dma_wait3A_639 = tpu.memref_slice %arg7[%add3A_295, %dma_wait3A_637, %dma_wait3A_638] : memref<416x8x32xf32, #tpu.memory_space<vmem_shared>> -> memref<1x8x32xf32, #tpu.memory_space<vmem_shared>>
    %dma_wait3A_640 = tpu.memref_squeeze %dma_wait3A_639 : memref<1x8x32xf32, #tpu.memory_space<vmem_shared>> -> memref<8x32xf32, #tpu.memory_space<vmem_shared>>
    %dma_wait3A_641 = arith.constant 0 : i32
    %dma_wait3A_642 = arith.constant 0 : i32
    %dma_wait3A_643 = tpu.memref_slice %arg7[%add3A_295, %dma_wait3A_641, %dma_wait3A_642] : memref<416x8x32xf32, #tpu.memory_space<vmem_shared>> -> memref<1x8x32xf32, #tpu.memory_space<vmem_shared>>
    %dma_wait3A_644 = tpu.memref_squeeze %dma_wait3A_643 : memref<1x8x32xf32, #tpu.memory_space<vmem_shared>> -> memref<8x32xf32, #tpu.memory_space<vmem_shared>>
    %dma_wait3A_645 = arith.constant 0 : i32
    %dma_wait3A_646 = tpu.memref_slice %arg8[%add3A_295, %dma_wait3A_645] : memref<424x32xf32, #tpu.memory_space<vmem>> -> memref<8x32xf32, #tpu.memory_space<vmem>>
    tpu.wait_dma2 semaphore(%arg18 : memref<!tpu.dma_semaphore, #tpu.memory_space<semaphore_mem>>) src(%dma_wait3A_646 : memref<8x32xf32, #tpu.memory_space<vmem>>) dst(%dma_wait3A_644 : memref<8x32xf32, #tpu.memory_space<vmem_shared>>)
    %dma_wait3A_647 = arith.constant 0 : i32
    %dma_wait3A_648 = tpu.memref_slice %arg8[%add3A_311, %dma_wait3A_647] : memref<424x32xf32, #tpu.memory_space<vmem>> -> memref<8x32xf32, #tpu.memory_space<vmem>>
    %dma_wait3A_649 = arith.constant 0 : i32
    %dma_wait3A_650 = arith.constant 0 : i32
    %dma_wait3A_651 = tpu.memref_slice %arg7[%add3A_311, %dma_wait3A_649, %dma_wait3A_650] : memref<416x8x32xf32, #tpu.memory_space<vmem_shared>> -> memref<1x8x32xf32, #tpu.memory_space<vmem_shared>>
    %dma_wait3A_652 = tpu.memref_squeeze %dma_wait3A_651 : memref<1x8x32xf32, #tpu.memory_space<vmem_shared>> -> memref<8x32xf32, #tpu.memory_space<vmem_shared>>
    %dma_wait3A_653 = arith.constant 0 : i32
    %dma_wait3A_654 = arith.constant 0 : i32
    %dma_wait3A_655 = tpu.memref_slice %arg7[%add3A_311, %dma_wait3A_653, %dma_wait3A_654] : memref<416x8x32xf32, #tpu.memory_space<vmem_shared>> -> memref<1x8x32xf32, #tpu.memory_space<vmem_shared>>
    %dma_wait3A_656 = tpu.memref_squeeze %dma_wait3A_655 : memref<1x8x32xf32, #tpu.memory_space<vmem_shared>> -> memref<8x32xf32, #tpu.memory_space<vmem_shared>>
    %dma_wait3A_657 = arith.constant 0 : i32
    %dma_wait3A_658 = tpu.memref_slice %arg8[%add3A_311, %dma_wait3A_657] : memref<424x32xf32, #tpu.memory_space<vmem>> -> memref<8x32xf32, #tpu.memory_space<vmem>>
    tpu.wait_dma2 semaphore(%arg18 : memref<!tpu.dma_semaphore, #tpu.memory_space<semaphore_mem>>) src(%dma_wait3A_658 : memref<8x32xf32, #tpu.memory_space<vmem>>) dst(%dma_wait3A_656 : memref<8x32xf32, #tpu.memory_space<vmem_shared>>)
    %dma_wait3A_659 = arith.constant 0 : i32
    %dma_wait3A_660 = tpu.memref_slice %arg8[%add3A_327, %dma_wait3A_659] : memref<424x32xf32, #tpu.memory_space<vmem>> -> memref<8x32xf32, #tpu.memory_space<vmem>>
    %dma_wait3A_661 = arith.constant 0 : i32
    %dma_wait3A_662 = arith.constant 0 : i32
    %dma_wait3A_663 = tpu.memref_slice %arg7[%add3A_327, %dma_wait3A_661, %dma_wait3A_662] : memref<416x8x32xf32, #tpu.memory_space<vmem_shared>> -> memref<1x8x32xf32, #tpu.memory_space<vmem_shared>>
    %dma_wait3A_664 = tpu.memref_squeeze %dma_wait3A_663 : memref<1x8x32xf32, #tpu.memory_space<vmem_shared>> -> memref<8x32xf32, #tpu.memory_space<vmem_shared>>
    %dma_wait3A_665 = arith.constant 0 : i32
    %dma_wait3A_666 = arith.constant 0 : i32
    %dma_wait3A_667 = tpu.memref_slice %arg7[%add3A_327, %dma_wait3A_665, %dma_wait3A_666] : memref<416x8x32xf32, #tpu.memory_space<vmem_shared>> -> memref<1x8x32xf32, #tpu.memory_space<vmem_shared>>
    %dma_wait3A_668 = tpu.memref_squeeze %dma_wait3A_667 : memref<1x8x32xf32, #tpu.memory_space<vmem_shared>> -> memref<8x32xf32, #tpu.memory_space<vmem_shared>>
    %dma_wait3A_669 = arith.constant 0 : i32
    %dma_wait3A_670 = tpu.memref_slice %arg8[%add3A_327, %dma_wait3A_669] : memref<424x32xf32, #tpu.memory_space<vmem>> -> memref<8x32xf32, #tpu.memory_space<vmem>>
    tpu.wait_dma2 semaphore(%arg18 : memref<!tpu.dma_semaphore, #tpu.memory_space<semaphore_mem>>) src(%dma_wait3A_670 : memref<8x32xf32, #tpu.memory_space<vmem>>) dst(%dma_wait3A_668 : memref<8x32xf32, #tpu.memory_space<vmem_shared>>)
    %dma_wait3A_671 = arith.constant 0 : i32
    %dma_wait3A_672 = tpu.memref_slice %arg8[%add3A_343, %dma_wait3A_671] : memref<424x32xf32, #tpu.memory_space<vmem>> -> memref<8x32xf32, #tpu.memory_space<vmem>>
    %dma_wait3A_673 = arith.constant 0 : i32
    %dma_wait3A_674 = arith.constant 0 : i32
    %dma_wait3A_675 = tpu.memref_slice %arg7[%add3A_343, %dma_wait3A_673, %dma_wait3A_674] : memref<416x8x32xf32, #tpu.memory_space<vmem_shared>> -> memref<1x8x32xf32, #tpu.memory_space<vmem_shared>>
    %dma_wait3A_676 = tpu.memref_squeeze %dma_wait3A_675 : memref<1x8x32xf32, #tpu.memory_space<vmem_shared>> -> memref<8x32xf32, #tpu.memory_space<vmem_shared>>
    %dma_wait3A_677 = arith.constant 0 : i32
    %dma_wait3A_678 = arith.constant 0 : i32
    %dma_wait3A_679 = tpu.memref_slice %arg7[%add3A_343, %dma_wait3A_677, %dma_wait3A_678] : memref<416x8x32xf32, #tpu.memory_space<vmem_shared>> -> memref<1x8x32xf32, #tpu.memory_space<vmem_shared>>
    %dma_wait3A_680 = tpu.memref_squeeze %dma_wait3A_679 : memref<1x8x32xf32, #tpu.memory_space<vmem_shared>> -> memref<8x32xf32, #tpu.memory_space<vmem_shared>>
    %dma_wait3A_681 = arith.constant 0 : i32
    %dma_wait3A_682 = tpu.memref_slice %arg8[%add3A_343, %dma_wait3A_681] : memref<424x32xf32, #tpu.memory_space<vmem>> -> memref<8x32xf32, #tpu.memory_space<vmem>>
    tpu.wait_dma2 semaphore(%arg18 : memref<!tpu.dma_semaphore, #tpu.memory_space<semaphore_mem>>) src(%dma_wait3A_682 : memref<8x32xf32, #tpu.memory_space<vmem>>) dst(%dma_wait3A_680 : memref<8x32xf32, #tpu.memory_space<vmem_shared>>)
    %dma_wait3A_683 = arith.constant 0 : i32
    %dma_wait3A_684 = tpu.memref_slice %arg8[%add3A_359, %dma_wait3A_683] : memref<424x32xf32, #tpu.memory_space<vmem>> -> memref<8x32xf32, #tpu.memory_space<vmem>>
    %dma_wait3A_685 = arith.constant 0 : i32
    %dma_wait3A_686 = arith.constant 0 : i32
    %dma_wait3A_687 = tpu.memref_slice %arg7[%add3A_359, %dma_wait3A_685, %dma_wait3A_686] : memref<416x8x32xf32, #tpu.memory_space<vmem_shared>> -> memref<1x8x32xf32, #tpu.memory_space<vmem_shared>>
    %dma_wait3A_688 = tpu.memref_squeeze %dma_wait3A_687 : memref<1x8x32xf32, #tpu.memory_space<vmem_shared>> -> memref<8x32xf32, #tpu.memory_space<vmem_shared>>
    %dma_wait3A_689 = arith.constant 0 : i32
    %dma_wait3A_690 = arith.constant 0 : i32
    %dma_wait3A_691 = tpu.memref_slice %arg7[%add3A_359, %dma_wait3A_689, %dma_wait3A_690] : memref<416x8x32xf32, #tpu.memory_space<vmem_shared>> -> memref<1x8x32xf32, #tpu.memory_space<vmem_shared>>
    %dma_wait3A_692 = tpu.memref_squeeze %dma_wait3A_691 : memref<1x8x32xf32, #tpu.memory_space<vmem_shared>> -> memref<8x32xf32, #tpu.memory_space<vmem_shared>>
    %dma_wait3A_693 = arith.constant 0 : i32
    %dma_wait3A_694 = tpu.memref_slice %arg8[%add3A_359, %dma_wait3A_693] : memref<424x32xf32, #tpu.memory_space<vmem>> -> memref<8x32xf32, #tpu.memory_space<vmem>>
    tpu.wait_dma2 semaphore(%arg18 : memref<!tpu.dma_semaphore, #tpu.memory_space<semaphore_mem>>) src(%dma_wait3A_694 : memref<8x32xf32, #tpu.memory_space<vmem>>) dst(%dma_wait3A_692 : memref<8x32xf32, #tpu.memory_space<vmem_shared>>)
    %dma_wait3A_695 = arith.constant 0 : i32
    %dma_wait3A_696 = tpu.memref_slice %arg8[%add3A_375, %dma_wait3A_695] : memref<424x32xf32, #tpu.memory_space<vmem>> -> memref<8x32xf32, #tpu.memory_space<vmem>>
    %dma_wait3A_697 = arith.constant 0 : i32
    %dma_wait3A_698 = arith.constant 0 : i32
    %dma_wait3A_699 = tpu.memref_slice %arg7[%add3A_375, %dma_wait3A_697, %dma_wait3A_698] : memref<416x8x32xf32, #tpu.memory_space<vmem_shared>> -> memref<1x8x32xf32, #tpu.memory_space<vmem_shared>>
    %dma_wait3A_700 = tpu.memref_squeeze %dma_wait3A_699 : memref<1x8x32xf32, #tpu.memory_space<vmem_shared>> -> memref<8x32xf32, #tpu.memory_space<vmem_shared>>
    %dma_wait3A_701 = arith.constant 0 : i32
    %dma_wait3A_702 = arith.constant 0 : i32
    %dma_wait3A_703 = tpu.memref_slice %arg7[%add3A_375, %dma_wait3A_701, %dma_wait3A_702] : memref<416x8x32xf32, #tpu.memory_space<vmem_shared>> -> memref<1x8x32xf32, #tpu.memory_space<vmem_shared>>
    %dma_wait3A_704 = tpu.memref_squeeze %dma_wait3A_703 : memref<1x8x32xf32, #tpu.memory_space<vmem_shared>> -> memref<8x32xf32, #tpu.memory_space<vmem_shared>>
    %dma_wait3A_705 = arith.constant 0 : i32
    %dma_wait3A_706 = tpu.memref_slice %arg8[%add3A_375, %dma_wait3A_705] : memref<424x32xf32, #tpu.memory_space<vmem>> -> memref<8x32xf32, #tpu.memory_space<vmem>>
    tpu.wait_dma2 semaphore(%arg18 : memref<!tpu.dma_semaphore, #tpu.memory_space<semaphore_mem>>) src(%dma_wait3A_706 : memref<8x32xf32, #tpu.memory_space<vmem>>) dst(%dma_wait3A_704 : memref<8x32xf32, #tpu.memory_space<vmem_shared>>)
    %dma_wait3A_707 = arith.constant 0 : i32
    %dma_wait3A_708 = tpu.memref_slice %arg8[%add3A_391, %dma_wait3A_707] : memref<424x32xf32, #tpu.memory_space<vmem>> -> memref<8x32xf32, #tpu.memory_space<vmem>>
    %dma_wait3A_709 = arith.constant 0 : i32
    %dma_wait3A_710 = arith.constant 0 : i32
    %dma_wait3A_711 = tpu.memref_slice %arg7[%add3A_391, %dma_wait3A_709, %dma_wait3A_710] : memref<416x8x32xf32, #tpu.memory_space<vmem_shared>> -> memref<1x8x32xf32, #tpu.memory_space<vmem_shared>>
    %dma_wait3A_712 = tpu.memref_squeeze %dma_wait3A_711 : memref<1x8x32xf32, #tpu.memory_space<vmem_shared>> -> memref<8x32xf32, #tpu.memory_space<vmem_shared>>
    %dma_wait3A_713 = arith.constant 0 : i32
    %dma_wait3A_714 = arith.constant 0 : i32
    %dma_wait3A_715 = tpu.memref_slice %arg7[%add3A_391, %dma_wait3A_713, %dma_wait3A_714] : memref<416x8x32xf32, #tpu.memory_space<vmem_shared>> -> memref<1x8x32xf32, #tpu.memory_space<vmem_shared>>
    %dma_wait3A_716 = tpu.memref_squeeze %dma_wait3A_715 : memref<1x8x32xf32, #tpu.memory_space<vmem_shared>> -> memref<8x32xf32, #tpu.memory_space<vmem_shared>>
    %dma_wait3A_717 = arith.constant 0 : i32
    %dma_wait3A_718 = tpu.memref_slice %arg8[%add3A_391, %dma_wait3A_717] : memref<424x32xf32, #tpu.memory_space<vmem>> -> memref<8x32xf32, #tpu.memory_space<vmem>>
    tpu.wait_dma2 semaphore(%arg18 : memref<!tpu.dma_semaphore, #tpu.memory_space<semaphore_mem>>) src(%dma_wait3A_718 : memref<8x32xf32, #tpu.memory_space<vmem>>) dst(%dma_wait3A_716 : memref<8x32xf32, #tpu.memory_space<vmem_shared>>)
    %dma_wait3A_719 = arith.constant 0 : i32
    %dma_wait3A_720 = tpu.memref_slice %arg8[%add3A_407, %dma_wait3A_719] : memref<424x32xf32, #tpu.memory_space<vmem>> -> memref<8x32xf32, #tpu.memory_space<vmem>>
    %dma_wait3A_721 = arith.constant 0 : i32
    %dma_wait3A_722 = arith.constant 0 : i32
    %dma_wait3A_723 = tpu.memref_slice %arg7[%add3A_407, %dma_wait3A_721, %dma_wait3A_722] : memref<416x8x32xf32, #tpu.memory_space<vmem_shared>> -> memref<1x8x32xf32, #tpu.memory_space<vmem_shared>>
    %dma_wait3A_724 = tpu.memref_squeeze %dma_wait3A_723 : memref<1x8x32xf32, #tpu.memory_space<vmem_shared>> -> memref<8x32xf32, #tpu.memory_space<vmem_shared>>
    %dma_wait3A_725 = arith.constant 0 : i32
    %dma_wait3A_726 = arith.constant 0 : i32
    %dma_wait3A_727 = tpu.memref_slice %arg7[%add3A_407, %dma_wait3A_725, %dma_wait3A_726] : memref<416x8x32xf32, #tpu.memory_space<vmem_shared>> -> memref<1x8x32xf32, #tpu.memory_space<vmem_shared>>
    %dma_wait3A_728 = tpu.memref_squeeze %dma_wait3A_727 : memref<1x8x32xf32, #tpu.memory_space<vmem_shared>> -> memref<8x32xf32, #tpu.memory_space<vmem_shared>>
    %dma_wait3A_729 = arith.constant 0 : i32
    %dma_wait3A_730 = tpu.memref_slice %arg8[%add3A_407, %dma_wait3A_729] : memref<424x32xf32, #tpu.memory_space<vmem>> -> memref<8x32xf32, #tpu.memory_space<vmem>>
    tpu.wait_dma2 semaphore(%arg18 : memref<!tpu.dma_semaphore, #tpu.memory_space<semaphore_mem>>) src(%dma_wait3A_730 : memref<8x32xf32, #tpu.memory_space<vmem>>) dst(%dma_wait3A_728 : memref<8x32xf32, #tpu.memory_space<vmem_shared>>)
    %eq3A_731 = arith.constant 15 : i32
    %eq3A_732 = arith.cmpi eq, %arg1, %eq3A_731 : i32
    %convert_element_type3A_733 = arith.extui %eq3A_732 : i1 to i32
    %cond3A_734 = arith.constant 0 : i32
    %cond3A_735 = arith.cmpi ne, %convert_element_type3A_733, %cond3A_734 : i32
    scf.if %cond3A_735 {
      %run_scoped3A = arith.constant 402 : i32
      "tpu.region"() ({
        %run_scoped3A_1067 = tpu.sem_alloc : memref<!tpu.dma_semaphore, #tpu.memory_space<semaphore_mem>>
        %dma_start3A_1068 = arith.constant 0 : i32
        %dma_start3A_1069 = arith.constant 0 : i32
        %dma_start3A_1070 = tpu.memref_slice %arg7[%run_scoped3A, %dma_start3A_1068, %dma_start3A_1069] : memref<416x8x32xf32, #tpu.memory_space<vmem_shared>> -> memref<1x8x32xf32, #tpu.memory_space<vmem_shared>>
        %dma_start3A_1071 = tpu.memref_squeeze %dma_start3A_1070 : memref<1x8x32xf32, #tpu.memory_space<vmem_shared>> -> memref<8x32xf32, #tpu.memory_space<vmem_shared>>
        %dma_start3A_1072 = arith.constant 0 : i32
        %dma_start3A_1073 = arith.constant 0 : i32
        %dma_start3A_1074 = tpu.memref_slice %arg7[%run_scoped3A, %dma_start3A_1072, %dma_start3A_1073] : memref<416x8x32xf32, #tpu.memory_space<vmem_shared>> -> memref<1x8x32xf32, #tpu.memory_space<vmem_shared>>
        %dma_start3A_1075 = tpu.memref_squeeze %dma_start3A_1074 : memref<1x8x32xf32, #tpu.memory_space<vmem_shared>> -> memref<8x32xf32, #tpu.memory_space<vmem_shared>>
        tpu.enqueue_dma source(%arg9 : memref<8x32xf32, #tpu.memory_space<vmem>>) target(%dma_start3A_1075 : memref<8x32xf32, #tpu.memory_space<vmem_shared>>) target_semaphore(%run_scoped3A_1067 : memref<!tpu.dma_semaphore, #tpu.memory_space<semaphore_mem>>)
        %dma_wait3A_1076 = arith.constant 0 : i32
        %dma_wait3A_1077 = arith.constant 0 : i32
        %dma_wait3A_1078 = tpu.memref_slice %arg7[%run_scoped3A, %dma_wait3A_1076, %dma_wait3A_1077] : memref<416x8x32xf32, #tpu.memory_space<vmem_shared>> -> memref<1x8x32xf32, #tpu.memory_space<vmem_shared>>
        %dma_wait3A_1079 = tpu.memref_squeeze %dma_wait3A_1078 : memref<1x8x32xf32, #tpu.memory_space<vmem_shared>> -> memref<8x32xf32, #tpu.memory_space<vmem_shared>>
        %dma_wait3A_1080 = arith.constant 0 : i32
        %dma_wait3A_1081 = arith.constant 0 : i32
        %dma_wait3A_1082 = tpu.memref_slice %arg7[%run_scoped3A, %dma_wait3A_1080, %dma_wait3A_1081] : memref<416x8x32xf32, #tpu.memory_space<vmem_shared>> -> memref<1x8x32xf32, #tpu.memory_space<vmem_shared>>
        %dma_wait3A_1083 = tpu.memref_squeeze %dma_wait3A_1082 : memref<1x8x32xf32, #tpu.memory_space<vmem_shared>> -> memref<8x32xf32, #tpu.memory_space<vmem_shared>>
        tpu.wait_dma2 semaphore(%run_scoped3A_1067 : memref<!tpu.dma_semaphore, #tpu.memory_space<semaphore_mem>>) src(%arg9 : memref<8x32xf32, #tpu.memory_space<vmem>>) dst(%dma_wait3A_1083 : memref<8x32xf32, #tpu.memory_space<vmem_shared>>)
        tpu.yield
      }) : () -> ()
    } else {
    }
    %barrier3A_736 = arith.constant 0 : index
    tpu.barrier barrier_id(%barrier3A_736)
    %scan3A = arith.constant 0 : i32
    %scan3A_737 = arith.constant 0 : i32
    %scan3A_738 = arith.constant 8 : i32
    %scan3A_739 = arith.addi %scan3A_737, %scan3A_738 : i32
    %scan3A_740 = arith.constant 1 : i32
    scf.for %scan3A_1067 = %scan3A_737 to %scan3A_739 step %scan3A_740  : i32 {
      %mul3A_1068 = arith.constant 2 : i32
      %mul3A_1069 = arith.muli %scan3A_1067, %mul3A_1068 : i32
      %mul3A_1070 = arith.constant 8 : i32
      %mul3A_1071 = arith.muli %mul3A_1069, %mul3A_1070 : i32
      %get3A = arith.index_cast %mul3A_1071 : i32 to index
      %get3A_1072 = tpu.vector_load %arg10[%get3A] {strides = array<i32>} : memref<128xi32, #tpu.memory_space<vmem>>, vector<16xi32>,
      %get3A_1073 = vector.shape_cast %get3A_1072 : vector<16xi32> to vector<16xi32>
      %mul3A_1074 = arith.constant 2 : i32
      %mul3A_1075 = arith.muli %scan3A_1067, %mul3A_1074 : i32
      %mul3A_1076 = arith.constant 8 : i32
      %mul3A_1077 = arith.muli %mul3A_1075, %mul3A_1076 : i32
      %get3A_1078 = arith.index_cast %mul3A_1077 : i32 to index
      %get3A_1079 = tpu.vector_load %arg11[%get3A_1078] {strides = array<i32>} : memref<128xi32, #tpu.memory_space<vmem>>, vector<16xi32>,
      %get3A_1080 = vector.shape_cast %get3A_1079 : vector<16xi32> to vector<16xi32>
      %sub3A_1081 = arith.constant 201 : i32
      %sub3A_1082 = vector.broadcast %sub3A_1081 : i32 to vector<16xi32>
      %sub3A_1083 = arith.subi %sub3A_1082, %get3A_1073 : vector<16xi32>
      %mul3A_1084 = arith.constant 2 : i32
      %mul3A_1085 = arith.muli %scan3A_1067, %mul3A_1084 : i32
      %mul3A_1086 = arith.constant 8 : i32
      %mul3A_1087 = arith.muli %mul3A_1085, %mul3A_1086 : i32
      %add3A_1088 = arith.addi %mul3A_2, %mul3A_1087 : i32
      %add3A_1089 = arith.constant 8 : i32
      %add3A_1090 = arith.addi %add3A_1088, %add3A_1089 : i32
      %slice3A = vector.extract_strided_slice %sub3A_1083 {offsets = [0], sizes = [1], strides = [1]} : vector<16xi32> to vector<1xi32>
      %squeeze3A = vector.extract %slice3A[0] : i32 from vector<1xi32>
      %slice3A_1091 = vector.extract_strided_slice %get3A_1080 {offsets = [0], sizes = [1], strides = [1]} : vector<16xi32> to vector<1xi32>
      %squeeze3A_1092 = vector.extract %slice3A_1091[0] : i32 from vector<1xi32>
      %mul3A_1093 = arith.constant 8 : i32
      %mul3A_1094 = vector.broadcast %mul3A_1093 : i32 to vector<16xi32>
      %mul3A_1095 = arith.muli %iota3A, %mul3A_1094 : vector<16xi32>
      %add3A_1096 = vector.broadcast %squeeze3A : i32 to vector<16xi32>
      %add3A_1097 = arith.addi %add3A_1096, %mul3A_1095 : vector<16xi32>
      %jit3A = arith.constant 0 : i32
      %jit3A_1098 = arith.constant 402 : i32
      %max3A = vector.broadcast %jit3A : i32 to vector<16xi32>
      %max3A_1099 = arith.maxsi %max3A, %add3A_1097 : vector<16xi32>
      %min3A = vector.broadcast %jit3A_1098 : i32 to vector<16xi32>
      %min3A_1100 = arith.minsi %min3A, %max3A_1099 : vector<16xi32>
      %add3A_1101 = arith.constant 8 : i32
      %add3A_1102 = vector.broadcast %add3A_1101 : i32 to vector<16xi32>
      %add3A_1103 = arith.addi %mul3A_1095, %add3A_1102 : vector<16xi32>
      %le3A = vector.broadcast %squeeze3A_1092 : i32 to vector<16xi32>
      %le3A_1104 = arith.cmpi sle, %add3A_1103, %le3A : vector<16xi32>
      %jit3A_1105 = arith.constant 402 : i32
      %broadcast_in_dim3A = vector.broadcast %jit3A_1105 : i32 to vector<16xi32>
      %select_n3A = arith.select %le3A_1104, %min3A_1100, %broadcast_in_dim3A : vector<16xi1>, vector<16xi32>
      %swap3A = arith.constant 0 : index
      %swap3A_1106 = tpu.vector_load %arg12[%swap3A] {strides = array<i32>} : memref<200xi32, #tpu.memory_space<vmem>>, vector<16xi32>,
      %swap3A_1107 = vector.shape_cast %swap3A_1106 : vector<16xi32> to vector<16xi32>
      %swap3A_1108 = vector.shape_cast %select_n3A : vector<16xi32> to vector<16xi32>
      tpu.vector_store %arg12[%swap3A], %swap3A_1108 {strides = array<i32>} : memref<200xi32, #tpu.memory_space<vmem>>, vector<16xi32>,
      %add3A_1109 = arith.constant 9 : i32
      %add3A_1110 = vector.broadcast %add3A_1109 : i32 to vector<16xi32>
      %add3A_1111 = arith.addi %iota3A, %add3A_1110 : vector<16xi32>
      %mul3A_1112 = arith.constant 8 : i32
      %mul3A_1113 = vector.broadcast %mul3A_1112 : i32 to vector<16xi32>
      %mul3A_1114 = arith.muli %add3A_1111, %mul3A_1113 : vector<16xi32>
      %add3A_1115 = vector.broadcast %squeeze3A : i32 to vector<16xi32>
      %add3A_1116 = arith.addi %add3A_1115, %mul3A_1114 : vector<16xi32>
      %jit3A_1117 = arith.constant 0 : i32
      %jit3A_1118 = arith.constant 402 : i32
      %max3A_1119 = vector.broadcast %jit3A_1117 : i32 to vector<16xi32>
      %max3A_1120 = arith.maxsi %max3A_1119, %add3A_1116 : vector<16xi32>
      %min3A_1121 = vector.broadcast %jit3A_1118 : i32 to vector<16xi32>
      %min3A_1122 = arith.minsi %min3A_1121, %max3A_1120 : vector<16xi32>
      %add3A_1123 = arith.constant 8 : i32
      %add3A_1124 = vector.broadcast %add3A_1123 : i32 to vector<16xi32>
      %add3A_1125 = arith.addi %mul3A_1114, %add3A_1124 : vector<16xi32>
      %le3A_1126 = vector.broadcast %squeeze3A_1092 : i32 to vector<16xi32>
      %le3A_1127 = arith.cmpi sle, %add3A_1125, %le3A_1126 : vector<16xi32>
      %jit3A_1128 = arith.constant 402 : i32
      %broadcast_in_dim3A_1129 = vector.broadcast %jit3A_1128 : i32 to vector<16xi32>
      %select_n3A_1130 = arith.select %le3A_1127, %min3A_1122, %broadcast_in_dim3A_1129 : vector<16xi1>, vector<16xi32>
      %swap3A_1131 = arith.constant 9 : index
      %swap3A_1132 = tpu.vector_load %arg12[%swap3A_1131] {strides = array<i32>} : memref<200xi32, #tpu.memory_space<vmem>>, vector<16xi32>,
      %swap3A_1133 = vector.shape_cast %swap3A_1132 : vector<16xi32> to vector<16xi32>
      %swap3A_1134 = vector.shape_cast %select_n3A_1130 : vector<16xi32> to vector<16xi32>
      tpu.vector_store %arg12[%swap3A_1131], %swap3A_1134 {strides = array<i32>} : memref<200xi32, #tpu.memory_space<vmem>>, vector<16xi32>,
      %rem3A = arith.constant 8 : i32
      %rem3A_1135 = arith.remsi %squeeze3A_1092, %rem3A : i32
      %sub3A_1136 = arith.subi %squeeze3A_1092, %rem3A_1135 : i32
      %add3A_1137 = arith.addi %squeeze3A, %sub3A_1136 : i32
      %lt3A = vector.broadcast %rem3A_1135 : i32 to vector<16xi32>
      %lt3A_1138 = arith.cmpi slt, %iota3A, %lt3A : vector<16xi32>
      %add3A_1139 = vector.broadcast %add3A_1137 : i32 to vector<16xi32>
      %add3A_1140 = arith.addi %add3A_1139, %iota3A : vector<16xi32>
      %jit3A_1141 = arith.constant 0 : i32
      %jit3A_1142 = arith.constant 401 : i32
      %max3A_1143 = vector.broadcast %jit3A_1141 : i32 to vector<16xi32>
      %max3A_1144 = arith.maxsi %max3A_1143, %add3A_1140 : vector<16xi32>
      %min3A_1145 = vector.broadcast %jit3A_1142 : i32 to vector<16xi32>
      %min3A_1146 = arith.minsi %min3A_1145, %max3A_1144 : vector<16xi32>
      %jit3A_1147 = arith.constant 0 : i32
      %broadcast_in_dim3A_1148 = vector.broadcast %jit3A_1147 : i32 to vector<16xi32>
      %select_n3A_1149 = arith.select %lt3A_1138, %min3A_1146, %broadcast_in_dim3A_1148 : vector<16xi1>, vector<16xi32>
      %swap3A_1150 = arith.constant 0 : index
      %swap3A_1151 = tpu.vector_load %arg14[%swap3A_1150] {strides = array<i32>} : memref<128xi32, #tpu.memory_space<vmem>>, vector<16xi32>,
      %swap3A_1152 = vector.shape_cast %swap3A_1151 : vector<16xi32> to vector<16xi32>
      %swap3A_1153 = vector.shape_cast %select_n3A_1149 : vector<16xi32> to vector<16xi32>
      tpu.vector_store %arg14[%swap3A_1150], %swap3A_1153 {strides = array<i32>} : memref<128xi32, #tpu.memory_space<vmem>>, vector<16xi32>,
      %lt3A_1154 = arith.constant 200 : i32
      %lt3A_1155 = arith.cmpi slt, %squeeze3A_1092, %lt3A_1154 : i32
      %div3A = arith.constant 8 : i32
      %div3A_1156 = arith.divsi %squeeze3A_1092, %div3A : i32
      %add3A_1157 = arith.constant 0 : i32
      %add3A_1158 = arith.addi %add3A_1157, %div3A_1156 : i32
      %jit3A_1159 = arith.constant 200 : i32
      %select_n3A_1160 = arith.select %lt3A_1155, %add3A_1158, %jit3A_1159 : i32
      %slice3A_1161 = vector.extract_strided_slice %sub3A_1083 {offsets = [1], sizes = [1], strides = [1]} : vector<16xi32> to vector<1xi32>
      %squeeze3A_1162 = vector.extract %slice3A_1161[0] : i32 from vector<1xi32>
      %slice3A_1163 = vector.extract_strided_slice %get3A_1080 {offsets = [1], sizes = [1], strides = [1]} : vector<16xi32> to vector<1xi32>
      %squeeze3A_1164 = vector.extract %slice3A_1163[0] : i32 from vector<1xi32>
      %mul3A_1165 = arith.constant 8 : i32
      %mul3A_1166 = vector.broadcast %mul3A_1165 : i32 to vector<16xi32>
      %mul3A_1167 = arith.muli %iota3A, %mul3A_1166 : vector<16xi32>
      %add3A_1168 = vector.broadcast %squeeze3A_1162 : i32 to vector<16xi32>
      %add3A_1169 = arith.addi %add3A_1168, %mul3A_1167 : vector<16xi32>
      %jit3A_1170 = arith.constant 0 : i32
      %jit3A_1171 = arith.constant 402 : i32
      %max3A_1172 = vector.broadcast %jit3A_1170 : i32 to vector<16xi32>
      %max3A_1173 = arith.maxsi %max3A_1172, %add3A_1169 : vector<16xi32>
      %min3A_1174 = vector.broadcast %jit3A_1171 : i32 to vector<16xi32>
      %min3A_1175 = arith.minsi %min3A_1174, %max3A_1173 : vector<16xi32>
      %add3A_1176 = arith.constant 8 : i32
      %add3A_1177 = vector.broadcast %add3A_1176 : i32 to vector<16xi32>
      %add3A_1178 = arith.addi %mul3A_1167, %add3A_1177 : vector<16xi32>
      %le3A_1179 = vector.broadcast %squeeze3A_1164 : i32 to vector<16xi32>
      %le3A_1180 = arith.cmpi sle, %add3A_1178, %le3A_1179 : vector<16xi32>
      %jit3A_1181 = arith.constant 402 : i32
      %broadcast_in_dim3A_1182 = vector.broadcast %jit3A_1181 : i32 to vector<16xi32>
      %select_n3A_1183 = arith.select %le3A_1180, %min3A_1175, %broadcast_in_dim3A_1182 : vector<16xi1>, vector<16xi32>
      %swap3A_1184 = arith.constant 25 : index
      %swap3A_1185 = tpu.vector_load %arg12[%swap3A_1184] {strides = array<i32>} : memref<200xi32, #tpu.memory_space<vmem>>, vector<16xi32>,
      %swap3A_1186 = vector.shape_cast %swap3A_1185 : vector<16xi32> to vector<16xi32>
      %swap3A_1187 = vector.shape_cast %select_n3A_1183 : vector<16xi32> to vector<16xi32>
      tpu.vector_store %arg12[%swap3A_1184], %swap3A_1187 {strides = array<i32>} : memref<200xi32, #tpu.memory_space<vmem>>, vector<16xi32>,
      %add3A_1188 = arith.constant 9 : i32
      %add3A_1189 = vector.broadcast %add3A_1188 : i32 to vector<16xi32>
      %add3A_1190 = arith.addi %iota3A, %add3A_1189 : vector<16xi32>
      %mul3A_1191 = arith.constant 8 : i32
      %mul3A_1192 = vector.broadcast %mul3A_1191 : i32 to vector<16xi32>
      %mul3A_1193 = arith.muli %add3A_1190, %mul3A_1192 : vector<16xi32>
      %add3A_1194 = vector.broadcast %squeeze3A_1162 : i32 to vector<16xi32>
      %add3A_1195 = arith.addi %add3A_1194, %mul3A_1193 : vector<16xi32>
      %jit3A_1196 = arith.constant 0 : i32
      %jit3A_1197 = arith.constant 402 : i32
      %max3A_1198 = vector.broadcast %jit3A_1196 : i32 to vector<16xi32>
      %max3A_1199 = arith.maxsi %max3A_1198, %add3A_1195 : vector<16xi32>
      %min3A_1200 = vector.broadcast %jit3A_1197 : i32 to vector<16xi32>
      %min3A_1201 = arith.minsi %min3A_1200, %max3A_1199 : vector<16xi32>
      %add3A_1202 = arith.constant 8 : i32
      %add3A_1203 = vector.broadcast %add3A_1202 : i32 to vector<16xi32>
      %add3A_1204 = arith.addi %mul3A_1193, %add3A_1203 : vector<16xi32>
      %le3A_1205 = vector.broadcast %squeeze3A_1164 : i32 to vector<16xi32>
      %le3A_1206 = arith.cmpi sle, %add3A_1204, %le3A_1205 : vector<16xi32>
      %jit3A_1207 = arith.constant 402 : i32
      %broadcast_in_dim3A_1208 = vector.broadcast %jit3A_1207 : i32 to vector<16xi32>
      %select_n3A_1209 = arith.select %le3A_1206, %min3A_1201, %broadcast_in_dim3A_1208 : vector<16xi1>, vector<16xi32>
      %swap3A_1210 = arith.constant 34 : index
      %swap3A_1211 = tpu.vector_load %arg12[%swap3A_1210] {strides = array<i32>} : memref<200xi32, #tpu.memory_space<vmem>>, vector<16xi32>,
      %swap3A_1212 = vector.shape_cast %swap3A_1211 : vector<16xi32> to vector<16xi32>
      %swap3A_1213 = vector.shape_cast %select_n3A_1209 : vector<16xi32> to vector<16xi32>
      tpu.vector_store %arg12[%swap3A_1210], %swap3A_1213 {strides = array<i32>} : memref<200xi32, #tpu.memory_space<vmem>>, vector<16xi32>,
      %rem3A_1214 = arith.constant 8 : i32
      %rem3A_1215 = arith.remsi %squeeze3A_1164, %rem3A_1214 : i32
      %sub3A_1216 = arith.subi %squeeze3A_1164, %rem3A_1215 : i32
      %add3A_1217 = arith.addi %squeeze3A_1162, %sub3A_1216 : i32
      %lt3A_1218 = vector.broadcast %rem3A_1215 : i32 to vector<16xi32>
      %lt3A_1219 = arith.cmpi slt, %iota3A, %lt3A_1218 : vector<16xi32>
      %add3A_1220 = vector.broadcast %add3A_1217 : i32 to vector<16xi32>
      %add3A_1221 = arith.addi %add3A_1220, %iota3A : vector<16xi32>
      %jit3A_1222 = arith.constant 0 : i32
      %jit3A_1223 = arith.constant 401 : i32
      %max3A_1224 = vector.broadcast %jit3A_1222 : i32 to vector<16xi32>
      %max3A_1225 = arith.maxsi %max3A_1224, %add3A_1221 : vector<16xi32>
      %min3A_1226 = vector.broadcast %jit3A_1223 : i32 to vector<16xi32>
      %min3A_1227 = arith.minsi %min3A_1226, %max3A_1225 : vector<16xi32>
      %jit3A_1228 = arith.constant 0 : i32
      %broadcast_in_dim3A_1229 = vector.broadcast %jit3A_1228 : i32 to vector<16xi32>
      %select_n3A_1230 = arith.select %lt3A_1219, %min3A_1227, %broadcast_in_dim3A_1229 : vector<16xi1>, vector<16xi32>
      %swap3A_1231 = arith.constant 16 : index
      %swap3A_1232 = tpu.vector_load %arg14[%swap3A_1231] {strides = array<i32>} : memref<128xi32, #tpu.memory_space<vmem>>, vector<16xi32>,
      %swap3A_1233 = vector.shape_cast %swap3A_1232 : vector<16xi32> to vector<16xi32>
      %swap3A_1234 = vector.shape_cast %select_n3A_1230 : vector<16xi32> to vector<16xi32>
      tpu.vector_store %arg14[%swap3A_1231], %swap3A_1234 {strides = array<i32>} : memref<128xi32, #tpu.memory_space<vmem>>, vector<16xi32>,
      %lt3A_1235 = arith.constant 200 : i32
      %lt3A_1236 = arith.cmpi slt, %squeeze3A_1164, %lt3A_1235 : i32
      %div3A_1237 = arith.constant 8 : i32
      %div3A_1238 = arith.divsi %squeeze3A_1164, %div3A_1237 : i32
      %add3A_1239 = arith.constant 25 : i32
      %add3A_1240 = arith.addi %add3A_1239, %div3A_1238 : i32
      %jit3A_1241 = arith.constant 200 : i32
      %select_n3A_1242 = arith.select %lt3A_1236, %add3A_1240, %jit3A_1241 : i32
      %slice3A_1243 = vector.extract_strided_slice %sub3A_1083 {offsets = [2], sizes = [1], strides = [1]} : vector<16xi32> to vector<1xi32>
      %squeeze3A_1244 = vector.extract %slice3A_1243[0] : i32 from vector<1xi32>
      %slice3A_1245 = vector.extract_strided_slice %get3A_1080 {offsets = [2], sizes = [1], strides = [1]} : vector<16xi32> to vector<1xi32>
      %squeeze3A_1246 = vector.extract %slice3A_1245[0] : i32 from vector<1xi32>
      %mul3A_1247 = arith.constant 8 : i32
      %mul3A_1248 = vector.broadcast %mul3A_1247 : i32 to vector<16xi32>
      %mul3A_1249 = arith.muli %iota3A, %mul3A_1248 : vector<16xi32>
      %add3A_1250 = vector.broadcast %squeeze3A_1244 : i32 to vector<16xi32>
      %add3A_1251 = arith.addi %add3A_1250, %mul3A_1249 : vector<16xi32>
      %jit3A_1252 = arith.constant 0 : i32
      %jit3A_1253 = arith.constant 402 : i32
      %max3A_1254 = vector.broadcast %jit3A_1252 : i32 to vector<16xi32>
      %max3A_1255 = arith.maxsi %max3A_1254, %add3A_1251 : vector<16xi32>
      %min3A_1256 = vector.broadcast %jit3A_1253 : i32 to vector<16xi32>
      %min3A_1257 = arith.minsi %min3A_1256, %max3A_1255 : vector<16xi32>
      %add3A_1258 = arith.constant 8 : i32
      %add3A_1259 = vector.broadcast %add3A_1258 : i32 to vector<16xi32>
      %add3A_1260 = arith.addi %mul3A_1249, %add3A_1259 : vector<16xi32>
      %le3A_1261 = vector.broadcast %squeeze3A_1246 : i32 to vector<16xi32>
      %le3A_1262 = arith.cmpi sle, %add3A_1260, %le3A_1261 : vector<16xi32>
      %jit3A_1263 = arith.constant 402 : i32
      %broadcast_in_dim3A_1264 = vector.broadcast %jit3A_1263 : i32 to vector<16xi32>
      %select_n3A_1265 = arith.select %le3A_1262, %min3A_1257, %broadcast_in_dim3A_1264 : vector<16xi1>, vector<16xi32>
      %swap3A_1266 = arith.constant 50 : index
      %swap3A_1267 = tpu.vector_load %arg12[%swap3A_1266] {strides = array<i32>} : memref<200xi32, #tpu.memory_space<vmem>>, vector<16xi32>,
      %swap3A_1268 = vector.shape_cast %swap3A_1267 : vector<16xi32> to vector<16xi32>
      %swap3A_1269 = vector.shape_cast %select_n3A_1265 : vector<16xi32> to vector<16xi32>
      tpu.vector_store %arg12[%swap3A_1266], %swap3A_1269 {strides = array<i32>} : memref<200xi32, #tpu.memory_space<vmem>>, vector<16xi32>,
      %add3A_1270 = arith.constant 9 : i32
      %add3A_1271 = vector.broadcast %add3A_1270 : i32 to vector<16xi32>
      %add3A_1272 = arith.addi %iota3A, %add3A_1271 : vector<16xi32>
      %mul3A_1273 = arith.constant 8 : i32
      %mul3A_1274 = vector.broadcast %mul3A_1273 : i32 to vector<16xi32>
      %mul3A_1275 = arith.muli %add3A_1272, %mul3A_1274 : vector<16xi32>
      %add3A_1276 = vector.broadcast %squeeze3A_1244 : i32 to vector<16xi32>
      %add3A_1277 = arith.addi %add3A_1276, %mul3A_1275 : vector<16xi32>
      %jit3A_1278 = arith.constant 0 : i32
      %jit3A_1279 = arith.constant 402 : i32
      %max3A_1280 = vector.broadcast %jit3A_1278 : i32 to vector<16xi32>
      %max3A_1281 = arith.maxsi %max3A_1280, %add3A_1277 : vector<16xi32>
      %min3A_1282 = vector.broadcast %jit3A_1279 : i32 to vector<16xi32>
      %min3A_1283 = arith.minsi %min3A_1282, %max3A_1281 : vector<16xi32>
      %add3A_1284 = arith.constant 8 : i32
      %add3A_1285 = vector.broadcast %add3A_1284 : i32 to vector<16xi32>
      %add3A_1286 = arith.addi %mul3A_1275, %add3A_1285 : vector<16xi32>
      %le3A_1287 = vector.broadcast %squeeze3A_1246 : i32 to vector<16xi32>
      %le3A_1288 = arith.cmpi sle, %add3A_1286, %le3A_1287 : vector<16xi32>
      %jit3A_1289 = arith.constant 402 : i32
      %broadcast_in_dim3A_1290 = vector.broadcast %jit3A_1289 : i32 to vector<16xi32>
      %select_n3A_1291 = arith.select %le3A_1288, %min3A_1283, %broadcast_in_dim3A_1290 : vector<16xi1>, vector<16xi32>
      %swap3A_1292 = arith.constant 59 : index
      %swap3A_1293 = tpu.vector_load %arg12[%swap3A_1292] {strides = array<i32>} : memref<200xi32, #tpu.memory_space<vmem>>, vector<16xi32>,
      %swap3A_1294 = vector.shape_cast %swap3A_1293 : vector<16xi32> to vector<16xi32>
      %swap3A_1295 = vector.shape_cast %select_n3A_1291 : vector<16xi32> to vector<16xi32>
      tpu.vector_store %arg12[%swap3A_1292], %swap3A_1295 {strides = array<i32>} : memref<200xi32, #tpu.memory_space<vmem>>, vector<16xi32>,
      %rem3A_1296 = arith.constant 8 : i32
      %rem3A_1297 = arith.remsi %squeeze3A_1246, %rem3A_1296 : i32
      %sub3A_1298 = arith.subi %squeeze3A_1246, %rem3A_1297 : i32
      %add3A_1299 = arith.addi %squeeze3A_1244, %sub3A_1298 : i32
      %lt3A_1300 = vector.broadcast %rem3A_1297 : i32 to vector<16xi32>
      %lt3A_1301 = arith.cmpi slt, %iota3A, %lt3A_1300 : vector<16xi32>
      %add3A_1302 = vector.broadcast %add3A_1299 : i32 to vector<16xi32>
      %add3A_1303 = arith.addi %add3A_1302, %iota3A : vector<16xi32>
      %jit3A_1304 = arith.constant 0 : i32
      %jit3A_1305 = arith.constant 401 : i32
      %max3A_1306 = vector.broadcast %jit3A_1304 : i32 to vector<16xi32>
      %max3A_1307 = arith.maxsi %max3A_1306, %add3A_1303 : vector<16xi32>
      %min3A_1308 = vector.broadcast %jit3A_1305 : i32 to vector<16xi32>
      %min3A_1309 = arith.minsi %min3A_1308, %max3A_1307 : vector<16xi32>
      %jit3A_1310 = arith.constant 0 : i32
      %broadcast_in_dim3A_1311 = vector.broadcast %jit3A_1310 : i32 to vector<16xi32>
      %select_n3A_1312 = arith.select %lt3A_1301, %min3A_1309, %broadcast_in_dim3A_1311 : vector<16xi1>, vector<16xi32>
      %swap3A_1313 = arith.constant 32 : index
      %swap3A_1314 = tpu.vector_load %arg14[%swap3A_1313] {strides = array<i32>} : memref<128xi32, #tpu.memory_space<vmem>>, vector<16xi32>,
      %swap3A_1315 = vector.shape_cast %swap3A_1314 : vector<16xi32> to vector<16xi32>
      %swap3A_1316 = vector.shape_cast %select_n3A_1312 : vector<16xi32> to vector<16xi32>
      tpu.vector_store %arg14[%swap3A_1313], %swap3A_1316 {strides = array<i32>} : memref<128xi32, #tpu.memory_space<vmem>>, vector<16xi32>,
      %lt3A_1317 = arith.constant 200 : i32
      %lt3A_1318 = arith.cmpi slt, %squeeze3A_1246, %lt3A_1317 : i32
      %div3A_1319 = arith.constant 8 : i32
      %div3A_1320 = arith.divsi %squeeze3A_1246, %div3A_1319 : i32
      %add3A_1321 = arith.constant 50 : i32
      %add3A_1322 = arith.addi %add3A_1321, %div3A_1320 : i32
      %jit3A_1323 = arith.constant 200 : i32
      %select_n3A_1324 = arith.select %lt3A_1318, %add3A_1322, %jit3A_1323 : i32
      %slice3A_1325 = vector.extract_strided_slice %sub3A_1083 {offsets = [3], sizes = [1], strides = [1]} : vector<16xi32> to vector<1xi32>
      %squeeze3A_1326 = vector.extract %slice3A_1325[0] : i32 from vector<1xi32>
      %slice3A_1327 = vector.extract_strided_slice %get3A_1080 {offsets = [3], sizes = [1], strides = [1]} : vector<16xi32> to vector<1xi32>
      %squeeze3A_1328 = vector.extract %slice3A_1327[0] : i32 from vector<1xi32>
      %mul3A_1329 = arith.constant 8 : i32
      %mul3A_1330 = vector.broadcast %mul3A_1329 : i32 to vector<16xi32>
      %mul3A_1331 = arith.muli %iota3A, %mul3A_1330 : vector<16xi32>
      %add3A_1332 = vector.broadcast %squeeze3A_1326 : i32 to vector<16xi32>
      %add3A_1333 = arith.addi %add3A_1332, %mul3A_1331 : vector<16xi32>
      %jit3A_1334 = arith.constant 0 : i32
      %jit3A_1335 = arith.constant 402 : i32
      %max3A_1336 = vector.broadcast %jit3A_1334 : i32 to vector<16xi32>
      %max3A_1337 = arith.maxsi %max3A_1336, %add3A_1333 : vector<16xi32>
      %min3A_1338 = vector.broadcast %jit3A_1335 : i32 to vector<16xi32>
      %min3A_1339 = arith.minsi %min3A_1338, %max3A_1337 : vector<16xi32>
      %add3A_1340 = arith.constant 8 : i32
      %add3A_1341 = vector.broadcast %add3A_1340 : i32 to vector<16xi32>
      %add3A_1342 = arith.addi %mul3A_1331, %add3A_1341 : vector<16xi32>
      %le3A_1343 = vector.broadcast %squeeze3A_1328 : i32 to vector<16xi32>
      %le3A_1344 = arith.cmpi sle, %add3A_1342, %le3A_1343 : vector<16xi32>
      %jit3A_1345 = arith.constant 402 : i32
      %broadcast_in_dim3A_1346 = vector.broadcast %jit3A_1345 : i32 to vector<16xi32>
      %select_n3A_1347 = arith.select %le3A_1344, %min3A_1339, %broadcast_in_dim3A_1346 : vector<16xi1>, vector<16xi32>
      %swap3A_1348 = arith.constant 75 : index
      %swap3A_1349 = tpu.vector_load %arg12[%swap3A_1348] {strides = array<i32>} : memref<200xi32, #tpu.memory_space<vmem>>, vector<16xi32>,
      %swap3A_1350 = vector.shape_cast %swap3A_1349 : vector<16xi32> to vector<16xi32>
      %swap3A_1351 = vector.shape_cast %select_n3A_1347 : vector<16xi32> to vector<16xi32>
      tpu.vector_store %arg12[%swap3A_1348], %swap3A_1351 {strides = array<i32>} : memref<200xi32, #tpu.memory_space<vmem>>, vector<16xi32>,
      %add3A_1352 = arith.constant 9 : i32
      %add3A_1353 = vector.broadcast %add3A_1352 : i32 to vector<16xi32>
      %add3A_1354 = arith.addi %iota3A, %add3A_1353 : vector<16xi32>
      %mul3A_1355 = arith.constant 8 : i32
      %mul3A_1356 = vector.broadcast %mul3A_1355 : i32 to vector<16xi32>
      %mul3A_1357 = arith.muli %add3A_1354, %mul3A_1356 : vector<16xi32>
      %add3A_1358 = vector.broadcast %squeeze3A_1326 : i32 to vector<16xi32>
      %add3A_1359 = arith.addi %add3A_1358, %mul3A_1357 : vector<16xi32>
      %jit3A_1360 = arith.constant 0 : i32
      %jit3A_1361 = arith.constant 402 : i32
      %max3A_1362 = vector.broadcast %jit3A_1360 : i32 to vector<16xi32>
      %max3A_1363 = arith.maxsi %max3A_1362, %add3A_1359 : vector<16xi32>
      %min3A_1364 = vector.broadcast %jit3A_1361 : i32 to vector<16xi32>
      %min3A_1365 = arith.minsi %min3A_1364, %max3A_1363 : vector<16xi32>
      %add3A_1366 = arith.constant 8 : i32
      %add3A_1367 = vector.broadcast %add3A_1366 : i32 to vector<16xi32>
      %add3A_1368 = arith.addi %mul3A_1357, %add3A_1367 : vector<16xi32>
      %le3A_1369 = vector.broadcast %squeeze3A_1328 : i32 to vector<16xi32>
      %le3A_1370 = arith.cmpi sle, %add3A_1368, %le3A_1369 : vector<16xi32>
      %jit3A_1371 = arith.constant 402 : i32
      %broadcast_in_dim3A_1372 = vector.broadcast %jit3A_1371 : i32 to vector<16xi32>
      %select_n3A_1373 = arith.select %le3A_1370, %min3A_1365, %broadcast_in_dim3A_1372 : vector<16xi1>, vector<16xi32>
      %swap3A_1374 = arith.constant 84 : index
      %swap3A_1375 = tpu.vector_load %arg12[%swap3A_1374] {strides = array<i32>} : memref<200xi32, #tpu.memory_space<vmem>>, vector<16xi32>,
      %swap3A_1376 = vector.shape_cast %swap3A_1375 : vector<16xi32> to vector<16xi32>
      %swap3A_1377 = vector.shape_cast %select_n3A_1373 : vector<16xi32> to vector<16xi32>
      tpu.vector_store %arg12[%swap3A_1374], %swap3A_1377 {strides = array<i32>} : memref<200xi32, #tpu.memory_space<vmem>>, vector<16xi32>,
      %rem3A_1378 = arith.constant 8 : i32
      %rem3A_1379 = arith.remsi %squeeze3A_1328, %rem3A_1378 : i32
      %sub3A_1380 = arith.subi %squeeze3A_1328, %rem3A_1379 : i32
      %add3A_1381 = arith.addi %squeeze3A_1326, %sub3A_1380 : i32
      %lt3A_1382 = vector.broadcast %rem3A_1379 : i32 to vector<16xi32>
      %lt3A_1383 = arith.cmpi slt, %iota3A, %lt3A_1382 : vector<16xi32>
      %add3A_1384 = vector.broadcast %add3A_1381 : i32 to vector<16xi32>
      %add3A_1385 = arith.addi %add3A_1384, %iota3A : vector<16xi32>
      %jit3A_1386 = arith.constant 0 : i32
      %jit3A_1387 = arith.constant 401 : i32
      %max3A_1388 = vector.broadcast %jit3A_1386 : i32 to vector<16xi32>
      %max3A_1389 = arith.maxsi %max3A_1388, %add3A_1385 : vector<16xi32>
      %min3A_1390 = vector.broadcast %jit3A_1387 : i32 to vector<16xi32>
      %min3A_1391 = arith.minsi %min3A_1390, %max3A_1389 : vector<16xi32>
      %jit3A_1392 = arith.constant 0 : i32
      %broadcast_in_dim3A_1393 = vector.broadcast %jit3A_1392 : i32 to vector<16xi32>
      %select_n3A_1394 = arith.select %lt3A_1383, %min3A_1391, %broadcast_in_dim3A_1393 : vector<16xi1>, vector<16xi32>
      %swap3A_1395 = arith.constant 48 : index
      %swap3A_1396 = tpu.vector_load %arg14[%swap3A_1395] {strides = array<i32>} : memref<128xi32, #tpu.memory_space<vmem>>, vector<16xi32>,
      %swap3A_1397 = vector.shape_cast %swap3A_1396 : vector<16xi32> to vector<16xi32>
      %swap3A_1398 = vector.shape_cast %select_n3A_1394 : vector<16xi32> to vector<16xi32>
      tpu.vector_store %arg14[%swap3A_1395], %swap3A_1398 {strides = array<i32>} : memref<128xi32, #tpu.memory_space<vmem>>, vector<16xi32>,
      %lt3A_1399 = arith.constant 200 : i32
      %lt3A_1400 = arith.cmpi slt, %squeeze3A_1328, %lt3A_1399 : i32
      %div3A_1401 = arith.constant 8 : i32
      %div3A_1402 = arith.divsi %squeeze3A_1328, %div3A_1401 : i32
      %add3A_1403 = arith.constant 75 : i32
      %add3A_1404 = arith.addi %add3A_1403, %div3A_1402 : i32
      %jit3A_1405 = arith.constant 200 : i32
      %select_n3A_1406 = arith.select %lt3A_1400, %add3A_1404, %jit3A_1405 : i32
      %slice3A_1407 = vector.extract_strided_slice %sub3A_1083 {offsets = [4], sizes = [1], strides = [1]} : vector<16xi32> to vector<1xi32>
      %squeeze3A_1408 = vector.extract %slice3A_1407[0] : i32 from vector<1xi32>
      %slice3A_1409 = vector.extract_strided_slice %get3A_1080 {offsets = [4], sizes = [1], strides = [1]} : vector<16xi32> to vector<1xi32>
      %squeeze3A_1410 = vector.extract %slice3A_1409[0] : i32 from vector<1xi32>
      %mul3A_1411 = arith.constant 8 : i32
      %mul3A_1412 = vector.broadcast %mul3A_1411 : i32 to vector<16xi32>
      %mul3A_1413 = arith.muli %iota3A, %mul3A_1412 : vector<16xi32>
      %add3A_1414 = vector.broadcast %squeeze3A_1408 : i32 to vector<16xi32>
      %add3A_1415 = arith.addi %add3A_1414, %mul3A_1413 : vector<16xi32>
      %jit3A_1416 = arith.constant 0 : i32
      %jit3A_1417 = arith.constant 402 : i32
      %max3A_1418 = vector.broadcast %jit3A_1416 : i32 to vector<16xi32>
      %max3A_1419 = arith.maxsi %max3A_1418, %add3A_1415 : vector<16xi32>
      %min3A_1420 = vector.broadcast %jit3A_1417 : i32 to vector<16xi32>
      %min3A_1421 = arith.minsi %min3A_1420, %max3A_1419 : vector<16xi32>
      %add3A_1422 = arith.constant 8 : i32
      %add3A_1423 = vector.broadcast %add3A_1422 : i32 to vector<16xi32>
      %add3A_1424 = arith.addi %mul3A_1413, %add3A_1423 : vector<16xi32>
      %le3A_1425 = vector.broadcast %squeeze3A_1410 : i32 to vector<16xi32>
      %le3A_1426 = arith.cmpi sle, %add3A_1424, %le3A_1425 : vector<16xi32>
      %jit3A_1427 = arith.constant 402 : i32
      %broadcast_in_dim3A_1428 = vector.broadcast %jit3A_1427 : i32 to vector<16xi32>
      %select_n3A_1429 = arith.select %le3A_1426, %min3A_1421, %broadcast_in_dim3A_1428 : vector<16xi1>, vector<16xi32>
      %swap3A_1430 = arith.constant 100 : index
      %swap3A_1431 = tpu.vector_load %arg12[%swap3A_1430] {strides = array<i32>} : memref<200xi32, #tpu.memory_space<vmem>>, vector<16xi32>,
      %swap3A_1432 = vector.shape_cast %swap3A_1431 : vector<16xi32> to vector<16xi32>
      %swap3A_1433 = vector.shape_cast %select_n3A_1429 : vector<16xi32> to vector<16xi32>
      tpu.vector_store %arg12[%swap3A_1430], %swap3A_1433 {strides = array<i32>} : memref<200xi32, #tpu.memory_space<vmem>>, vector<16xi32>,
      %add3A_1434 = arith.constant 9 : i32
      %add3A_1435 = vector.broadcast %add3A_1434 : i32 to vector<16xi32>
      %add3A_1436 = arith.addi %iota3A, %add3A_1435 : vector<16xi32>
      %mul3A_1437 = arith.constant 8 : i32
      %mul3A_1438 = vector.broadcast %mul3A_1437 : i32 to vector<16xi32>
      %mul3A_1439 = arith.muli %add3A_1436, %mul3A_1438 : vector<16xi32>
      %add3A_1440 = vector.broadcast %squeeze3A_1408 : i32 to vector<16xi32>
      %add3A_1441 = arith.addi %add3A_1440, %mul3A_1439 : vector<16xi32>
      %jit3A_1442 = arith.constant 0 : i32
      %jit3A_1443 = arith.constant 402 : i32
      %max3A_1444 = vector.broadcast %jit3A_1442 : i32 to vector<16xi32>
      %max3A_1445 = arith.maxsi %max3A_1444, %add3A_1441 : vector<16xi32>
      %min3A_1446 = vector.broadcast %jit3A_1443 : i32 to vector<16xi32>
      %min3A_1447 = arith.minsi %min3A_1446, %max3A_1445 : vector<16xi32>
      %add3A_1448 = arith.constant 8 : i32
      %add3A_1449 = vector.broadcast %add3A_1448 : i32 to vector<16xi32>
      %add3A_1450 = arith.addi %mul3A_1439, %add3A_1449 : vector<16xi32>
      %le3A_1451 = vector.broadcast %squeeze3A_1410 : i32 to vector<16xi32>
      %le3A_1452 = arith.cmpi sle, %add3A_1450, %le3A_1451 : vector<16xi32>
      %jit3A_1453 = arith.constant 402 : i32
      %broadcast_in_dim3A_1454 = vector.broadcast %jit3A_1453 : i32 to vector<16xi32>
      %select_n3A_1455 = arith.select %le3A_1452, %min3A_1447, %broadcast_in_dim3A_1454 : vector<16xi1>, vector<16xi32>
      %swap3A_1456 = arith.constant 109 : index
      %swap3A_1457 = tpu.vector_load %arg12[%swap3A_1456] {strides = array<i32>} : memref<200xi32, #tpu.memory_space<vmem>>, vector<16xi32>,
      %swap3A_1458 = vector.shape_cast %swap3A_1457 : vector<16xi32> to vector<16xi32>
      %swap3A_1459 = vector.shape_cast %select_n3A_1455 : vector<16xi32> to vector<16xi32>
      tpu.vector_store %arg12[%swap3A_1456], %swap3A_1459 {strides = array<i32>} : memref<200xi32, #tpu.memory_space<vmem>>, vector<16xi32>,
      %rem3A_1460 = arith.constant 8 : i32
      %rem3A_1461 = arith.remsi %squeeze3A_1410, %rem3A_1460 : i32
      %sub3A_1462 = arith.subi %squeeze3A_1410, %rem3A_1461 : i32
      %add3A_1463 = arith.addi %squeeze3A_1408, %sub3A_1462 : i32
      %lt3A_1464 = vector.broadcast %rem3A_1461 : i32 to vector<16xi32>
      %lt3A_1465 = arith.cmpi slt, %iota3A, %lt3A_1464 : vector<16xi32>
      %add3A_1466 = vector.broadcast %add3A_1463 : i32 to vector<16xi32>
      %add3A_1467 = arith.addi %add3A_1466, %iota3A : vector<16xi32>
      %jit3A_1468 = arith.constant 0 : i32
      %jit3A_1469 = arith.constant 401 : i32
      %max3A_1470 = vector.broadcast %jit3A_1468 : i32 to vector<16xi32>
      %max3A_1471 = arith.maxsi %max3A_1470, %add3A_1467 : vector<16xi32>
      %min3A_1472 = vector.broadcast %jit3A_1469 : i32 to vector<16xi32>
      %min3A_1473 = arith.minsi %min3A_1472, %max3A_1471 : vector<16xi32>
      %jit3A_1474 = arith.constant 0 : i32
      %broadcast_in_dim3A_1475 = vector.broadcast %jit3A_1474 : i32 to vector<16xi32>
      %select_n3A_1476 = arith.select %lt3A_1465, %min3A_1473, %broadcast_in_dim3A_1475 : vector<16xi1>, vector<16xi32>
      %swap3A_1477 = arith.constant 64 : index
      %swap3A_1478 = tpu.vector_load %arg14[%swap3A_1477] {strides = array<i32>} : memref<128xi32, #tpu.memory_space<vmem>>, vector<16xi32>,
      %swap3A_1479 = vector.shape_cast %swap3A_1478 : vector<16xi32> to vector<16xi32>
      %swap3A_1480 = vector.shape_cast %select_n3A_1476 : vector<16xi32> to vector<16xi32>
      tpu.vector_store %arg14[%swap3A_1477], %swap3A_1480 {strides = array<i32>} : memref<128xi32, #tpu.memory_space<vmem>>, vector<16xi32>,
      %lt3A_1481 = arith.constant 200 : i32
      %lt3A_1482 = arith.cmpi slt, %squeeze3A_1410, %lt3A_1481 : i32
      %div3A_1483 = arith.constant 8 : i32
      %div3A_1484 = arith.divsi %squeeze3A_1410, %div3A_1483 : i32
      %add3A_1485 = arith.constant 100 : i32
      %add3A_1486 = arith.addi %add3A_1485, %div3A_1484 : i32
      %jit3A_1487 = arith.constant 200 : i32
      %select_n3A_1488 = arith.select %lt3A_1482, %add3A_1486, %jit3A_1487 : i32
      %slice3A_1489 = vector.extract_strided_slice %sub3A_1083 {offsets = [5], sizes = [1], strides = [1]} : vector<16xi32> to vector<1xi32>
      %squeeze3A_1490 = vector.extract %slice3A_1489[0] : i32 from vector<1xi32>
      %slice3A_1491 = vector.extract_strided_slice %get3A_1080 {offsets = [5], sizes = [1], strides = [1]} : vector<16xi32> to vector<1xi32>
      %squeeze3A_1492 = vector.extract %slice3A_1491[0] : i32 from vector<1xi32>
      %mul3A_1493 = arith.constant 8 : i32
      %mul3A_1494 = vector.broadcast %mul3A_1493 : i32 to vector<16xi32>
      %mul3A_1495 = arith.muli %iota3A, %mul3A_1494 : vector<16xi32>
      %add3A_1496 = vector.broadcast %squeeze3A_1490 : i32 to vector<16xi32>
      %add3A_1497 = arith.addi %add3A_1496, %mul3A_1495 : vector<16xi32>
      %jit3A_1498 = arith.constant 0 : i32
      %jit3A_1499 = arith.constant 402 : i32
      %max3A_1500 = vector.broadcast %jit3A_1498 : i32 to vector<16xi32>
      %max3A_1501 = arith.maxsi %max3A_1500, %add3A_1497 : vector<16xi32>
      %min3A_1502 = vector.broadcast %jit3A_1499 : i32 to vector<16xi32>
      %min3A_1503 = arith.minsi %min3A_1502, %max3A_1501 : vector<16xi32>
      %add3A_1504 = arith.constant 8 : i32
      %add3A_1505 = vector.broadcast %add3A_1504 : i32 to vector<16xi32>
      %add3A_1506 = arith.addi %mul3A_1495, %add3A_1505 : vector<16xi32>
      %le3A_1507 = vector.broadcast %squeeze3A_1492 : i32 to vector<16xi32>
      %le3A_1508 = arith.cmpi sle, %add3A_1506, %le3A_1507 : vector<16xi32>
      %jit3A_1509 = arith.constant 402 : i32
      %broadcast_in_dim3A_1510 = vector.broadcast %jit3A_1509 : i32 to vector<16xi32>
      %select_n3A_1511 = arith.select %le3A_1508, %min3A_1503, %broadcast_in_dim3A_1510 : vector<16xi1>, vector<16xi32>
      %swap3A_1512 = arith.constant 125 : index
      %swap3A_1513 = tpu.vector_load %arg12[%swap3A_1512] {strides = array<i32>} : memref<200xi32, #tpu.memory_space<vmem>>, vector<16xi32>,
      %swap3A_1514 = vector.shape_cast %swap3A_1513 : vector<16xi32> to vector<16xi32>
      %swap3A_1515 = vector.shape_cast %select_n3A_1511 : vector<16xi32> to vector<16xi32>
      tpu.vector_store %arg12[%swap3A_1512], %swap3A_1515 {strides = array<i32>} : memref<200xi32, #tpu.memory_space<vmem>>, vector<16xi32>,
      %add3A_1516 = arith.constant 9 : i32
      %add3A_1517 = vector.broadcast %add3A_1516 : i32 to vector<16xi32>
      %add3A_1518 = arith.addi %iota3A, %add3A_1517 : vector<16xi32>
      %mul3A_1519 = arith.constant 8 : i32
      %mul3A_1520 = vector.broadcast %mul3A_1519 : i32 to vector<16xi32>
      %mul3A_1521 = arith.muli %add3A_1518, %mul3A_1520 : vector<16xi32>
      %add3A_1522 = vector.broadcast %squeeze3A_1490 : i32 to vector<16xi32>
      %add3A_1523 = arith.addi %add3A_1522, %mul3A_1521 : vector<16xi32>
      %jit3A_1524 = arith.constant 0 : i32
      %jit3A_1525 = arith.constant 402 : i32
      %max3A_1526 = vector.broadcast %jit3A_1524 : i32 to vector<16xi32>
      %max3A_1527 = arith.maxsi %max3A_1526, %add3A_1523 : vector<16xi32>
      %min3A_1528 = vector.broadcast %jit3A_1525 : i32 to vector<16xi32>
      %min3A_1529 = arith.minsi %min3A_1528, %max3A_1527 : vector<16xi32>
      %add3A_1530 = arith.constant 8 : i32
      %add3A_1531 = vector.broadcast %add3A_1530 : i32 to vector<16xi32>
      %add3A_1532 = arith.addi %mul3A_1521, %add3A_1531 : vector<16xi32>
      %le3A_1533 = vector.broadcast %squeeze3A_1492 : i32 to vector<16xi32>
      %le3A_1534 = arith.cmpi sle, %add3A_1532, %le3A_1533 : vector<16xi32>
      %jit3A_1535 = arith.constant 402 : i32
      %broadcast_in_dim3A_1536 = vector.broadcast %jit3A_1535 : i32 to vector<16xi32>
      %select_n3A_1537 = arith.select %le3A_1534, %min3A_1529, %broadcast_in_dim3A_1536 : vector<16xi1>, vector<16xi32>
      %swap3A_1538 = arith.constant 134 : index
      %swap3A_1539 = tpu.vector_load %arg12[%swap3A_1538] {strides = array<i32>} : memref<200xi32, #tpu.memory_space<vmem>>, vector<16xi32>,
      %swap3A_1540 = vector.shape_cast %swap3A_1539 : vector<16xi32> to vector<16xi32>
      %swap3A_1541 = vector.shape_cast %select_n3A_1537 : vector<16xi32> to vector<16xi32>
      tpu.vector_store %arg12[%swap3A_1538], %swap3A_1541 {strides = array<i32>} : memref<200xi32, #tpu.memory_space<vmem>>, vector<16xi32>,
      %rem3A_1542 = arith.constant 8 : i32
      %rem3A_1543 = arith.remsi %squeeze3A_1492, %rem3A_1542 : i32
      %sub3A_1544 = arith.subi %squeeze3A_1492, %rem3A_1543 : i32
      %add3A_1545 = arith.addi %squeeze3A_1490, %sub3A_1544 : i32
      %lt3A_1546 = vector.broadcast %rem3A_1543 : i32 to vector<16xi32>
      %lt3A_1547 = arith.cmpi slt, %iota3A, %lt3A_1546 : vector<16xi32>
      %add3A_1548 = vector.broadcast %add3A_1545 : i32 to vector<16xi32>
      %add3A_1549 = arith.addi %add3A_1548, %iota3A : vector<16xi32>
      %jit3A_1550 = arith.constant 0 : i32
      %jit3A_1551 = arith.constant 401 : i32
      %max3A_1552 = vector.broadcast %jit3A_1550 : i32 to vector<16xi32>
      %max3A_1553 = arith.maxsi %max3A_1552, %add3A_1549 : vector<16xi32>
      %min3A_1554 = vector.broadcast %jit3A_1551 : i32 to vector<16xi32>
      %min3A_1555 = arith.minsi %min3A_1554, %max3A_1553 : vector<16xi32>
      %jit3A_1556 = arith.constant 0 : i32
      %broadcast_in_dim3A_1557 = vector.broadcast %jit3A_1556 : i32 to vector<16xi32>
      %select_n3A_1558 = arith.select %lt3A_1547, %min3A_1555, %broadcast_in_dim3A_1557 : vector<16xi1>, vector<16xi32>
      %swap3A_1559 = arith.constant 80 : index
      %swap3A_1560 = tpu.vector_load %arg14[%swap3A_1559] {strides = array<i32>} : memref<128xi32, #tpu.memory_space<vmem>>, vector<16xi32>,
      %swap3A_1561 = vector.shape_cast %swap3A_1560 : vector<16xi32> to vector<16xi32>
      %swap3A_1562 = vector.shape_cast %select_n3A_1558 : vector<16xi32> to vector<16xi32>
      tpu.vector_store %arg14[%swap3A_1559], %swap3A_1562 {strides = array<i32>} : memref<128xi32, #tpu.memory_space<vmem>>, vector<16xi32>,
      %lt3A_1563 = arith.constant 200 : i32
      %lt3A_1564 = arith.cmpi slt, %squeeze3A_1492, %lt3A_1563 : i32
      %div3A_1565 = arith.constant 8 : i32
      %div3A_1566 = arith.divsi %squeeze3A_1492, %div3A_1565 : i32
      %add3A_1567 = arith.constant 125 : i32
      %add3A_1568 = arith.addi %add3A_1567, %div3A_1566 : i32
      %jit3A_1569 = arith.constant 200 : i32
      %select_n3A_1570 = arith.select %lt3A_1564, %add3A_1568, %jit3A_1569 : i32
      %slice3A_1571 = vector.extract_strided_slice %sub3A_1083 {offsets = [6], sizes = [1], strides = [1]} : vector<16xi32> to vector<1xi32>
      %squeeze3A_1572 = vector.extract %slice3A_1571[0] : i32 from vector<1xi32>
      %slice3A_1573 = vector.extract_strided_slice %get3A_1080 {offsets = [6], sizes = [1], strides = [1]} : vector<16xi32> to vector<1xi32>
      %squeeze3A_1574 = vector.extract %slice3A_1573[0] : i32 from vector<1xi32>
      %mul3A_1575 = arith.constant 8 : i32
      %mul3A_1576 = vector.broadcast %mul3A_1575 : i32 to vector<16xi32>
      %mul3A_1577 = arith.muli %iota3A, %mul3A_1576 : vector<16xi32>
      %add3A_1578 = vector.broadcast %squeeze3A_1572 : i32 to vector<16xi32>
      %add3A_1579 = arith.addi %add3A_1578, %mul3A_1577 : vector<16xi32>
      %jit3A_1580 = arith.constant 0 : i32
      %jit3A_1581 = arith.constant 402 : i32
      %max3A_1582 = vector.broadcast %jit3A_1580 : i32 to vector<16xi32>
      %max3A_1583 = arith.maxsi %max3A_1582, %add3A_1579 : vector<16xi32>
      %min3A_1584 = vector.broadcast %jit3A_1581 : i32 to vector<16xi32>
      %min3A_1585 = arith.minsi %min3A_1584, %max3A_1583 : vector<16xi32>
      %add3A_1586 = arith.constant 8 : i32
      %add3A_1587 = vector.broadcast %add3A_1586 : i32 to vector<16xi32>
      %add3A_1588 = arith.addi %mul3A_1577, %add3A_1587 : vector<16xi32>
      %le3A_1589 = vector.broadcast %squeeze3A_1574 : i32 to vector<16xi32>
      %le3A_1590 = arith.cmpi sle, %add3A_1588, %le3A_1589 : vector<16xi32>
      %jit3A_1591 = arith.constant 402 : i32
      %broadcast_in_dim3A_1592 = vector.broadcast %jit3A_1591 : i32 to vector<16xi32>
      %select_n3A_1593 = arith.select %le3A_1590, %min3A_1585, %broadcast_in_dim3A_1592 : vector<16xi1>, vector<16xi32>
      %swap3A_1594 = arith.constant 150 : index
      %swap3A_1595 = tpu.vector_load %arg12[%swap3A_1594] {strides = array<i32>} : memref<200xi32, #tpu.memory_space<vmem>>, vector<16xi32>,
      %swap3A_1596 = vector.shape_cast %swap3A_1595 : vector<16xi32> to vector<16xi32>
      %swap3A_1597 = vector.shape_cast %select_n3A_1593 : vector<16xi32> to vector<16xi32>
      tpu.vector_store %arg12[%swap3A_1594], %swap3A_1597 {strides = array<i32>} : memref<200xi32, #tpu.memory_space<vmem>>, vector<16xi32>,
      %add3A_1598 = arith.constant 9 : i32
      %add3A_1599 = vector.broadcast %add3A_1598 : i32 to vector<16xi32>
      %add3A_1600 = arith.addi %iota3A, %add3A_1599 : vector<16xi32>
      %mul3A_1601 = arith.constant 8 : i32
      %mul3A_1602 = vector.broadcast %mul3A_1601 : i32 to vector<16xi32>
      %mul3A_1603 = arith.muli %add3A_1600, %mul3A_1602 : vector<16xi32>
      %add3A_1604 = vector.broadcast %squeeze3A_1572 : i32 to vector<16xi32>
      %add3A_1605 = arith.addi %add3A_1604, %mul3A_1603 : vector<16xi32>
      %jit3A_1606 = arith.constant 0 : i32
      %jit3A_1607 = arith.constant 402 : i32
      %max3A_1608 = vector.broadcast %jit3A_1606 : i32 to vector<16xi32>
      %max3A_1609 = arith.maxsi %max3A_1608, %add3A_1605 : vector<16xi32>
      %min3A_1610 = vector.broadcast %jit3A_1607 : i32 to vector<16xi32>
      %min3A_1611 = arith.minsi %min3A_1610, %max3A_1609 : vector<16xi32>
      %add3A_1612 = arith.constant 8 : i32
      %add3A_1613 = vector.broadcast %add3A_1612 : i32 to vector<16xi32>
      %add3A_1614 = arith.addi %mul3A_1603, %add3A_1613 : vector<16xi32>
      %le3A_1615 = vector.broadcast %squeeze3A_1574 : i32 to vector<16xi32>
      %le3A_1616 = arith.cmpi sle, %add3A_1614, %le3A_1615 : vector<16xi32>
      %jit3A_1617 = arith.constant 402 : i32
      %broadcast_in_dim3A_1618 = vector.broadcast %jit3A_1617 : i32 to vector<16xi32>
      %select_n3A_1619 = arith.select %le3A_1616, %min3A_1611, %broadcast_in_dim3A_1618 : vector<16xi1>, vector<16xi32>
      %swap3A_1620 = arith.constant 159 : index
      %swap3A_1621 = tpu.vector_load %arg12[%swap3A_1620] {strides = array<i32>} : memref<200xi32, #tpu.memory_space<vmem>>, vector<16xi32>,
      %swap3A_1622 = vector.shape_cast %swap3A_1621 : vector<16xi32> to vector<16xi32>
      %swap3A_1623 = vector.shape_cast %select_n3A_1619 : vector<16xi32> to vector<16xi32>
      tpu.vector_store %arg12[%swap3A_1620], %swap3A_1623 {strides = array<i32>} : memref<200xi32, #tpu.memory_space<vmem>>, vector<16xi32>,
      %rem3A_1624 = arith.constant 8 : i32
      %rem3A_1625 = arith.remsi %squeeze3A_1574, %rem3A_1624 : i32
      %sub3A_1626 = arith.subi %squeeze3A_1574, %rem3A_1625 : i32
      %add3A_1627 = arith.addi %squeeze3A_1572, %sub3A_1626 : i32
      %lt3A_1628 = vector.broadcast %rem3A_1625 : i32 to vector<16xi32>
      %lt3A_1629 = arith.cmpi slt, %iota3A, %lt3A_1628 : vector<16xi32>
      %add3A_1630 = vector.broadcast %add3A_1627 : i32 to vector<16xi32>
      %add3A_1631 = arith.addi %add3A_1630, %iota3A : vector<16xi32>
      %jit3A_1632 = arith.constant 0 : i32
      %jit3A_1633 = arith.constant 401 : i32
      %max3A_1634 = vector.broadcast %jit3A_1632 : i32 to vector<16xi32>
      %max3A_1635 = arith.maxsi %max3A_1634, %add3A_1631 : vector<16xi32>
      %min3A_1636 = vector.broadcast %jit3A_1633 : i32 to vector<16xi32>
      %min3A_1637 = arith.minsi %min3A_1636, %max3A_1635 : vector<16xi32>
      %jit3A_1638 = arith.constant 0 : i32
      %broadcast_in_dim3A_1639 = vector.broadcast %jit3A_1638 : i32 to vector<16xi32>
      %select_n3A_1640 = arith.select %lt3A_1629, %min3A_1637, %broadcast_in_dim3A_1639 : vector<16xi1>, vector<16xi32>
      %swap3A_1641 = arith.constant 96 : index
      %swap3A_1642 = tpu.vector_load %arg14[%swap3A_1641] {strides = array<i32>} : memref<128xi32, #tpu.memory_space<vmem>>, vector<16xi32>,
      %swap3A_1643 = vector.shape_cast %swap3A_1642 : vector<16xi32> to vector<16xi32>
      %swap3A_1644 = vector.shape_cast %select_n3A_1640 : vector<16xi32> to vector<16xi32>
      tpu.vector_store %arg14[%swap3A_1641], %swap3A_1644 {strides = array<i32>} : memref<128xi32, #tpu.memory_space<vmem>>, vector<16xi32>,
      %lt3A_1645 = arith.constant 200 : i32
      %lt3A_1646 = arith.cmpi slt, %squeeze3A_1574, %lt3A_1645 : i32
      %div3A_1647 = arith.constant 8 : i32
      %div3A_1648 = arith.divsi %squeeze3A_1574, %div3A_1647 : i32
      %add3A_1649 = arith.constant 150 : i32
      %add3A_1650 = arith.addi %add3A_1649, %div3A_1648 : i32
      %jit3A_1651 = arith.constant 200 : i32
      %select_n3A_1652 = arith.select %lt3A_1646, %add3A_1650, %jit3A_1651 : i32
      %slice3A_1653 = vector.extract_strided_slice %sub3A_1083 {offsets = [7], sizes = [1], strides = [1]} : vector<16xi32> to vector<1xi32>
      %squeeze3A_1654 = vector.extract %slice3A_1653[0] : i32 from vector<1xi32>
      %slice3A_1655 = vector.extract_strided_slice %get3A_1080 {offsets = [7], sizes = [1], strides = [1]} : vector<16xi32> to vector<1xi32>
      %squeeze3A_1656 = vector.extract %slice3A_1655[0] : i32 from vector<1xi32>
      %mul3A_1657 = arith.constant 8 : i32
      %mul3A_1658 = vector.broadcast %mul3A_1657 : i32 to vector<16xi32>
      %mul3A_1659 = arith.muli %iota3A, %mul3A_1658 : vector<16xi32>
      %add3A_1660 = vector.broadcast %squeeze3A_1654 : i32 to vector<16xi32>
      %add3A_1661 = arith.addi %add3A_1660, %mul3A_1659 : vector<16xi32>
      %jit3A_1662 = arith.constant 0 : i32
      %jit3A_1663 = arith.constant 402 : i32
      %max3A_1664 = vector.broadcast %jit3A_1662 : i32 to vector<16xi32>
      %max3A_1665 = arith.maxsi %max3A_1664, %add3A_1661 : vector<16xi32>
      %min3A_1666 = vector.broadcast %jit3A_1663 : i32 to vector<16xi32>
      %min3A_1667 = arith.minsi %min3A_1666, %max3A_1665 : vector<16xi32>
      %add3A_1668 = arith.constant 8 : i32
      %add3A_1669 = vector.broadcast %add3A_1668 : i32 to vector<16xi32>
      %add3A_1670 = arith.addi %mul3A_1659, %add3A_1669 : vector<16xi32>
      %le3A_1671 = vector.broadcast %squeeze3A_1656 : i32 to vector<16xi32>
      %le3A_1672 = arith.cmpi sle, %add3A_1670, %le3A_1671 : vector<16xi32>
      %jit3A_1673 = arith.constant 402 : i32
      %broadcast_in_dim3A_1674 = vector.broadcast %jit3A_1673 : i32 to vector<16xi32>
      %select_n3A_1675 = arith.select %le3A_1672, %min3A_1667, %broadcast_in_dim3A_1674 : vector<16xi1>, vector<16xi32>
      %swap3A_1676 = arith.constant 175 : index
      %swap3A_1677 = tpu.vector_load %arg12[%swap3A_1676] {strides = array<i32>} : memref<200xi32, #tpu.memory_space<vmem>>, vector<16xi32>,
      %swap3A_1678 = vector.shape_cast %swap3A_1677 : vector<16xi32> to vector<16xi32>
      %swap3A_1679 = vector.shape_cast %select_n3A_1675 : vector<16xi32> to vector<16xi32>
      tpu.vector_store %arg12[%swap3A_1676], %swap3A_1679 {strides = array<i32>} : memref<200xi32, #tpu.memory_space<vmem>>, vector<16xi32>,
      %add3A_1680 = arith.constant 9 : i32
      %add3A_1681 = vector.broadcast %add3A_1680 : i32 to vector<16xi32>
      %add3A_1682 = arith.addi %iota3A, %add3A_1681 : vector<16xi32>
      %mul3A_1683 = arith.constant 8 : i32
      %mul3A_1684 = vector.broadcast %mul3A_1683 : i32 to vector<16xi32>
      %mul3A_1685 = arith.muli %add3A_1682, %mul3A_1684 : vector<16xi32>
      %add3A_1686 = vector.broadcast %squeeze3A_1654 : i32 to vector<16xi32>
      %add3A_1687 = arith.addi %add3A_1686, %mul3A_1685 : vector<16xi32>
      %jit3A_1688 = arith.constant 0 : i32
      %jit3A_1689 = arith.constant 402 : i32
      %max3A_1690 = vector.broadcast %jit3A_1688 : i32 to vector<16xi32>
      %max3A_1691 = arith.maxsi %max3A_1690, %add3A_1687 : vector<16xi32>
      %min3A_1692 = vector.broadcast %jit3A_1689 : i32 to vector<16xi32>
      %min3A_1693 = arith.minsi %min3A_1692, %max3A_1691 : vector<16xi32>
      %add3A_1694 = arith.constant 8 : i32
      %add3A_1695 = vector.broadcast %add3A_1694 : i32 to vector<16xi32>
      %add3A_1696 = arith.addi %mul3A_1685, %add3A_1695 : vector<16xi32>
      %le3A_1697 = vector.broadcast %squeeze3A_1656 : i32 to vector<16xi32>
      %le3A_1698 = arith.cmpi sle, %add3A_1696, %le3A_1697 : vector<16xi32>
      %jit3A_1699 = arith.constant 402 : i32
      %broadcast_in_dim3A_1700 = vector.broadcast %jit3A_1699 : i32 to vector<16xi32>
      %select_n3A_1701 = arith.select %le3A_1698, %min3A_1693, %broadcast_in_dim3A_1700 : vector<16xi1>, vector<16xi32>
      %swap3A_1702 = arith.constant 184 : index
      %swap3A_1703 = tpu.vector_load %arg12[%swap3A_1702] {strides = array<i32>} : memref<200xi32, #tpu.memory_space<vmem>>, vector<16xi32>,
      %swap3A_1704 = vector.shape_cast %swap3A_1703 : vector<16xi32> to vector<16xi32>
      %swap3A_1705 = vector.shape_cast %select_n3A_1701 : vector<16xi32> to vector<16xi32>
      tpu.vector_store %arg12[%swap3A_1702], %swap3A_1705 {strides = array<i32>} : memref<200xi32, #tpu.memory_space<vmem>>, vector<16xi32>,
      %rem3A_1706 = arith.constant 8 : i32
      %rem3A_1707 = arith.remsi %squeeze3A_1656, %rem3A_1706 : i32
      %sub3A_1708 = arith.subi %squeeze3A_1656, %rem3A_1707 : i32
      %add3A_1709 = arith.addi %squeeze3A_1654, %sub3A_1708 : i32
      %lt3A_1710 = vector.broadcast %rem3A_1707 : i32 to vector<16xi32>
      %lt3A_1711 = arith.cmpi slt, %iota3A, %lt3A_1710 : vector<16xi32>
      %add3A_1712 = vector.broadcast %add3A_1709 : i32 to vector<16xi32>
      %add3A_1713 = arith.addi %add3A_1712, %iota3A : vector<16xi32>
      %jit3A_1714 = arith.constant 0 : i32
      %jit3A_1715 = arith.constant 401 : i32
      %max3A_1716 = vector.broadcast %jit3A_1714 : i32 to vector<16xi32>
      %max3A_1717 = arith.maxsi %max3A_1716, %add3A_1713 : vector<16xi32>
      %min3A_1718 = vector.broadcast %jit3A_1715 : i32 to vector<16xi32>
      %min3A_1719 = arith.minsi %min3A_1718, %max3A_1717 : vector<16xi32>
      %jit3A_1720 = arith.constant 0 : i32
      %broadcast_in_dim3A_1721 = vector.broadcast %jit3A_1720 : i32 to vector<16xi32>
      %select_n3A_1722 = arith.select %lt3A_1711, %min3A_1719, %broadcast_in_dim3A_1721 : vector<16xi1>, vector<16xi32>
      %swap3A_1723 = arith.constant 112 : index
      %swap3A_1724 = tpu.vector_load %arg14[%swap3A_1723] {strides = array<i32>} : memref<128xi32, #tpu.memory_space<vmem>>, vector<16xi32>,
      %swap3A_1725 = vector.shape_cast %swap3A_1724 : vector<16xi32> to vector<16xi32>
      %swap3A_1726 = vector.shape_cast %select_n3A_1722 : vector<16xi32> to vector<16xi32>
      tpu.vector_store %arg14[%swap3A_1723], %swap3A_1726 {strides = array<i32>} : memref<128xi32, #tpu.memory_space<vmem>>, vector<16xi32>,
      %lt3A_1727 = arith.constant 200 : i32
      %lt3A_1728 = arith.cmpi slt, %squeeze3A_1656, %lt3A_1727 : i32
      %div3A_1729 = arith.constant 8 : i32
      %div3A_1730 = arith.divsi %squeeze3A_1656, %div3A_1729 : i32
      %add3A_1731 = arith.constant 175 : i32
      %add3A_1732 = arith.addi %add3A_1731, %div3A_1730 : i32
      %jit3A_1733 = arith.constant 200 : i32
      %select_n3A_1734 = arith.select %lt3A_1728, %add3A_1732, %jit3A_1733 : i32
      %gt3A = arith.constant 0 : i32
      %gt3A_1735 = arith.cmpi sgt, %scan3A_1067, %gt3A : i32
      %convert_element_type3A_1736 = arith.extui %gt3A_1735 : i1 to i32
      %cond3A_1737 = arith.constant 0 : i32
      %cond3A_1738 = arith.cmpi ne, %convert_element_type3A_1736, %cond3A_1737 : i32
      scf.if %cond3A_1738 {
        %add3A_3040 = arith.constant 0 : i32
        %add3A_3041 = arith.addi %add3A_1088, %add3A_3040 : i32
        %dma_wait3A_3042 = arith.constant 0 : i32
        %dma_wait3A_3043 = arith.constant 0 : i32
        %dma_wait3A_3044 = arith.constant 0 : i32
        %dma_wait3A_3045 = tpu.memref_slice %arg16[%dma_wait3A_3042, %dma_wait3A_3043, %dma_wait3A_3044] : memref<201x8x32xf32, #tpu.memory_space<vmem>> -> memref<25x8x32xf32, #tpu.memory_space<vmem>>
        %dma_wait3A_3046 = arith.constant 0 : i32
        %dma_wait3A_3047 = arith.constant 0 : i32
        %dma_wait3A_3048 = arith.constant 0 : i32
        %dma_wait3A_3049 = tpu.memref_slice %arg5[%add3A_3041, %dma_wait3A_3046, %dma_wait3A_3047, %dma_wait3A_3048] : memref<4096x25x8x128xf32, #tpu.memory_space<hbm>> -> memref<1x25x8x32xf32, #tpu.memory_space<hbm>>
        %dma_wait3A_3050 = tpu.memref_squeeze %dma_wait3A_3049 : memref<1x25x8x32xf32, #tpu.memory_space<hbm>> -> memref<25x8x32xf32, #tpu.memory_space<hbm>>
        %dma_wait3A_3051 = arith.constant 0 : i32
        %dma_wait3A_3052 = arith.constant 0 : i32
        %dma_wait3A_3053 = arith.constant 0 : i32
        %dma_wait3A_3054 = tpu.memref_slice %arg5[%add3A_3041, %dma_wait3A_3051, %dma_wait3A_3052, %dma_wait3A_3053] : memref<4096x25x8x128xf32, #tpu.memory_space<hbm>> -> memref<1x25x8x32xf32, #tpu.memory_space<hbm>>
        %dma_wait3A_3055 = tpu.memref_squeeze %dma_wait3A_3054 : memref<1x25x8x32xf32, #tpu.memory_space<hbm>> -> memref<25x8x32xf32, #tpu.memory_space<hbm>>
        %dma_wait3A_3056 = arith.constant 0 : i32
        %dma_wait3A_3057 = arith.constant 0 : i32
        %dma_wait3A_3058 = arith.constant 0 : i32
        %dma_wait3A_3059 = tpu.memref_slice %arg16[%dma_wait3A_3056, %dma_wait3A_3057, %dma_wait3A_3058] : memref<201x8x32xf32, #tpu.memory_space<vmem>> -> memref<25x8x32xf32, #tpu.memory_space<vmem>>
        tpu.wait_dma2 semaphore(%arg22 : memref<!tpu.dma_semaphore, #tpu.memory_space<semaphore_mem>>) src(%dma_wait3A_3059 : memref<25x8x32xf32, #tpu.memory_space<vmem>>) dst(%dma_wait3A_3055 : memref<25x8x32xf32, #tpu.memory_space<hbm>>)
        %add3A_3060 = arith.constant 1 : i32
        %add3A_3061 = arith.addi %add3A_1088, %add3A_3060 : i32
        %dma_wait3A_3062 = arith.constant 25 : i32
        %dma_wait3A_3063 = arith.constant 0 : i32
        %dma_wait3A_3064 = arith.constant 0 : i32
        %dma_wait3A_3065 = tpu.memref_slice %arg16[%dma_wait3A_3062, %dma_wait3A_3063, %dma_wait3A_3064] : memref<201x8x32xf32, #tpu.memory_space<vmem>> -> memref<25x8x32xf32, #tpu.memory_space<vmem>>
        %dma_wait3A_3066 = arith.constant 0 : i32
        %dma_wait3A_3067 = arith.constant 0 : i32
        %dma_wait3A_3068 = arith.constant 0 : i32
        %dma_wait3A_3069 = tpu.memref_slice %arg5[%add3A_3061, %dma_wait3A_3066, %dma_wait3A_3067, %dma_wait3A_3068] : memref<4096x25x8x128xf32, #tpu.memory_space<hbm>> -> memref<1x25x8x32xf32, #tpu.memory_space<hbm>>
        %dma_wait3A_3070 = tpu.memref_squeeze %dma_wait3A_3069 : memref<1x25x8x32xf32, #tpu.memory_space<hbm>> -> memref<25x8x32xf32, #tpu.memory_space<hbm>>
        %dma_wait3A_3071 = arith.constant 0 : i32
        %dma_wait3A_3072 = arith.constant 0 : i32
        %dma_wait3A_3073 = arith.constant 0 : i32
        %dma_wait3A_3074 = tpu.memref_slice %arg5[%add3A_3061, %dma_wait3A_3071, %dma_wait3A_3072, %dma_wait3A_3073] : memref<4096x25x8x128xf32, #tpu.memory_space<hbm>> -> memref<1x25x8x32xf32, #tpu.memory_space<hbm>>
        %dma_wait3A_3075 = tpu.memref_squeeze %dma_wait3A_3074 : memref<1x25x8x32xf32, #tpu.memory_space<hbm>> -> memref<25x8x32xf32, #tpu.memory_space<hbm>>
        %dma_wait3A_3076 = arith.constant 25 : i32
        %dma_wait3A_3077 = arith.constant 0 : i32
        %dma_wait3A_3078 = arith.constant 0 : i32
        %dma_wait3A_3079 = tpu.memref_slice %arg16[%dma_wait3A_3076, %dma_wait3A_3077, %dma_wait3A_3078] : memref<201x8x32xf32, #tpu.memory_space<vmem>> -> memref<25x8x32xf32, #tpu.memory_space<vmem>>
        tpu.wait_dma2 semaphore(%arg22 : memref<!tpu.dma_semaphore, #tpu.memory_space<semaphore_mem>>) src(%dma_wait3A_3079 : memref<25x8x32xf32, #tpu.memory_space<vmem>>) dst(%dma_wait3A_3075 : memref<25x8x32xf32, #tpu.memory_space<hbm>>)
        %add3A_3080 = arith.constant 2 : i32
        %add3A_3081 = arith.addi %add3A_1088, %add3A_3080 : i32
        %dma_wait3A_3082 = arith.constant 50 : i32
        %dma_wait3A_3083 = arith.constant 0 : i32
        %dma_wait3A_3084 = arith.constant 0 : i32
        %dma_wait3A_3085 = tpu.memref_slice %arg16[%dma_wait3A_3082, %dma_wait3A_3083, %dma_wait3A_3084] : memref<201x8x32xf32, #tpu.memory_space<vmem>> -> memref<25x8x32xf32, #tpu.memory_space<vmem>>
        %dma_wait3A_3086 = arith.constant 0 : i32
        %dma_wait3A_3087 = arith.constant 0 : i32
        %dma_wait3A_3088 = arith.constant 0 : i32
        %dma_wait3A_3089 = tpu.memref_slice %arg5[%add3A_3081, %dma_wait3A_3086, %dma_wait3A_3087, %dma_wait3A_3088] : memref<4096x25x8x128xf32, #tpu.memory_space<hbm>> -> memref<1x25x8x32xf32, #tpu.memory_space<hbm>>
        %dma_wait3A_3090 = tpu.memref_squeeze %dma_wait3A_3089 : memref<1x25x8x32xf32, #tpu.memory_space<hbm>> -> memref<25x8x32xf32, #tpu.memory_space<hbm>>
        %dma_wait3A_3091 = arith.constant 0 : i32
        %dma_wait3A_3092 = arith.constant 0 : i32
        %dma_wait3A_3093 = arith.constant 0 : i32
        %dma_wait3A_3094 = tpu.memref_slice %arg5[%add3A_3081, %dma_wait3A_3091, %dma_wait3A_3092, %dma_wait3A_3093] : memref<4096x25x8x128xf32, #tpu.memory_space<hbm>> -> memref<1x25x8x32xf32, #tpu.memory_space<hbm>>
        %dma_wait3A_3095 = tpu.memref_squeeze %dma_wait3A_3094 : memref<1x25x8x32xf32, #tpu.memory_space<hbm>> -> memref<25x8x32xf32, #tpu.memory_space<hbm>>
        %dma_wait3A_3096 = arith.constant 50 : i32
        %dma_wait3A_3097 = arith.constant 0 : i32
        %dma_wait3A_3098 = arith.constant 0 : i32
        %dma_wait3A_3099 = tpu.memref_slice %arg16[%dma_wait3A_3096, %dma_wait3A_3097, %dma_wait3A_3098] : memref<201x8x32xf32, #tpu.memory_space<vmem>> -> memref<25x8x32xf32, #tpu.memory_space<vmem>>
        tpu.wait_dma2 semaphore(%arg22 : memref<!tpu.dma_semaphore, #tpu.memory_space<semaphore_mem>>) src(%dma_wait3A_3099 : memref<25x8x32xf32, #tpu.memory_space<vmem>>) dst(%dma_wait3A_3095 : memref<25x8x32xf32, #tpu.memory_space<hbm>>)
        %add3A_3100 = arith.constant 3 : i32
        %add3A_3101 = arith.addi %add3A_1088, %add3A_3100 : i32
        %dma_wait3A_3102 = arith.constant 75 : i32
        %dma_wait3A_3103 = arith.constant 0 : i32
        %dma_wait3A_3104 = arith.constant 0 : i32
        %dma_wait3A_3105 = tpu.memref_slice %arg16[%dma_wait3A_3102, %dma_wait3A_3103, %dma_wait3A_3104] : memref<201x8x32xf32, #tpu.memory_space<vmem>> -> memref<25x8x32xf32, #tpu.memory_space<vmem>>
        %dma_wait3A_3106 = arith.constant 0 : i32
        %dma_wait3A_3107 = arith.constant 0 : i32
        %dma_wait3A_3108 = arith.constant 0 : i32
        %dma_wait3A_3109 = tpu.memref_slice %arg5[%add3A_3101, %dma_wait3A_3106, %dma_wait3A_3107, %dma_wait3A_3108] : memref<4096x25x8x128xf32, #tpu.memory_space<hbm>> -> memref<1x25x8x32xf32, #tpu.memory_space<hbm>>
        %dma_wait3A_3110 = tpu.memref_squeeze %dma_wait3A_3109 : memref<1x25x8x32xf32, #tpu.memory_space<hbm>> -> memref<25x8x32xf32, #tpu.memory_space<hbm>>
        %dma_wait3A_3111 = arith.constant 0 : i32
        %dma_wait3A_3112 = arith.constant 0 : i32
        %dma_wait3A_3113 = arith.constant 0 : i32
        %dma_wait3A_3114 = tpu.memref_slice %arg5[%add3A_3101, %dma_wait3A_3111, %dma_wait3A_3112, %dma_wait3A_3113] : memref<4096x25x8x128xf32, #tpu.memory_space<hbm>> -> memref<1x25x8x32xf32, #tpu.memory_space<hbm>>
        %dma_wait3A_3115 = tpu.memref_squeeze %dma_wait3A_3114 : memref<1x25x8x32xf32, #tpu.memory_space<hbm>> -> memref<25x8x32xf32, #tpu.memory_space<hbm>>
        %dma_wait3A_3116 = arith.constant 75 : i32
        %dma_wait3A_3117 = arith.constant 0 : i32
        %dma_wait3A_3118 = arith.constant 0 : i32
        %dma_wait3A_3119 = tpu.memref_slice %arg16[%dma_wait3A_3116, %dma_wait3A_3117, %dma_wait3A_3118] : memref<201x8x32xf32, #tpu.memory_space<vmem>> -> memref<25x8x32xf32, #tpu.memory_space<vmem>>
        tpu.wait_dma2 semaphore(%arg22 : memref<!tpu.dma_semaphore, #tpu.memory_space<semaphore_mem>>) src(%dma_wait3A_3119 : memref<25x8x32xf32, #tpu.memory_space<vmem>>) dst(%dma_wait3A_3115 : memref<25x8x32xf32, #tpu.memory_space<hbm>>)
        %add3A_3120 = arith.constant 4 : i32
        %add3A_3121 = arith.addi %add3A_1088, %add3A_3120 : i32
        %dma_wait3A_3122 = arith.constant 100 : i32
        %dma_wait3A_3123 = arith.constant 0 : i32
        %dma_wait3A_3124 = arith.constant 0 : i32
        %dma_wait3A_3125 = tpu.memref_slice %arg16[%dma_wait3A_3122, %dma_wait3A_3123, %dma_wait3A_3124] : memref<201x8x32xf32, #tpu.memory_space<vmem>> -> memref<25x8x32xf32, #tpu.memory_space<vmem>>
        %dma_wait3A_3126 = arith.constant 0 : i32
        %dma_wait3A_3127 = arith.constant 0 : i32
        %dma_wait3A_3128 = arith.constant 0 : i32
        %dma_wait3A_3129 = tpu.memref_slice %arg5[%add3A_3121, %dma_wait3A_3126, %dma_wait3A_3127, %dma_wait3A_3128] : memref<4096x25x8x128xf32, #tpu.memory_space<hbm>> -> memref<1x25x8x32xf32, #tpu.memory_space<hbm>>
        %dma_wait3A_3130 = tpu.memref_squeeze %dma_wait3A_3129 : memref<1x25x8x32xf32, #tpu.memory_space<hbm>> -> memref<25x8x32xf32, #tpu.memory_space<hbm>>
        %dma_wait3A_3131 = arith.constant 0 : i32
        %dma_wait3A_3132 = arith.constant 0 : i32
        %dma_wait3A_3133 = arith.constant 0 : i32
        %dma_wait3A_3134 = tpu.memref_slice %arg5[%add3A_3121, %dma_wait3A_3131, %dma_wait3A_3132, %dma_wait3A_3133] : memref<4096x25x8x128xf32, #tpu.memory_space<hbm>> -> memref<1x25x8x32xf32, #tpu.memory_space<hbm>>
        %dma_wait3A_3135 = tpu.memref_squeeze %dma_wait3A_3134 : memref<1x25x8x32xf32, #tpu.memory_space<hbm>> -> memref<25x8x32xf32, #tpu.memory_space<hbm>>
        %dma_wait3A_3136 = arith.constant 100 : i32
        %dma_wait3A_3137 = arith.constant 0 : i32
        %dma_wait3A_3138 = arith.constant 0 : i32
        %dma_wait3A_3139 = tpu.memref_slice %arg16[%dma_wait3A_3136, %dma_wait3A_3137, %dma_wait3A_3138] : memref<201x8x32xf32, #tpu.memory_space<vmem>> -> memref<25x8x32xf32, #tpu.memory_space<vmem>>
        tpu.wait_dma2 semaphore(%arg22 : memref<!tpu.dma_semaphore, #tpu.memory_space<semaphore_mem>>) src(%dma_wait3A_3139 : memref<25x8x32xf32, #tpu.memory_space<vmem>>) dst(%dma_wait3A_3135 : memref<25x8x32xf32, #tpu.memory_space<hbm>>)
        %add3A_3140 = arith.constant 5 : i32
        %add3A_3141 = arith.addi %add3A_1088, %add3A_3140 : i32
        %dma_wait3A_3142 = arith.constant 125 : i32
        %dma_wait3A_3143 = arith.constant 0 : i32
        %dma_wait3A_3144 = arith.constant 0 : i32
        %dma_wait3A_3145 = tpu.memref_slice %arg16[%dma_wait3A_3142, %dma_wait3A_3143, %dma_wait3A_3144] : memref<201x8x32xf32, #tpu.memory_space<vmem>> -> memref<25x8x32xf32, #tpu.memory_space<vmem>>
        %dma_wait3A_3146 = arith.constant 0 : i32
        %dma_wait3A_3147 = arith.constant 0 : i32
        %dma_wait3A_3148 = arith.constant 0 : i32
        %dma_wait3A_3149 = tpu.memref_slice %arg5[%add3A_3141, %dma_wait3A_3146, %dma_wait3A_3147, %dma_wait3A_3148] : memref<4096x25x8x128xf32, #tpu.memory_space<hbm>> -> memref<1x25x8x32xf32, #tpu.memory_space<hbm>>
        %dma_wait3A_3150 = tpu.memref_squeeze %dma_wait3A_3149 : memref<1x25x8x32xf32, #tpu.memory_space<hbm>> -> memref<25x8x32xf32, #tpu.memory_space<hbm>>
        %dma_wait3A_3151 = arith.constant 0 : i32
        %dma_wait3A_3152 = arith.constant 0 : i32
        %dma_wait3A_3153 = arith.constant 0 : i32
        %dma_wait3A_3154 = tpu.memref_slice %arg5[%add3A_3141, %dma_wait3A_3151, %dma_wait3A_3152, %dma_wait3A_3153] : memref<4096x25x8x128xf32, #tpu.memory_space<hbm>> -> memref<1x25x8x32xf32, #tpu.memory_space<hbm>>
        %dma_wait3A_3155 = tpu.memref_squeeze %dma_wait3A_3154 : memref<1x25x8x32xf32, #tpu.memory_space<hbm>> -> memref<25x8x32xf32, #tpu.memory_space<hbm>>
        %dma_wait3A_3156 = arith.constant 125 : i32
        %dma_wait3A_3157 = arith.constant 0 : i32
        %dma_wait3A_3158 = arith.constant 0 : i32
        %dma_wait3A_3159 = tpu.memref_slice %arg16[%dma_wait3A_3156, %dma_wait3A_3157, %dma_wait3A_3158] : memref<201x8x32xf32, #tpu.memory_space<vmem>> -> memref<25x8x32xf32, #tpu.memory_space<vmem>>
        tpu.wait_dma2 semaphore(%arg22 : memref<!tpu.dma_semaphore, #tpu.memory_space<semaphore_mem>>) src(%dma_wait3A_3159 : memref<25x8x32xf32, #tpu.memory_space<vmem>>) dst(%dma_wait3A_3155 : memref<25x8x32xf32, #tpu.memory_space<hbm>>)
        %add3A_3160 = arith.constant 6 : i32
        %add3A_3161 = arith.addi %add3A_1088, %add3A_3160 : i32
        %dma_wait3A_3162 = arith.constant 150 : i32
        %dma_wait3A_3163 = arith.constant 0 : i32
        %dma_wait3A_3164 = arith.constant 0 : i32
        %dma_wait3A_3165 = tpu.memref_slice %arg16[%dma_wait3A_3162, %dma_wait3A_3163, %dma_wait3A_3164] : memref<201x8x32xf32, #tpu.memory_space<vmem>> -> memref<25x8x32xf32, #tpu.memory_space<vmem>>
        %dma_wait3A_3166 = arith.constant 0 : i32
        %dma_wait3A_3167 = arith.constant 0 : i32
        %dma_wait3A_3168 = arith.constant 0 : i32
        %dma_wait3A_3169 = tpu.memref_slice %arg5[%add3A_3161, %dma_wait3A_3166, %dma_wait3A_3167, %dma_wait3A_3168] : memref<4096x25x8x128xf32, #tpu.memory_space<hbm>> -> memref<1x25x8x32xf32, #tpu.memory_space<hbm>>
        %dma_wait3A_3170 = tpu.memref_squeeze %dma_wait3A_3169 : memref<1x25x8x32xf32, #tpu.memory_space<hbm>> -> memref<25x8x32xf32, #tpu.memory_space<hbm>>
        %dma_wait3A_3171 = arith.constant 0 : i32
        %dma_wait3A_3172 = arith.constant 0 : i32
        %dma_wait3A_3173 = arith.constant 0 : i32
        %dma_wait3A_3174 = tpu.memref_slice %arg5[%add3A_3161, %dma_wait3A_3171, %dma_wait3A_3172, %dma_wait3A_3173] : memref<4096x25x8x128xf32, #tpu.memory_space<hbm>> -> memref<1x25x8x32xf32, #tpu.memory_space<hbm>>
        %dma_wait3A_3175 = tpu.memref_squeeze %dma_wait3A_3174 : memref<1x25x8x32xf32, #tpu.memory_space<hbm>> -> memref<25x8x32xf32, #tpu.memory_space<hbm>>
        %dma_wait3A_3176 = arith.constant 150 : i32
        %dma_wait3A_3177 = arith.constant 0 : i32
        %dma_wait3A_3178 = arith.constant 0 : i32
        %dma_wait3A_3179 = tpu.memref_slice %arg16[%dma_wait3A_3176, %dma_wait3A_3177, %dma_wait3A_3178] : memref<201x8x32xf32, #tpu.memory_space<vmem>> -> memref<25x8x32xf32, #tpu.memory_space<vmem>>
        tpu.wait_dma2 semaphore(%arg22 : memref<!tpu.dma_semaphore, #tpu.memory_space<semaphore_mem>>) src(%dma_wait3A_3179 : memref<25x8x32xf32, #tpu.memory_space<vmem>>) dst(%dma_wait3A_3175 : memref<25x8x32xf32, #tpu.memory_space<hbm>>)
        %add3A_3180 = arith.constant 7 : i32
        %add3A_3181 = arith.addi %add3A_1088, %add3A_3180 : i32
        %dma_wait3A_3182 = arith.constant 175 : i32
        %dma_wait3A_3183 = arith.constant 0 : i32
        %dma_wait3A_3184 = arith.constant 0 : i32
        %dma_wait3A_3185 = tpu.memref_slice %arg16[%dma_wait3A_3182, %dma_wait3A_3183, %dma_wait3A_3184] : memref<201x8x32xf32, #tpu.memory_space<vmem>> -> memref<25x8x32xf32, #tpu.memory_space<vmem>>
        %dma_wait3A_3186 = arith.constant 0 : i32
        %dma_wait3A_3187 = arith.constant 0 : i32
        %dma_wait3A_3188 = arith.constant 0 : i32
        %dma_wait3A_3189 = tpu.memref_slice %arg5[%add3A_3181, %dma_wait3A_3186, %dma_wait3A_3187, %dma_wait3A_3188] : memref<4096x25x8x128xf32, #tpu.memory_space<hbm>> -> memref<1x25x8x32xf32, #tpu.memory_space<hbm>>
        %dma_wait3A_3190 = tpu.memref_squeeze %dma_wait3A_3189 : memref<1x25x8x32xf32, #tpu.memory_space<hbm>> -> memref<25x8x32xf32, #tpu.memory_space<hbm>>
        %dma_wait3A_3191 = arith.constant 0 : i32
        %dma_wait3A_3192 = arith.constant 0 : i32
        %dma_wait3A_3193 = arith.constant 0 : i32
        %dma_wait3A_3194 = tpu.memref_slice %arg5[%add3A_3181, %dma_wait3A_3191, %dma_wait3A_3192, %dma_wait3A_3193] : memref<4096x25x8x128xf32, #tpu.memory_space<hbm>> -> memref<1x25x8x32xf32, #tpu.memory_space<hbm>>
        %dma_wait3A_3195 = tpu.memref_squeeze %dma_wait3A_3194 : memref<1x25x8x32xf32, #tpu.memory_space<hbm>> -> memref<25x8x32xf32, #tpu.memory_space<hbm>>
        %dma_wait3A_3196 = arith.constant 175 : i32
        %dma_wait3A_3197 = arith.constant 0 : i32
        %dma_wait3A_3198 = arith.constant 0 : i32
        %dma_wait3A_3199 = tpu.memref_slice %arg16[%dma_wait3A_3196, %dma_wait3A_3197, %dma_wait3A_3198] : memref<201x8x32xf32, #tpu.memory_space<vmem>> -> memref<25x8x32xf32, #tpu.memory_space<vmem>>
        tpu.wait_dma2 semaphore(%arg22 : memref<!tpu.dma_semaphore, #tpu.memory_space<semaphore_mem>>) src(%dma_wait3A_3199 : memref<25x8x32xf32, #tpu.memory_space<vmem>>) dst(%dma_wait3A_3195 : memref<25x8x32xf32, #tpu.memory_space<hbm>>)
      } else {
      }
      %dma_start3A_1739 = arith.constant 0 : i32
      %dma_start3A_1740 = arith.constant 0 : i32
      %dma_start3A_1741 = arith.constant 0 : i32
      %dma_start3A_1742 = tpu.memref_slice %arg16[%dma_start3A_1739, %dma_start3A_1740, %dma_start3A_1741] : memref<201x8x32xf32, #tpu.memory_space<vmem>> -> memref<200x8x32xf32, #tpu.memory_space<vmem>>
      %dma_start3A_1743 = arith.constant 0 : i32
      %dma_start3A_1744 = arith.constant 0 : i32
      %dma_start3A_1745 = arith.constant 0 : i32
      %dma_start3A_1746 = tpu.memref_slice %arg7[%dma_start3A_1743, %dma_start3A_1744, %dma_start3A_1745] : memref<416x8x32xf32, #tpu.memory_space<vmem_shared>> -> memref<416x8x32xf32, #tpu.memory_space<vmem_shared>>
      tpu.enqueue_indirect_dma source(%dma_start3A_1746 : memref<416x8x32xf32, #tpu.memory_space<vmem_shared>>) target(%dma_start3A_1742 : memref<200x8x32xf32, #tpu.memory_space<vmem>>) offsets(%arg12 : memref<200xi32, #tpu.memory_space<vmem>>) semaphore(%arg19 : memref<!tpu.dma_semaphore, #tpu.memory_space<semaphore_mem>>)
      %slice3A_1747 = vector.extract_strided_slice %sub3A_1083 {offsets = [8], sizes = [1], strides = [1]} : vector<16xi32> to vector<1xi32>
      %squeeze3A_1748 = vector.extract %slice3A_1747[0] : i32 from vector<1xi32>
      %slice3A_1749 = vector.extract_strided_slice %get3A_1080 {offsets = [8], sizes = [1], strides = [1]} : vector<16xi32> to vector<1xi32>
      %squeeze3A_1750 = vector.extract %slice3A_1749[0] : i32 from vector<1xi32>
      %mul3A_1751 = arith.constant 8 : i32
      %mul3A_1752 = vector.broadcast %mul3A_1751 : i32 to vector<16xi32>
      %mul3A_1753 = arith.muli %iota3A, %mul3A_1752 : vector<16xi32>
      %add3A_1754 = vector.broadcast %squeeze3A_1748 : i32 to vector<16xi32>
      %add3A_1755 = arith.addi %add3A_1754, %mul3A_1753 : vector<16xi32>
      %jit3A_1756 = arith.constant 0 : i32
      %jit3A_1757 = arith.constant 402 : i32
      %max3A_1758 = vector.broadcast %jit3A_1756 : i32 to vector<16xi32>
      %max3A_1759 = arith.maxsi %max3A_1758, %add3A_1755 : vector<16xi32>
      %min3A_1760 = vector.broadcast %jit3A_1757 : i32 to vector<16xi32>
      %min3A_1761 = arith.minsi %min3A_1760, %max3A_1759 : vector<16xi32>
      %add3A_1762 = arith.constant 8 : i32
      %add3A_1763 = vector.broadcast %add3A_1762 : i32 to vector<16xi32>
      %add3A_1764 = arith.addi %mul3A_1753, %add3A_1763 : vector<16xi32>
      %le3A_1765 = vector.broadcast %squeeze3A_1750 : i32 to vector<16xi32>
      %le3A_1766 = arith.cmpi sle, %add3A_1764, %le3A_1765 : vector<16xi32>
      %jit3A_1767 = arith.constant 402 : i32
      %broadcast_in_dim3A_1768 = vector.broadcast %jit3A_1767 : i32 to vector<16xi32>
      %select_n3A_1769 = arith.select %le3A_1766, %min3A_1761, %broadcast_in_dim3A_1768 : vector<16xi1>, vector<16xi32>
      %swap3A_1770 = arith.constant 0 : index
      %swap3A_1771 = tpu.vector_load %arg13[%swap3A_1770] {strides = array<i32>} : memref<200xi32, #tpu.memory_space<vmem>>, vector<16xi32>,
      %swap3A_1772 = vector.shape_cast %swap3A_1771 : vector<16xi32> to vector<16xi32>
      %swap3A_1773 = vector.shape_cast %select_n3A_1769 : vector<16xi32> to vector<16xi32>
      tpu.vector_store %arg13[%swap3A_1770], %swap3A_1773 {strides = array<i32>} : memref<200xi32, #tpu.memory_space<vmem>>, vector<16xi32>,
      %add3A_1774 = arith.constant 9 : i32
      %add3A_1775 = vector.broadcast %add3A_1774 : i32 to vector<16xi32>
      %add3A_1776 = arith.addi %iota3A, %add3A_1775 : vector<16xi32>
      %mul3A_1777 = arith.constant 8 : i32
      %mul3A_1778 = vector.broadcast %mul3A_1777 : i32 to vector<16xi32>
      %mul3A_1779 = arith.muli %add3A_1776, %mul3A_1778 : vector<16xi32>
      %add3A_1780 = vector.broadcast %squeeze3A_1748 : i32 to vector<16xi32>
      %add3A_1781 = arith.addi %add3A_1780, %mul3A_1779 : vector<16xi32>
      %jit3A_1782 = arith.constant 0 : i32
      %jit3A_1783 = arith.constant 402 : i32
      %max3A_1784 = vector.broadcast %jit3A_1782 : i32 to vector<16xi32>
      %max3A_1785 = arith.maxsi %max3A_1784, %add3A_1781 : vector<16xi32>
      %min3A_1786 = vector.broadcast %jit3A_1783 : i32 to vector<16xi32>
      %min3A_1787 = arith.minsi %min3A_1786, %max3A_1785 : vector<16xi32>
      %add3A_1788 = arith.constant 8 : i32
      %add3A_1789 = vector.broadcast %add3A_1788 : i32 to vector<16xi32>
      %add3A_1790 = arith.addi %mul3A_1779, %add3A_1789 : vector<16xi32>
      %le3A_1791 = vector.broadcast %squeeze3A_1750 : i32 to vector<16xi32>
      %le3A_1792 = arith.cmpi sle, %add3A_1790, %le3A_1791 : vector<16xi32>
      %jit3A_1793 = arith.constant 402 : i32
      %broadcast_in_dim3A_1794 = vector.broadcast %jit3A_1793 : i32 to vector<16xi32>
      %select_n3A_1795 = arith.select %le3A_1792, %min3A_1787, %broadcast_in_dim3A_1794 : vector<16xi1>, vector<16xi32>
      %swap3A_1796 = arith.constant 9 : index
      %swap3A_1797 = tpu.vector_load %arg13[%swap3A_1796] {strides = array<i32>} : memref<200xi32, #tpu.memory_space<vmem>>, vector<16xi32>,
      %swap3A_1798 = vector.shape_cast %swap3A_1797 : vector<16xi32> to vector<16xi32>
      %swap3A_1799 = vector.shape_cast %select_n3A_1795 : vector<16xi32> to vector<16xi32>
      tpu.vector_store %arg13[%swap3A_1796], %swap3A_1799 {strides = array<i32>} : memref<200xi32, #tpu.memory_space<vmem>>, vector<16xi32>,
      %rem3A_1800 = arith.constant 8 : i32
      %rem3A_1801 = arith.remsi %squeeze3A_1750, %rem3A_1800 : i32
      %sub3A_1802 = arith.subi %squeeze3A_1750, %rem3A_1801 : i32
      %add3A_1803 = arith.addi %squeeze3A_1748, %sub3A_1802 : i32
      %lt3A_1804 = vector.broadcast %rem3A_1801 : i32 to vector<16xi32>
      %lt3A_1805 = arith.cmpi slt, %iota3A, %lt3A_1804 : vector<16xi32>
      %add3A_1806 = vector.broadcast %add3A_1803 : i32 to vector<16xi32>
      %add3A_1807 = arith.addi %add3A_1806, %iota3A : vector<16xi32>
      %jit3A_1808 = arith.constant 0 : i32
      %jit3A_1809 = arith.constant 401 : i32
      %max3A_1810 = vector.broadcast %jit3A_1808 : i32 to vector<16xi32>
      %max3A_1811 = arith.maxsi %max3A_1810, %add3A_1807 : vector<16xi32>
      %min3A_1812 = vector.broadcast %jit3A_1809 : i32 to vector<16xi32>
      %min3A_1813 = arith.minsi %min3A_1812, %max3A_1811 : vector<16xi32>
      %jit3A_1814 = arith.constant 0 : i32
      %broadcast_in_dim3A_1815 = vector.broadcast %jit3A_1814 : i32 to vector<16xi32>
      %select_n3A_1816 = arith.select %lt3A_1805, %min3A_1813, %broadcast_in_dim3A_1815 : vector<16xi1>, vector<16xi32>
      %swap3A_1817 = arith.constant 0 : index
      %swap3A_1818 = tpu.vector_load %arg15[%swap3A_1817] {strides = array<i32>} : memref<128xi32, #tpu.memory_space<vmem>>, vector<16xi32>,
      %swap3A_1819 = vector.shape_cast %swap3A_1818 : vector<16xi32> to vector<16xi32>
      %swap3A_1820 = vector.shape_cast %select_n3A_1816 : vector<16xi32> to vector<16xi32>
      tpu.vector_store %arg15[%swap3A_1817], %swap3A_1820 {strides = array<i32>} : memref<128xi32, #tpu.memory_space<vmem>>, vector<16xi32>,
      %lt3A_1821 = arith.constant 200 : i32
      %lt3A_1822 = arith.cmpi slt, %squeeze3A_1750, %lt3A_1821 : i32
      %div3A_1823 = arith.constant 8 : i32
      %div3A_1824 = arith.divsi %squeeze3A_1750, %div3A_1823 : i32
      %add3A_1825 = arith.constant 0 : i32
      %add3A_1826 = arith.addi %add3A_1825, %div3A_1824 : i32
      %jit3A_1827 = arith.constant 200 : i32
      %select_n3A_1828 = arith.select %lt3A_1822, %add3A_1826, %jit3A_1827 : i32
      %slice3A_1829 = vector.extract_strided_slice %sub3A_1083 {offsets = [9], sizes = [1], strides = [1]} : vector<16xi32> to vector<1xi32>
      %squeeze3A_1830 = vector.extract %slice3A_1829[0] : i32 from vector<1xi32>
      %slice3A_1831 = vector.extract_strided_slice %get3A_1080 {offsets = [9], sizes = [1], strides = [1]} : vector<16xi32> to vector<1xi32>
      %squeeze3A_1832 = vector.extract %slice3A_1831[0] : i32 from vector<1xi32>
      %mul3A_1833 = arith.constant 8 : i32
      %mul3A_1834 = vector.broadcast %mul3A_1833 : i32 to vector<16xi32>
      %mul3A_1835 = arith.muli %iota3A, %mul3A_1834 : vector<16xi32>
      %add3A_1836 = vector.broadcast %squeeze3A_1830 : i32 to vector<16xi32>
      %add3A_1837 = arith.addi %add3A_1836, %mul3A_1835 : vector<16xi32>
      %jit3A_1838 = arith.constant 0 : i32
      %jit3A_1839 = arith.constant 402 : i32
      %max3A_1840 = vector.broadcast %jit3A_1838 : i32 to vector<16xi32>
      %max3A_1841 = arith.maxsi %max3A_1840, %add3A_1837 : vector<16xi32>
      %min3A_1842 = vector.broadcast %jit3A_1839 : i32 to vector<16xi32>
      %min3A_1843 = arith.minsi %min3A_1842, %max3A_1841 : vector<16xi32>
      %add3A_1844 = arith.constant 8 : i32
      %add3A_1845 = vector.broadcast %add3A_1844 : i32 to vector<16xi32>
      %add3A_1846 = arith.addi %mul3A_1835, %add3A_1845 : vector<16xi32>
      %le3A_1847 = vector.broadcast %squeeze3A_1832 : i32 to vector<16xi32>
      %le3A_1848 = arith.cmpi sle, %add3A_1846, %le3A_1847 : vector<16xi32>
      %jit3A_1849 = arith.constant 402 : i32
      %broadcast_in_dim3A_1850 = vector.broadcast %jit3A_1849 : i32 to vector<16xi32>
      %select_n3A_1851 = arith.select %le3A_1848, %min3A_1843, %broadcast_in_dim3A_1850 : vector<16xi1>, vector<16xi32>
      %swap3A_1852 = arith.constant 25 : index
      %swap3A_1853 = tpu.vector_load %arg13[%swap3A_1852] {strides = array<i32>} : memref<200xi32, #tpu.memory_space<vmem>>, vector<16xi32>,
      %swap3A_1854 = vector.shape_cast %swap3A_1853 : vector<16xi32> to vector<16xi32>
      %swap3A_1855 = vector.shape_cast %select_n3A_1851 : vector<16xi32> to vector<16xi32>
      tpu.vector_store %arg13[%swap3A_1852], %swap3A_1855 {strides = array<i32>} : memref<200xi32, #tpu.memory_space<vmem>>, vector<16xi32>,
      %add3A_1856 = arith.constant 9 : i32
      %add3A_1857 = vector.broadcast %add3A_1856 : i32 to vector<16xi32>
      %add3A_1858 = arith.addi %iota3A, %add3A_1857 : vector<16xi32>
      %mul3A_1859 = arith.constant 8 : i32
      %mul3A_1860 = vector.broadcast %mul3A_1859 : i32 to vector<16xi32>
      %mul3A_1861 = arith.muli %add3A_1858, %mul3A_1860 : vector<16xi32>
      %add3A_1862 = vector.broadcast %squeeze3A_1830 : i32 to vector<16xi32>
      %add3A_1863 = arith.addi %add3A_1862, %mul3A_1861 : vector<16xi32>
      %jit3A_1864 = arith.constant 0 : i32
      %jit3A_1865 = arith.constant 402 : i32
      %max3A_1866 = vector.broadcast %jit3A_1864 : i32 to vector<16xi32>
      %max3A_1867 = arith.maxsi %max3A_1866, %add3A_1863 : vector<16xi32>
      %min3A_1868 = vector.broadcast %jit3A_1865 : i32 to vector<16xi32>
      %min3A_1869 = arith.minsi %min3A_1868, %max3A_1867 : vector<16xi32>
      %add3A_1870 = arith.constant 8 : i32
      %add3A_1871 = vector.broadcast %add3A_1870 : i32 to vector<16xi32>
      %add3A_1872 = arith.addi %mul3A_1861, %add3A_1871 : vector<16xi32>
      %le3A_1873 = vector.broadcast %squeeze3A_1832 : i32 to vector<16xi32>
      %le3A_1874 = arith.cmpi sle, %add3A_1872, %le3A_1873 : vector<16xi32>
      %jit3A_1875 = arith.constant 402 : i32
      %broadcast_in_dim3A_1876 = vector.broadcast %jit3A_1875 : i32 to vector<16xi32>
      %select_n3A_1877 = arith.select %le3A_1874, %min3A_1869, %broadcast_in_dim3A_1876 : vector<16xi1>, vector<16xi32>
      %swap3A_1878 = arith.constant 34 : index
      %swap3A_1879 = tpu.vector_load %arg13[%swap3A_1878] {strides = array<i32>} : memref<200xi32, #tpu.memory_space<vmem>>, vector<16xi32>,
      %swap3A_1880 = vector.shape_cast %swap3A_1879 : vector<16xi32> to vector<16xi32>
      %swap3A_1881 = vector.shape_cast %select_n3A_1877 : vector<16xi32> to vector<16xi32>
      tpu.vector_store %arg13[%swap3A_1878], %swap3A_1881 {strides = array<i32>} : memref<200xi32, #tpu.memory_space<vmem>>, vector<16xi32>,
      %rem3A_1882 = arith.constant 8 : i32
      %rem3A_1883 = arith.remsi %squeeze3A_1832, %rem3A_1882 : i32
      %sub3A_1884 = arith.subi %squeeze3A_1832, %rem3A_1883 : i32
      %add3A_1885 = arith.addi %squeeze3A_1830, %sub3A_1884 : i32
      %lt3A_1886 = vector.broadcast %rem3A_1883 : i32 to vector<16xi32>
      %lt3A_1887 = arith.cmpi slt, %iota3A, %lt3A_1886 : vector<16xi32>
      %add3A_1888 = vector.broadcast %add3A_1885 : i32 to vector<16xi32>
      %add3A_1889 = arith.addi %add3A_1888, %iota3A : vector<16xi32>
      %jit3A_1890 = arith.constant 0 : i32
      %jit3A_1891 = arith.constant 401 : i32
      %max3A_1892 = vector.broadcast %jit3A_1890 : i32 to vector<16xi32>
      %max3A_1893 = arith.maxsi %max3A_1892, %add3A_1889 : vector<16xi32>
      %min3A_1894 = vector.broadcast %jit3A_1891 : i32 to vector<16xi32>
      %min3A_1895 = arith.minsi %min3A_1894, %max3A_1893 : vector<16xi32>
      %jit3A_1896 = arith.constant 0 : i32
      %broadcast_in_dim3A_1897 = vector.broadcast %jit3A_1896 : i32 to vector<16xi32>
      %select_n3A_1898 = arith.select %lt3A_1887, %min3A_1895, %broadcast_in_dim3A_1897 : vector<16xi1>, vector<16xi32>
      %swap3A_1899 = arith.constant 16 : index
      %swap3A_1900 = tpu.vector_load %arg15[%swap3A_1899] {strides = array<i32>} : memref<128xi32, #tpu.memory_space<vmem>>, vector<16xi32>,
      %swap3A_1901 = vector.shape_cast %swap3A_1900 : vector<16xi32> to vector<16xi32>
      %swap3A_1902 = vector.shape_cast %select_n3A_1898 : vector<16xi32> to vector<16xi32>
      tpu.vector_store %arg15[%swap3A_1899], %swap3A_1902 {strides = array<i32>} : memref<128xi32, #tpu.memory_space<vmem>>, vector<16xi32>,
      %lt3A_1903 = arith.constant 200 : i32
      %lt3A_1904 = arith.cmpi slt, %squeeze3A_1832, %lt3A_1903 : i32
      %div3A_1905 = arith.constant 8 : i32
      %div3A_1906 = arith.divsi %squeeze3A_1832, %div3A_1905 : i32
      %add3A_1907 = arith.constant 25 : i32
      %add3A_1908 = arith.addi %add3A_1907, %div3A_1906 : i32
      %jit3A_1909 = arith.constant 200 : i32
      %select_n3A_1910 = arith.select %lt3A_1904, %add3A_1908, %jit3A_1909 : i32
      %slice3A_1911 = vector.extract_strided_slice %sub3A_1083 {offsets = [10], sizes = [1], strides = [1]} : vector<16xi32> to vector<1xi32>
      %squeeze3A_1912 = vector.extract %slice3A_1911[0] : i32 from vector<1xi32>
      %slice3A_1913 = vector.extract_strided_slice %get3A_1080 {offsets = [10], sizes = [1], strides = [1]} : vector<16xi32> to vector<1xi32>
      %squeeze3A_1914 = vector.extract %slice3A_1913[0] : i32 from vector<1xi32>
      %mul3A_1915 = arith.constant 8 : i32
      %mul3A_1916 = vector.broadcast %mul3A_1915 : i32 to vector<16xi32>
      %mul3A_1917 = arith.muli %iota3A, %mul3A_1916 : vector<16xi32>
      %add3A_1918 = vector.broadcast %squeeze3A_1912 : i32 to vector<16xi32>
      %add3A_1919 = arith.addi %add3A_1918, %mul3A_1917 : vector<16xi32>
      %jit3A_1920 = arith.constant 0 : i32
      %jit3A_1921 = arith.constant 402 : i32
      %max3A_1922 = vector.broadcast %jit3A_1920 : i32 to vector<16xi32>
      %max3A_1923 = arith.maxsi %max3A_1922, %add3A_1919 : vector<16xi32>
      %min3A_1924 = vector.broadcast %jit3A_1921 : i32 to vector<16xi32>
      %min3A_1925 = arith.minsi %min3A_1924, %max3A_1923 : vector<16xi32>
      %add3A_1926 = arith.constant 8 : i32
      %add3A_1927 = vector.broadcast %add3A_1926 : i32 to vector<16xi32>
      %add3A_1928 = arith.addi %mul3A_1917, %add3A_1927 : vector<16xi32>
      %le3A_1929 = vector.broadcast %squeeze3A_1914 : i32 to vector<16xi32>
      %le3A_1930 = arith.cmpi sle, %add3A_1928, %le3A_1929 : vector<16xi32>
      %jit3A_1931 = arith.constant 402 : i32
      %broadcast_in_dim3A_1932 = vector.broadcast %jit3A_1931 : i32 to vector<16xi32>
      %select_n3A_1933 = arith.select %le3A_1930, %min3A_1925, %broadcast_in_dim3A_1932 : vector<16xi1>, vector<16xi32>
      %swap3A_1934 = arith.constant 50 : index
      %swap3A_1935 = tpu.vector_load %arg13[%swap3A_1934] {strides = array<i32>} : memref<200xi32, #tpu.memory_space<vmem>>, vector<16xi32>,
      %swap3A_1936 = vector.shape_cast %swap3A_1935 : vector<16xi32> to vector<16xi32>
      %swap3A_1937 = vector.shape_cast %select_n3A_1933 : vector<16xi32> to vector<16xi32>
      tpu.vector_store %arg13[%swap3A_1934], %swap3A_1937 {strides = array<i32>} : memref<200xi32, #tpu.memory_space<vmem>>, vector<16xi32>,
      %add3A_1938 = arith.constant 9 : i32
      %add3A_1939 = vector.broadcast %add3A_1938 : i32 to vector<16xi32>
      %add3A_1940 = arith.addi %iota3A, %add3A_1939 : vector<16xi32>
      %mul3A_1941 = arith.constant 8 : i32
      %mul3A_1942 = vector.broadcast %mul3A_1941 : i32 to vector<16xi32>
      %mul3A_1943 = arith.muli %add3A_1940, %mul3A_1942 : vector<16xi32>
      %add3A_1944 = vector.broadcast %squeeze3A_1912 : i32 to vector<16xi32>
      %add3A_1945 = arith.addi %add3A_1944, %mul3A_1943 : vector<16xi32>
      %jit3A_1946 = arith.constant 0 : i32
      %jit3A_1947 = arith.constant 402 : i32
      %max3A_1948 = vector.broadcast %jit3A_1946 : i32 to vector<16xi32>
      %max3A_1949 = arith.maxsi %max3A_1948, %add3A_1945 : vector<16xi32>
      %min3A_1950 = vector.broadcast %jit3A_1947 : i32 to vector<16xi32>
      %min3A_1951 = arith.minsi %min3A_1950, %max3A_1949 : vector<16xi32>
      %add3A_1952 = arith.constant 8 : i32
      %add3A_1953 = vector.broadcast %add3A_1952 : i32 to vector<16xi32>
      %add3A_1954 = arith.addi %mul3A_1943, %add3A_1953 : vector<16xi32>
      %le3A_1955 = vector.broadcast %squeeze3A_1914 : i32 to vector<16xi32>
      %le3A_1956 = arith.cmpi sle, %add3A_1954, %le3A_1955 : vector<16xi32>
      %jit3A_1957 = arith.constant 402 : i32
      %broadcast_in_dim3A_1958 = vector.broadcast %jit3A_1957 : i32 to vector<16xi32>
      %select_n3A_1959 = arith.select %le3A_1956, %min3A_1951, %broadcast_in_dim3A_1958 : vector<16xi1>, vector<16xi32>
      %swap3A_1960 = arith.constant 59 : index
      %swap3A_1961 = tpu.vector_load %arg13[%swap3A_1960] {strides = array<i32>} : memref<200xi32, #tpu.memory_space<vmem>>, vector<16xi32>,
      %swap3A_1962 = vector.shape_cast %swap3A_1961 : vector<16xi32> to vector<16xi32>
      %swap3A_1963 = vector.shape_cast %select_n3A_1959 : vector<16xi32> to vector<16xi32>
      tpu.vector_store %arg13[%swap3A_1960], %swap3A_1963 {strides = array<i32>} : memref<200xi32, #tpu.memory_space<vmem>>, vector<16xi32>,
      %rem3A_1964 = arith.constant 8 : i32
      %rem3A_1965 = arith.remsi %squeeze3A_1914, %rem3A_1964 : i32
      %sub3A_1966 = arith.subi %squeeze3A_1914, %rem3A_1965 : i32
      %add3A_1967 = arith.addi %squeeze3A_1912, %sub3A_1966 : i32
      %lt3A_1968 = vector.broadcast %rem3A_1965 : i32 to vector<16xi32>
      %lt3A_1969 = arith.cmpi slt, %iota3A, %lt3A_1968 : vector<16xi32>
      %add3A_1970 = vector.broadcast %add3A_1967 : i32 to vector<16xi32>
      %add3A_1971 = arith.addi %add3A_1970, %iota3A : vector<16xi32>
      %jit3A_1972 = arith.constant 0 : i32
      %jit3A_1973 = arith.constant 401 : i32
      %max3A_1974 = vector.broadcast %jit3A_1972 : i32 to vector<16xi32>
      %max3A_1975 = arith.maxsi %max3A_1974, %add3A_1971 : vector<16xi32>
      %min3A_1976 = vector.broadcast %jit3A_1973 : i32 to vector<16xi32>
      %min3A_1977 = arith.minsi %min3A_1976, %max3A_1975 : vector<16xi32>
      %jit3A_1978 = arith.constant 0 : i32
      %broadcast_in_dim3A_1979 = vector.broadcast %jit3A_1978 : i32 to vector<16xi32>
      %select_n3A_1980 = arith.select %lt3A_1969, %min3A_1977, %broadcast_in_dim3A_1979 : vector<16xi1>, vector<16xi32>
      %swap3A_1981 = arith.constant 32 : index
      %swap3A_1982 = tpu.vector_load %arg15[%swap3A_1981] {strides = array<i32>} : memref<128xi32, #tpu.memory_space<vmem>>, vector<16xi32>,
      %swap3A_1983 = vector.shape_cast %swap3A_1982 : vector<16xi32> to vector<16xi32>
      %swap3A_1984 = vector.shape_cast %select_n3A_1980 : vector<16xi32> to vector<16xi32>
      tpu.vector_store %arg15[%swap3A_1981], %swap3A_1984 {strides = array<i32>} : memref<128xi32, #tpu.memory_space<vmem>>, vector<16xi32>,
      %lt3A_1985 = arith.constant 200 : i32
      %lt3A_1986 = arith.cmpi slt, %squeeze3A_1914, %lt3A_1985 : i32
      %div3A_1987 = arith.constant 8 : i32
      %div3A_1988 = arith.divsi %squeeze3A_1914, %div3A_1987 : i32
      %add3A_1989 = arith.constant 50 : i32
      %add3A_1990 = arith.addi %add3A_1989, %div3A_1988 : i32
      %jit3A_1991 = arith.constant 200 : i32
      %select_n3A_1992 = arith.select %lt3A_1986, %add3A_1990, %jit3A_1991 : i32
      %slice3A_1993 = vector.extract_strided_slice %sub3A_1083 {offsets = [11], sizes = [1], strides = [1]} : vector<16xi32> to vector<1xi32>
      %squeeze3A_1994 = vector.extract %slice3A_1993[0] : i32 from vector<1xi32>
      %slice3A_1995 = vector.extract_strided_slice %get3A_1080 {offsets = [11], sizes = [1], strides = [1]} : vector<16xi32> to vector<1xi32>
      %squeeze3A_1996 = vector.extract %slice3A_1995[0] : i32 from vector<1xi32>
      %mul3A_1997 = arith.constant 8 : i32
      %mul3A_1998 = vector.broadcast %mul3A_1997 : i32 to vector<16xi32>
      %mul3A_1999 = arith.muli %iota3A, %mul3A_1998 : vector<16xi32>
      %add3A_2000 = vector.broadcast %squeeze3A_1994 : i32 to vector<16xi32>
      %add3A_2001 = arith.addi %add3A_2000, %mul3A_1999 : vector<16xi32>
      %jit3A_2002 = arith.constant 0 : i32
      %jit3A_2003 = arith.constant 402 : i32
      %max3A_2004 = vector.broadcast %jit3A_2002 : i32 to vector<16xi32>
      %max3A_2005 = arith.maxsi %max3A_2004, %add3A_2001 : vector<16xi32>
      %min3A_2006 = vector.broadcast %jit3A_2003 : i32 to vector<16xi32>
      %min3A_2007 = arith.minsi %min3A_2006, %max3A_2005 : vector<16xi32>
      %add3A_2008 = arith.constant 8 : i32
      %add3A_2009 = vector.broadcast %add3A_2008 : i32 to vector<16xi32>
      %add3A_2010 = arith.addi %mul3A_1999, %add3A_2009 : vector<16xi32>
      %le3A_2011 = vector.broadcast %squeeze3A_1996 : i32 to vector<16xi32>
      %le3A_2012 = arith.cmpi sle, %add3A_2010, %le3A_2011 : vector<16xi32>
      %jit3A_2013 = arith.constant 402 : i32
      %broadcast_in_dim3A_2014 = vector.broadcast %jit3A_2013 : i32 to vector<16xi32>
      %select_n3A_2015 = arith.select %le3A_2012, %min3A_2007, %broadcast_in_dim3A_2014 : vector<16xi1>, vector<16xi32>
      %swap3A_2016 = arith.constant 75 : index
      %swap3A_2017 = tpu.vector_load %arg13[%swap3A_2016] {strides = array<i32>} : memref<200xi32, #tpu.memory_space<vmem>>, vector<16xi32>,
      %swap3A_2018 = vector.shape_cast %swap3A_2017 : vector<16xi32> to vector<16xi32>
      %swap3A_2019 = vector.shape_cast %select_n3A_2015 : vector<16xi32> to vector<16xi32>
      tpu.vector_store %arg13[%swap3A_2016], %swap3A_2019 {strides = array<i32>} : memref<200xi32, #tpu.memory_space<vmem>>, vector<16xi32>,
      %add3A_2020 = arith.constant 9 : i32
      %add3A_2021 = vector.broadcast %add3A_2020 : i32 to vector<16xi32>
      %add3A_2022 = arith.addi %iota3A, %add3A_2021 : vector<16xi32>
      %mul3A_2023 = arith.constant 8 : i32
      %mul3A_2024 = vector.broadcast %mul3A_2023 : i32 to vector<16xi32>
      %mul3A_2025 = arith.muli %add3A_2022, %mul3A_2024 : vector<16xi32>
      %add3A_2026 = vector.broadcast %squeeze3A_1994 : i32 to vector<16xi32>
      %add3A_2027 = arith.addi %add3A_2026, %mul3A_2025 : vector<16xi32>
      %jit3A_2028 = arith.constant 0 : i32
      %jit3A_2029 = arith.constant 402 : i32
      %max3A_2030 = vector.broadcast %jit3A_2028 : i32 to vector<16xi32>
      %max3A_2031 = arith.maxsi %max3A_2030, %add3A_2027 : vector<16xi32>
      %min3A_2032 = vector.broadcast %jit3A_2029 : i32 to vector<16xi32>
      %min3A_2033 = arith.minsi %min3A_2032, %max3A_2031 : vector<16xi32>
      %add3A_2034 = arith.constant 8 : i32
      %add3A_2035 = vector.broadcast %add3A_2034 : i32 to vector<16xi32>
      %add3A_2036 = arith.addi %mul3A_2025, %add3A_2035 : vector<16xi32>
      %le3A_2037 = vector.broadcast %squeeze3A_1996 : i32 to vector<16xi32>
      %le3A_2038 = arith.cmpi sle, %add3A_2036, %le3A_2037 : vector<16xi32>
      %jit3A_2039 = arith.constant 402 : i32
      %broadcast_in_dim3A_2040 = vector.broadcast %jit3A_2039 : i32 to vector<16xi32>
      %select_n3A_2041 = arith.select %le3A_2038, %min3A_2033, %broadcast_in_dim3A_2040 : vector<16xi1>, vector<16xi32>
      %swap3A_2042 = arith.constant 84 : index
      %swap3A_2043 = tpu.vector_load %arg13[%swap3A_2042] {strides = array<i32>} : memref<200xi32, #tpu.memory_space<vmem>>, vector<16xi32>,
      %swap3A_2044 = vector.shape_cast %swap3A_2043 : vector<16xi32> to vector<16xi32>
      %swap3A_2045 = vector.shape_cast %select_n3A_2041 : vector<16xi32> to vector<16xi32>
      tpu.vector_store %arg13[%swap3A_2042], %swap3A_2045 {strides = array<i32>} : memref<200xi32, #tpu.memory_space<vmem>>, vector<16xi32>,
      %rem3A_2046 = arith.constant 8 : i32
      %rem3A_2047 = arith.remsi %squeeze3A_1996, %rem3A_2046 : i32
      %sub3A_2048 = arith.subi %squeeze3A_1996, %rem3A_2047 : i32
      %add3A_2049 = arith.addi %squeeze3A_1994, %sub3A_2048 : i32
      %lt3A_2050 = vector.broadcast %rem3A_2047 : i32 to vector<16xi32>
      %lt3A_2051 = arith.cmpi slt, %iota3A, %lt3A_2050 : vector<16xi32>
      %add3A_2052 = vector.broadcast %add3A_2049 : i32 to vector<16xi32>
      %add3A_2053 = arith.addi %add3A_2052, %iota3A : vector<16xi32>
      %jit3A_2054 = arith.constant 0 : i32
      %jit3A_2055 = arith.constant 401 : i32
      %max3A_2056 = vector.broadcast %jit3A_2054 : i32 to vector<16xi32>
      %max3A_2057 = arith.maxsi %max3A_2056, %add3A_2053 : vector<16xi32>
      %min3A_2058 = vector.broadcast %jit3A_2055 : i32 to vector<16xi32>
      %min3A_2059 = arith.minsi %min3A_2058, %max3A_2057 : vector<16xi32>
      %jit3A_2060 = arith.constant 0 : i32
      %broadcast_in_dim3A_2061 = vector.broadcast %jit3A_2060 : i32 to vector<16xi32>
      %select_n3A_2062 = arith.select %lt3A_2051, %min3A_2059, %broadcast_in_dim3A_2061 : vector<16xi1>, vector<16xi32>
      %swap3A_2063 = arith.constant 48 : index
      %swap3A_2064 = tpu.vector_load %arg15[%swap3A_2063] {strides = array<i32>} : memref<128xi32, #tpu.memory_space<vmem>>, vector<16xi32>,
      %swap3A_2065 = vector.shape_cast %swap3A_2064 : vector<16xi32> to vector<16xi32>
      %swap3A_2066 = vector.shape_cast %select_n3A_2062 : vector<16xi32> to vector<16xi32>
      tpu.vector_store %arg15[%swap3A_2063], %swap3A_2066 {strides = array<i32>} : memref<128xi32, #tpu.memory_space<vmem>>, vector<16xi32>,
      %lt3A_2067 = arith.constant 200 : i32
      %lt3A_2068 = arith.cmpi slt, %squeeze3A_1996, %lt3A_2067 : i32
      %div3A_2069 = arith.constant 8 : i32
      %div3A_2070 = arith.divsi %squeeze3A_1996, %div3A_2069 : i32
      %add3A_2071 = arith.constant 75 : i32
      %add3A_2072 = arith.addi %add3A_2071, %div3A_2070 : i32
      %jit3A_2073 = arith.constant 200 : i32
      %select_n3A_2074 = arith.select %lt3A_2068, %add3A_2072, %jit3A_2073 : i32
      %slice3A_2075 = vector.extract_strided_slice %sub3A_1083 {offsets = [12], sizes = [1], strides = [1]} : vector<16xi32> to vector<1xi32>
      %squeeze3A_2076 = vector.extract %slice3A_2075[0] : i32 from vector<1xi32>
      %slice3A_2077 = vector.extract_strided_slice %get3A_1080 {offsets = [12], sizes = [1], strides = [1]} : vector<16xi32> to vector<1xi32>
      %squeeze3A_2078 = vector.extract %slice3A_2077[0] : i32 from vector<1xi32>
      %mul3A_2079 = arith.constant 8 : i32
      %mul3A_2080 = vector.broadcast %mul3A_2079 : i32 to vector<16xi32>
      %mul3A_2081 = arith.muli %iota3A, %mul3A_2080 : vector<16xi32>
      %add3A_2082 = vector.broadcast %squeeze3A_2076 : i32 to vector<16xi32>
      %add3A_2083 = arith.addi %add3A_2082, %mul3A_2081 : vector<16xi32>
      %jit3A_2084 = arith.constant 0 : i32
      %jit3A_2085 = arith.constant 402 : i32
      %max3A_2086 = vector.broadcast %jit3A_2084 : i32 to vector<16xi32>
      %max3A_2087 = arith.maxsi %max3A_2086, %add3A_2083 : vector<16xi32>
      %min3A_2088 = vector.broadcast %jit3A_2085 : i32 to vector<16xi32>
      %min3A_2089 = arith.minsi %min3A_2088, %max3A_2087 : vector<16xi32>
      %add3A_2090 = arith.constant 8 : i32
      %add3A_2091 = vector.broadcast %add3A_2090 : i32 to vector<16xi32>
      %add3A_2092 = arith.addi %mul3A_2081, %add3A_2091 : vector<16xi32>
      %le3A_2093 = vector.broadcast %squeeze3A_2078 : i32 to vector<16xi32>
      %le3A_2094 = arith.cmpi sle, %add3A_2092, %le3A_2093 : vector<16xi32>
      %jit3A_2095 = arith.constant 402 : i32
      %broadcast_in_dim3A_2096 = vector.broadcast %jit3A_2095 : i32 to vector<16xi32>
      %select_n3A_2097 = arith.select %le3A_2094, %min3A_2089, %broadcast_in_dim3A_2096 : vector<16xi1>, vector<16xi32>
      %swap3A_2098 = arith.constant 100 : index
      %swap3A_2099 = tpu.vector_load %arg13[%swap3A_2098] {strides = array<i32>} : memref<200xi32, #tpu.memory_space<vmem>>, vector<16xi32>,
      %swap3A_2100 = vector.shape_cast %swap3A_2099 : vector<16xi32> to vector<16xi32>
      %swap3A_2101 = vector.shape_cast %select_n3A_2097 : vector<16xi32> to vector<16xi32>
      tpu.vector_store %arg13[%swap3A_2098], %swap3A_2101 {strides = array<i32>} : memref<200xi32, #tpu.memory_space<vmem>>, vector<16xi32>,
      %add3A_2102 = arith.constant 9 : i32
      %add3A_2103 = vector.broadcast %add3A_2102 : i32 to vector<16xi32>
      %add3A_2104 = arith.addi %iota3A, %add3A_2103 : vector<16xi32>
      %mul3A_2105 = arith.constant 8 : i32
      %mul3A_2106 = vector.broadcast %mul3A_2105 : i32 to vector<16xi32>
      %mul3A_2107 = arith.muli %add3A_2104, %mul3A_2106 : vector<16xi32>
      %add3A_2108 = vector.broadcast %squeeze3A_2076 : i32 to vector<16xi32>
      %add3A_2109 = arith.addi %add3A_2108, %mul3A_2107 : vector<16xi32>
      %jit3A_2110 = arith.constant 0 : i32
      %jit3A_2111 = arith.constant 402 : i32
      %max3A_2112 = vector.broadcast %jit3A_2110 : i32 to vector<16xi32>
      %max3A_2113 = arith.maxsi %max3A_2112, %add3A_2109 : vector<16xi32>
      %min3A_2114 = vector.broadcast %jit3A_2111 : i32 to vector<16xi32>
      %min3A_2115 = arith.minsi %min3A_2114, %max3A_2113 : vector<16xi32>
      %add3A_2116 = arith.constant 8 : i32
      %add3A_2117 = vector.broadcast %add3A_2116 : i32 to vector<16xi32>
      %add3A_2118 = arith.addi %mul3A_2107, %add3A_2117 : vector<16xi32>
      %le3A_2119 = vector.broadcast %squeeze3A_2078 : i32 to vector<16xi32>
      %le3A_2120 = arith.cmpi sle, %add3A_2118, %le3A_2119 : vector<16xi32>
      %jit3A_2121 = arith.constant 402 : i32
      %broadcast_in_dim3A_2122 = vector.broadcast %jit3A_2121 : i32 to vector<16xi32>
      %select_n3A_2123 = arith.select %le3A_2120, %min3A_2115, %broadcast_in_dim3A_2122 : vector<16xi1>, vector<16xi32>
      %swap3A_2124 = arith.constant 109 : index
      %swap3A_2125 = tpu.vector_load %arg13[%swap3A_2124] {strides = array<i32>} : memref<200xi32, #tpu.memory_space<vmem>>, vector<16xi32>,
      %swap3A_2126 = vector.shape_cast %swap3A_2125 : vector<16xi32> to vector<16xi32>
      %swap3A_2127 = vector.shape_cast %select_n3A_2123 : vector<16xi32> to vector<16xi32>
      tpu.vector_store %arg13[%swap3A_2124], %swap3A_2127 {strides = array<i32>} : memref<200xi32, #tpu.memory_space<vmem>>, vector<16xi32>,
      %rem3A_2128 = arith.constant 8 : i32
      %rem3A_2129 = arith.remsi %squeeze3A_2078, %rem3A_2128 : i32
      %sub3A_2130 = arith.subi %squeeze3A_2078, %rem3A_2129 : i32
      %add3A_2131 = arith.addi %squeeze3A_2076, %sub3A_2130 : i32
      %lt3A_2132 = vector.broadcast %rem3A_2129 : i32 to vector<16xi32>
      %lt3A_2133 = arith.cmpi slt, %iota3A, %lt3A_2132 : vector<16xi32>
      %add3A_2134 = vector.broadcast %add3A_2131 : i32 to vector<16xi32>
      %add3A_2135 = arith.addi %add3A_2134, %iota3A : vector<16xi32>
      %jit3A_2136 = arith.constant 0 : i32
      %jit3A_2137 = arith.constant 401 : i32
      %max3A_2138 = vector.broadcast %jit3A_2136 : i32 to vector<16xi32>
      %max3A_2139 = arith.maxsi %max3A_2138, %add3A_2135 : vector<16xi32>
      %min3A_2140 = vector.broadcast %jit3A_2137 : i32 to vector<16xi32>
      %min3A_2141 = arith.minsi %min3A_2140, %max3A_2139 : vector<16xi32>
      %jit3A_2142 = arith.constant 0 : i32
      %broadcast_in_dim3A_2143 = vector.broadcast %jit3A_2142 : i32 to vector<16xi32>
      %select_n3A_2144 = arith.select %lt3A_2133, %min3A_2141, %broadcast_in_dim3A_2143 : vector<16xi1>, vector<16xi32>
      %swap3A_2145 = arith.constant 64 : index
      %swap3A_2146 = tpu.vector_load %arg15[%swap3A_2145] {strides = array<i32>} : memref<128xi32, #tpu.memory_space<vmem>>, vector<16xi32>,
      %swap3A_2147 = vector.shape_cast %swap3A_2146 : vector<16xi32> to vector<16xi32>
      %swap3A_2148 = vector.shape_cast %select_n3A_2144 : vector<16xi32> to vector<16xi32>
      tpu.vector_store %arg15[%swap3A_2145], %swap3A_2148 {strides = array<i32>} : memref<128xi32, #tpu.memory_space<vmem>>, vector<16xi32>,
      %lt3A_2149 = arith.constant 200 : i32
      %lt3A_2150 = arith.cmpi slt, %squeeze3A_2078, %lt3A_2149 : i32
      %div3A_2151 = arith.constant 8 : i32
      %div3A_2152 = arith.divsi %squeeze3A_2078, %div3A_2151 : i32
      %add3A_2153 = arith.constant 100 : i32
      %add3A_2154 = arith.addi %add3A_2153, %div3A_2152 : i32
      %jit3A_2155 = arith.constant 200 : i32
      %select_n3A_2156 = arith.select %lt3A_2150, %add3A_2154, %jit3A_2155 : i32
      %slice3A_2157 = vector.extract_strided_slice %sub3A_1083 {offsets = [13], sizes = [1], strides = [1]} : vector<16xi32> to vector<1xi32>
      %squeeze3A_2158 = vector.extract %slice3A_2157[0] : i32 from vector<1xi32>
      %slice3A_2159 = vector.extract_strided_slice %get3A_1080 {offsets = [13], sizes = [1], strides = [1]} : vector<16xi32> to vector<1xi32>
      %squeeze3A_2160 = vector.extract %slice3A_2159[0] : i32 from vector<1xi32>
      %mul3A_2161 = arith.constant 8 : i32
      %mul3A_2162 = vector.broadcast %mul3A_2161 : i32 to vector<16xi32>
      %mul3A_2163 = arith.muli %iota3A, %mul3A_2162 : vector<16xi32>
      %add3A_2164 = vector.broadcast %squeeze3A_2158 : i32 to vector<16xi32>
      %add3A_2165 = arith.addi %add3A_2164, %mul3A_2163 : vector<16xi32>
      %jit3A_2166 = arith.constant 0 : i32
      %jit3A_2167 = arith.constant 402 : i32
      %max3A_2168 = vector.broadcast %jit3A_2166 : i32 to vector<16xi32>
      %max3A_2169 = arith.maxsi %max3A_2168, %add3A_2165 : vector<16xi32>
      %min3A_2170 = vector.broadcast %jit3A_2167 : i32 to vector<16xi32>
      %min3A_2171 = arith.minsi %min3A_2170, %max3A_2169 : vector<16xi32>
      %add3A_2172 = arith.constant 8 : i32
      %add3A_2173 = vector.broadcast %add3A_2172 : i32 to vector<16xi32>
      %add3A_2174 = arith.addi %mul3A_2163, %add3A_2173 : vector<16xi32>
      %le3A_2175 = vector.broadcast %squeeze3A_2160 : i32 to vector<16xi32>
      %le3A_2176 = arith.cmpi sle, %add3A_2174, %le3A_2175 : vector<16xi32>
      %jit3A_2177 = arith.constant 402 : i32
      %broadcast_in_dim3A_2178 = vector.broadcast %jit3A_2177 : i32 to vector<16xi32>
      %select_n3A_2179 = arith.select %le3A_2176, %min3A_2171, %broadcast_in_dim3A_2178 : vector<16xi1>, vector<16xi32>
      %swap3A_2180 = arith.constant 125 : index
      %swap3A_2181 = tpu.vector_load %arg13[%swap3A_2180] {strides = array<i32>} : memref<200xi32, #tpu.memory_space<vmem>>, vector<16xi32>,
      %swap3A_2182 = vector.shape_cast %swap3A_2181 : vector<16xi32> to vector<16xi32>
      %swap3A_2183 = vector.shape_cast %select_n3A_2179 : vector<16xi32> to vector<16xi32>
      tpu.vector_store %arg13[%swap3A_2180], %swap3A_2183 {strides = array<i32>} : memref<200xi32, #tpu.memory_space<vmem>>, vector<16xi32>,
      %add3A_2184 = arith.constant 9 : i32
      %add3A_2185 = vector.broadcast %add3A_2184 : i32 to vector<16xi32>
      %add3A_2186 = arith.addi %iota3A, %add3A_2185 : vector<16xi32>
      %mul3A_2187 = arith.constant 8 : i32
      %mul3A_2188 = vector.broadcast %mul3A_2187 : i32 to vector<16xi32>
      %mul3A_2189 = arith.muli %add3A_2186, %mul3A_2188 : vector<16xi32>
      %add3A_2190 = vector.broadcast %squeeze3A_2158 : i32 to vector<16xi32>
      %add3A_2191 = arith.addi %add3A_2190, %mul3A_2189 : vector<16xi32>
      %jit3A_2192 = arith.constant 0 : i32
      %jit3A_2193 = arith.constant 402 : i32
      %max3A_2194 = vector.broadcast %jit3A_2192 : i32 to vector<16xi32>
      %max3A_2195 = arith.maxsi %max3A_2194, %add3A_2191 : vector<16xi32>
      %min3A_2196 = vector.broadcast %jit3A_2193 : i32 to vector<16xi32>
      %min3A_2197 = arith.minsi %min3A_2196, %max3A_2195 : vector<16xi32>
      %add3A_2198 = arith.constant 8 : i32
      %add3A_2199 = vector.broadcast %add3A_2198 : i32 to vector<16xi32>
      %add3A_2200 = arith.addi %mul3A_2189, %add3A_2199 : vector<16xi32>
      %le3A_2201 = vector.broadcast %squeeze3A_2160 : i32 to vector<16xi32>
      %le3A_2202 = arith.cmpi sle, %add3A_2200, %le3A_2201 : vector<16xi32>
      %jit3A_2203 = arith.constant 402 : i32
      %broadcast_in_dim3A_2204 = vector.broadcast %jit3A_2203 : i32 to vector<16xi32>
      %select_n3A_2205 = arith.select %le3A_2202, %min3A_2197, %broadcast_in_dim3A_2204 : vector<16xi1>, vector<16xi32>
      %swap3A_2206 = arith.constant 134 : index
      %swap3A_2207 = tpu.vector_load %arg13[%swap3A_2206] {strides = array<i32>} : memref<200xi32, #tpu.memory_space<vmem>>, vector<16xi32>,
      %swap3A_2208 = vector.shape_cast %swap3A_2207 : vector<16xi32> to vector<16xi32>
      %swap3A_2209 = vector.shape_cast %select_n3A_2205 : vector<16xi32> to vector<16xi32>
      tpu.vector_store %arg13[%swap3A_2206], %swap3A_2209 {strides = array<i32>} : memref<200xi32, #tpu.memory_space<vmem>>, vector<16xi32>,
      %rem3A_2210 = arith.constant 8 : i32
      %rem3A_2211 = arith.remsi %squeeze3A_2160, %rem3A_2210 : i32
      %sub3A_2212 = arith.subi %squeeze3A_2160, %rem3A_2211 : i32
      %add3A_2213 = arith.addi %squeeze3A_2158, %sub3A_2212 : i32
      %lt3A_2214 = vector.broadcast %rem3A_2211 : i32 to vector<16xi32>
      %lt3A_2215 = arith.cmpi slt, %iota3A, %lt3A_2214 : vector<16xi32>
      %add3A_2216 = vector.broadcast %add3A_2213 : i32 to vector<16xi32>
      %add3A_2217 = arith.addi %add3A_2216, %iota3A : vector<16xi32>
      %jit3A_2218 = arith.constant 0 : i32
      %jit3A_2219 = arith.constant 401 : i32
      %max3A_2220 = vector.broadcast %jit3A_2218 : i32 to vector<16xi32>
      %max3A_2221 = arith.maxsi %max3A_2220, %add3A_2217 : vector<16xi32>
      %min3A_2222 = vector.broadcast %jit3A_2219 : i32 to vector<16xi32>
      %min3A_2223 = arith.minsi %min3A_2222, %max3A_2221 : vector<16xi32>
      %jit3A_2224 = arith.constant 0 : i32
      %broadcast_in_dim3A_2225 = vector.broadcast %jit3A_2224 : i32 to vector<16xi32>
      %select_n3A_2226 = arith.select %lt3A_2215, %min3A_2223, %broadcast_in_dim3A_2225 : vector<16xi1>, vector<16xi32>
      %swap3A_2227 = arith.constant 80 : index
      %swap3A_2228 = tpu.vector_load %arg15[%swap3A_2227] {strides = array<i32>} : memref<128xi32, #tpu.memory_space<vmem>>, vector<16xi32>,
      %swap3A_2229 = vector.shape_cast %swap3A_2228 : vector<16xi32> to vector<16xi32>
      %swap3A_2230 = vector.shape_cast %select_n3A_2226 : vector<16xi32> to vector<16xi32>
      tpu.vector_store %arg15[%swap3A_2227], %swap3A_2230 {strides = array<i32>} : memref<128xi32, #tpu.memory_space<vmem>>, vector<16xi32>,
      %lt3A_2231 = arith.constant 200 : i32
      %lt3A_2232 = arith.cmpi slt, %squeeze3A_2160, %lt3A_2231 : i32
      %div3A_2233 = arith.constant 8 : i32
      %div3A_2234 = arith.divsi %squeeze3A_2160, %div3A_2233 : i32
      %add3A_2235 = arith.constant 125 : i32
      %add3A_2236 = arith.addi %add3A_2235, %div3A_2234 : i32
      %jit3A_2237 = arith.constant 200 : i32
      %select_n3A_2238 = arith.select %lt3A_2232, %add3A_2236, %jit3A_2237 : i32
      %slice3A_2239 = vector.extract_strided_slice %sub3A_1083 {offsets = [14], sizes = [1], strides = [1]} : vector<16xi32> to vector<1xi32>
      %squeeze3A_2240 = vector.extract %slice3A_2239[0] : i32 from vector<1xi32>
      %slice3A_2241 = vector.extract_strided_slice %get3A_1080 {offsets = [14], sizes = [1], strides = [1]} : vector<16xi32> to vector<1xi32>
      %squeeze3A_2242 = vector.extract %slice3A_2241[0] : i32 from vector<1xi32>
      %mul3A_2243 = arith.constant 8 : i32
      %mul3A_2244 = vector.broadcast %mul3A_2243 : i32 to vector<16xi32>
      %mul3A_2245 = arith.muli %iota3A, %mul3A_2244 : vector<16xi32>
      %add3A_2246 = vector.broadcast %squeeze3A_2240 : i32 to vector<16xi32>
      %add3A_2247 = arith.addi %add3A_2246, %mul3A_2245 : vector<16xi32>
      %jit3A_2248 = arith.constant 0 : i32
      %jit3A_2249 = arith.constant 402 : i32
      %max3A_2250 = vector.broadcast %jit3A_2248 : i32 to vector<16xi32>
      %max3A_2251 = arith.maxsi %max3A_2250, %add3A_2247 : vector<16xi32>
      %min3A_2252 = vector.broadcast %jit3A_2249 : i32 to vector<16xi32>
      %min3A_2253 = arith.minsi %min3A_2252, %max3A_2251 : vector<16xi32>
      %add3A_2254 = arith.constant 8 : i32
      %add3A_2255 = vector.broadcast %add3A_2254 : i32 to vector<16xi32>
      %add3A_2256 = arith.addi %mul3A_2245, %add3A_2255 : vector<16xi32>
      %le3A_2257 = vector.broadcast %squeeze3A_2242 : i32 to vector<16xi32>
      %le3A_2258 = arith.cmpi sle, %add3A_2256, %le3A_2257 : vector<16xi32>
      %jit3A_2259 = arith.constant 402 : i32
      %broadcast_in_dim3A_2260 = vector.broadcast %jit3A_2259 : i32 to vector<16xi32>
      %select_n3A_2261 = arith.select %le3A_2258, %min3A_2253, %broadcast_in_dim3A_2260 : vector<16xi1>, vector<16xi32>
      %swap3A_2262 = arith.constant 150 : index
      %swap3A_2263 = tpu.vector_load %arg13[%swap3A_2262] {strides = array<i32>} : memref<200xi32, #tpu.memory_space<vmem>>, vector<16xi32>,
      %swap3A_2264 = vector.shape_cast %swap3A_2263 : vector<16xi32> to vector<16xi32>
      %swap3A_2265 = vector.shape_cast %select_n3A_2261 : vector<16xi32> to vector<16xi32>
      tpu.vector_store %arg13[%swap3A_2262], %swap3A_2265 {strides = array<i32>} : memref<200xi32, #tpu.memory_space<vmem>>, vector<16xi32>,
      %add3A_2266 = arith.constant 9 : i32
      %add3A_2267 = vector.broadcast %add3A_2266 : i32 to vector<16xi32>
      %add3A_2268 = arith.addi %iota3A, %add3A_2267 : vector<16xi32>
      %mul3A_2269 = arith.constant 8 : i32
      %mul3A_2270 = vector.broadcast %mul3A_2269 : i32 to vector<16xi32>
      %mul3A_2271 = arith.muli %add3A_2268, %mul3A_2270 : vector<16xi32>
      %add3A_2272 = vector.broadcast %squeeze3A_2240 : i32 to vector<16xi32>
      %add3A_2273 = arith.addi %add3A_2272, %mul3A_2271 : vector<16xi32>
      %jit3A_2274 = arith.constant 0 : i32
      %jit3A_2275 = arith.constant 402 : i32
      %max3A_2276 = vector.broadcast %jit3A_2274 : i32 to vector<16xi32>
      %max3A_2277 = arith.maxsi %max3A_2276, %add3A_2273 : vector<16xi32>
      %min3A_2278 = vector.broadcast %jit3A_2275 : i32 to vector<16xi32>
      %min3A_2279 = arith.minsi %min3A_2278, %max3A_2277 : vector<16xi32>
      %add3A_2280 = arith.constant 8 : i32
      %add3A_2281 = vector.broadcast %add3A_2280 : i32 to vector<16xi32>
      %add3A_2282 = arith.addi %mul3A_2271, %add3A_2281 : vector<16xi32>
      %le3A_2283 = vector.broadcast %squeeze3A_2242 : i32 to vector<16xi32>
      %le3A_2284 = arith.cmpi sle, %add3A_2282, %le3A_2283 : vector<16xi32>
      %jit3A_2285 = arith.constant 402 : i32
      %broadcast_in_dim3A_2286 = vector.broadcast %jit3A_2285 : i32 to vector<16xi32>
      %select_n3A_2287 = arith.select %le3A_2284, %min3A_2279, %broadcast_in_dim3A_2286 : vector<16xi1>, vector<16xi32>
      %swap3A_2288 = arith.constant 159 : index
      %swap3A_2289 = tpu.vector_load %arg13[%swap3A_2288] {strides = array<i32>} : memref<200xi32, #tpu.memory_space<vmem>>, vector<16xi32>,
      %swap3A_2290 = vector.shape_cast %swap3A_2289 : vector<16xi32> to vector<16xi32>
      %swap3A_2291 = vector.shape_cast %select_n3A_2287 : vector<16xi32> to vector<16xi32>
      tpu.vector_store %arg13[%swap3A_2288], %swap3A_2291 {strides = array<i32>} : memref<200xi32, #tpu.memory_space<vmem>>, vector<16xi32>,
      %rem3A_2292 = arith.constant 8 : i32
      %rem3A_2293 = arith.remsi %squeeze3A_2242, %rem3A_2292 : i32
      %sub3A_2294 = arith.subi %squeeze3A_2242, %rem3A_2293 : i32
      %add3A_2295 = arith.addi %squeeze3A_2240, %sub3A_2294 : i32
      %lt3A_2296 = vector.broadcast %rem3A_2293 : i32 to vector<16xi32>
      %lt3A_2297 = arith.cmpi slt, %iota3A, %lt3A_2296 : vector<16xi32>
      %add3A_2298 = vector.broadcast %add3A_2295 : i32 to vector<16xi32>
      %add3A_2299 = arith.addi %add3A_2298, %iota3A : vector<16xi32>
      %jit3A_2300 = arith.constant 0 : i32
      %jit3A_2301 = arith.constant 401 : i32
      %max3A_2302 = vector.broadcast %jit3A_2300 : i32 to vector<16xi32>
      %max3A_2303 = arith.maxsi %max3A_2302, %add3A_2299 : vector<16xi32>
      %min3A_2304 = vector.broadcast %jit3A_2301 : i32 to vector<16xi32>
      %min3A_2305 = arith.minsi %min3A_2304, %max3A_2303 : vector<16xi32>
      %jit3A_2306 = arith.constant 0 : i32
      %broadcast_in_dim3A_2307 = vector.broadcast %jit3A_2306 : i32 to vector<16xi32>
      %select_n3A_2308 = arith.select %lt3A_2297, %min3A_2305, %broadcast_in_dim3A_2307 : vector<16xi1>, vector<16xi32>
      %swap3A_2309 = arith.constant 96 : index
      %swap3A_2310 = tpu.vector_load %arg15[%swap3A_2309] {strides = array<i32>} : memref<128xi32, #tpu.memory_space<vmem>>, vector<16xi32>,
      %swap3A_2311 = vector.shape_cast %swap3A_2310 : vector<16xi32> to vector<16xi32>
      %swap3A_2312 = vector.shape_cast %select_n3A_2308 : vector<16xi32> to vector<16xi32>
      tpu.vector_store %arg15[%swap3A_2309], %swap3A_2312 {strides = array<i32>} : memref<128xi32, #tpu.memory_space<vmem>>, vector<16xi32>,
      %lt3A_2313 = arith.constant 200 : i32
      %lt3A_2314 = arith.cmpi slt, %squeeze3A_2242, %lt3A_2313 : i32
      %div3A_2315 = arith.constant 8 : i32
      %div3A_2316 = arith.divsi %squeeze3A_2242, %div3A_2315 : i32
      %add3A_2317 = arith.constant 150 : i32
      %add3A_2318 = arith.addi %add3A_2317, %div3A_2316 : i32
      %jit3A_2319 = arith.constant 200 : i32
      %select_n3A_2320 = arith.select %lt3A_2314, %add3A_2318, %jit3A_2319 : i32
      %slice3A_2321 = vector.extract_strided_slice %sub3A_1083 {offsets = [15], sizes = [1], strides = [1]} : vector<16xi32> to vector<1xi32>
      %squeeze3A_2322 = vector.extract %slice3A_2321[0] : i32 from vector<1xi32>
      %slice3A_2323 = vector.extract_strided_slice %get3A_1080 {offsets = [15], sizes = [1], strides = [1]} : vector<16xi32> to vector<1xi32>
      %squeeze3A_2324 = vector.extract %slice3A_2323[0] : i32 from vector<1xi32>
      %mul3A_2325 = arith.constant 8 : i32
      %mul3A_2326 = vector.broadcast %mul3A_2325 : i32 to vector<16xi32>
      %mul3A_2327 = arith.muli %iota3A, %mul3A_2326 : vector<16xi32>
      %add3A_2328 = vector.broadcast %squeeze3A_2322 : i32 to vector<16xi32>
      %add3A_2329 = arith.addi %add3A_2328, %mul3A_2327 : vector<16xi32>
      %jit3A_2330 = arith.constant 0 : i32
      %jit3A_2331 = arith.constant 402 : i32
      %max3A_2332 = vector.broadcast %jit3A_2330 : i32 to vector<16xi32>
      %max3A_2333 = arith.maxsi %max3A_2332, %add3A_2329 : vector<16xi32>
      %min3A_2334 = vector.broadcast %jit3A_2331 : i32 to vector<16xi32>
      %min3A_2335 = arith.minsi %min3A_2334, %max3A_2333 : vector<16xi32>
      %add3A_2336 = arith.constant 8 : i32
      %add3A_2337 = vector.broadcast %add3A_2336 : i32 to vector<16xi32>
      %add3A_2338 = arith.addi %mul3A_2327, %add3A_2337 : vector<16xi32>
      %le3A_2339 = vector.broadcast %squeeze3A_2324 : i32 to vector<16xi32>
      %le3A_2340 = arith.cmpi sle, %add3A_2338, %le3A_2339 : vector<16xi32>
      %jit3A_2341 = arith.constant 402 : i32
      %broadcast_in_dim3A_2342 = vector.broadcast %jit3A_2341 : i32 to vector<16xi32>
      %select_n3A_2343 = arith.select %le3A_2340, %min3A_2335, %broadcast_in_dim3A_2342 : vector<16xi1>, vector<16xi32>
      %swap3A_2344 = arith.constant 175 : index
      %swap3A_2345 = tpu.vector_load %arg13[%swap3A_2344] {strides = array<i32>} : memref<200xi32, #tpu.memory_space<vmem>>, vector<16xi32>,
      %swap3A_2346 = vector.shape_cast %swap3A_2345 : vector<16xi32> to vector<16xi32>
      %swap3A_2347 = vector.shape_cast %select_n3A_2343 : vector<16xi32> to vector<16xi32>
      tpu.vector_store %arg13[%swap3A_2344], %swap3A_2347 {strides = array<i32>} : memref<200xi32, #tpu.memory_space<vmem>>, vector<16xi32>,
      %add3A_2348 = arith.constant 9 : i32
      %add3A_2349 = vector.broadcast %add3A_2348 : i32 to vector<16xi32>
      %add3A_2350 = arith.addi %iota3A, %add3A_2349 : vector<16xi32>
      %mul3A_2351 = arith.constant 8 : i32
      %mul3A_2352 = vector.broadcast %mul3A_2351 : i32 to vector<16xi32>
      %mul3A_2353 = arith.muli %add3A_2350, %mul3A_2352 : vector<16xi32>
      %add3A_2354 = vector.broadcast %squeeze3A_2322 : i32 to vector<16xi32>
      %add3A_2355 = arith.addi %add3A_2354, %mul3A_2353 : vector<16xi32>
      %jit3A_2356 = arith.constant 0 : i32
      %jit3A_2357 = arith.constant 402 : i32
      %max3A_2358 = vector.broadcast %jit3A_2356 : i32 to vector<16xi32>
      %max3A_2359 = arith.maxsi %max3A_2358, %add3A_2355 : vector<16xi32>
      %min3A_2360 = vector.broadcast %jit3A_2357 : i32 to vector<16xi32>
      %min3A_2361 = arith.minsi %min3A_2360, %max3A_2359 : vector<16xi32>
      %add3A_2362 = arith.constant 8 : i32
      %add3A_2363 = vector.broadcast %add3A_2362 : i32 to vector<16xi32>
      %add3A_2364 = arith.addi %mul3A_2353, %add3A_2363 : vector<16xi32>
      %le3A_2365 = vector.broadcast %squeeze3A_2324 : i32 to vector<16xi32>
      %le3A_2366 = arith.cmpi sle, %add3A_2364, %le3A_2365 : vector<16xi32>
      %jit3A_2367 = arith.constant 402 : i32
      %broadcast_in_dim3A_2368 = vector.broadcast %jit3A_2367 : i32 to vector<16xi32>
      %select_n3A_2369 = arith.select %le3A_2366, %min3A_2361, %broadcast_in_dim3A_2368 : vector<16xi1>, vector<16xi32>
      %swap3A_2370 = arith.constant 184 : index
      %swap3A_2371 = tpu.vector_load %arg13[%swap3A_2370] {strides = array<i32>} : memref<200xi32, #tpu.memory_space<vmem>>, vector<16xi32>,
      %swap3A_2372 = vector.shape_cast %swap3A_2371 : vector<16xi32> to vector<16xi32>
      %swap3A_2373 = vector.shape_cast %select_n3A_2369 : vector<16xi32> to vector<16xi32>
      tpu.vector_store %arg13[%swap3A_2370], %swap3A_2373 {strides = array<i32>} : memref<200xi32, #tpu.memory_space<vmem>>, vector<16xi32>,
      %rem3A_2374 = arith.constant 8 : i32
      %rem3A_2375 = arith.remsi %squeeze3A_2324, %rem3A_2374 : i32
      %sub3A_2376 = arith.subi %squeeze3A_2324, %rem3A_2375 : i32
      %add3A_2377 = arith.addi %squeeze3A_2322, %sub3A_2376 : i32
      %lt3A_2378 = vector.broadcast %rem3A_2375 : i32 to vector<16xi32>
      %lt3A_2379 = arith.cmpi slt, %iota3A, %lt3A_2378 : vector<16xi32>
      %add3A_2380 = vector.broadcast %add3A_2377 : i32 to vector<16xi32>
      %add3A_2381 = arith.addi %add3A_2380, %iota3A : vector<16xi32>
      %jit3A_2382 = arith.constant 0 : i32
      %jit3A_2383 = arith.constant 401 : i32
      %max3A_2384 = vector.broadcast %jit3A_2382 : i32 to vector<16xi32>
      %max3A_2385 = arith.maxsi %max3A_2384, %add3A_2381 : vector<16xi32>
      %min3A_2386 = vector.broadcast %jit3A_2383 : i32 to vector<16xi32>
      %min3A_2387 = arith.minsi %min3A_2386, %max3A_2385 : vector<16xi32>
      %jit3A_2388 = arith.constant 0 : i32
      %broadcast_in_dim3A_2389 = vector.broadcast %jit3A_2388 : i32 to vector<16xi32>
      %select_n3A_2390 = arith.select %lt3A_2379, %min3A_2387, %broadcast_in_dim3A_2389 : vector<16xi1>, vector<16xi32>
      %swap3A_2391 = arith.constant 112 : index
      %swap3A_2392 = tpu.vector_load %arg15[%swap3A_2391] {strides = array<i32>} : memref<128xi32, #tpu.memory_space<vmem>>, vector<16xi32>,
      %swap3A_2393 = vector.shape_cast %swap3A_2392 : vector<16xi32> to vector<16xi32>
      %swap3A_2394 = vector.shape_cast %select_n3A_2390 : vector<16xi32> to vector<16xi32>
      tpu.vector_store %arg15[%swap3A_2391], %swap3A_2394 {strides = array<i32>} : memref<128xi32, #tpu.memory_space<vmem>>, vector<16xi32>,
      %lt3A_2395 = arith.constant 200 : i32
      %lt3A_2396 = arith.cmpi slt, %squeeze3A_2324, %lt3A_2395 : i32
      %div3A_2397 = arith.constant 8 : i32
      %div3A_2398 = arith.divsi %squeeze3A_2324, %div3A_2397 : i32
      %add3A_2399 = arith.constant 175 : i32
      %add3A_2400 = arith.addi %add3A_2399, %div3A_2398 : i32
      %jit3A_2401 = arith.constant 200 : i32
      %select_n3A_2402 = arith.select %lt3A_2396, %add3A_2400, %jit3A_2401 : i32
      %gt3A_2403 = arith.constant 0 : i32
      %gt3A_2404 = arith.cmpi sgt, %scan3A_1067, %gt3A_2403 : i32
      %convert_element_type3A_2405 = arith.extui %gt3A_2404 : i1 to i32
      %cond3A_2406 = arith.constant 0 : i32
      %cond3A_2407 = arith.cmpi ne, %convert_element_type3A_2405, %cond3A_2406 : i32
      scf.if %cond3A_2407 {
        %add3A_3040 = arith.constant 0 : i32
        %add3A_3041 = arith.addi %add3A_1090, %add3A_3040 : i32
        %dma_wait3A_3042 = arith.constant 0 : i32
        %dma_wait3A_3043 = arith.constant 0 : i32
        %dma_wait3A_3044 = arith.constant 0 : i32
        %dma_wait3A_3045 = tpu.memref_slice %arg17[%dma_wait3A_3042, %dma_wait3A_3043, %dma_wait3A_3044] : memref<201x8x32xf32, #tpu.memory_space<vmem>> -> memref<25x8x32xf32, #tpu.memory_space<vmem>>
        %dma_wait3A_3046 = arith.constant 0 : i32
        %dma_wait3A_3047 = arith.constant 0 : i32
        %dma_wait3A_3048 = arith.constant 0 : i32
        %dma_wait3A_3049 = tpu.memref_slice %arg5[%add3A_3041, %dma_wait3A_3046, %dma_wait3A_3047, %dma_wait3A_3048] : memref<4096x25x8x128xf32, #tpu.memory_space<hbm>> -> memref<1x25x8x32xf32, #tpu.memory_space<hbm>>
        %dma_wait3A_3050 = tpu.memref_squeeze %dma_wait3A_3049 : memref<1x25x8x32xf32, #tpu.memory_space<hbm>> -> memref<25x8x32xf32, #tpu.memory_space<hbm>>
        %dma_wait3A_3051 = arith.constant 0 : i32
        %dma_wait3A_3052 = arith.constant 0 : i32
        %dma_wait3A_3053 = arith.constant 0 : i32
        %dma_wait3A_3054 = tpu.memref_slice %arg5[%add3A_3041, %dma_wait3A_3051, %dma_wait3A_3052, %dma_wait3A_3053] : memref<4096x25x8x128xf32, #tpu.memory_space<hbm>> -> memref<1x25x8x32xf32, #tpu.memory_space<hbm>>
        %dma_wait3A_3055 = tpu.memref_squeeze %dma_wait3A_3054 : memref<1x25x8x32xf32, #tpu.memory_space<hbm>> -> memref<25x8x32xf32, #tpu.memory_space<hbm>>
        %dma_wait3A_3056 = arith.constant 0 : i32
        %dma_wait3A_3057 = arith.constant 0 : i32
        %dma_wait3A_3058 = arith.constant 0 : i32
        %dma_wait3A_3059 = tpu.memref_slice %arg17[%dma_wait3A_3056, %dma_wait3A_3057, %dma_wait3A_3058] : memref<201x8x32xf32, #tpu.memory_space<vmem>> -> memref<25x8x32xf32, #tpu.memory_space<vmem>>
        tpu.wait_dma2 semaphore(%arg23 : memref<!tpu.dma_semaphore, #tpu.memory_space<semaphore_mem>>) src(%dma_wait3A_3059 : memref<25x8x32xf32, #tpu.memory_space<vmem>>) dst(%dma_wait3A_3055 : memref<25x8x32xf32, #tpu.memory_space<hbm>>)
        %add3A_3060 = arith.constant 1 : i32
        %add3A_3061 = arith.addi %add3A_1090, %add3A_3060 : i32
        %dma_wait3A_3062 = arith.constant 25 : i32
        %dma_wait3A_3063 = arith.constant 0 : i32
        %dma_wait3A_3064 = arith.constant 0 : i32
        %dma_wait3A_3065 = tpu.memref_slice %arg17[%dma_wait3A_3062, %dma_wait3A_3063, %dma_wait3A_3064] : memref<201x8x32xf32, #tpu.memory_space<vmem>> -> memref<25x8x32xf32, #tpu.memory_space<vmem>>
        %dma_wait3A_3066 = arith.constant 0 : i32
        %dma_wait3A_3067 = arith.constant 0 : i32
        %dma_wait3A_3068 = arith.constant 0 : i32
        %dma_wait3A_3069 = tpu.memref_slice %arg5[%add3A_3061, %dma_wait3A_3066, %dma_wait3A_3067, %dma_wait3A_3068] : memref<4096x25x8x128xf32, #tpu.memory_space<hbm>> -> memref<1x25x8x32xf32, #tpu.memory_space<hbm>>
        %dma_wait3A_3070 = tpu.memref_squeeze %dma_wait3A_3069 : memref<1x25x8x32xf32, #tpu.memory_space<hbm>> -> memref<25x8x32xf32, #tpu.memory_space<hbm>>
        %dma_wait3A_3071 = arith.constant 0 : i32
        %dma_wait3A_3072 = arith.constant 0 : i32
        %dma_wait3A_3073 = arith.constant 0 : i32
        %dma_wait3A_3074 = tpu.memref_slice %arg5[%add3A_3061, %dma_wait3A_3071, %dma_wait3A_3072, %dma_wait3A_3073] : memref<4096x25x8x128xf32, #tpu.memory_space<hbm>> -> memref<1x25x8x32xf32, #tpu.memory_space<hbm>>
        %dma_wait3A_3075 = tpu.memref_squeeze %dma_wait3A_3074 : memref<1x25x8x32xf32, #tpu.memory_space<hbm>> -> memref<25x8x32xf32, #tpu.memory_space<hbm>>
        %dma_wait3A_3076 = arith.constant 25 : i32
        %dma_wait3A_3077 = arith.constant 0 : i32
        %dma_wait3A_3078 = arith.constant 0 : i32
        %dma_wait3A_3079 = tpu.memref_slice %arg17[%dma_wait3A_3076, %dma_wait3A_3077, %dma_wait3A_3078] : memref<201x8x32xf32, #tpu.memory_space<vmem>> -> memref<25x8x32xf32, #tpu.memory_space<vmem>>
        tpu.wait_dma2 semaphore(%arg23 : memref<!tpu.dma_semaphore, #tpu.memory_space<semaphore_mem>>) src(%dma_wait3A_3079 : memref<25x8x32xf32, #tpu.memory_space<vmem>>) dst(%dma_wait3A_3075 : memref<25x8x32xf32, #tpu.memory_space<hbm>>)
        %add3A_3080 = arith.constant 2 : i32
        %add3A_3081 = arith.addi %add3A_1090, %add3A_3080 : i32
        %dma_wait3A_3082 = arith.constant 50 : i32
        %dma_wait3A_3083 = arith.constant 0 : i32
        %dma_wait3A_3084 = arith.constant 0 : i32
        %dma_wait3A_3085 = tpu.memref_slice %arg17[%dma_wait3A_3082, %dma_wait3A_3083, %dma_wait3A_3084] : memref<201x8x32xf32, #tpu.memory_space<vmem>> -> memref<25x8x32xf32, #tpu.memory_space<vmem>>
        %dma_wait3A_3086 = arith.constant 0 : i32
        %dma_wait3A_3087 = arith.constant 0 : i32
        %dma_wait3A_3088 = arith.constant 0 : i32
        %dma_wait3A_3089 = tpu.memref_slice %arg5[%add3A_3081, %dma_wait3A_3086, %dma_wait3A_3087, %dma_wait3A_3088] : memref<4096x25x8x128xf32, #tpu.memory_space<hbm>> -> memref<1x25x8x32xf32, #tpu.memory_space<hbm>>
        %dma_wait3A_3090 = tpu.memref_squeeze %dma_wait3A_3089 : memref<1x25x8x32xf32, #tpu.memory_space<hbm>> -> memref<25x8x32xf32, #tpu.memory_space<hbm>>
        %dma_wait3A_3091 = arith.constant 0 : i32
        %dma_wait3A_3092 = arith.constant 0 : i32
        %dma_wait3A_3093 = arith.constant 0 : i32
        %dma_wait3A_3094 = tpu.memref_slice %arg5[%add3A_3081, %dma_wait3A_3091, %dma_wait3A_3092, %dma_wait3A_3093] : memref<4096x25x8x128xf32, #tpu.memory_space<hbm>> -> memref<1x25x8x32xf32, #tpu.memory_space<hbm>>
        %dma_wait3A_3095 = tpu.memref_squeeze %dma_wait3A_3094 : memref<1x25x8x32xf32, #tpu.memory_space<hbm>> -> memref<25x8x32xf32, #tpu.memory_space<hbm>>
        %dma_wait3A_3096 = arith.constant 50 : i32
        %dma_wait3A_3097 = arith.constant 0 : i32
        %dma_wait3A_3098 = arith.constant 0 : i32
        %dma_wait3A_3099 = tpu.memref_slice %arg17[%dma_wait3A_3096, %dma_wait3A_3097, %dma_wait3A_3098] : memref<201x8x32xf32, #tpu.memory_space<vmem>> -> memref<25x8x32xf32, #tpu.memory_space<vmem>>
        tpu.wait_dma2 semaphore(%arg23 : memref<!tpu.dma_semaphore, #tpu.memory_space<semaphore_mem>>) src(%dma_wait3A_3099 : memref<25x8x32xf32, #tpu.memory_space<vmem>>) dst(%dma_wait3A_3095 : memref<25x8x32xf32, #tpu.memory_space<hbm>>)
        %add3A_3100 = arith.constant 3 : i32
        %add3A_3101 = arith.addi %add3A_1090, %add3A_3100 : i32
        %dma_wait3A_3102 = arith.constant 75 : i32
        %dma_wait3A_3103 = arith.constant 0 : i32
        %dma_wait3A_3104 = arith.constant 0 : i32
        %dma_wait3A_3105 = tpu.memref_slice %arg17[%dma_wait3A_3102, %dma_wait3A_3103, %dma_wait3A_3104] : memref<201x8x32xf32, #tpu.memory_space<vmem>> -> memref<25x8x32xf32, #tpu.memory_space<vmem>>
        %dma_wait3A_3106 = arith.constant 0 : i32
        %dma_wait3A_3107 = arith.constant 0 : i32
        %dma_wait3A_3108 = arith.constant 0 : i32
        %dma_wait3A_3109 = tpu.memref_slice %arg5[%add3A_3101, %dma_wait3A_3106, %dma_wait3A_3107, %dma_wait3A_3108] : memref<4096x25x8x128xf32, #tpu.memory_space<hbm>> -> memref<1x25x8x32xf32, #tpu.memory_space<hbm>>
        %dma_wait3A_3110 = tpu.memref_squeeze %dma_wait3A_3109 : memref<1x25x8x32xf32, #tpu.memory_space<hbm>> -> memref<25x8x32xf32, #tpu.memory_space<hbm>>
        %dma_wait3A_3111 = arith.constant 0 : i32
        %dma_wait3A_3112 = arith.constant 0 : i32
        %dma_wait3A_3113 = arith.constant 0 : i32
        %dma_wait3A_3114 = tpu.memref_slice %arg5[%add3A_3101, %dma_wait3A_3111, %dma_wait3A_3112, %dma_wait3A_3113] : memref<4096x25x8x128xf32, #tpu.memory_space<hbm>> -> memref<1x25x8x32xf32, #tpu.memory_space<hbm>>
        %dma_wait3A_3115 = tpu.memref_squeeze %dma_wait3A_3114 : memref<1x25x8x32xf32, #tpu.memory_space<hbm>> -> memref<25x8x32xf32, #tpu.memory_space<hbm>>
        %dma_wait3A_3116 = arith.constant 75 : i32
        %dma_wait3A_3117 = arith.constant 0 : i32
        %dma_wait3A_3118 = arith.constant 0 : i32
        %dma_wait3A_3119 = tpu.memref_slice %arg17[%dma_wait3A_3116, %dma_wait3A_3117, %dma_wait3A_3118] : memref<201x8x32xf32, #tpu.memory_space<vmem>> -> memref<25x8x32xf32, #tpu.memory_space<vmem>>
        tpu.wait_dma2 semaphore(%arg23 : memref<!tpu.dma_semaphore, #tpu.memory_space<semaphore_mem>>) src(%dma_wait3A_3119 : memref<25x8x32xf32, #tpu.memory_space<vmem>>) dst(%dma_wait3A_3115 : memref<25x8x32xf32, #tpu.memory_space<hbm>>)
        %add3A_3120 = arith.constant 4 : i32
        %add3A_3121 = arith.addi %add3A_1090, %add3A_3120 : i32
        %dma_wait3A_3122 = arith.constant 100 : i32
        %dma_wait3A_3123 = arith.constant 0 : i32
        %dma_wait3A_3124 = arith.constant 0 : i32
        %dma_wait3A_3125 = tpu.memref_slice %arg17[%dma_wait3A_3122, %dma_wait3A_3123, %dma_wait3A_3124] : memref<201x8x32xf32, #tpu.memory_space<vmem>> -> memref<25x8x32xf32, #tpu.memory_space<vmem>>
        %dma_wait3A_3126 = arith.constant 0 : i32
        %dma_wait3A_3127 = arith.constant 0 : i32
        %dma_wait3A_3128 = arith.constant 0 : i32
        %dma_wait3A_3129 = tpu.memref_slice %arg5[%add3A_3121, %dma_wait3A_3126, %dma_wait3A_3127, %dma_wait3A_3128] : memref<4096x25x8x128xf32, #tpu.memory_space<hbm>> -> memref<1x25x8x32xf32, #tpu.memory_space<hbm>>
        %dma_wait3A_3130 = tpu.memref_squeeze %dma_wait3A_3129 : memref<1x25x8x32xf32, #tpu.memory_space<hbm>> -> memref<25x8x32xf32, #tpu.memory_space<hbm>>
        %dma_wait3A_3131 = arith.constant 0 : i32
        %dma_wait3A_3132 = arith.constant 0 : i32
        %dma_wait3A_3133 = arith.constant 0 : i32
        %dma_wait3A_3134 = tpu.memref_slice %arg5[%add3A_3121, %dma_wait3A_3131, %dma_wait3A_3132, %dma_wait3A_3133] : memref<4096x25x8x128xf32, #tpu.memory_space<hbm>> -> memref<1x25x8x32xf32, #tpu.memory_space<hbm>>
        %dma_wait3A_3135 = tpu.memref_squeeze %dma_wait3A_3134 : memref<1x25x8x32xf32, #tpu.memory_space<hbm>> -> memref<25x8x32xf32, #tpu.memory_space<hbm>>
        %dma_wait3A_3136 = arith.constant 100 : i32
        %dma_wait3A_3137 = arith.constant 0 : i32
        %dma_wait3A_3138 = arith.constant 0 : i32
        %dma_wait3A_3139 = tpu.memref_slice %arg17[%dma_wait3A_3136, %dma_wait3A_3137, %dma_wait3A_3138] : memref<201x8x32xf32, #tpu.memory_space<vmem>> -> memref<25x8x32xf32, #tpu.memory_space<vmem>>
        tpu.wait_dma2 semaphore(%arg23 : memref<!tpu.dma_semaphore, #tpu.memory_space<semaphore_mem>>) src(%dma_wait3A_3139 : memref<25x8x32xf32, #tpu.memory_space<vmem>>) dst(%dma_wait3A_3135 : memref<25x8x32xf32, #tpu.memory_space<hbm>>)
        %add3A_3140 = arith.constant 5 : i32
        %add3A_3141 = arith.addi %add3A_1090, %add3A_3140 : i32
        %dma_wait3A_3142 = arith.constant 125 : i32
        %dma_wait3A_3143 = arith.constant 0 : i32
        %dma_wait3A_3144 = arith.constant 0 : i32
        %dma_wait3A_3145 = tpu.memref_slice %arg17[%dma_wait3A_3142, %dma_wait3A_3143, %dma_wait3A_3144] : memref<201x8x32xf32, #tpu.memory_space<vmem>> -> memref<25x8x32xf32, #tpu.memory_space<vmem>>
        %dma_wait3A_3146 = arith.constant 0 : i32
        %dma_wait3A_3147 = arith.constant 0 : i32
        %dma_wait3A_3148 = arith.constant 0 : i32
        %dma_wait3A_3149 = tpu.memref_slice %arg5[%add3A_3141, %dma_wait3A_3146, %dma_wait3A_3147, %dma_wait3A_3148] : memref<4096x25x8x128xf32, #tpu.memory_space<hbm>> -> memref<1x25x8x32xf32, #tpu.memory_space<hbm>>
        %dma_wait3A_3150 = tpu.memref_squeeze %dma_wait3A_3149 : memref<1x25x8x32xf32, #tpu.memory_space<hbm>> -> memref<25x8x32xf32, #tpu.memory_space<hbm>>
        %dma_wait3A_3151 = arith.constant 0 : i32
        %dma_wait3A_3152 = arith.constant 0 : i32
        %dma_wait3A_3153 = arith.constant 0 : i32
        %dma_wait3A_3154 = tpu.memref_slice %arg5[%add3A_3141, %dma_wait3A_3151, %dma_wait3A_3152, %dma_wait3A_3153] : memref<4096x25x8x128xf32, #tpu.memory_space<hbm>> -> memref<1x25x8x32xf32, #tpu.memory_space<hbm>>
        %dma_wait3A_3155 = tpu.memref_squeeze %dma_wait3A_3154 : memref<1x25x8x32xf32, #tpu.memory_space<hbm>> -> memref<25x8x32xf32, #tpu.memory_space<hbm>>
        %dma_wait3A_3156 = arith.constant 125 : i32
        %dma_wait3A_3157 = arith.constant 0 : i32
        %dma_wait3A_3158 = arith.constant 0 : i32
        %dma_wait3A_3159 = tpu.memref_slice %arg17[%dma_wait3A_3156, %dma_wait3A_3157, %dma_wait3A_3158] : memref<201x8x32xf32, #tpu.memory_space<vmem>> -> memref<25x8x32xf32, #tpu.memory_space<vmem>>
        tpu.wait_dma2 semaphore(%arg23 : memref<!tpu.dma_semaphore, #tpu.memory_space<semaphore_mem>>) src(%dma_wait3A_3159 : memref<25x8x32xf32, #tpu.memory_space<vmem>>) dst(%dma_wait3A_3155 : memref<25x8x32xf32, #tpu.memory_space<hbm>>)
        %add3A_3160 = arith.constant 6 : i32
        %add3A_3161 = arith.addi %add3A_1090, %add3A_3160 : i32
        %dma_wait3A_3162 = arith.constant 150 : i32
        %dma_wait3A_3163 = arith.constant 0 : i32
        %dma_wait3A_3164 = arith.constant 0 : i32
        %dma_wait3A_3165 = tpu.memref_slice %arg17[%dma_wait3A_3162, %dma_wait3A_3163, %dma_wait3A_3164] : memref<201x8x32xf32, #tpu.memory_space<vmem>> -> memref<25x8x32xf32, #tpu.memory_space<vmem>>
        %dma_wait3A_3166 = arith.constant 0 : i32
        %dma_wait3A_3167 = arith.constant 0 : i32
        %dma_wait3A_3168 = arith.constant 0 : i32
        %dma_wait3A_3169 = tpu.memref_slice %arg5[%add3A_3161, %dma_wait3A_3166, %dma_wait3A_3167, %dma_wait3A_3168] : memref<4096x25x8x128xf32, #tpu.memory_space<hbm>> -> memref<1x25x8x32xf32, #tpu.memory_space<hbm>>
        %dma_wait3A_3170 = tpu.memref_squeeze %dma_wait3A_3169 : memref<1x25x8x32xf32, #tpu.memory_space<hbm>> -> memref<25x8x32xf32, #tpu.memory_space<hbm>>
        %dma_wait3A_3171 = arith.constant 0 : i32
        %dma_wait3A_3172 = arith.constant 0 : i32
        %dma_wait3A_3173 = arith.constant 0 : i32
        %dma_wait3A_3174 = tpu.memref_slice %arg5[%add3A_3161, %dma_wait3A_3171, %dma_wait3A_3172, %dma_wait3A_3173] : memref<4096x25x8x128xf32, #tpu.memory_space<hbm>> -> memref<1x25x8x32xf32, #tpu.memory_space<hbm>>
        %dma_wait3A_3175 = tpu.memref_squeeze %dma_wait3A_3174 : memref<1x25x8x32xf32, #tpu.memory_space<hbm>> -> memref<25x8x32xf32, #tpu.memory_space<hbm>>
        %dma_wait3A_3176 = arith.constant 150 : i32
        %dma_wait3A_3177 = arith.constant 0 : i32
        %dma_wait3A_3178 = arith.constant 0 : i32
        %dma_wait3A_3179 = tpu.memref_slice %arg17[%dma_wait3A_3176, %dma_wait3A_3177, %dma_wait3A_3178] : memref<201x8x32xf32, #tpu.memory_space<vmem>> -> memref<25x8x32xf32, #tpu.memory_space<vmem>>
        tpu.wait_dma2 semaphore(%arg23 : memref<!tpu.dma_semaphore, #tpu.memory_space<semaphore_mem>>) src(%dma_wait3A_3179 : memref<25x8x32xf32, #tpu.memory_space<vmem>>) dst(%dma_wait3A_3175 : memref<25x8x32xf32, #tpu.memory_space<hbm>>)
        %add3A_3180 = arith.constant 7 : i32
        %add3A_3181 = arith.addi %add3A_1090, %add3A_3180 : i32
        %dma_wait3A_3182 = arith.constant 175 : i32
        %dma_wait3A_3183 = arith.constant 0 : i32
        %dma_wait3A_3184 = arith.constant 0 : i32
        %dma_wait3A_3185 = tpu.memref_slice %arg17[%dma_wait3A_3182, %dma_wait3A_3183, %dma_wait3A_3184] : memref<201x8x32xf32, #tpu.memory_space<vmem>> -> memref<25x8x32xf32, #tpu.memory_space<vmem>>
        %dma_wait3A_3186 = arith.constant 0 : i32
        %dma_wait3A_3187 = arith.constant 0 : i32
        %dma_wait3A_3188 = arith.constant 0 : i32
        %dma_wait3A_3189 = tpu.memref_slice %arg5[%add3A_3181, %dma_wait3A_3186, %dma_wait3A_3187, %dma_wait3A_3188] : memref<4096x25x8x128xf32, #tpu.memory_space<hbm>> -> memref<1x25x8x32xf32, #tpu.memory_space<hbm>>
        %dma_wait3A_3190 = tpu.memref_squeeze %dma_wait3A_3189 : memref<1x25x8x32xf32, #tpu.memory_space<hbm>> -> memref<25x8x32xf32, #tpu.memory_space<hbm>>
        %dma_wait3A_3191 = arith.constant 0 : i32
        %dma_wait3A_3192 = arith.constant 0 : i32
        %dma_wait3A_3193 = arith.constant 0 : i32
        %dma_wait3A_3194 = tpu.memref_slice %arg5[%add3A_3181, %dma_wait3A_3191, %dma_wait3A_3192, %dma_wait3A_3193] : memref<4096x25x8x128xf32, #tpu.memory_space<hbm>> -> memref<1x25x8x32xf32, #tpu.memory_space<hbm>>
        %dma_wait3A_3195 = tpu.memref_squeeze %dma_wait3A_3194 : memref<1x25x8x32xf32, #tpu.memory_space<hbm>> -> memref<25x8x32xf32, #tpu.memory_space<hbm>>
        %dma_wait3A_3196 = arith.constant 175 : i32
        %dma_wait3A_3197 = arith.constant 0 : i32
        %dma_wait3A_3198 = arith.constant 0 : i32
        %dma_wait3A_3199 = tpu.memref_slice %arg17[%dma_wait3A_3196, %dma_wait3A_3197, %dma_wait3A_3198] : memref<201x8x32xf32, #tpu.memory_space<vmem>> -> memref<25x8x32xf32, #tpu.memory_space<vmem>>
        tpu.wait_dma2 semaphore(%arg23 : memref<!tpu.dma_semaphore, #tpu.memory_space<semaphore_mem>>) src(%dma_wait3A_3199 : memref<25x8x32xf32, #tpu.memory_space<vmem>>) dst(%dma_wait3A_3195 : memref<25x8x32xf32, #tpu.memory_space<hbm>>)
      } else {
      }
      %dma_start3A_2408 = arith.constant 0 : i32
      %dma_start3A_2409 = arith.constant 0 : i32
      %dma_start3A_2410 = arith.constant 0 : i32
      %dma_start3A_2411 = tpu.memref_slice %arg17[%dma_start3A_2408, %dma_start3A_2409, %dma_start3A_2410] : memref<201x8x32xf32, #tpu.memory_space<vmem>> -> memref<200x8x32xf32, #tpu.memory_space<vmem>>
      %dma_start3A_2412 = arith.constant 0 : i32
      %dma_start3A_2413 = arith.constant 0 : i32
      %dma_start3A_2414 = arith.constant 0 : i32
      %dma_start3A_2415 = tpu.memref_slice %arg7[%dma_start3A_2412, %dma_start3A_2413, %dma_start3A_2414] : memref<416x8x32xf32, #tpu.memory_space<vmem_shared>> -> memref<416x8x32xf32, #tpu.memory_space<vmem_shared>>
      tpu.enqueue_indirect_dma source(%dma_start3A_2415 : memref<416x8x32xf32, #tpu.memory_space<vmem_shared>>) target(%dma_start3A_2411 : memref<200x8x32xf32, #tpu.memory_space<vmem>>) offsets(%arg13 : memref<200xi32, #tpu.memory_space<vmem>>) semaphore(%arg20 : memref<!tpu.dma_semaphore, #tpu.memory_space<semaphore_mem>>)
      %dma_wait3A_2416 = arith.constant 0 : i32
      %dma_wait3A_2417 = arith.constant 0 : i32
      %dma_wait3A_2418 = arith.constant 0 : i32
      %dma_wait3A_2419 = tpu.memref_slice %arg16[%dma_wait3A_2416, %dma_wait3A_2417, %dma_wait3A_2418] : memref<201x8x32xf32, #tpu.memory_space<vmem>> -> memref<200x8x32xf32, #tpu.memory_space<vmem>>
      %dma_wait3A_2420 = arith.constant 0 : i32
      %dma_wait3A_2421 = arith.constant 0 : i32
      %dma_wait3A_2422 = arith.constant 0 : i32
      %dma_wait3A_2423 = tpu.memref_slice %arg7[%dma_wait3A_2420, %dma_wait3A_2421, %dma_wait3A_2422] : memref<416x8x32xf32, #tpu.memory_space<vmem_shared>> -> memref<416x8x32xf32, #tpu.memory_space<vmem_shared>>
      tpu.wait_indirect_dma semaphore(%arg19 : memref<!tpu.dma_semaphore, #tpu.memory_space<semaphore_mem>>) src(%dma_wait3A_2423 : memref<416x8x32xf32, #tpu.memory_space<vmem_shared>>) dst(%dma_wait3A_2419 : memref<200x8x32xf32, #tpu.memory_space<vmem>>)
      %dma_start3A_2424 = arith.constant 0 : i32
      %dma_start3A_2425 = arith.constant 0 : i32
      %dma_start3A_2426 = tpu.memref_slice %arg16[%select_n3A_1160, %dma_start3A_2424, %dma_start3A_2425] : memref<201x8x32xf32, #tpu.memory_space<vmem>> -> memref<1x8x32xf32, #tpu.memory_space<vmem>>
      %dma_start3A_2427 = tpu.memref_squeeze %dma_start3A_2426 : memref<1x8x32xf32, #tpu.memory_space<vmem>> -> memref<8x32xf32, #tpu.memory_space<vmem>>
      %dma_start3A_2428 = arith.constant 0 : i32
      %dma_start3A_2429 = tpu.memref_slice %arg14[%dma_start3A_2428] : memref<128xi32, #tpu.memory_space<vmem>> -> memref<8xi32, #tpu.memory_space<vmem>>
      %dma_start3A_2430 = arith.constant 0 : i32
      %dma_start3A_2431 = arith.constant 0 : i32
      %dma_start3A_2432 = tpu.memref_slice %arg6[%dma_start3A_2430, %dma_start3A_2431] : memref<402x32xf32, #tpu.memory_space<vmem_shared>> -> memref<402x32xf32, #tpu.memory_space<vmem_shared>>
      tpu.enqueue_indirect_dma source(%dma_start3A_2432 : memref<402x32xf32, #tpu.memory_space<vmem_shared>>) target(%dma_start3A_2427 : memref<8x32xf32, #tpu.memory_space<vmem>>) offsets(%dma_start3A_2429 : memref<8xi32, #tpu.memory_space<vmem>>) semaphore(%arg21 : memref<!tpu.dma_semaphore, #tpu.memory_space<semaphore_mem>>)
      %dma_start3A_2433 = arith.constant 0 : i32
      %dma_start3A_2434 = arith.constant 0 : i32
      %dma_start3A_2435 = tpu.memref_slice %arg16[%select_n3A_1242, %dma_start3A_2433, %dma_start3A_2434] : memref<201x8x32xf32, #tpu.memory_space<vmem>> -> memref<1x8x32xf32, #tpu.memory_space<vmem>>
      %dma_start3A_2436 = tpu.memref_squeeze %dma_start3A_2435 : memref<1x8x32xf32, #tpu.memory_space<vmem>> -> memref<8x32xf32, #tpu.memory_space<vmem>>
      %dma_start3A_2437 = arith.constant 16 : i32
      %dma_start3A_2438 = tpu.memref_slice %arg14[%dma_start3A_2437] : memref<128xi32, #tpu.memory_space<vmem>> -> memref<8xi32, #tpu.memory_space<vmem>>
      %dma_start3A_2439 = arith.constant 0 : i32
      %dma_start3A_2440 = arith.constant 0 : i32
      %dma_start3A_2441 = tpu.memref_slice %arg6[%dma_start3A_2439, %dma_start3A_2440] : memref<402x32xf32, #tpu.memory_space<vmem_shared>> -> memref<402x32xf32, #tpu.memory_space<vmem_shared>>
      tpu.enqueue_indirect_dma source(%dma_start3A_2441 : memref<402x32xf32, #tpu.memory_space<vmem_shared>>) target(%dma_start3A_2436 : memref<8x32xf32, #tpu.memory_space<vmem>>) offsets(%dma_start3A_2438 : memref<8xi32, #tpu.memory_space<vmem>>) semaphore(%arg21 : memref<!tpu.dma_semaphore, #tpu.memory_space<semaphore_mem>>)
      %dma_start3A_2442 = arith.constant 0 : i32
      %dma_start3A_2443 = arith.constant 0 : i32
      %dma_start3A_2444 = tpu.memref_slice %arg16[%select_n3A_1324, %dma_start3A_2442, %dma_start3A_2443] : memref<201x8x32xf32, #tpu.memory_space<vmem>> -> memref<1x8x32xf32, #tpu.memory_space<vmem>>
      %dma_start3A_2445 = tpu.memref_squeeze %dma_start3A_2444 : memref<1x8x32xf32, #tpu.memory_space<vmem>> -> memref<8x32xf32, #tpu.memory_space<vmem>>
      %dma_start3A_2446 = arith.constant 32 : i32
      %dma_start3A_2447 = tpu.memref_slice %arg14[%dma_start3A_2446] : memref<128xi32, #tpu.memory_space<vmem>> -> memref<8xi32, #tpu.memory_space<vmem>>
      %dma_start3A_2448 = arith.constant 0 : i32
      %dma_start3A_2449 = arith.constant 0 : i32
      %dma_start3A_2450 = tpu.memref_slice %arg6[%dma_start3A_2448, %dma_start3A_2449] : memref<402x32xf32, #tpu.memory_space<vmem_shared>> -> memref<402x32xf32, #tpu.memory_space<vmem_shared>>
      tpu.enqueue_indirect_dma source(%dma_start3A_2450 : memref<402x32xf32, #tpu.memory_space<vmem_shared>>) target(%dma_start3A_2445 : memref<8x32xf32, #tpu.memory_space<vmem>>) offsets(%dma_start3A_2447 : memref<8xi32, #tpu.memory_space<vmem>>) semaphore(%arg21 : memref<!tpu.dma_semaphore, #tpu.memory_space<semaphore_mem>>)
      %dma_start3A_2451 = arith.constant 0 : i32
      %dma_start3A_2452 = arith.constant 0 : i32
      %dma_start3A_2453 = tpu.memref_slice %arg16[%select_n3A_1406, %dma_start3A_2451, %dma_start3A_2452] : memref<201x8x32xf32, #tpu.memory_space<vmem>> -> memref<1x8x32xf32, #tpu.memory_space<vmem>>
      %dma_start3A_2454 = tpu.memref_squeeze %dma_start3A_2453 : memref<1x8x32xf32, #tpu.memory_space<vmem>> -> memref<8x32xf32, #tpu.memory_space<vmem>>
      %dma_start3A_2455 = arith.constant 48 : i32
      %dma_start3A_2456 = tpu.memref_slice %arg14[%dma_start3A_2455] : memref<128xi32, #tpu.memory_space<vmem>> -> memref<8xi32, #tpu.memory_space<vmem>>
      %dma_start3A_2457 = arith.constant 0 : i32
      %dma_start3A_2458 = arith.constant 0 : i32
      %dma_start3A_2459 = tpu.memref_slice %arg6[%dma_start3A_2457, %dma_start3A_2458] : memref<402x32xf32, #tpu.memory_space<vmem_shared>> -> memref<402x32xf32, #tpu.memory_space<vmem_shared>>
      tpu.enqueue_indirect_dma source(%dma_start3A_2459 : memref<402x32xf32, #tpu.memory_space<vmem_shared>>) target(%dma_start3A_2454 : memref<8x32xf32, #tpu.memory_space<vmem>>) offsets(%dma_start3A_2456 : memref<8xi32, #tpu.memory_space<vmem>>) semaphore(%arg21 : memref<!tpu.dma_semaphore, #tpu.memory_space<semaphore_mem>>)
      %dma_start3A_2460 = arith.constant 0 : i32
      %dma_start3A_2461 = arith.constant 0 : i32
      %dma_start3A_2462 = tpu.memref_slice %arg16[%select_n3A_1488, %dma_start3A_2460, %dma_start3A_2461] : memref<201x8x32xf32, #tpu.memory_space<vmem>> -> memref<1x8x32xf32, #tpu.memory_space<vmem>>
      %dma_start3A_2463 = tpu.memref_squeeze %dma_start3A_2462 : memref<1x8x32xf32, #tpu.memory_space<vmem>> -> memref<8x32xf32, #tpu.memory_space<vmem>>
      %dma_start3A_2464 = arith.constant 64 : i32
      %dma_start3A_2465 = tpu.memref_slice %arg14[%dma_start3A_2464] : memref<128xi32, #tpu.memory_space<vmem>> -> memref<8xi32, #tpu.memory_space<vmem>>
      %dma_start3A_2466 = arith.constant 0 : i32
      %dma_start3A_2467 = arith.constant 0 : i32
      %dma_start3A_2468 = tpu.memref_slice %arg6[%dma_start3A_2466, %dma_start3A_2467] : memref<402x32xf32, #tpu.memory_space<vmem_shared>> -> memref<402x32xf32, #tpu.memory_space<vmem_shared>>
      tpu.enqueue_indirect_dma source(%dma_start3A_2468 : memref<402x32xf32, #tpu.memory_space<vmem_shared>>) target(%dma_start3A_2463 : memref<8x32xf32, #tpu.memory_space<vmem>>) offsets(%dma_start3A_2465 : memref<8xi32, #tpu.memory_space<vmem>>) semaphore(%arg21 : memref<!tpu.dma_semaphore, #tpu.memory_space<semaphore_mem>>)
      %dma_start3A_2469 = arith.constant 0 : i32
      %dma_start3A_2470 = arith.constant 0 : i32
      %dma_start3A_2471 = tpu.memref_slice %arg16[%select_n3A_1570, %dma_start3A_2469, %dma_start3A_2470] : memref<201x8x32xf32, #tpu.memory_space<vmem>> -> memref<1x8x32xf32, #tpu.memory_space<vmem>>
      %dma_start3A_2472 = tpu.memref_squeeze %dma_start3A_2471 : memref<1x8x32xf32, #tpu.memory_space<vmem>> -> memref<8x32xf32, #tpu.memory_space<vmem>>
      %dma_start3A_2473 = arith.constant 80 : i32
      %dma_start3A_2474 = tpu.memref_slice %arg14[%dma_start3A_2473] : memref<128xi32, #tpu.memory_space<vmem>> -> memref<8xi32, #tpu.memory_space<vmem>>
      %dma_start3A_2475 = arith.constant 0 : i32
      %dma_start3A_2476 = arith.constant 0 : i32
      %dma_start3A_2477 = tpu.memref_slice %arg6[%dma_start3A_2475, %dma_start3A_2476] : memref<402x32xf32, #tpu.memory_space<vmem_shared>> -> memref<402x32xf32, #tpu.memory_space<vmem_shared>>
      tpu.enqueue_indirect_dma source(%dma_start3A_2477 : memref<402x32xf32, #tpu.memory_space<vmem_shared>>) target(%dma_start3A_2472 : memref<8x32xf32, #tpu.memory_space<vmem>>) offsets(%dma_start3A_2474 : memref<8xi32, #tpu.memory_space<vmem>>) semaphore(%arg21 : memref<!tpu.dma_semaphore, #tpu.memory_space<semaphore_mem>>)
      %dma_start3A_2478 = arith.constant 0 : i32
      %dma_start3A_2479 = arith.constant 0 : i32
      %dma_start3A_2480 = tpu.memref_slice %arg16[%select_n3A_1652, %dma_start3A_2478, %dma_start3A_2479] : memref<201x8x32xf32, #tpu.memory_space<vmem>> -> memref<1x8x32xf32, #tpu.memory_space<vmem>>
      %dma_start3A_2481 = tpu.memref_squeeze %dma_start3A_2480 : memref<1x8x32xf32, #tpu.memory_space<vmem>> -> memref<8x32xf32, #tpu.memory_space<vmem>>
      %dma_start3A_2482 = arith.constant 96 : i32
      %dma_start3A_2483 = tpu.memref_slice %arg14[%dma_start3A_2482] : memref<128xi32, #tpu.memory_space<vmem>> -> memref<8xi32, #tpu.memory_space<vmem>>
      %dma_start3A_2484 = arith.constant 0 : i32
      %dma_start3A_2485 = arith.constant 0 : i32
      %dma_start3A_2486 = tpu.memref_slice %arg6[%dma_start3A_2484, %dma_start3A_2485] : memref<402x32xf32, #tpu.memory_space<vmem_shared>> -> memref<402x32xf32, #tpu.memory_space<vmem_shared>>
      tpu.enqueue_indirect_dma source(%dma_start3A_2486 : memref<402x32xf32, #tpu.memory_space<vmem_shared>>) target(%dma_start3A_2481 : memref<8x32xf32, #tpu.memory_space<vmem>>) offsets(%dma_start3A_2483 : memref<8xi32, #tpu.memory_space<vmem>>) semaphore(%arg21 : memref<!tpu.dma_semaphore, #tpu.memory_space<semaphore_mem>>)
      %dma_start3A_2487 = arith.constant 0 : i32
      %dma_start3A_2488 = arith.constant 0 : i32
      %dma_start3A_2489 = tpu.memref_slice %arg16[%select_n3A_1734, %dma_start3A_2487, %dma_start3A_2488] : memref<201x8x32xf32, #tpu.memory_space<vmem>> -> memref<1x8x32xf32, #tpu.memory_space<vmem>>
      %dma_start3A_2490 = tpu.memref_squeeze %dma_start3A_2489 : memref<1x8x32xf32, #tpu.memory_space<vmem>> -> memref<8x32xf32, #tpu.memory_space<vmem>>
      %dma_start3A_2491 = arith.constant 112 : i32
      %dma_start3A_2492 = tpu.memref_slice %arg14[%dma_start3A_2491] : memref<128xi32, #tpu.memory_space<vmem>> -> memref<8xi32, #tpu.memory_space<vmem>>
      %dma_start3A_2493 = arith.constant 0 : i32
      %dma_start3A_2494 = arith.constant 0 : i32
      %dma_start3A_2495 = tpu.memref_slice %arg6[%dma_start3A_2493, %dma_start3A_2494] : memref<402x32xf32, #tpu.memory_space<vmem_shared>> -> memref<402x32xf32, #tpu.memory_space<vmem_shared>>
      tpu.enqueue_indirect_dma source(%dma_start3A_2495 : memref<402x32xf32, #tpu.memory_space<vmem_shared>>) target(%dma_start3A_2490 : memref<8x32xf32, #tpu.memory_space<vmem>>) offsets(%dma_start3A_2492 : memref<8xi32, #tpu.memory_space<vmem>>) semaphore(%arg21 : memref<!tpu.dma_semaphore, #tpu.memory_space<semaphore_mem>>)
      %dma_wait3A_2496 = arith.constant 0 : i32
      %dma_wait3A_2497 = arith.constant 0 : i32
      %dma_wait3A_2498 = tpu.memref_slice %arg16[%select_n3A_1160, %dma_wait3A_2496, %dma_wait3A_2497] : memref<201x8x32xf32, #tpu.memory_space<vmem>> -> memref<1x8x32xf32, #tpu.memory_space<vmem>>
      %dma_wait3A_2499 = tpu.memref_squeeze %dma_wait3A_2498 : memref<1x8x32xf32, #tpu.memory_space<vmem>> -> memref<8x32xf32, #tpu.memory_space<vmem>>
      %dma_wait3A_2500 = arith.constant 0 : i32
      %dma_wait3A_2501 = tpu.memref_slice %arg14[%dma_wait3A_2500] : memref<128xi32, #tpu.memory_space<vmem>> -> memref<8xi32, #tpu.memory_space<vmem>>
      %dma_wait3A_2502 = arith.constant 0 : i32
      %dma_wait3A_2503 = arith.constant 0 : i32
      %dma_wait3A_2504 = tpu.memref_slice %arg6[%dma_wait3A_2502, %dma_wait3A_2503] : memref<402x32xf32, #tpu.memory_space<vmem_shared>> -> memref<402x32xf32, #tpu.memory_space<vmem_shared>>
      tpu.wait_indirect_dma semaphore(%arg21 : memref<!tpu.dma_semaphore, #tpu.memory_space<semaphore_mem>>) src(%dma_wait3A_2504 : memref<402x32xf32, #tpu.memory_space<vmem_shared>>) dst(%dma_wait3A_2499 : memref<8x32xf32, #tpu.memory_space<vmem>>)
      %dma_wait3A_2505 = arith.constant 0 : i32
      %dma_wait3A_2506 = arith.constant 0 : i32
      %dma_wait3A_2507 = tpu.memref_slice %arg16[%select_n3A_1242, %dma_wait3A_2505, %dma_wait3A_2506] : memref<201x8x32xf32, #tpu.memory_space<vmem>> -> memref<1x8x32xf32, #tpu.memory_space<vmem>>
      %dma_wait3A_2508 = tpu.memref_squeeze %dma_wait3A_2507 : memref<1x8x32xf32, #tpu.memory_space<vmem>> -> memref<8x32xf32, #tpu.memory_space<vmem>>
      %dma_wait3A_2509 = arith.constant 16 : i32
      %dma_wait3A_2510 = tpu.memref_slice %arg14[%dma_wait3A_2509] : memref<128xi32, #tpu.memory_space<vmem>> -> memref<8xi32, #tpu.memory_space<vmem>>
      %dma_wait3A_2511 = arith.constant 0 : i32
      %dma_wait3A_2512 = arith.constant 0 : i32
      %dma_wait3A_2513 = tpu.memref_slice %arg6[%dma_wait3A_2511, %dma_wait3A_2512] : memref<402x32xf32, #tpu.memory_space<vmem_shared>> -> memref<402x32xf32, #tpu.memory_space<vmem_shared>>
      tpu.wait_indirect_dma semaphore(%arg21 : memref<!tpu.dma_semaphore, #tpu.memory_space<semaphore_mem>>) src(%dma_wait3A_2513 : memref<402x32xf32, #tpu.memory_space<vmem_shared>>) dst(%dma_wait3A_2508 : memref<8x32xf32, #tpu.memory_space<vmem>>)
      %dma_wait3A_2514 = arith.constant 0 : i32
      %dma_wait3A_2515 = arith.constant 0 : i32
      %dma_wait3A_2516 = tpu.memref_slice %arg16[%select_n3A_1324, %dma_wait3A_2514, %dma_wait3A_2515] : memref<201x8x32xf32, #tpu.memory_space<vmem>> -> memref<1x8x32xf32, #tpu.memory_space<vmem>>
      %dma_wait3A_2517 = tpu.memref_squeeze %dma_wait3A_2516 : memref<1x8x32xf32, #tpu.memory_space<vmem>> -> memref<8x32xf32, #tpu.memory_space<vmem>>
      %dma_wait3A_2518 = arith.constant 32 : i32
      %dma_wait3A_2519 = tpu.memref_slice %arg14[%dma_wait3A_2518] : memref<128xi32, #tpu.memory_space<vmem>> -> memref<8xi32, #tpu.memory_space<vmem>>
      %dma_wait3A_2520 = arith.constant 0 : i32
      %dma_wait3A_2521 = arith.constant 0 : i32
      %dma_wait3A_2522 = tpu.memref_slice %arg6[%dma_wait3A_2520, %dma_wait3A_2521] : memref<402x32xf32, #tpu.memory_space<vmem_shared>> -> memref<402x32xf32, #tpu.memory_space<vmem_shared>>
      tpu.wait_indirect_dma semaphore(%arg21 : memref<!tpu.dma_semaphore, #tpu.memory_space<semaphore_mem>>) src(%dma_wait3A_2522 : memref<402x32xf32, #tpu.memory_space<vmem_shared>>) dst(%dma_wait3A_2517 : memref<8x32xf32, #tpu.memory_space<vmem>>)
      %dma_wait3A_2523 = arith.constant 0 : i32
      %dma_wait3A_2524 = arith.constant 0 : i32
      %dma_wait3A_2525 = tpu.memref_slice %arg16[%select_n3A_1406, %dma_wait3A_2523, %dma_wait3A_2524] : memref<201x8x32xf32, #tpu.memory_space<vmem>> -> memref<1x8x32xf32, #tpu.memory_space<vmem>>
      %dma_wait3A_2526 = tpu.memref_squeeze %dma_wait3A_2525 : memref<1x8x32xf32, #tpu.memory_space<vmem>> -> memref<8x32xf32, #tpu.memory_space<vmem>>
      %dma_wait3A_2527 = arith.constant 48 : i32
      %dma_wait3A_2528 = tpu.memref_slice %arg14[%dma_wait3A_2527] : memref<128xi32, #tpu.memory_space<vmem>> -> memref<8xi32, #tpu.memory_space<vmem>>
      %dma_wait3A_2529 = arith.constant 0 : i32
      %dma_wait3A_2530 = arith.constant 0 : i32
      %dma_wait3A_2531 = tpu.memref_slice %arg6[%dma_wait3A_2529, %dma_wait3A_2530] : memref<402x32xf32, #tpu.memory_space<vmem_shared>> -> memref<402x32xf32, #tpu.memory_space<vmem_shared>>
      tpu.wait_indirect_dma semaphore(%arg21 : memref<!tpu.dma_semaphore, #tpu.memory_space<semaphore_mem>>) src(%dma_wait3A_2531 : memref<402x32xf32, #tpu.memory_space<vmem_shared>>) dst(%dma_wait3A_2526 : memref<8x32xf32, #tpu.memory_space<vmem>>)
      %dma_wait3A_2532 = arith.constant 0 : i32
      %dma_wait3A_2533 = arith.constant 0 : i32
      %dma_wait3A_2534 = tpu.memref_slice %arg16[%select_n3A_1488, %dma_wait3A_2532, %dma_wait3A_2533] : memref<201x8x32xf32, #tpu.memory_space<vmem>> -> memref<1x8x32xf32, #tpu.memory_space<vmem>>
      %dma_wait3A_2535 = tpu.memref_squeeze %dma_wait3A_2534 : memref<1x8x32xf32, #tpu.memory_space<vmem>> -> memref<8x32xf32, #tpu.memory_space<vmem>>
      %dma_wait3A_2536 = arith.constant 64 : i32
      %dma_wait3A_2537 = tpu.memref_slice %arg14[%dma_wait3A_2536] : memref<128xi32, #tpu.memory_space<vmem>> -> memref<8xi32, #tpu.memory_space<vmem>>
      %dma_wait3A_2538 = arith.constant 0 : i32
      %dma_wait3A_2539 = arith.constant 0 : i32
      %dma_wait3A_2540 = tpu.memref_slice %arg6[%dma_wait3A_2538, %dma_wait3A_2539] : memref<402x32xf32, #tpu.memory_space<vmem_shared>> -> memref<402x32xf32, #tpu.memory_space<vmem_shared>>
      tpu.wait_indirect_dma semaphore(%arg21 : memref<!tpu.dma_semaphore, #tpu.memory_space<semaphore_mem>>) src(%dma_wait3A_2540 : memref<402x32xf32, #tpu.memory_space<vmem_shared>>) dst(%dma_wait3A_2535 : memref<8x32xf32, #tpu.memory_space<vmem>>)
      %dma_wait3A_2541 = arith.constant 0 : i32
      %dma_wait3A_2542 = arith.constant 0 : i32
      %dma_wait3A_2543 = tpu.memref_slice %arg16[%select_n3A_1570, %dma_wait3A_2541, %dma_wait3A_2542] : memref<201x8x32xf32, #tpu.memory_space<vmem>> -> memref<1x8x32xf32, #tpu.memory_space<vmem>>
      %dma_wait3A_2544 = tpu.memref_squeeze %dma_wait3A_2543 : memref<1x8x32xf32, #tpu.memory_space<vmem>> -> memref<8x32xf32, #tpu.memory_space<vmem>>
      %dma_wait3A_2545 = arith.constant 80 : i32
      %dma_wait3A_2546 = tpu.memref_slice %arg14[%dma_wait3A_2545] : memref<128xi32, #tpu.memory_space<vmem>> -> memref<8xi32, #tpu.memory_space<vmem>>
      %dma_wait3A_2547 = arith.constant 0 : i32
      %dma_wait3A_2548 = arith.constant 0 : i32
      %dma_wait3A_2549 = tpu.memref_slice %arg6[%dma_wait3A_2547, %dma_wait3A_2548] : memref<402x32xf32, #tpu.memory_space<vmem_shared>> -> memref<402x32xf32, #tpu.memory_space<vmem_shared>>
      tpu.wait_indirect_dma semaphore(%arg21 : memref<!tpu.dma_semaphore, #tpu.memory_space<semaphore_mem>>) src(%dma_wait3A_2549 : memref<402x32xf32, #tpu.memory_space<vmem_shared>>) dst(%dma_wait3A_2544 : memref<8x32xf32, #tpu.memory_space<vmem>>)
      %dma_wait3A_2550 = arith.constant 0 : i32
      %dma_wait3A_2551 = arith.constant 0 : i32
      %dma_wait3A_2552 = tpu.memref_slice %arg16[%select_n3A_1652, %dma_wait3A_2550, %dma_wait3A_2551] : memref<201x8x32xf32, #tpu.memory_space<vmem>> -> memref<1x8x32xf32, #tpu.memory_space<vmem>>
      %dma_wait3A_2553 = tpu.memref_squeeze %dma_wait3A_2552 : memref<1x8x32xf32, #tpu.memory_space<vmem>> -> memref<8x32xf32, #tpu.memory_space<vmem>>
      %dma_wait3A_2554 = arith.constant 96 : i32
      %dma_wait3A_2555 = tpu.memref_slice %arg14[%dma_wait3A_2554] : memref<128xi32, #tpu.memory_space<vmem>> -> memref<8xi32, #tpu.memory_space<vmem>>
      %dma_wait3A_2556 = arith.constant 0 : i32
      %dma_wait3A_2557 = arith.constant 0 : i32
      %dma_wait3A_2558 = tpu.memref_slice %arg6[%dma_wait3A_2556, %dma_wait3A_2557] : memref<402x32xf32, #tpu.memory_space<vmem_shared>> -> memref<402x32xf32, #tpu.memory_space<vmem_shared>>
      tpu.wait_indirect_dma semaphore(%arg21 : memref<!tpu.dma_semaphore, #tpu.memory_space<semaphore_mem>>) src(%dma_wait3A_2558 : memref<402x32xf32, #tpu.memory_space<vmem_shared>>) dst(%dma_wait3A_2553 : memref<8x32xf32, #tpu.memory_space<vmem>>)
      %dma_wait3A_2559 = arith.constant 0 : i32
      %dma_wait3A_2560 = arith.constant 0 : i32
      %dma_wait3A_2561 = tpu.memref_slice %arg16[%select_n3A_1734, %dma_wait3A_2559, %dma_wait3A_2560] : memref<201x8x32xf32, #tpu.memory_space<vmem>> -> memref<1x8x32xf32, #tpu.memory_space<vmem>>
      %dma_wait3A_2562 = tpu.memref_squeeze %dma_wait3A_2561 : memref<1x8x32xf32, #tpu.memory_space<vmem>> -> memref<8x32xf32, #tpu.memory_space<vmem>>
      %dma_wait3A_2563 = arith.constant 112 : i32
      %dma_wait3A_2564 = tpu.memref_slice %arg14[%dma_wait3A_2563] : memref<128xi32, #tpu.memory_space<vmem>> -> memref<8xi32, #tpu.memory_space<vmem>>
      %dma_wait3A_2565 = arith.constant 0 : i32
      %dma_wait3A_2566 = arith.constant 0 : i32
      %dma_wait3A_2567 = tpu.memref_slice %arg6[%dma_wait3A_2565, %dma_wait3A_2566] : memref<402x32xf32, #tpu.memory_space<vmem_shared>> -> memref<402x32xf32, #tpu.memory_space<vmem_shared>>
      tpu.wait_indirect_dma semaphore(%arg21 : memref<!tpu.dma_semaphore, #tpu.memory_space<semaphore_mem>>) src(%dma_wait3A_2567 : memref<402x32xf32, #tpu.memory_space<vmem_shared>>) dst(%dma_wait3A_2562 : memref<8x32xf32, #tpu.memory_space<vmem>>)
      %add3A_2568 = arith.constant 0 : i32
      %add3A_2569 = arith.addi %add3A_1088, %add3A_2568 : i32
      %dma_start3A_2570 = arith.constant 0 : i32
      %dma_start3A_2571 = arith.constant 0 : i32
      %dma_start3A_2572 = arith.constant 0 : i32
      %dma_start3A_2573 = tpu.memref_slice %arg16[%dma_start3A_2570, %dma_start3A_2571, %dma_start3A_2572] : memref<201x8x32xf32, #tpu.memory_space<vmem>> -> memref<25x8x32xf32, #tpu.memory_space<vmem>>
      %dma_start3A_2574 = arith.constant 0 : i32
      %dma_start3A_2575 = arith.constant 0 : i32
      %dma_start3A_2576 = arith.constant 0 : i32
      %dma_start3A_2577 = tpu.memref_slice %arg5[%add3A_2569, %dma_start3A_2574, %dma_start3A_2575, %dma_start3A_2576] : memref<4096x25x8x128xf32, #tpu.memory_space<hbm>> -> memref<1x25x8x32xf32, #tpu.memory_space<hbm>>
      %dma_start3A_2578 = tpu.memref_squeeze %dma_start3A_2577 : memref<1x25x8x32xf32, #tpu.memory_space<hbm>> -> memref<25x8x32xf32, #tpu.memory_space<hbm>>
      %dma_start3A_2579 = arith.constant 0 : i32
      %dma_start3A_2580 = arith.constant 0 : i32
      %dma_start3A_2581 = arith.constant 0 : i32
      %dma_start3A_2582 = tpu.memref_slice %arg5[%add3A_2569, %dma_start3A_2579, %dma_start3A_2580, %dma_start3A_2581] : memref<4096x25x8x128xf32, #tpu.memory_space<hbm>> -> memref<1x25x8x32xf32, #tpu.memory_space<hbm>>
      %dma_start3A_2583 = tpu.memref_squeeze %dma_start3A_2582 : memref<1x25x8x32xf32, #tpu.memory_space<hbm>> -> memref<25x8x32xf32, #tpu.memory_space<hbm>>
      %dma_start3A_2584 = arith.constant 0 : i32
      %dma_start3A_2585 = arith.constant 0 : i32
      %dma_start3A_2586 = arith.constant 0 : i32
      %dma_start3A_2587 = tpu.memref_slice %arg16[%dma_start3A_2584, %dma_start3A_2585, %dma_start3A_2586] : memref<201x8x32xf32, #tpu.memory_space<vmem>> -> memref<25x8x32xf32, #tpu.memory_space<vmem>>
      tpu.enqueue_dma source(%dma_start3A_2587 : memref<25x8x32xf32, #tpu.memory_space<vmem>>) target(%dma_start3A_2583 : memref<25x8x32xf32, #tpu.memory_space<hbm>>) target_semaphore(%arg22 : memref<!tpu.dma_semaphore, #tpu.memory_space<semaphore_mem>>)
      %add3A_2588 = arith.constant 1 : i32
      %add3A_2589 = arith.addi %add3A_1088, %add3A_2588 : i32
      %dma_start3A_2590 = arith.constant 25 : i32
      %dma_start3A_2591 = arith.constant 0 : i32
      %dma_start3A_2592 = arith.constant 0 : i32
      %dma_start3A_2593 = tpu.memref_slice %arg16[%dma_start3A_2590, %dma_start3A_2591, %dma_start3A_2592] : memref<201x8x32xf32, #tpu.memory_space<vmem>> -> memref<25x8x32xf32, #tpu.memory_space<vmem>>
      %dma_start3A_2594 = arith.constant 0 : i32
      %dma_start3A_2595 = arith.constant 0 : i32
      %dma_start3A_2596 = arith.constant 0 : i32
      %dma_start3A_2597 = tpu.memref_slice %arg5[%add3A_2589, %dma_start3A_2594, %dma_start3A_2595, %dma_start3A_2596] : memref<4096x25x8x128xf32, #tpu.memory_space<hbm>> -> memref<1x25x8x32xf32, #tpu.memory_space<hbm>>
      %dma_start3A_2598 = tpu.memref_squeeze %dma_start3A_2597 : memref<1x25x8x32xf32, #tpu.memory_space<hbm>> -> memref<25x8x32xf32, #tpu.memory_space<hbm>>
      %dma_start3A_2599 = arith.constant 0 : i32
      %dma_start3A_2600 = arith.constant 0 : i32
      %dma_start3A_2601 = arith.constant 0 : i32
      %dma_start3A_2602 = tpu.memref_slice %arg5[%add3A_2589, %dma_start3A_2599, %dma_start3A_2600, %dma_start3A_2601] : memref<4096x25x8x128xf32, #tpu.memory_space<hbm>> -> memref<1x25x8x32xf32, #tpu.memory_space<hbm>>
      %dma_start3A_2603 = tpu.memref_squeeze %dma_start3A_2602 : memref<1x25x8x32xf32, #tpu.memory_space<hbm>> -> memref<25x8x32xf32, #tpu.memory_space<hbm>>
      %dma_start3A_2604 = arith.constant 25 : i32
      %dma_start3A_2605 = arith.constant 0 : i32
      %dma_start3A_2606 = arith.constant 0 : i32
      %dma_start3A_2607 = tpu.memref_slice %arg16[%dma_start3A_2604, %dma_start3A_2605, %dma_start3A_2606] : memref<201x8x32xf32, #tpu.memory_space<vmem>> -> memref<25x8x32xf32, #tpu.memory_space<vmem>>
      tpu.enqueue_dma source(%dma_start3A_2607 : memref<25x8x32xf32, #tpu.memory_space<vmem>>) target(%dma_start3A_2603 : memref<25x8x32xf32, #tpu.memory_space<hbm>>) target_semaphore(%arg22 : memref<!tpu.dma_semaphore, #tpu.memory_space<semaphore_mem>>)
      %add3A_2608 = arith.constant 2 : i32
      %add3A_2609 = arith.addi %add3A_1088, %add3A_2608 : i32
      %dma_start3A_2610 = arith.constant 50 : i32
      %dma_start3A_2611 = arith.constant 0 : i32
      %dma_start3A_2612 = arith.constant 0 : i32
      %dma_start3A_2613 = tpu.memref_slice %arg16[%dma_start3A_2610, %dma_start3A_2611, %dma_start3A_2612] : memref<201x8x32xf32, #tpu.memory_space<vmem>> -> memref<25x8x32xf32, #tpu.memory_space<vmem>>
      %dma_start3A_2614 = arith.constant 0 : i32
      %dma_start3A_2615 = arith.constant 0 : i32
      %dma_start3A_2616 = arith.constant 0 : i32
      %dma_start3A_2617 = tpu.memref_slice %arg5[%add3A_2609, %dma_start3A_2614, %dma_start3A_2615, %dma_start3A_2616] : memref<4096x25x8x128xf32, #tpu.memory_space<hbm>> -> memref<1x25x8x32xf32, #tpu.memory_space<hbm>>
      %dma_start3A_2618 = tpu.memref_squeeze %dma_start3A_2617 : memref<1x25x8x32xf32, #tpu.memory_space<hbm>> -> memref<25x8x32xf32, #tpu.memory_space<hbm>>
      %dma_start3A_2619 = arith.constant 0 : i32
      %dma_start3A_2620 = arith.constant 0 : i32
      %dma_start3A_2621 = arith.constant 0 : i32
      %dma_start3A_2622 = tpu.memref_slice %arg5[%add3A_2609, %dma_start3A_2619, %dma_start3A_2620, %dma_start3A_2621] : memref<4096x25x8x128xf32, #tpu.memory_space<hbm>> -> memref<1x25x8x32xf32, #tpu.memory_space<hbm>>
      %dma_start3A_2623 = tpu.memref_squeeze %dma_start3A_2622 : memref<1x25x8x32xf32, #tpu.memory_space<hbm>> -> memref<25x8x32xf32, #tpu.memory_space<hbm>>
      %dma_start3A_2624 = arith.constant 50 : i32
      %dma_start3A_2625 = arith.constant 0 : i32
      %dma_start3A_2626 = arith.constant 0 : i32
      %dma_start3A_2627 = tpu.memref_slice %arg16[%dma_start3A_2624, %dma_start3A_2625, %dma_start3A_2626] : memref<201x8x32xf32, #tpu.memory_space<vmem>> -> memref<25x8x32xf32, #tpu.memory_space<vmem>>
      tpu.enqueue_dma source(%dma_start3A_2627 : memref<25x8x32xf32, #tpu.memory_space<vmem>>) target(%dma_start3A_2623 : memref<25x8x32xf32, #tpu.memory_space<hbm>>) target_semaphore(%arg22 : memref<!tpu.dma_semaphore, #tpu.memory_space<semaphore_mem>>)
      %add3A_2628 = arith.constant 3 : i32
      %add3A_2629 = arith.addi %add3A_1088, %add3A_2628 : i32
      %dma_start3A_2630 = arith.constant 75 : i32
      %dma_start3A_2631 = arith.constant 0 : i32
      %dma_start3A_2632 = arith.constant 0 : i32
      %dma_start3A_2633 = tpu.memref_slice %arg16[%dma_start3A_2630, %dma_start3A_2631, %dma_start3A_2632] : memref<201x8x32xf32, #tpu.memory_space<vmem>> -> memref<25x8x32xf32, #tpu.memory_space<vmem>>
      %dma_start3A_2634 = arith.constant 0 : i32
      %dma_start3A_2635 = arith.constant 0 : i32
      %dma_start3A_2636 = arith.constant 0 : i32
      %dma_start3A_2637 = tpu.memref_slice %arg5[%add3A_2629, %dma_start3A_2634, %dma_start3A_2635, %dma_start3A_2636] : memref<4096x25x8x128xf32, #tpu.memory_space<hbm>> -> memref<1x25x8x32xf32, #tpu.memory_space<hbm>>
      %dma_start3A_2638 = tpu.memref_squeeze %dma_start3A_2637 : memref<1x25x8x32xf32, #tpu.memory_space<hbm>> -> memref<25x8x32xf32, #tpu.memory_space<hbm>>
      %dma_start3A_2639 = arith.constant 0 : i32
      %dma_start3A_2640 = arith.constant 0 : i32
      %dma_start3A_2641 = arith.constant 0 : i32
      %dma_start3A_2642 = tpu.memref_slice %arg5[%add3A_2629, %dma_start3A_2639, %dma_start3A_2640, %dma_start3A_2641] : memref<4096x25x8x128xf32, #tpu.memory_space<hbm>> -> memref<1x25x8x32xf32, #tpu.memory_space<hbm>>
      %dma_start3A_2643 = tpu.memref_squeeze %dma_start3A_2642 : memref<1x25x8x32xf32, #tpu.memory_space<hbm>> -> memref<25x8x32xf32, #tpu.memory_space<hbm>>
      %dma_start3A_2644 = arith.constant 75 : i32
      %dma_start3A_2645 = arith.constant 0 : i32
      %dma_start3A_2646 = arith.constant 0 : i32
      %dma_start3A_2647 = tpu.memref_slice %arg16[%dma_start3A_2644, %dma_start3A_2645, %dma_start3A_2646] : memref<201x8x32xf32, #tpu.memory_space<vmem>> -> memref<25x8x32xf32, #tpu.memory_space<vmem>>
      tpu.enqueue_dma source(%dma_start3A_2647 : memref<25x8x32xf32, #tpu.memory_space<vmem>>) target(%dma_start3A_2643 : memref<25x8x32xf32, #tpu.memory_space<hbm>>) target_semaphore(%arg22 : memref<!tpu.dma_semaphore, #tpu.memory_space<semaphore_mem>>)
      %add3A_2648 = arith.constant 4 : i32
      %add3A_2649 = arith.addi %add3A_1088, %add3A_2648 : i32
      %dma_start3A_2650 = arith.constant 100 : i32
      %dma_start3A_2651 = arith.constant 0 : i32
      %dma_start3A_2652 = arith.constant 0 : i32
      %dma_start3A_2653 = tpu.memref_slice %arg16[%dma_start3A_2650, %dma_start3A_2651, %dma_start3A_2652] : memref<201x8x32xf32, #tpu.memory_space<vmem>> -> memref<25x8x32xf32, #tpu.memory_space<vmem>>
      %dma_start3A_2654 = arith.constant 0 : i32
      %dma_start3A_2655 = arith.constant 0 : i32
      %dma_start3A_2656 = arith.constant 0 : i32
      %dma_start3A_2657 = tpu.memref_slice %arg5[%add3A_2649, %dma_start3A_2654, %dma_start3A_2655, %dma_start3A_2656] : memref<4096x25x8x128xf32, #tpu.memory_space<hbm>> -> memref<1x25x8x32xf32, #tpu.memory_space<hbm>>
      %dma_start3A_2658 = tpu.memref_squeeze %dma_start3A_2657 : memref<1x25x8x32xf32, #tpu.memory_space<hbm>> -> memref<25x8x32xf32, #tpu.memory_space<hbm>>
      %dma_start3A_2659 = arith.constant 0 : i32
      %dma_start3A_2660 = arith.constant 0 : i32
      %dma_start3A_2661 = arith.constant 0 : i32
      %dma_start3A_2662 = tpu.memref_slice %arg5[%add3A_2649, %dma_start3A_2659, %dma_start3A_2660, %dma_start3A_2661] : memref<4096x25x8x128xf32, #tpu.memory_space<hbm>> -> memref<1x25x8x32xf32, #tpu.memory_space<hbm>>
      %dma_start3A_2663 = tpu.memref_squeeze %dma_start3A_2662 : memref<1x25x8x32xf32, #tpu.memory_space<hbm>> -> memref<25x8x32xf32, #tpu.memory_space<hbm>>
      %dma_start3A_2664 = arith.constant 100 : i32
      %dma_start3A_2665 = arith.constant 0 : i32
      %dma_start3A_2666 = arith.constant 0 : i32
      %dma_start3A_2667 = tpu.memref_slice %arg16[%dma_start3A_2664, %dma_start3A_2665, %dma_start3A_2666] : memref<201x8x32xf32, #tpu.memory_space<vmem>> -> memref<25x8x32xf32, #tpu.memory_space<vmem>>
      tpu.enqueue_dma source(%dma_start3A_2667 : memref<25x8x32xf32, #tpu.memory_space<vmem>>) target(%dma_start3A_2663 : memref<25x8x32xf32, #tpu.memory_space<hbm>>) target_semaphore(%arg22 : memref<!tpu.dma_semaphore, #tpu.memory_space<semaphore_mem>>)
      %add3A_2668 = arith.constant 5 : i32
      %add3A_2669 = arith.addi %add3A_1088, %add3A_2668 : i32
      %dma_start3A_2670 = arith.constant 125 : i32
      %dma_start3A_2671 = arith.constant 0 : i32
      %dma_start3A_2672 = arith.constant 0 : i32
      %dma_start3A_2673 = tpu.memref_slice %arg16[%dma_start3A_2670, %dma_start3A_2671, %dma_start3A_2672] : memref<201x8x32xf32, #tpu.memory_space<vmem>> -> memref<25x8x32xf32, #tpu.memory_space<vmem>>
      %dma_start3A_2674 = arith.constant 0 : i32
      %dma_start3A_2675 = arith.constant 0 : i32
      %dma_start3A_2676 = arith.constant 0 : i32
      %dma_start3A_2677 = tpu.memref_slice %arg5[%add3A_2669, %dma_start3A_2674, %dma_start3A_2675, %dma_start3A_2676] : memref<4096x25x8x128xf32, #tpu.memory_space<hbm>> -> memref<1x25x8x32xf32, #tpu.memory_space<hbm>>
      %dma_start3A_2678 = tpu.memref_squeeze %dma_start3A_2677 : memref<1x25x8x32xf32, #tpu.memory_space<hbm>> -> memref<25x8x32xf32, #tpu.memory_space<hbm>>
      %dma_start3A_2679 = arith.constant 0 : i32
      %dma_start3A_2680 = arith.constant 0 : i32
      %dma_start3A_2681 = arith.constant 0 : i32
      %dma_start3A_2682 = tpu.memref_slice %arg5[%add3A_2669, %dma_start3A_2679, %dma_start3A_2680, %dma_start3A_2681] : memref<4096x25x8x128xf32, #tpu.memory_space<hbm>> -> memref<1x25x8x32xf32, #tpu.memory_space<hbm>>
      %dma_start3A_2683 = tpu.memref_squeeze %dma_start3A_2682 : memref<1x25x8x32xf32, #tpu.memory_space<hbm>> -> memref<25x8x32xf32, #tpu.memory_space<hbm>>
      %dma_start3A_2684 = arith.constant 125 : i32
      %dma_start3A_2685 = arith.constant 0 : i32
      %dma_start3A_2686 = arith.constant 0 : i32
      %dma_start3A_2687 = tpu.memref_slice %arg16[%dma_start3A_2684, %dma_start3A_2685, %dma_start3A_2686] : memref<201x8x32xf32, #tpu.memory_space<vmem>> -> memref<25x8x32xf32, #tpu.memory_space<vmem>>
      tpu.enqueue_dma source(%dma_start3A_2687 : memref<25x8x32xf32, #tpu.memory_space<vmem>>) target(%dma_start3A_2683 : memref<25x8x32xf32, #tpu.memory_space<hbm>>) target_semaphore(%arg22 : memref<!tpu.dma_semaphore, #tpu.memory_space<semaphore_mem>>)
      %add3A_2688 = arith.constant 6 : i32
      %add3A_2689 = arith.addi %add3A_1088, %add3A_2688 : i32
      %dma_start3A_2690 = arith.constant 150 : i32
      %dma_start3A_2691 = arith.constant 0 : i32
      %dma_start3A_2692 = arith.constant 0 : i32
      %dma_start3A_2693 = tpu.memref_slice %arg16[%dma_start3A_2690, %dma_start3A_2691, %dma_start3A_2692] : memref<201x8x32xf32, #tpu.memory_space<vmem>> -> memref<25x8x32xf32, #tpu.memory_space<vmem>>
      %dma_start3A_2694 = arith.constant 0 : i32
      %dma_start3A_2695 = arith.constant 0 : i32
      %dma_start3A_2696 = arith.constant 0 : i32
      %dma_start3A_2697 = tpu.memref_slice %arg5[%add3A_2689, %dma_start3A_2694, %dma_start3A_2695, %dma_start3A_2696] : memref<4096x25x8x128xf32, #tpu.memory_space<hbm>> -> memref<1x25x8x32xf32, #tpu.memory_space<hbm>>
      %dma_start3A_2698 = tpu.memref_squeeze %dma_start3A_2697 : memref<1x25x8x32xf32, #tpu.memory_space<hbm>> -> memref<25x8x32xf32, #tpu.memory_space<hbm>>
      %dma_start3A_2699 = arith.constant 0 : i32
      %dma_start3A_2700 = arith.constant 0 : i32
      %dma_start3A_2701 = arith.constant 0 : i32
      %dma_start3A_2702 = tpu.memref_slice %arg5[%add3A_2689, %dma_start3A_2699, %dma_start3A_2700, %dma_start3A_2701] : memref<4096x25x8x128xf32, #tpu.memory_space<hbm>> -> memref<1x25x8x32xf32, #tpu.memory_space<hbm>>
      %dma_start3A_2703 = tpu.memref_squeeze %dma_start3A_2702 : memref<1x25x8x32xf32, #tpu.memory_space<hbm>> -> memref<25x8x32xf32, #tpu.memory_space<hbm>>
      %dma_start3A_2704 = arith.constant 150 : i32
      %dma_start3A_2705 = arith.constant 0 : i32
      %dma_start3A_2706 = arith.constant 0 : i32
      %dma_start3A_2707 = tpu.memref_slice %arg16[%dma_start3A_2704, %dma_start3A_2705, %dma_start3A_2706] : memref<201x8x32xf32, #tpu.memory_space<vmem>> -> memref<25x8x32xf32, #tpu.memory_space<vmem>>
      tpu.enqueue_dma source(%dma_start3A_2707 : memref<25x8x32xf32, #tpu.memory_space<vmem>>) target(%dma_start3A_2703 : memref<25x8x32xf32, #tpu.memory_space<hbm>>) target_semaphore(%arg22 : memref<!tpu.dma_semaphore, #tpu.memory_space<semaphore_mem>>)
      %add3A_2708 = arith.constant 7 : i32
      %add3A_2709 = arith.addi %add3A_1088, %add3A_2708 : i32
      %dma_start3A_2710 = arith.constant 175 : i32
      %dma_start3A_2711 = arith.constant 0 : i32
      %dma_start3A_2712 = arith.constant 0 : i32
      %dma_start3A_2713 = tpu.memref_slice %arg16[%dma_start3A_2710, %dma_start3A_2711, %dma_start3A_2712] : memref<201x8x32xf32, #tpu.memory_space<vmem>> -> memref<25x8x32xf32, #tpu.memory_space<vmem>>
      %dma_start3A_2714 = arith.constant 0 : i32
      %dma_start3A_2715 = arith.constant 0 : i32
      %dma_start3A_2716 = arith.constant 0 : i32
      %dma_start3A_2717 = tpu.memref_slice %arg5[%add3A_2709, %dma_start3A_2714, %dma_start3A_2715, %dma_start3A_2716] : memref<4096x25x8x128xf32, #tpu.memory_space<hbm>> -> memref<1x25x8x32xf32, #tpu.memory_space<hbm>>
      %dma_start3A_2718 = tpu.memref_squeeze %dma_start3A_2717 : memref<1x25x8x32xf32, #tpu.memory_space<hbm>> -> memref<25x8x32xf32, #tpu.memory_space<hbm>>
      %dma_start3A_2719 = arith.constant 0 : i32
      %dma_start3A_2720 = arith.constant 0 : i32
      %dma_start3A_2721 = arith.constant 0 : i32
      %dma_start3A_2722 = tpu.memref_slice %arg5[%add3A_2709, %dma_start3A_2719, %dma_start3A_2720, %dma_start3A_2721] : memref<4096x25x8x128xf32, #tpu.memory_space<hbm>> -> memref<1x25x8x32xf32, #tpu.memory_space<hbm>>
      %dma_start3A_2723 = tpu.memref_squeeze %dma_start3A_2722 : memref<1x25x8x32xf32, #tpu.memory_space<hbm>> -> memref<25x8x32xf32, #tpu.memory_space<hbm>>
      %dma_start3A_2724 = arith.constant 175 : i32
      %dma_start3A_2725 = arith.constant 0 : i32
      %dma_start3A_2726 = arith.constant 0 : i32
      %dma_start3A_2727 = tpu.memref_slice %arg16[%dma_start3A_2724, %dma_start3A_2725, %dma_start3A_2726] : memref<201x8x32xf32, #tpu.memory_space<vmem>> -> memref<25x8x32xf32, #tpu.memory_space<vmem>>
      tpu.enqueue_dma source(%dma_start3A_2727 : memref<25x8x32xf32, #tpu.memory_space<vmem>>) target(%dma_start3A_2723 : memref<25x8x32xf32, #tpu.memory_space<hbm>>) target_semaphore(%arg22 : memref<!tpu.dma_semaphore, #tpu.memory_space<semaphore_mem>>)
      %dma_wait3A_2728 = arith.constant 0 : i32
      %dma_wait3A_2729 = arith.constant 0 : i32
      %dma_wait3A_2730 = arith.constant 0 : i32
      %dma_wait3A_2731 = tpu.memref_slice %arg17[%dma_wait3A_2728, %dma_wait3A_2729, %dma_wait3A_2730] : memref<201x8x32xf32, #tpu.memory_space<vmem>> -> memref<200x8x32xf32, #tpu.memory_space<vmem>>
      %dma_wait3A_2732 = arith.constant 0 : i32
      %dma_wait3A_2733 = arith.constant 0 : i32
      %dma_wait3A_2734 = arith.constant 0 : i32
      %dma_wait3A_2735 = tpu.memref_slice %arg7[%dma_wait3A_2732, %dma_wait3A_2733, %dma_wait3A_2734] : memref<416x8x32xf32, #tpu.memory_space<vmem_shared>> -> memref<416x8x32xf32, #tpu.memory_space<vmem_shared>>
      tpu.wait_indirect_dma semaphore(%arg20 : memref<!tpu.dma_semaphore, #tpu.memory_space<semaphore_mem>>) src(%dma_wait3A_2735 : memref<416x8x32xf32, #tpu.memory_space<vmem_shared>>) dst(%dma_wait3A_2731 : memref<200x8x32xf32, #tpu.memory_space<vmem>>)
      %dma_start3A_2736 = arith.constant 0 : i32
      %dma_start3A_2737 = arith.constant 0 : i32
      %dma_start3A_2738 = tpu.memref_slice %arg17[%select_n3A_1828, %dma_start3A_2736, %dma_start3A_2737] : memref<201x8x32xf32, #tpu.memory_space<vmem>> -> memref<1x8x32xf32, #tpu.memory_space<vmem>>
      %dma_start3A_2739 = tpu.memref_squeeze %dma_start3A_2738 : memref<1x8x32xf32, #tpu.memory_space<vmem>> -> memref<8x32xf32, #tpu.memory_space<vmem>>
      %dma_start3A_2740 = arith.constant 0 : i32
      %dma_start3A_2741 = tpu.memref_slice %arg15[%dma_start3A_2740] : memref<128xi32, #tpu.memory_space<vmem>> -> memref<8xi32, #tpu.memory_space<vmem>>
      %dma_start3A_2742 = arith.constant 0 : i32
      %dma_start3A_2743 = arith.constant 0 : i32
      %dma_start3A_2744 = tpu.memref_slice %arg6[%dma_start3A_2742, %dma_start3A_2743] : memref<402x32xf32, #tpu.memory_space<vmem_shared>> -> memref<402x32xf32, #tpu.memory_space<vmem_shared>>
      tpu.enqueue_indirect_dma source(%dma_start3A_2744 : memref<402x32xf32, #tpu.memory_space<vmem_shared>>) target(%dma_start3A_2739 : memref<8x32xf32, #tpu.memory_space<vmem>>) offsets(%dma_start3A_2741 : memref<8xi32, #tpu.memory_space<vmem>>) semaphore(%arg21 : memref<!tpu.dma_semaphore, #tpu.memory_space<semaphore_mem>>)
      %dma_start3A_2745 = arith.constant 0 : i32
      %dma_start3A_2746 = arith.constant 0 : i32
      %dma_start3A_2747 = tpu.memref_slice %arg17[%select_n3A_1910, %dma_start3A_2745, %dma_start3A_2746] : memref<201x8x32xf32, #tpu.memory_space<vmem>> -> memref<1x8x32xf32, #tpu.memory_space<vmem>>
      %dma_start3A_2748 = tpu.memref_squeeze %dma_start3A_2747 : memref<1x8x32xf32, #tpu.memory_space<vmem>> -> memref<8x32xf32, #tpu.memory_space<vmem>>
      %dma_start3A_2749 = arith.constant 16 : i32
      %dma_start3A_2750 = tpu.memref_slice %arg15[%dma_start3A_2749] : memref<128xi32, #tpu.memory_space<vmem>> -> memref<8xi32, #tpu.memory_space<vmem>>
      %dma_start3A_2751 = arith.constant 0 : i32
      %dma_start3A_2752 = arith.constant 0 : i32
      %dma_start3A_2753 = tpu.memref_slice %arg6[%dma_start3A_2751, %dma_start3A_2752] : memref<402x32xf32, #tpu.memory_space<vmem_shared>> -> memref<402x32xf32, #tpu.memory_space<vmem_shared>>
      tpu.enqueue_indirect_dma source(%dma_start3A_2753 : memref<402x32xf32, #tpu.memory_space<vmem_shared>>) target(%dma_start3A_2748 : memref<8x32xf32, #tpu.memory_space<vmem>>) offsets(%dma_start3A_2750 : memref<8xi32, #tpu.memory_space<vmem>>) semaphore(%arg21 : memref<!tpu.dma_semaphore, #tpu.memory_space<semaphore_mem>>)
      %dma_start3A_2754 = arith.constant 0 : i32
      %dma_start3A_2755 = arith.constant 0 : i32
      %dma_start3A_2756 = tpu.memref_slice %arg17[%select_n3A_1992, %dma_start3A_2754, %dma_start3A_2755] : memref<201x8x32xf32, #tpu.memory_space<vmem>> -> memref<1x8x32xf32, #tpu.memory_space<vmem>>
      %dma_start3A_2757 = tpu.memref_squeeze %dma_start3A_2756 : memref<1x8x32xf32, #tpu.memory_space<vmem>> -> memref<8x32xf32, #tpu.memory_space<vmem>>
      %dma_start3A_2758 = arith.constant 32 : i32
      %dma_start3A_2759 = tpu.memref_slice %arg15[%dma_start3A_2758] : memref<128xi32, #tpu.memory_space<vmem>> -> memref<8xi32, #tpu.memory_space<vmem>>
      %dma_start3A_2760 = arith.constant 0 : i32
      %dma_start3A_2761 = arith.constant 0 : i32
      %dma_start3A_2762 = tpu.memref_slice %arg6[%dma_start3A_2760, %dma_start3A_2761] : memref<402x32xf32, #tpu.memory_space<vmem_shared>> -> memref<402x32xf32, #tpu.memory_space<vmem_shared>>
      tpu.enqueue_indirect_dma source(%dma_start3A_2762 : memref<402x32xf32, #tpu.memory_space<vmem_shared>>) target(%dma_start3A_2757 : memref<8x32xf32, #tpu.memory_space<vmem>>) offsets(%dma_start3A_2759 : memref<8xi32, #tpu.memory_space<vmem>>) semaphore(%arg21 : memref<!tpu.dma_semaphore, #tpu.memory_space<semaphore_mem>>)
      %dma_start3A_2763 = arith.constant 0 : i32
      %dma_start3A_2764 = arith.constant 0 : i32
      %dma_start3A_2765 = tpu.memref_slice %arg17[%select_n3A_2074, %dma_start3A_2763, %dma_start3A_2764] : memref<201x8x32xf32, #tpu.memory_space<vmem>> -> memref<1x8x32xf32, #tpu.memory_space<vmem>>
      %dma_start3A_2766 = tpu.memref_squeeze %dma_start3A_2765 : memref<1x8x32xf32, #tpu.memory_space<vmem>> -> memref<8x32xf32, #tpu.memory_space<vmem>>
      %dma_start3A_2767 = arith.constant 48 : i32
      %dma_start3A_2768 = tpu.memref_slice %arg15[%dma_start3A_2767] : memref<128xi32, #tpu.memory_space<vmem>> -> memref<8xi32, #tpu.memory_space<vmem>>
      %dma_start3A_2769 = arith.constant 0 : i32
      %dma_start3A_2770 = arith.constant 0 : i32
      %dma_start3A_2771 = tpu.memref_slice %arg6[%dma_start3A_2769, %dma_start3A_2770] : memref<402x32xf32, #tpu.memory_space<vmem_shared>> -> memref<402x32xf32, #tpu.memory_space<vmem_shared>>
      tpu.enqueue_indirect_dma source(%dma_start3A_2771 : memref<402x32xf32, #tpu.memory_space<vmem_shared>>) target(%dma_start3A_2766 : memref<8x32xf32, #tpu.memory_space<vmem>>) offsets(%dma_start3A_2768 : memref<8xi32, #tpu.memory_space<vmem>>) semaphore(%arg21 : memref<!tpu.dma_semaphore, #tpu.memory_space<semaphore_mem>>)
      %dma_start3A_2772 = arith.constant 0 : i32
      %dma_start3A_2773 = arith.constant 0 : i32
      %dma_start3A_2774 = tpu.memref_slice %arg17[%select_n3A_2156, %dma_start3A_2772, %dma_start3A_2773] : memref<201x8x32xf32, #tpu.memory_space<vmem>> -> memref<1x8x32xf32, #tpu.memory_space<vmem>>
      %dma_start3A_2775 = tpu.memref_squeeze %dma_start3A_2774 : memref<1x8x32xf32, #tpu.memory_space<vmem>> -> memref<8x32xf32, #tpu.memory_space<vmem>>
      %dma_start3A_2776 = arith.constant 64 : i32
      %dma_start3A_2777 = tpu.memref_slice %arg15[%dma_start3A_2776] : memref<128xi32, #tpu.memory_space<vmem>> -> memref<8xi32, #tpu.memory_space<vmem>>
      %dma_start3A_2778 = arith.constant 0 : i32
      %dma_start3A_2779 = arith.constant 0 : i32
      %dma_start3A_2780 = tpu.memref_slice %arg6[%dma_start3A_2778, %dma_start3A_2779] : memref<402x32xf32, #tpu.memory_space<vmem_shared>> -> memref<402x32xf32, #tpu.memory_space<vmem_shared>>
      tpu.enqueue_indirect_dma source(%dma_start3A_2780 : memref<402x32xf32, #tpu.memory_space<vmem_shared>>) target(%dma_start3A_2775 : memref<8x32xf32, #tpu.memory_space<vmem>>) offsets(%dma_start3A_2777 : memref<8xi32, #tpu.memory_space<vmem>>) semaphore(%arg21 : memref<!tpu.dma_semaphore, #tpu.memory_space<semaphore_mem>>)
      %dma_start3A_2781 = arith.constant 0 : i32
      %dma_start3A_2782 = arith.constant 0 : i32
      %dma_start3A_2783 = tpu.memref_slice %arg17[%select_n3A_2238, %dma_start3A_2781, %dma_start3A_2782] : memref<201x8x32xf32, #tpu.memory_space<vmem>> -> memref<1x8x32xf32, #tpu.memory_space<vmem>>
      %dma_start3A_2784 = tpu.memref_squeeze %dma_start3A_2783 : memref<1x8x32xf32, #tpu.memory_space<vmem>> -> memref<8x32xf32, #tpu.memory_space<vmem>>
      %dma_start3A_2785 = arith.constant 80 : i32
      %dma_start3A_2786 = tpu.memref_slice %arg15[%dma_start3A_2785] : memref<128xi32, #tpu.memory_space<vmem>> -> memref<8xi32, #tpu.memory_space<vmem>>
      %dma_start3A_2787 = arith.constant 0 : i32
      %dma_start3A_2788 = arith.constant 0 : i32
      %dma_start3A_2789 = tpu.memref_slice %arg6[%dma_start3A_2787, %dma_start3A_2788] : memref<402x32xf32, #tpu.memory_space<vmem_shared>> -> memref<402x32xf32, #tpu.memory_space<vmem_shared>>
      tpu.enqueue_indirect_dma source(%dma_start3A_2789 : memref<402x32xf32, #tpu.memory_space<vmem_shared>>) target(%dma_start3A_2784 : memref<8x32xf32, #tpu.memory_space<vmem>>) offsets(%dma_start3A_2786 : memref<8xi32, #tpu.memory_space<vmem>>) semaphore(%arg21 : memref<!tpu.dma_semaphore, #tpu.memory_space<semaphore_mem>>)
      %dma_start3A_2790 = arith.constant 0 : i32
      %dma_start3A_2791 = arith.constant 0 : i32
      %dma_start3A_2792 = tpu.memref_slice %arg17[%select_n3A_2320, %dma_start3A_2790, %dma_start3A_2791] : memref<201x8x32xf32, #tpu.memory_space<vmem>> -> memref<1x8x32xf32, #tpu.memory_space<vmem>>
      %dma_start3A_2793 = tpu.memref_squeeze %dma_start3A_2792 : memref<1x8x32xf32, #tpu.memory_space<vmem>> -> memref<8x32xf32, #tpu.memory_space<vmem>>
      %dma_start3A_2794 = arith.constant 96 : i32
      %dma_start3A_2795 = tpu.memref_slice %arg15[%dma_start3A_2794] : memref<128xi32, #tpu.memory_space<vmem>> -> memref<8xi32, #tpu.memory_space<vmem>>
      %dma_start3A_2796 = arith.constant 0 : i32
      %dma_start3A_2797 = arith.constant 0 : i32
      %dma_start3A_2798 = tpu.memref_slice %arg6[%dma_start3A_2796, %dma_start3A_2797] : memref<402x32xf32, #tpu.memory_space<vmem_shared>> -> memref<402x32xf32, #tpu.memory_space<vmem_shared>>
      tpu.enqueue_indirect_dma source(%dma_start3A_2798 : memref<402x32xf32, #tpu.memory_space<vmem_shared>>) target(%dma_start3A_2793 : memref<8x32xf32, #tpu.memory_space<vmem>>) offsets(%dma_start3A_2795 : memref<8xi32, #tpu.memory_space<vmem>>) semaphore(%arg21 : memref<!tpu.dma_semaphore, #tpu.memory_space<semaphore_mem>>)
      %dma_start3A_2799 = arith.constant 0 : i32
      %dma_start3A_2800 = arith.constant 0 : i32
      %dma_start3A_2801 = tpu.memref_slice %arg17[%select_n3A_2402, %dma_start3A_2799, %dma_start3A_2800] : memref<201x8x32xf32, #tpu.memory_space<vmem>> -> memref<1x8x32xf32, #tpu.memory_space<vmem>>
      %dma_start3A_2802 = tpu.memref_squeeze %dma_start3A_2801 : memref<1x8x32xf32, #tpu.memory_space<vmem>> -> memref<8x32xf32, #tpu.memory_space<vmem>>
      %dma_start3A_2803 = arith.constant 112 : i32
      %dma_start3A_2804 = tpu.memref_slice %arg15[%dma_start3A_2803] : memref<128xi32, #tpu.memory_space<vmem>> -> memref<8xi32, #tpu.memory_space<vmem>>
      %dma_start3A_2805 = arith.constant 0 : i32
      %dma_start3A_2806 = arith.constant 0 : i32
      %dma_start3A_2807 = tpu.memref_slice %arg6[%dma_start3A_2805, %dma_start3A_2806] : memref<402x32xf32, #tpu.memory_space<vmem_shared>> -> memref<402x32xf32, #tpu.memory_space<vmem_shared>>
      tpu.enqueue_indirect_dma source(%dma_start3A_2807 : memref<402x32xf32, #tpu.memory_space<vmem_shared>>) target(%dma_start3A_2802 : memref<8x32xf32, #tpu.memory_space<vmem>>) offsets(%dma_start3A_2804 : memref<8xi32, #tpu.memory_space<vmem>>) semaphore(%arg21 : memref<!tpu.dma_semaphore, #tpu.memory_space<semaphore_mem>>)
      %dma_wait3A_2808 = arith.constant 0 : i32
      %dma_wait3A_2809 = arith.constant 0 : i32
      %dma_wait3A_2810 = tpu.memref_slice %arg17[%select_n3A_1828, %dma_wait3A_2808, %dma_wait3A_2809] : memref<201x8x32xf32, #tpu.memory_space<vmem>> -> memref<1x8x32xf32, #tpu.memory_space<vmem>>
      %dma_wait3A_2811 = tpu.memref_squeeze %dma_wait3A_2810 : memref<1x8x32xf32, #tpu.memory_space<vmem>> -> memref<8x32xf32, #tpu.memory_space<vmem>>
      %dma_wait3A_2812 = arith.constant 0 : i32
      %dma_wait3A_2813 = tpu.memref_slice %arg15[%dma_wait3A_2812] : memref<128xi32, #tpu.memory_space<vmem>> -> memref<8xi32, #tpu.memory_space<vmem>>
      %dma_wait3A_2814 = arith.constant 0 : i32
      %dma_wait3A_2815 = arith.constant 0 : i32
      %dma_wait3A_2816 = tpu.memref_slice %arg6[%dma_wait3A_2814, %dma_wait3A_2815] : memref<402x32xf32, #tpu.memory_space<vmem_shared>> -> memref<402x32xf32, #tpu.memory_space<vmem_shared>>
      tpu.wait_indirect_dma semaphore(%arg21 : memref<!tpu.dma_semaphore, #tpu.memory_space<semaphore_mem>>) src(%dma_wait3A_2816 : memref<402x32xf32, #tpu.memory_space<vmem_shared>>) dst(%dma_wait3A_2811 : memref<8x32xf32, #tpu.memory_space<vmem>>)
      %dma_wait3A_2817 = arith.constant 0 : i32
      %dma_wait3A_2818 = arith.constant 0 : i32
      %dma_wait3A_2819 = tpu.memref_slice %arg17[%select_n3A_1910, %dma_wait3A_2817, %dma_wait3A_2818] : memref<201x8x32xf32, #tpu.memory_space<vmem>> -> memref<1x8x32xf32, #tpu.memory_space<vmem>>
      %dma_wait3A_2820 = tpu.memref_squeeze %dma_wait3A_2819 : memref<1x8x32xf32, #tpu.memory_space<vmem>> -> memref<8x32xf32, #tpu.memory_space<vmem>>
      %dma_wait3A_2821 = arith.constant 16 : i32
      %dma_wait3A_2822 = tpu.memref_slice %arg15[%dma_wait3A_2821] : memref<128xi32, #tpu.memory_space<vmem>> -> memref<8xi32, #tpu.memory_space<vmem>>
      %dma_wait3A_2823 = arith.constant 0 : i32
      %dma_wait3A_2824 = arith.constant 0 : i32
      %dma_wait3A_2825 = tpu.memref_slice %arg6[%dma_wait3A_2823, %dma_wait3A_2824] : memref<402x32xf32, #tpu.memory_space<vmem_shared>> -> memref<402x32xf32, #tpu.memory_space<vmem_shared>>
      tpu.wait_indirect_dma semaphore(%arg21 : memref<!tpu.dma_semaphore, #tpu.memory_space<semaphore_mem>>) src(%dma_wait3A_2825 : memref<402x32xf32, #tpu.memory_space<vmem_shared>>) dst(%dma_wait3A_2820 : memref<8x32xf32, #tpu.memory_space<vmem>>)
      %dma_wait3A_2826 = arith.constant 0 : i32
      %dma_wait3A_2827 = arith.constant 0 : i32
      %dma_wait3A_2828 = tpu.memref_slice %arg17[%select_n3A_1992, %dma_wait3A_2826, %dma_wait3A_2827] : memref<201x8x32xf32, #tpu.memory_space<vmem>> -> memref<1x8x32xf32, #tpu.memory_space<vmem>>
      %dma_wait3A_2829 = tpu.memref_squeeze %dma_wait3A_2828 : memref<1x8x32xf32, #tpu.memory_space<vmem>> -> memref<8x32xf32, #tpu.memory_space<vmem>>
      %dma_wait3A_2830 = arith.constant 32 : i32
      %dma_wait3A_2831 = tpu.memref_slice %arg15[%dma_wait3A_2830] : memref<128xi32, #tpu.memory_space<vmem>> -> memref<8xi32, #tpu.memory_space<vmem>>
      %dma_wait3A_2832 = arith.constant 0 : i32
      %dma_wait3A_2833 = arith.constant 0 : i32
      %dma_wait3A_2834 = tpu.memref_slice %arg6[%dma_wait3A_2832, %dma_wait3A_2833] : memref<402x32xf32, #tpu.memory_space<vmem_shared>> -> memref<402x32xf32, #tpu.memory_space<vmem_shared>>
      tpu.wait_indirect_dma semaphore(%arg21 : memref<!tpu.dma_semaphore, #tpu.memory_space<semaphore_mem>>) src(%dma_wait3A_2834 : memref<402x32xf32, #tpu.memory_space<vmem_shared>>) dst(%dma_wait3A_2829 : memref<8x32xf32, #tpu.memory_space<vmem>>)
      %dma_wait3A_2835 = arith.constant 0 : i32
      %dma_wait3A_2836 = arith.constant 0 : i32
      %dma_wait3A_2837 = tpu.memref_slice %arg17[%select_n3A_2074, %dma_wait3A_2835, %dma_wait3A_2836] : memref<201x8x32xf32, #tpu.memory_space<vmem>> -> memref<1x8x32xf32, #tpu.memory_space<vmem>>
      %dma_wait3A_2838 = tpu.memref_squeeze %dma_wait3A_2837 : memref<1x8x32xf32, #tpu.memory_space<vmem>> -> memref<8x32xf32, #tpu.memory_space<vmem>>
      %dma_wait3A_2839 = arith.constant 48 : i32
      %dma_wait3A_2840 = tpu.memref_slice %arg15[%dma_wait3A_2839] : memref<128xi32, #tpu.memory_space<vmem>> -> memref<8xi32, #tpu.memory_space<vmem>>
      %dma_wait3A_2841 = arith.constant 0 : i32
      %dma_wait3A_2842 = arith.constant 0 : i32
      %dma_wait3A_2843 = tpu.memref_slice %arg6[%dma_wait3A_2841, %dma_wait3A_2842] : memref<402x32xf32, #tpu.memory_space<vmem_shared>> -> memref<402x32xf32, #tpu.memory_space<vmem_shared>>
      tpu.wait_indirect_dma semaphore(%arg21 : memref<!tpu.dma_semaphore, #tpu.memory_space<semaphore_mem>>) src(%dma_wait3A_2843 : memref<402x32xf32, #tpu.memory_space<vmem_shared>>) dst(%dma_wait3A_2838 : memref<8x32xf32, #tpu.memory_space<vmem>>)
      %dma_wait3A_2844 = arith.constant 0 : i32
      %dma_wait3A_2845 = arith.constant 0 : i32
      %dma_wait3A_2846 = tpu.memref_slice %arg17[%select_n3A_2156, %dma_wait3A_2844, %dma_wait3A_2845] : memref<201x8x32xf32, #tpu.memory_space<vmem>> -> memref<1x8x32xf32, #tpu.memory_space<vmem>>
      %dma_wait3A_2847 = tpu.memref_squeeze %dma_wait3A_2846 : memref<1x8x32xf32, #tpu.memory_space<vmem>> -> memref<8x32xf32, #tpu.memory_space<vmem>>
      %dma_wait3A_2848 = arith.constant 64 : i32
      %dma_wait3A_2849 = tpu.memref_slice %arg15[%dma_wait3A_2848] : memref<128xi32, #tpu.memory_space<vmem>> -> memref<8xi32, #tpu.memory_space<vmem>>
      %dma_wait3A_2850 = arith.constant 0 : i32
      %dma_wait3A_2851 = arith.constant 0 : i32
      %dma_wait3A_2852 = tpu.memref_slice %arg6[%dma_wait3A_2850, %dma_wait3A_2851] : memref<402x32xf32, #tpu.memory_space<vmem_shared>> -> memref<402x32xf32, #tpu.memory_space<vmem_shared>>
      tpu.wait_indirect_dma semaphore(%arg21 : memref<!tpu.dma_semaphore, #tpu.memory_space<semaphore_mem>>) src(%dma_wait3A_2852 : memref<402x32xf32, #tpu.memory_space<vmem_shared>>) dst(%dma_wait3A_2847 : memref<8x32xf32, #tpu.memory_space<vmem>>)
      %dma_wait3A_2853 = arith.constant 0 : i32
      %dma_wait3A_2854 = arith.constant 0 : i32
      %dma_wait3A_2855 = tpu.memref_slice %arg17[%select_n3A_2238, %dma_wait3A_2853, %dma_wait3A_2854] : memref<201x8x32xf32, #tpu.memory_space<vmem>> -> memref<1x8x32xf32, #tpu.memory_space<vmem>>
      %dma_wait3A_2856 = tpu.memref_squeeze %dma_wait3A_2855 : memref<1x8x32xf32, #tpu.memory_space<vmem>> -> memref<8x32xf32, #tpu.memory_space<vmem>>
      %dma_wait3A_2857 = arith.constant 80 : i32
      %dma_wait3A_2858 = tpu.memref_slice %arg15[%dma_wait3A_2857] : memref<128xi32, #tpu.memory_space<vmem>> -> memref<8xi32, #tpu.memory_space<vmem>>
      %dma_wait3A_2859 = arith.constant 0 : i32
      %dma_wait3A_2860 = arith.constant 0 : i32
      %dma_wait3A_2861 = tpu.memref_slice %arg6[%dma_wait3A_2859, %dma_wait3A_2860] : memref<402x32xf32, #tpu.memory_space<vmem_shared>> -> memref<402x32xf32, #tpu.memory_space<vmem_shared>>
      tpu.wait_indirect_dma semaphore(%arg21 : memref<!tpu.dma_semaphore, #tpu.memory_space<semaphore_mem>>) src(%dma_wait3A_2861 : memref<402x32xf32, #tpu.memory_space<vmem_shared>>) dst(%dma_wait3A_2856 : memref<8x32xf32, #tpu.memory_space<vmem>>)
      %dma_wait3A_2862 = arith.constant 0 : i32
      %dma_wait3A_2863 = arith.constant 0 : i32
      %dma_wait3A_2864 = tpu.memref_slice %arg17[%select_n3A_2320, %dma_wait3A_2862, %dma_wait3A_2863] : memref<201x8x32xf32, #tpu.memory_space<vmem>> -> memref<1x8x32xf32, #tpu.memory_space<vmem>>
      %dma_wait3A_2865 = tpu.memref_squeeze %dma_wait3A_2864 : memref<1x8x32xf32, #tpu.memory_space<vmem>> -> memref<8x32xf32, #tpu.memory_space<vmem>>
      %dma_wait3A_2866 = arith.constant 96 : i32
      %dma_wait3A_2867 = tpu.memref_slice %arg15[%dma_wait3A_2866] : memref<128xi32, #tpu.memory_space<vmem>> -> memref<8xi32, #tpu.memory_space<vmem>>
      %dma_wait3A_2868 = arith.constant 0 : i32
      %dma_wait3A_2869 = arith.constant 0 : i32
      %dma_wait3A_2870 = tpu.memref_slice %arg6[%dma_wait3A_2868, %dma_wait3A_2869] : memref<402x32xf32, #tpu.memory_space<vmem_shared>> -> memref<402x32xf32, #tpu.memory_space<vmem_shared>>
      tpu.wait_indirect_dma semaphore(%arg21 : memref<!tpu.dma_semaphore, #tpu.memory_space<semaphore_mem>>) src(%dma_wait3A_2870 : memref<402x32xf32, #tpu.memory_space<vmem_shared>>) dst(%dma_wait3A_2865 : memref<8x32xf32, #tpu.memory_space<vmem>>)
      %dma_wait3A_2871 = arith.constant 0 : i32
      %dma_wait3A_2872 = arith.constant 0 : i32
      %dma_wait3A_2873 = tpu.memref_slice %arg17[%select_n3A_2402, %dma_wait3A_2871, %dma_wait3A_2872] : memref<201x8x32xf32, #tpu.memory_space<vmem>> -> memref<1x8x32xf32, #tpu.memory_space<vmem>>
      %dma_wait3A_2874 = tpu.memref_squeeze %dma_wait3A_2873 : memref<1x8x32xf32, #tpu.memory_space<vmem>> -> memref<8x32xf32, #tpu.memory_space<vmem>>
      %dma_wait3A_2875 = arith.constant 112 : i32
      %dma_wait3A_2876 = tpu.memref_slice %arg15[%dma_wait3A_2875] : memref<128xi32, #tpu.memory_space<vmem>> -> memref<8xi32, #tpu.memory_space<vmem>>
      %dma_wait3A_2877 = arith.constant 0 : i32
      %dma_wait3A_2878 = arith.constant 0 : i32
      %dma_wait3A_2879 = tpu.memref_slice %arg6[%dma_wait3A_2877, %dma_wait3A_2878] : memref<402x32xf32, #tpu.memory_space<vmem_shared>> -> memref<402x32xf32, #tpu.memory_space<vmem_shared>>
      tpu.wait_indirect_dma semaphore(%arg21 : memref<!tpu.dma_semaphore, #tpu.memory_space<semaphore_mem>>) src(%dma_wait3A_2879 : memref<402x32xf32, #tpu.memory_space<vmem_shared>>) dst(%dma_wait3A_2874 : memref<8x32xf32, #tpu.memory_space<vmem>>)
      %add3A_2880 = arith.constant 0 : i32
      %add3A_2881 = arith.addi %add3A_1090, %add3A_2880 : i32
      %dma_start3A_2882 = arith.constant 0 : i32
      %dma_start3A_2883 = arith.constant 0 : i32
      %dma_start3A_2884 = arith.constant 0 : i32
      %dma_start3A_2885 = tpu.memref_slice %arg17[%dma_start3A_2882, %dma_start3A_2883, %dma_start3A_2884] : memref<201x8x32xf32, #tpu.memory_space<vmem>> -> memref<25x8x32xf32, #tpu.memory_space<vmem>>
      %dma_start3A_2886 = arith.constant 0 : i32
      %dma_start3A_2887 = arith.constant 0 : i32
      %dma_start3A_2888 = arith.constant 0 : i32
      %dma_start3A_2889 = tpu.memref_slice %arg5[%add3A_2881, %dma_start3A_2886, %dma_start3A_2887, %dma_start3A_2888] : memref<4096x25x8x128xf32, #tpu.memory_space<hbm>> -> memref<1x25x8x32xf32, #tpu.memory_space<hbm>>
      %dma_start3A_2890 = tpu.memref_squeeze %dma_start3A_2889 : memref<1x25x8x32xf32, #tpu.memory_space<hbm>> -> memref<25x8x32xf32, #tpu.memory_space<hbm>>
      %dma_start3A_2891 = arith.constant 0 : i32
      %dma_start3A_2892 = arith.constant 0 : i32
      %dma_start3A_2893 = arith.constant 0 : i32
      %dma_start3A_2894 = tpu.memref_slice %arg5[%add3A_2881, %dma_start3A_2891, %dma_start3A_2892, %dma_start3A_2893] : memref<4096x25x8x128xf32, #tpu.memory_space<hbm>> -> memref<1x25x8x32xf32, #tpu.memory_space<hbm>>
      %dma_start3A_2895 = tpu.memref_squeeze %dma_start3A_2894 : memref<1x25x8x32xf32, #tpu.memory_space<hbm>> -> memref<25x8x32xf32, #tpu.memory_space<hbm>>
      %dma_start3A_2896 = arith.constant 0 : i32
      %dma_start3A_2897 = arith.constant 0 : i32
      %dma_start3A_2898 = arith.constant 0 : i32
      %dma_start3A_2899 = tpu.memref_slice %arg17[%dma_start3A_2896, %dma_start3A_2897, %dma_start3A_2898] : memref<201x8x32xf32, #tpu.memory_space<vmem>> -> memref<25x8x32xf32, #tpu.memory_space<vmem>>
      tpu.enqueue_dma source(%dma_start3A_2899 : memref<25x8x32xf32, #tpu.memory_space<vmem>>) target(%dma_start3A_2895 : memref<25x8x32xf32, #tpu.memory_space<hbm>>) target_semaphore(%arg23 : memref<!tpu.dma_semaphore, #tpu.memory_space<semaphore_mem>>)
      %add3A_2900 = arith.constant 1 : i32
      %add3A_2901 = arith.addi %add3A_1090, %add3A_2900 : i32
      %dma_start3A_2902 = arith.constant 25 : i32
      %dma_start3A_2903 = arith.constant 0 : i32
      %dma_start3A_2904 = arith.constant 0 : i32
      %dma_start3A_2905 = tpu.memref_slice %arg17[%dma_start3A_2902, %dma_start3A_2903, %dma_start3A_2904] : memref<201x8x32xf32, #tpu.memory_space<vmem>> -> memref<25x8x32xf32, #tpu.memory_space<vmem>>
      %dma_start3A_2906 = arith.constant 0 : i32
      %dma_start3A_2907 = arith.constant 0 : i32
      %dma_start3A_2908 = arith.constant 0 : i32
      %dma_start3A_2909 = tpu.memref_slice %arg5[%add3A_2901, %dma_start3A_2906, %dma_start3A_2907, %dma_start3A_2908] : memref<4096x25x8x128xf32, #tpu.memory_space<hbm>> -> memref<1x25x8x32xf32, #tpu.memory_space<hbm>>
      %dma_start3A_2910 = tpu.memref_squeeze %dma_start3A_2909 : memref<1x25x8x32xf32, #tpu.memory_space<hbm>> -> memref<25x8x32xf32, #tpu.memory_space<hbm>>
      %dma_start3A_2911 = arith.constant 0 : i32
      %dma_start3A_2912 = arith.constant 0 : i32
      %dma_start3A_2913 = arith.constant 0 : i32
      %dma_start3A_2914 = tpu.memref_slice %arg5[%add3A_2901, %dma_start3A_2911, %dma_start3A_2912, %dma_start3A_2913] : memref<4096x25x8x128xf32, #tpu.memory_space<hbm>> -> memref<1x25x8x32xf32, #tpu.memory_space<hbm>>
      %dma_start3A_2915 = tpu.memref_squeeze %dma_start3A_2914 : memref<1x25x8x32xf32, #tpu.memory_space<hbm>> -> memref<25x8x32xf32, #tpu.memory_space<hbm>>
      %dma_start3A_2916 = arith.constant 25 : i32
      %dma_start3A_2917 = arith.constant 0 : i32
      %dma_start3A_2918 = arith.constant 0 : i32
      %dma_start3A_2919 = tpu.memref_slice %arg17[%dma_start3A_2916, %dma_start3A_2917, %dma_start3A_2918] : memref<201x8x32xf32, #tpu.memory_space<vmem>> -> memref<25x8x32xf32, #tpu.memory_space<vmem>>
      tpu.enqueue_dma source(%dma_start3A_2919 : memref<25x8x32xf32, #tpu.memory_space<vmem>>) target(%dma_start3A_2915 : memref<25x8x32xf32, #tpu.memory_space<hbm>>) target_semaphore(%arg23 : memref<!tpu.dma_semaphore, #tpu.memory_space<semaphore_mem>>)
      %add3A_2920 = arith.constant 2 : i32
      %add3A_2921 = arith.addi %add3A_1090, %add3A_2920 : i32
      %dma_start3A_2922 = arith.constant 50 : i32
      %dma_start3A_2923 = arith.constant 0 : i32
      %dma_start3A_2924 = arith.constant 0 : i32
      %dma_start3A_2925 = tpu.memref_slice %arg17[%dma_start3A_2922, %dma_start3A_2923, %dma_start3A_2924] : memref<201x8x32xf32, #tpu.memory_space<vmem>> -> memref<25x8x32xf32, #tpu.memory_space<vmem>>
      %dma_start3A_2926 = arith.constant 0 : i32
      %dma_start3A_2927 = arith.constant 0 : i32
      %dma_start3A_2928 = arith.constant 0 : i32
      %dma_start3A_2929 = tpu.memref_slice %arg5[%add3A_2921, %dma_start3A_2926, %dma_start3A_2927, %dma_start3A_2928] : memref<4096x25x8x128xf32, #tpu.memory_space<hbm>> -> memref<1x25x8x32xf32, #tpu.memory_space<hbm>>
      %dma_start3A_2930 = tpu.memref_squeeze %dma_start3A_2929 : memref<1x25x8x32xf32, #tpu.memory_space<hbm>> -> memref<25x8x32xf32, #tpu.memory_space<hbm>>
      %dma_start3A_2931 = arith.constant 0 : i32
      %dma_start3A_2932 = arith.constant 0 : i32
      %dma_start3A_2933 = arith.constant 0 : i32
      %dma_start3A_2934 = tpu.memref_slice %arg5[%add3A_2921, %dma_start3A_2931, %dma_start3A_2932, %dma_start3A_2933] : memref<4096x25x8x128xf32, #tpu.memory_space<hbm>> -> memref<1x25x8x32xf32, #tpu.memory_space<hbm>>
      %dma_start3A_2935 = tpu.memref_squeeze %dma_start3A_2934 : memref<1x25x8x32xf32, #tpu.memory_space<hbm>> -> memref<25x8x32xf32, #tpu.memory_space<hbm>>
      %dma_start3A_2936 = arith.constant 50 : i32
      %dma_start3A_2937 = arith.constant 0 : i32
      %dma_start3A_2938 = arith.constant 0 : i32
      %dma_start3A_2939 = tpu.memref_slice %arg17[%dma_start3A_2936, %dma_start3A_2937, %dma_start3A_2938] : memref<201x8x32xf32, #tpu.memory_space<vmem>> -> memref<25x8x32xf32, #tpu.memory_space<vmem>>
      tpu.enqueue_dma source(%dma_start3A_2939 : memref<25x8x32xf32, #tpu.memory_space<vmem>>) target(%dma_start3A_2935 : memref<25x8x32xf32, #tpu.memory_space<hbm>>) target_semaphore(%arg23 : memref<!tpu.dma_semaphore, #tpu.memory_space<semaphore_mem>>)
      %add3A_2940 = arith.constant 3 : i32
      %add3A_2941 = arith.addi %add3A_1090, %add3A_2940 : i32
      %dma_start3A_2942 = arith.constant 75 : i32
      %dma_start3A_2943 = arith.constant 0 : i32
      %dma_start3A_2944 = arith.constant 0 : i32
      %dma_start3A_2945 = tpu.memref_slice %arg17[%dma_start3A_2942, %dma_start3A_2943, %dma_start3A_2944] : memref<201x8x32xf32, #tpu.memory_space<vmem>> -> memref<25x8x32xf32, #tpu.memory_space<vmem>>
      %dma_start3A_2946 = arith.constant 0 : i32
      %dma_start3A_2947 = arith.constant 0 : i32
      %dma_start3A_2948 = arith.constant 0 : i32
      %dma_start3A_2949 = tpu.memref_slice %arg5[%add3A_2941, %dma_start3A_2946, %dma_start3A_2947, %dma_start3A_2948] : memref<4096x25x8x128xf32, #tpu.memory_space<hbm>> -> memref<1x25x8x32xf32, #tpu.memory_space<hbm>>
      %dma_start3A_2950 = tpu.memref_squeeze %dma_start3A_2949 : memref<1x25x8x32xf32, #tpu.memory_space<hbm>> -> memref<25x8x32xf32, #tpu.memory_space<hbm>>
      %dma_start3A_2951 = arith.constant 0 : i32
      %dma_start3A_2952 = arith.constant 0 : i32
      %dma_start3A_2953 = arith.constant 0 : i32
      %dma_start3A_2954 = tpu.memref_slice %arg5[%add3A_2941, %dma_start3A_2951, %dma_start3A_2952, %dma_start3A_2953] : memref<4096x25x8x128xf32, #tpu.memory_space<hbm>> -> memref<1x25x8x32xf32, #tpu.memory_space<hbm>>
      %dma_start3A_2955 = tpu.memref_squeeze %dma_start3A_2954 : memref<1x25x8x32xf32, #tpu.memory_space<hbm>> -> memref<25x8x32xf32, #tpu.memory_space<hbm>>
      %dma_start3A_2956 = arith.constant 75 : i32
      %dma_start3A_2957 = arith.constant 0 : i32
      %dma_start3A_2958 = arith.constant 0 : i32
      %dma_start3A_2959 = tpu.memref_slice %arg17[%dma_start3A_2956, %dma_start3A_2957, %dma_start3A_2958] : memref<201x8x32xf32, #tpu.memory_space<vmem>> -> memref<25x8x32xf32, #tpu.memory_space<vmem>>
      tpu.enqueue_dma source(%dma_start3A_2959 : memref<25x8x32xf32, #tpu.memory_space<vmem>>) target(%dma_start3A_2955 : memref<25x8x32xf32, #tpu.memory_space<hbm>>) target_semaphore(%arg23 : memref<!tpu.dma_semaphore, #tpu.memory_space<semaphore_mem>>)
      %add3A_2960 = arith.constant 4 : i32
      %add3A_2961 = arith.addi %add3A_1090, %add3A_2960 : i32
      %dma_start3A_2962 = arith.constant 100 : i32
      %dma_start3A_2963 = arith.constant 0 : i32
      %dma_start3A_2964 = arith.constant 0 : i32
      %dma_start3A_2965 = tpu.memref_slice %arg17[%dma_start3A_2962, %dma_start3A_2963, %dma_start3A_2964] : memref<201x8x32xf32, #tpu.memory_space<vmem>> -> memref<25x8x32xf32, #tpu.memory_space<vmem>>
      %dma_start3A_2966 = arith.constant 0 : i32
      %dma_start3A_2967 = arith.constant 0 : i32
      %dma_start3A_2968 = arith.constant 0 : i32
      %dma_start3A_2969 = tpu.memref_slice %arg5[%add3A_2961, %dma_start3A_2966, %dma_start3A_2967, %dma_start3A_2968] : memref<4096x25x8x128xf32, #tpu.memory_space<hbm>> -> memref<1x25x8x32xf32, #tpu.memory_space<hbm>>
      %dma_start3A_2970 = tpu.memref_squeeze %dma_start3A_2969 : memref<1x25x8x32xf32, #tpu.memory_space<hbm>> -> memref<25x8x32xf32, #tpu.memory_space<hbm>>
      %dma_start3A_2971 = arith.constant 0 : i32
      %dma_start3A_2972 = arith.constant 0 : i32
      %dma_start3A_2973 = arith.constant 0 : i32
      %dma_start3A_2974 = tpu.memref_slice %arg5[%add3A_2961, %dma_start3A_2971, %dma_start3A_2972, %dma_start3A_2973] : memref<4096x25x8x128xf32, #tpu.memory_space<hbm>> -> memref<1x25x8x32xf32, #tpu.memory_space<hbm>>
      %dma_start3A_2975 = tpu.memref_squeeze %dma_start3A_2974 : memref<1x25x8x32xf32, #tpu.memory_space<hbm>> -> memref<25x8x32xf32, #tpu.memory_space<hbm>>
      %dma_start3A_2976 = arith.constant 100 : i32
      %dma_start3A_2977 = arith.constant 0 : i32
      %dma_start3A_2978 = arith.constant 0 : i32
      %dma_start3A_2979 = tpu.memref_slice %arg17[%dma_start3A_2976, %dma_start3A_2977, %dma_start3A_2978] : memref<201x8x32xf32, #tpu.memory_space<vmem>> -> memref<25x8x32xf32, #tpu.memory_space<vmem>>
      tpu.enqueue_dma source(%dma_start3A_2979 : memref<25x8x32xf32, #tpu.memory_space<vmem>>) target(%dma_start3A_2975 : memref<25x8x32xf32, #tpu.memory_space<hbm>>) target_semaphore(%arg23 : memref<!tpu.dma_semaphore, #tpu.memory_space<semaphore_mem>>)
      %add3A_2980 = arith.constant 5 : i32
      %add3A_2981 = arith.addi %add3A_1090, %add3A_2980 : i32
      %dma_start3A_2982 = arith.constant 125 : i32
      %dma_start3A_2983 = arith.constant 0 : i32
      %dma_start3A_2984 = arith.constant 0 : i32
      %dma_start3A_2985 = tpu.memref_slice %arg17[%dma_start3A_2982, %dma_start3A_2983, %dma_start3A_2984] : memref<201x8x32xf32, #tpu.memory_space<vmem>> -> memref<25x8x32xf32, #tpu.memory_space<vmem>>
      %dma_start3A_2986 = arith.constant 0 : i32
      %dma_start3A_2987 = arith.constant 0 : i32
      %dma_start3A_2988 = arith.constant 0 : i32
      %dma_start3A_2989 = tpu.memref_slice %arg5[%add3A_2981, %dma_start3A_2986, %dma_start3A_2987, %dma_start3A_2988] : memref<4096x25x8x128xf32, #tpu.memory_space<hbm>> -> memref<1x25x8x32xf32, #tpu.memory_space<hbm>>
      %dma_start3A_2990 = tpu.memref_squeeze %dma_start3A_2989 : memref<1x25x8x32xf32, #tpu.memory_space<hbm>> -> memref<25x8x32xf32, #tpu.memory_space<hbm>>
      %dma_start3A_2991 = arith.constant 0 : i32
      %dma_start3A_2992 = arith.constant 0 : i32
      %dma_start3A_2993 = arith.constant 0 : i32
      %dma_start3A_2994 = tpu.memref_slice %arg5[%add3A_2981, %dma_start3A_2991, %dma_start3A_2992, %dma_start3A_2993] : memref<4096x25x8x128xf32, #tpu.memory_space<hbm>> -> memref<1x25x8x32xf32, #tpu.memory_space<hbm>>
      %dma_start3A_2995 = tpu.memref_squeeze %dma_start3A_2994 : memref<1x25x8x32xf32, #tpu.memory_space<hbm>> -> memref<25x8x32xf32, #tpu.memory_space<hbm>>
      %dma_start3A_2996 = arith.constant 125 : i32
      %dma_start3A_2997 = arith.constant 0 : i32
      %dma_start3A_2998 = arith.constant 0 : i32
      %dma_start3A_2999 = tpu.memref_slice %arg17[%dma_start3A_2996, %dma_start3A_2997, %dma_start3A_2998] : memref<201x8x32xf32, #tpu.memory_space<vmem>> -> memref<25x8x32xf32, #tpu.memory_space<vmem>>
      tpu.enqueue_dma source(%dma_start3A_2999 : memref<25x8x32xf32, #tpu.memory_space<vmem>>) target(%dma_start3A_2995 : memref<25x8x32xf32, #tpu.memory_space<hbm>>) target_semaphore(%arg23 : memref<!tpu.dma_semaphore, #tpu.memory_space<semaphore_mem>>)
      %add3A_3000 = arith.constant 6 : i32
      %add3A_3001 = arith.addi %add3A_1090, %add3A_3000 : i32
      %dma_start3A_3002 = arith.constant 150 : i32
      %dma_start3A_3003 = arith.constant 0 : i32
      %dma_start3A_3004 = arith.constant 0 : i32
      %dma_start3A_3005 = tpu.memref_slice %arg17[%dma_start3A_3002, %dma_start3A_3003, %dma_start3A_3004] : memref<201x8x32xf32, #tpu.memory_space<vmem>> -> memref<25x8x32xf32, #tpu.memory_space<vmem>>
      %dma_start3A_3006 = arith.constant 0 : i32
      %dma_start3A_3007 = arith.constant 0 : i32
      %dma_start3A_3008 = arith.constant 0 : i32
      %dma_start3A_3009 = tpu.memref_slice %arg5[%add3A_3001, %dma_start3A_3006, %dma_start3A_3007, %dma_start3A_3008] : memref<4096x25x8x128xf32, #tpu.memory_space<hbm>> -> memref<1x25x8x32xf32, #tpu.memory_space<hbm>>
      %dma_start3A_3010 = tpu.memref_squeeze %dma_start3A_3009 : memref<1x25x8x32xf32, #tpu.memory_space<hbm>> -> memref<25x8x32xf32, #tpu.memory_space<hbm>>
      %dma_start3A_3011 = arith.constant 0 : i32
      %dma_start3A_3012 = arith.constant 0 : i32
      %dma_start3A_3013 = arith.constant 0 : i32
      %dma_start3A_3014 = tpu.memref_slice %arg5[%add3A_3001, %dma_start3A_3011, %dma_start3A_3012, %dma_start3A_3013] : memref<4096x25x8x128xf32, #tpu.memory_space<hbm>> -> memref<1x25x8x32xf32, #tpu.memory_space<hbm>>
      %dma_start3A_3015 = tpu.memref_squeeze %dma_start3A_3014 : memref<1x25x8x32xf32, #tpu.memory_space<hbm>> -> memref<25x8x32xf32, #tpu.memory_space<hbm>>
      %dma_start3A_3016 = arith.constant 150 : i32
      %dma_start3A_3017 = arith.constant 0 : i32
      %dma_start3A_3018 = arith.constant 0 : i32
      %dma_start3A_3019 = tpu.memref_slice %arg17[%dma_start3A_3016, %dma_start3A_3017, %dma_start3A_3018] : memref<201x8x32xf32, #tpu.memory_space<vmem>> -> memref<25x8x32xf32, #tpu.memory_space<vmem>>
      tpu.enqueue_dma source(%dma_start3A_3019 : memref<25x8x32xf32, #tpu.memory_space<vmem>>) target(%dma_start3A_3015 : memref<25x8x32xf32, #tpu.memory_space<hbm>>) target_semaphore(%arg23 : memref<!tpu.dma_semaphore, #tpu.memory_space<semaphore_mem>>)
      %add3A_3020 = arith.constant 7 : i32
      %add3A_3021 = arith.addi %add3A_1090, %add3A_3020 : i32
      %dma_start3A_3022 = arith.constant 175 : i32
      %dma_start3A_3023 = arith.constant 0 : i32
      %dma_start3A_3024 = arith.constant 0 : i32
      %dma_start3A_3025 = tpu.memref_slice %arg17[%dma_start3A_3022, %dma_start3A_3023, %dma_start3A_3024] : memref<201x8x32xf32, #tpu.memory_space<vmem>> -> memref<25x8x32xf32, #tpu.memory_space<vmem>>
      %dma_start3A_3026 = arith.constant 0 : i32
      %dma_start3A_3027 = arith.constant 0 : i32
      %dma_start3A_3028 = arith.constant 0 : i32
      %dma_start3A_3029 = tpu.memref_slice %arg5[%add3A_3021, %dma_start3A_3026, %dma_start3A_3027, %dma_start3A_3028] : memref<4096x25x8x128xf32, #tpu.memory_space<hbm>> -> memref<1x25x8x32xf32, #tpu.memory_space<hbm>>
      %dma_start3A_3030 = tpu.memref_squeeze %dma_start3A_3029 : memref<1x25x8x32xf32, #tpu.memory_space<hbm>> -> memref<25x8x32xf32, #tpu.memory_space<hbm>>
      %dma_start3A_3031 = arith.constant 0 : i32
      %dma_start3A_3032 = arith.constant 0 : i32
      %dma_start3A_3033 = arith.constant 0 : i32
      %dma_start3A_3034 = tpu.memref_slice %arg5[%add3A_3021, %dma_start3A_3031, %dma_start3A_3032, %dma_start3A_3033] : memref<4096x25x8x128xf32, #tpu.memory_space<hbm>> -> memref<1x25x8x32xf32, #tpu.memory_space<hbm>>
      %dma_start3A_3035 = tpu.memref_squeeze %dma_start3A_3034 : memref<1x25x8x32xf32, #tpu.memory_space<hbm>> -> memref<25x8x32xf32, #tpu.memory_space<hbm>>
      %dma_start3A_3036 = arith.constant 175 : i32
      %dma_start3A_3037 = arith.constant 0 : i32
      %dma_start3A_3038 = arith.constant 0 : i32
      %dma_start3A_3039 = tpu.memref_slice %arg17[%dma_start3A_3036, %dma_start3A_3037, %dma_start3A_3038] : memref<201x8x32xf32, #tpu.memory_space<vmem>> -> memref<25x8x32xf32, #tpu.memory_space<vmem>>
      tpu.enqueue_dma source(%dma_start3A_3039 : memref<25x8x32xf32, #tpu.memory_space<vmem>>) target(%dma_start3A_3035 : memref<25x8x32xf32, #tpu.memory_space<hbm>>) target_semaphore(%arg23 : memref<!tpu.dma_semaphore, #tpu.memory_space<semaphore_mem>>)
    }
    %scan3A_741 = arith.constant 8 : i32
    %add3A_742 = arith.constant 128 : i32
    %add3A_743 = arith.addi %mul3A_2, %add3A_742 : i32
    %sub3A = arith.constant 16 : i32
    %sub3A_744 = arith.subi %add3A_743, %sub3A : i32
    %add3A_745 = arith.constant 0 : i32
    %add3A_746 = arith.addi %sub3A_744, %add3A_745 : i32
    %dma_wait3A_747 = arith.constant 0 : i32
    %dma_wait3A_748 = arith.constant 0 : i32
    %dma_wait3A_749 = arith.constant 0 : i32
    %dma_wait3A_750 = tpu.memref_slice %arg16[%dma_wait3A_747, %dma_wait3A_748, %dma_wait3A_749] : memref<201x8x32xf32, #tpu.memory_space<vmem>> -> memref<25x8x32xf32, #tpu.memory_space<vmem>>
    %dma_wait3A_751 = arith.constant 0 : i32
    %dma_wait3A_752 = arith.constant 0 : i32
    %dma_wait3A_753 = arith.constant 0 : i32
    %dma_wait3A_754 = tpu.memref_slice %arg5[%add3A_746, %dma_wait3A_751, %dma_wait3A_752, %dma_wait3A_753] : memref<4096x25x8x128xf32, #tpu.memory_space<hbm>> -> memref<1x25x8x32xf32, #tpu.memory_space<hbm>>
    %dma_wait3A_755 = tpu.memref_squeeze %dma_wait3A_754 : memref<1x25x8x32xf32, #tpu.memory_space<hbm>> -> memref<25x8x32xf32, #tpu.memory_space<hbm>>
    %dma_wait3A_756 = arith.constant 0 : i32
    %dma_wait3A_757 = arith.constant 0 : i32
    %dma_wait3A_758 = arith.constant 0 : i32
    %dma_wait3A_759 = tpu.memref_slice %arg5[%add3A_746, %dma_wait3A_756, %dma_wait3A_757, %dma_wait3A_758] : memref<4096x25x8x128xf32, #tpu.memory_space<hbm>> -> memref<1x25x8x32xf32, #tpu.memory_space<hbm>>
    %dma_wait3A_760 = tpu.memref_squeeze %dma_wait3A_759 : memref<1x25x8x32xf32, #tpu.memory_space<hbm>> -> memref<25x8x32xf32, #tpu.memory_space<hbm>>
    %dma_wait3A_761 = arith.constant 0 : i32
    %dma_wait3A_762 = arith.constant 0 : i32
    %dma_wait3A_763 = arith.constant 0 : i32
    %dma_wait3A_764 = tpu.memref_slice %arg16[%dma_wait3A_761, %dma_wait3A_762, %dma_wait3A_763] : memref<201x8x32xf32, #tpu.memory_space<vmem>> -> memref<25x8x32xf32, #tpu.memory_space<vmem>>
    tpu.wait_dma2 semaphore(%arg22 : memref<!tpu.dma_semaphore, #tpu.memory_space<semaphore_mem>>) src(%dma_wait3A_764 : memref<25x8x32xf32, #tpu.memory_space<vmem>>) dst(%dma_wait3A_760 : memref<25x8x32xf32, #tpu.memory_space<hbm>>)
    %add3A_765 = arith.constant 1 : i32
    %add3A_766 = arith.addi %sub3A_744, %add3A_765 : i32
    %dma_wait3A_767 = arith.constant 25 : i32
    %dma_wait3A_768 = arith.constant 0 : i32
    %dma_wait3A_769 = arith.constant 0 : i32
    %dma_wait3A_770 = tpu.memref_slice %arg16[%dma_wait3A_767, %dma_wait3A_768, %dma_wait3A_769] : memref<201x8x32xf32, #tpu.memory_space<vmem>> -> memref<25x8x32xf32, #tpu.memory_space<vmem>>
    %dma_wait3A_771 = arith.constant 0 : i32
    %dma_wait3A_772 = arith.constant 0 : i32
    %dma_wait3A_773 = arith.constant 0 : i32
    %dma_wait3A_774 = tpu.memref_slice %arg5[%add3A_766, %dma_wait3A_771, %dma_wait3A_772, %dma_wait3A_773] : memref<4096x25x8x128xf32, #tpu.memory_space<hbm>> -> memref<1x25x8x32xf32, #tpu.memory_space<hbm>>
    %dma_wait3A_775 = tpu.memref_squeeze %dma_wait3A_774 : memref<1x25x8x32xf32, #tpu.memory_space<hbm>> -> memref<25x8x32xf32, #tpu.memory_space<hbm>>
    %dma_wait3A_776 = arith.constant 0 : i32
    %dma_wait3A_777 = arith.constant 0 : i32
    %dma_wait3A_778 = arith.constant 0 : i32
    %dma_wait3A_779 = tpu.memref_slice %arg5[%add3A_766, %dma_wait3A_776, %dma_wait3A_777, %dma_wait3A_778] : memref<4096x25x8x128xf32, #tpu.memory_space<hbm>> -> memref<1x25x8x32xf32, #tpu.memory_space<hbm>>
    %dma_wait3A_780 = tpu.memref_squeeze %dma_wait3A_779 : memref<1x25x8x32xf32, #tpu.memory_space<hbm>> -> memref<25x8x32xf32, #tpu.memory_space<hbm>>
    %dma_wait3A_781 = arith.constant 25 : i32
    %dma_wait3A_782 = arith.constant 0 : i32
    %dma_wait3A_783 = arith.constant 0 : i32
    %dma_wait3A_784 = tpu.memref_slice %arg16[%dma_wait3A_781, %dma_wait3A_782, %dma_wait3A_783] : memref<201x8x32xf32, #tpu.memory_space<vmem>> -> memref<25x8x32xf32, #tpu.memory_space<vmem>>
    tpu.wait_dma2 semaphore(%arg22 : memref<!tpu.dma_semaphore, #tpu.memory_space<semaphore_mem>>) src(%dma_wait3A_784 : memref<25x8x32xf32, #tpu.memory_space<vmem>>) dst(%dma_wait3A_780 : memref<25x8x32xf32, #tpu.memory_space<hbm>>)
    %add3A_785 = arith.constant 2 : i32
    %add3A_786 = arith.addi %sub3A_744, %add3A_785 : i32
    %dma_wait3A_787 = arith.constant 50 : i32
    %dma_wait3A_788 = arith.constant 0 : i32
    %dma_wait3A_789 = arith.constant 0 : i32
    %dma_wait3A_790 = tpu.memref_slice %arg16[%dma_wait3A_787, %dma_wait3A_788, %dma_wait3A_789] : memref<201x8x32xf32, #tpu.memory_space<vmem>> -> memref<25x8x32xf32, #tpu.memory_space<vmem>>
    %dma_wait3A_791 = arith.constant 0 : i32
    %dma_wait3A_792 = arith.constant 0 : i32
    %dma_wait3A_793 = arith.constant 0 : i32
    %dma_wait3A_794 = tpu.memref_slice %arg5[%add3A_786, %dma_wait3A_791, %dma_wait3A_792, %dma_wait3A_793] : memref<4096x25x8x128xf32, #tpu.memory_space<hbm>> -> memref<1x25x8x32xf32, #tpu.memory_space<hbm>>
    %dma_wait3A_795 = tpu.memref_squeeze %dma_wait3A_794 : memref<1x25x8x32xf32, #tpu.memory_space<hbm>> -> memref<25x8x32xf32, #tpu.memory_space<hbm>>
    %dma_wait3A_796 = arith.constant 0 : i32
    %dma_wait3A_797 = arith.constant 0 : i32
    %dma_wait3A_798 = arith.constant 0 : i32
    %dma_wait3A_799 = tpu.memref_slice %arg5[%add3A_786, %dma_wait3A_796, %dma_wait3A_797, %dma_wait3A_798] : memref<4096x25x8x128xf32, #tpu.memory_space<hbm>> -> memref<1x25x8x32xf32, #tpu.memory_space<hbm>>
    %dma_wait3A_800 = tpu.memref_squeeze %dma_wait3A_799 : memref<1x25x8x32xf32, #tpu.memory_space<hbm>> -> memref<25x8x32xf32, #tpu.memory_space<hbm>>
    %dma_wait3A_801 = arith.constant 50 : i32
    %dma_wait3A_802 = arith.constant 0 : i32
    %dma_wait3A_803 = arith.constant 0 : i32
    %dma_wait3A_804 = tpu.memref_slice %arg16[%dma_wait3A_801, %dma_wait3A_802, %dma_wait3A_803] : memref<201x8x32xf32, #tpu.memory_space<vmem>> -> memref<25x8x32xf32, #tpu.memory_space<vmem>>
    tpu.wait_dma2 semaphore(%arg22 : memref<!tpu.dma_semaphore, #tpu.memory_space<semaphore_mem>>) src(%dma_wait3A_804 : memref<25x8x32xf32, #tpu.memory_space<vmem>>) dst(%dma_wait3A_800 : memref<25x8x32xf32, #tpu.memory_space<hbm>>)
    %add3A_805 = arith.constant 3 : i32
    %add3A_806 = arith.addi %sub3A_744, %add3A_805 : i32
    %dma_wait3A_807 = arith.constant 75 : i32
    %dma_wait3A_808 = arith.constant 0 : i32
    %dma_wait3A_809 = arith.constant 0 : i32
    %dma_wait3A_810 = tpu.memref_slice %arg16[%dma_wait3A_807, %dma_wait3A_808, %dma_wait3A_809] : memref<201x8x32xf32, #tpu.memory_space<vmem>> -> memref<25x8x32xf32, #tpu.memory_space<vmem>>
    %dma_wait3A_811 = arith.constant 0 : i32
    %dma_wait3A_812 = arith.constant 0 : i32
    %dma_wait3A_813 = arith.constant 0 : i32
    %dma_wait3A_814 = tpu.memref_slice %arg5[%add3A_806, %dma_wait3A_811, %dma_wait3A_812, %dma_wait3A_813] : memref<4096x25x8x128xf32, #tpu.memory_space<hbm>> -> memref<1x25x8x32xf32, #tpu.memory_space<hbm>>
    %dma_wait3A_815 = tpu.memref_squeeze %dma_wait3A_814 : memref<1x25x8x32xf32, #tpu.memory_space<hbm>> -> memref<25x8x32xf32, #tpu.memory_space<hbm>>
    %dma_wait3A_816 = arith.constant 0 : i32
    %dma_wait3A_817 = arith.constant 0 : i32
    %dma_wait3A_818 = arith.constant 0 : i32
    %dma_wait3A_819 = tpu.memref_slice %arg5[%add3A_806, %dma_wait3A_816, %dma_wait3A_817, %dma_wait3A_818] : memref<4096x25x8x128xf32, #tpu.memory_space<hbm>> -> memref<1x25x8x32xf32, #tpu.memory_space<hbm>>
    %dma_wait3A_820 = tpu.memref_squeeze %dma_wait3A_819 : memref<1x25x8x32xf32, #tpu.memory_space<hbm>> -> memref<25x8x32xf32, #tpu.memory_space<hbm>>
    %dma_wait3A_821 = arith.constant 75 : i32
    %dma_wait3A_822 = arith.constant 0 : i32
    %dma_wait3A_823 = arith.constant 0 : i32
    %dma_wait3A_824 = tpu.memref_slice %arg16[%dma_wait3A_821, %dma_wait3A_822, %dma_wait3A_823] : memref<201x8x32xf32, #tpu.memory_space<vmem>> -> memref<25x8x32xf32, #tpu.memory_space<vmem>>
    tpu.wait_dma2 semaphore(%arg22 : memref<!tpu.dma_semaphore, #tpu.memory_space<semaphore_mem>>) src(%dma_wait3A_824 : memref<25x8x32xf32, #tpu.memory_space<vmem>>) dst(%dma_wait3A_820 : memref<25x8x32xf32, #tpu.memory_space<hbm>>)
    %add3A_825 = arith.constant 4 : i32
    %add3A_826 = arith.addi %sub3A_744, %add3A_825 : i32
    %dma_wait3A_827 = arith.constant 100 : i32
    %dma_wait3A_828 = arith.constant 0 : i32
    %dma_wait3A_829 = arith.constant 0 : i32
    %dma_wait3A_830 = tpu.memref_slice %arg16[%dma_wait3A_827, %dma_wait3A_828, %dma_wait3A_829] : memref<201x8x32xf32, #tpu.memory_space<vmem>> -> memref<25x8x32xf32, #tpu.memory_space<vmem>>
    %dma_wait3A_831 = arith.constant 0 : i32
    %dma_wait3A_832 = arith.constant 0 : i32
    %dma_wait3A_833 = arith.constant 0 : i32
    %dma_wait3A_834 = tpu.memref_slice %arg5[%add3A_826, %dma_wait3A_831, %dma_wait3A_832, %dma_wait3A_833] : memref<4096x25x8x128xf32, #tpu.memory_space<hbm>> -> memref<1x25x8x32xf32, #tpu.memory_space<hbm>>
    %dma_wait3A_835 = tpu.memref_squeeze %dma_wait3A_834 : memref<1x25x8x32xf32, #tpu.memory_space<hbm>> -> memref<25x8x32xf32, #tpu.memory_space<hbm>>
    %dma_wait3A_836 = arith.constant 0 : i32
    %dma_wait3A_837 = arith.constant 0 : i32
    %dma_wait3A_838 = arith.constant 0 : i32
    %dma_wait3A_839 = tpu.memref_slice %arg5[%add3A_826, %dma_wait3A_836, %dma_wait3A_837, %dma_wait3A_838] : memref<4096x25x8x128xf32, #tpu.memory_space<hbm>> -> memref<1x25x8x32xf32, #tpu.memory_space<hbm>>
    %dma_wait3A_840 = tpu.memref_squeeze %dma_wait3A_839 : memref<1x25x8x32xf32, #tpu.memory_space<hbm>> -> memref<25x8x32xf32, #tpu.memory_space<hbm>>
    %dma_wait3A_841 = arith.constant 100 : i32
    %dma_wait3A_842 = arith.constant 0 : i32
    %dma_wait3A_843 = arith.constant 0 : i32
    %dma_wait3A_844 = tpu.memref_slice %arg16[%dma_wait3A_841, %dma_wait3A_842, %dma_wait3A_843] : memref<201x8x32xf32, #tpu.memory_space<vmem>> -> memref<25x8x32xf32, #tpu.memory_space<vmem>>
    tpu.wait_dma2 semaphore(%arg22 : memref<!tpu.dma_semaphore, #tpu.memory_space<semaphore_mem>>) src(%dma_wait3A_844 : memref<25x8x32xf32, #tpu.memory_space<vmem>>) dst(%dma_wait3A_840 : memref<25x8x32xf32, #tpu.memory_space<hbm>>)
    %add3A_845 = arith.constant 5 : i32
    %add3A_846 = arith.addi %sub3A_744, %add3A_845 : i32
    %dma_wait3A_847 = arith.constant 125 : i32
    %dma_wait3A_848 = arith.constant 0 : i32
    %dma_wait3A_849 = arith.constant 0 : i32
    %dma_wait3A_850 = tpu.memref_slice %arg16[%dma_wait3A_847, %dma_wait3A_848, %dma_wait3A_849] : memref<201x8x32xf32, #tpu.memory_space<vmem>> -> memref<25x8x32xf32, #tpu.memory_space<vmem>>
    %dma_wait3A_851 = arith.constant 0 : i32
    %dma_wait3A_852 = arith.constant 0 : i32
    %dma_wait3A_853 = arith.constant 0 : i32
    %dma_wait3A_854 = tpu.memref_slice %arg5[%add3A_846, %dma_wait3A_851, %dma_wait3A_852, %dma_wait3A_853] : memref<4096x25x8x128xf32, #tpu.memory_space<hbm>> -> memref<1x25x8x32xf32, #tpu.memory_space<hbm>>
    %dma_wait3A_855 = tpu.memref_squeeze %dma_wait3A_854 : memref<1x25x8x32xf32, #tpu.memory_space<hbm>> -> memref<25x8x32xf32, #tpu.memory_space<hbm>>
    %dma_wait3A_856 = arith.constant 0 : i32
    %dma_wait3A_857 = arith.constant 0 : i32
    %dma_wait3A_858 = arith.constant 0 : i32
    %dma_wait3A_859 = tpu.memref_slice %arg5[%add3A_846, %dma_wait3A_856, %dma_wait3A_857, %dma_wait3A_858] : memref<4096x25x8x128xf32, #tpu.memory_space<hbm>> -> memref<1x25x8x32xf32, #tpu.memory_space<hbm>>
    %dma_wait3A_860 = tpu.memref_squeeze %dma_wait3A_859 : memref<1x25x8x32xf32, #tpu.memory_space<hbm>> -> memref<25x8x32xf32, #tpu.memory_space<hbm>>
    %dma_wait3A_861 = arith.constant 125 : i32
    %dma_wait3A_862 = arith.constant 0 : i32
    %dma_wait3A_863 = arith.constant 0 : i32
    %dma_wait3A_864 = tpu.memref_slice %arg16[%dma_wait3A_861, %dma_wait3A_862, %dma_wait3A_863] : memref<201x8x32xf32, #tpu.memory_space<vmem>> -> memref<25x8x32xf32, #tpu.memory_space<vmem>>
    tpu.wait_dma2 semaphore(%arg22 : memref<!tpu.dma_semaphore, #tpu.memory_space<semaphore_mem>>) src(%dma_wait3A_864 : memref<25x8x32xf32, #tpu.memory_space<vmem>>) dst(%dma_wait3A_860 : memref<25x8x32xf32, #tpu.memory_space<hbm>>)
    %add3A_865 = arith.constant 6 : i32
    %add3A_866 = arith.addi %sub3A_744, %add3A_865 : i32
    %dma_wait3A_867 = arith.constant 150 : i32
    %dma_wait3A_868 = arith.constant 0 : i32
    %dma_wait3A_869 = arith.constant 0 : i32
    %dma_wait3A_870 = tpu.memref_slice %arg16[%dma_wait3A_867, %dma_wait3A_868, %dma_wait3A_869] : memref<201x8x32xf32, #tpu.memory_space<vmem>> -> memref<25x8x32xf32, #tpu.memory_space<vmem>>
    %dma_wait3A_871 = arith.constant 0 : i32
    %dma_wait3A_872 = arith.constant 0 : i32
    %dma_wait3A_873 = arith.constant 0 : i32
    %dma_wait3A_874 = tpu.memref_slice %arg5[%add3A_866, %dma_wait3A_871, %dma_wait3A_872, %dma_wait3A_873] : memref<4096x25x8x128xf32, #tpu.memory_space<hbm>> -> memref<1x25x8x32xf32, #tpu.memory_space<hbm>>
    %dma_wait3A_875 = tpu.memref_squeeze %dma_wait3A_874 : memref<1x25x8x32xf32, #tpu.memory_space<hbm>> -> memref<25x8x32xf32, #tpu.memory_space<hbm>>
    %dma_wait3A_876 = arith.constant 0 : i32
    %dma_wait3A_877 = arith.constant 0 : i32
    %dma_wait3A_878 = arith.constant 0 : i32
    %dma_wait3A_879 = tpu.memref_slice %arg5[%add3A_866, %dma_wait3A_876, %dma_wait3A_877, %dma_wait3A_878] : memref<4096x25x8x128xf32, #tpu.memory_space<hbm>> -> memref<1x25x8x32xf32, #tpu.memory_space<hbm>>
    %dma_wait3A_880 = tpu.memref_squeeze %dma_wait3A_879 : memref<1x25x8x32xf32, #tpu.memory_space<hbm>> -> memref<25x8x32xf32, #tpu.memory_space<hbm>>
    %dma_wait3A_881 = arith.constant 150 : i32
    %dma_wait3A_882 = arith.constant 0 : i32
    %dma_wait3A_883 = arith.constant 0 : i32
    %dma_wait3A_884 = tpu.memref_slice %arg16[%dma_wait3A_881, %dma_wait3A_882, %dma_wait3A_883] : memref<201x8x32xf32, #tpu.memory_space<vmem>> -> memref<25x8x32xf32, #tpu.memory_space<vmem>>
    tpu.wait_dma2 semaphore(%arg22 : memref<!tpu.dma_semaphore, #tpu.memory_space<semaphore_mem>>) src(%dma_wait3A_884 : memref<25x8x32xf32, #tpu.memory_space<vmem>>) dst(%dma_wait3A_880 : memref<25x8x32xf32, #tpu.memory_space<hbm>>)
    %add3A_885 = arith.constant 7 : i32
    %add3A_886 = arith.addi %sub3A_744, %add3A_885 : i32
    %dma_wait3A_887 = arith.constant 175 : i32
    %dma_wait3A_888 = arith.constant 0 : i32
    %dma_wait3A_889 = arith.constant 0 : i32
    %dma_wait3A_890 = tpu.memref_slice %arg16[%dma_wait3A_887, %dma_wait3A_888, %dma_wait3A_889] : memref<201x8x32xf32, #tpu.memory_space<vmem>> -> memref<25x8x32xf32, #tpu.memory_space<vmem>>
    %dma_wait3A_891 = arith.constant 0 : i32
    %dma_wait3A_892 = arith.constant 0 : i32
    %dma_wait3A_893 = arith.constant 0 : i32
    %dma_wait3A_894 = tpu.memref_slice %arg5[%add3A_886, %dma_wait3A_891, %dma_wait3A_892, %dma_wait3A_893] : memref<4096x25x8x128xf32, #tpu.memory_space<hbm>> -> memref<1x25x8x32xf32, #tpu.memory_space<hbm>>
    %dma_wait3A_895 = tpu.memref_squeeze %dma_wait3A_894 : memref<1x25x8x32xf32, #tpu.memory_space<hbm>> -> memref<25x8x32xf32, #tpu.memory_space<hbm>>
    %dma_wait3A_896 = arith.constant 0 : i32
    %dma_wait3A_897 = arith.constant 0 : i32
    %dma_wait3A_898 = arith.constant 0 : i32
    %dma_wait3A_899 = tpu.memref_slice %arg5[%add3A_886, %dma_wait3A_896, %dma_wait3A_897, %dma_wait3A_898] : memref<4096x25x8x128xf32, #tpu.memory_space<hbm>> -> memref<1x25x8x32xf32, #tpu.memory_space<hbm>>
    %dma_wait3A_900 = tpu.memref_squeeze %dma_wait3A_899 : memref<1x25x8x32xf32, #tpu.memory_space<hbm>> -> memref<25x8x32xf32, #tpu.memory_space<hbm>>
    %dma_wait3A_901 = arith.constant 175 : i32
    %dma_wait3A_902 = arith.constant 0 : i32
    %dma_wait3A_903 = arith.constant 0 : i32
    %dma_wait3A_904 = tpu.memref_slice %arg16[%dma_wait3A_901, %dma_wait3A_902, %dma_wait3A_903] : memref<201x8x32xf32, #tpu.memory_space<vmem>> -> memref<25x8x32xf32, #tpu.memory_space<vmem>>
    tpu.wait_dma2 semaphore(%arg22 : memref<!tpu.dma_semaphore, #tpu.memory_space<semaphore_mem>>) src(%dma_wait3A_904 : memref<25x8x32xf32, #tpu.memory_space<vmem>>) dst(%dma_wait3A_900 : memref<25x8x32xf32, #tpu.memory_space<hbm>>)
    %add3A_905 = arith.constant 8 : i32
    %add3A_906 = arith.addi %sub3A_744, %add3A_905 : i32
    %add3A_907 = arith.constant 0 : i32
    %add3A_908 = arith.addi %add3A_906, %add3A_907 : i32
    %dma_wait3A_909 = arith.constant 0 : i32
    %dma_wait3A_910 = arith.constant 0 : i32
    %dma_wait3A_911 = arith.constant 0 : i32
    %dma_wait3A_912 = tpu.memref_slice %arg17[%dma_wait3A_909, %dma_wait3A_910, %dma_wait3A_911] : memref<201x8x32xf32, #tpu.memory_space<vmem>> -> memref<25x8x32xf32, #tpu.memory_space<vmem>>
    %dma_wait3A_913 = arith.constant 0 : i32
    %dma_wait3A_914 = arith.constant 0 : i32
    %dma_wait3A_915 = arith.constant 0 : i32
    %dma_wait3A_916 = tpu.memref_slice %arg5[%add3A_908, %dma_wait3A_913, %dma_wait3A_914, %dma_wait3A_915] : memref<4096x25x8x128xf32, #tpu.memory_space<hbm>> -> memref<1x25x8x32xf32, #tpu.memory_space<hbm>>
    %dma_wait3A_917 = tpu.memref_squeeze %dma_wait3A_916 : memref<1x25x8x32xf32, #tpu.memory_space<hbm>> -> memref<25x8x32xf32, #tpu.memory_space<hbm>>
    %dma_wait3A_918 = arith.constant 0 : i32
    %dma_wait3A_919 = arith.constant 0 : i32
    %dma_wait3A_920 = arith.constant 0 : i32
    %dma_wait3A_921 = tpu.memref_slice %arg5[%add3A_908, %dma_wait3A_918, %dma_wait3A_919, %dma_wait3A_920] : memref<4096x25x8x128xf32, #tpu.memory_space<hbm>> -> memref<1x25x8x32xf32, #tpu.memory_space<hbm>>
    %dma_wait3A_922 = tpu.memref_squeeze %dma_wait3A_921 : memref<1x25x8x32xf32, #tpu.memory_space<hbm>> -> memref<25x8x32xf32, #tpu.memory_space<hbm>>
    %dma_wait3A_923 = arith.constant 0 : i32
    %dma_wait3A_924 = arith.constant 0 : i32
    %dma_wait3A_925 = arith.constant 0 : i32
    %dma_wait3A_926 = tpu.memref_slice %arg17[%dma_wait3A_923, %dma_wait3A_924, %dma_wait3A_925] : memref<201x8x32xf32, #tpu.memory_space<vmem>> -> memref<25x8x32xf32, #tpu.memory_space<vmem>>
    tpu.wait_dma2 semaphore(%arg23 : memref<!tpu.dma_semaphore, #tpu.memory_space<semaphore_mem>>) src(%dma_wait3A_926 : memref<25x8x32xf32, #tpu.memory_space<vmem>>) dst(%dma_wait3A_922 : memref<25x8x32xf32, #tpu.memory_space<hbm>>)
    %add3A_927 = arith.constant 1 : i32
    %add3A_928 = arith.addi %add3A_906, %add3A_927 : i32
    %dma_wait3A_929 = arith.constant 25 : i32
    %dma_wait3A_930 = arith.constant 0 : i32
    %dma_wait3A_931 = arith.constant 0 : i32
    %dma_wait3A_932 = tpu.memref_slice %arg17[%dma_wait3A_929, %dma_wait3A_930, %dma_wait3A_931] : memref<201x8x32xf32, #tpu.memory_space<vmem>> -> memref<25x8x32xf32, #tpu.memory_space<vmem>>
    %dma_wait3A_933 = arith.constant 0 : i32
    %dma_wait3A_934 = arith.constant 0 : i32
    %dma_wait3A_935 = arith.constant 0 : i32
    %dma_wait3A_936 = tpu.memref_slice %arg5[%add3A_928, %dma_wait3A_933, %dma_wait3A_934, %dma_wait3A_935] : memref<4096x25x8x128xf32, #tpu.memory_space<hbm>> -> memref<1x25x8x32xf32, #tpu.memory_space<hbm>>
    %dma_wait3A_937 = tpu.memref_squeeze %dma_wait3A_936 : memref<1x25x8x32xf32, #tpu.memory_space<hbm>> -> memref<25x8x32xf32, #tpu.memory_space<hbm>>
    %dma_wait3A_938 = arith.constant 0 : i32
    %dma_wait3A_939 = arith.constant 0 : i32
    %dma_wait3A_940 = arith.constant 0 : i32
    %dma_wait3A_941 = tpu.memref_slice %arg5[%add3A_928, %dma_wait3A_938, %dma_wait3A_939, %dma_wait3A_940] : memref<4096x25x8x128xf32, #tpu.memory_space<hbm>> -> memref<1x25x8x32xf32, #tpu.memory_space<hbm>>
    %dma_wait3A_942 = tpu.memref_squeeze %dma_wait3A_941 : memref<1x25x8x32xf32, #tpu.memory_space<hbm>> -> memref<25x8x32xf32, #tpu.memory_space<hbm>>
    %dma_wait3A_943 = arith.constant 25 : i32
    %dma_wait3A_944 = arith.constant 0 : i32
    %dma_wait3A_945 = arith.constant 0 : i32
    %dma_wait3A_946 = tpu.memref_slice %arg17[%dma_wait3A_943, %dma_wait3A_944, %dma_wait3A_945] : memref<201x8x32xf32, #tpu.memory_space<vmem>> -> memref<25x8x32xf32, #tpu.memory_space<vmem>>
    tpu.wait_dma2 semaphore(%arg23 : memref<!tpu.dma_semaphore, #tpu.memory_space<semaphore_mem>>) src(%dma_wait3A_946 : memref<25x8x32xf32, #tpu.memory_space<vmem>>) dst(%dma_wait3A_942 : memref<25x8x32xf32, #tpu.memory_space<hbm>>)
    %add3A_947 = arith.constant 2 : i32
    %add3A_948 = arith.addi %add3A_906, %add3A_947 : i32
    %dma_wait3A_949 = arith.constant 50 : i32
    %dma_wait3A_950 = arith.constant 0 : i32
    %dma_wait3A_951 = arith.constant 0 : i32
    %dma_wait3A_952 = tpu.memref_slice %arg17[%dma_wait3A_949, %dma_wait3A_950, %dma_wait3A_951] : memref<201x8x32xf32, #tpu.memory_space<vmem>> -> memref<25x8x32xf32, #tpu.memory_space<vmem>>
    %dma_wait3A_953 = arith.constant 0 : i32
    %dma_wait3A_954 = arith.constant 0 : i32
    %dma_wait3A_955 = arith.constant 0 : i32
    %dma_wait3A_956 = tpu.memref_slice %arg5[%add3A_948, %dma_wait3A_953, %dma_wait3A_954, %dma_wait3A_955] : memref<4096x25x8x128xf32, #tpu.memory_space<hbm>> -> memref<1x25x8x32xf32, #tpu.memory_space<hbm>>
    %dma_wait3A_957 = tpu.memref_squeeze %dma_wait3A_956 : memref<1x25x8x32xf32, #tpu.memory_space<hbm>> -> memref<25x8x32xf32, #tpu.memory_space<hbm>>
    %dma_wait3A_958 = arith.constant 0 : i32
    %dma_wait3A_959 = arith.constant 0 : i32
    %dma_wait3A_960 = arith.constant 0 : i32
    %dma_wait3A_961 = tpu.memref_slice %arg5[%add3A_948, %dma_wait3A_958, %dma_wait3A_959, %dma_wait3A_960] : memref<4096x25x8x128xf32, #tpu.memory_space<hbm>> -> memref<1x25x8x32xf32, #tpu.memory_space<hbm>>
    %dma_wait3A_962 = tpu.memref_squeeze %dma_wait3A_961 : memref<1x25x8x32xf32, #tpu.memory_space<hbm>> -> memref<25x8x32xf32, #tpu.memory_space<hbm>>
    %dma_wait3A_963 = arith.constant 50 : i32
    %dma_wait3A_964 = arith.constant 0 : i32
    %dma_wait3A_965 = arith.constant 0 : i32
    %dma_wait3A_966 = tpu.memref_slice %arg17[%dma_wait3A_963, %dma_wait3A_964, %dma_wait3A_965] : memref<201x8x32xf32, #tpu.memory_space<vmem>> -> memref<25x8x32xf32, #tpu.memory_space<vmem>>
    tpu.wait_dma2 semaphore(%arg23 : memref<!tpu.dma_semaphore, #tpu.memory_space<semaphore_mem>>) src(%dma_wait3A_966 : memref<25x8x32xf32, #tpu.memory_space<vmem>>) dst(%dma_wait3A_962 : memref<25x8x32xf32, #tpu.memory_space<hbm>>)
    %add3A_967 = arith.constant 3 : i32
    %add3A_968 = arith.addi %add3A_906, %add3A_967 : i32
    %dma_wait3A_969 = arith.constant 75 : i32
    %dma_wait3A_970 = arith.constant 0 : i32
    %dma_wait3A_971 = arith.constant 0 : i32
    %dma_wait3A_972 = tpu.memref_slice %arg17[%dma_wait3A_969, %dma_wait3A_970, %dma_wait3A_971] : memref<201x8x32xf32, #tpu.memory_space<vmem>> -> memref<25x8x32xf32, #tpu.memory_space<vmem>>
    %dma_wait3A_973 = arith.constant 0 : i32
    %dma_wait3A_974 = arith.constant 0 : i32
    %dma_wait3A_975 = arith.constant 0 : i32
    %dma_wait3A_976 = tpu.memref_slice %arg5[%add3A_968, %dma_wait3A_973, %dma_wait3A_974, %dma_wait3A_975] : memref<4096x25x8x128xf32, #tpu.memory_space<hbm>> -> memref<1x25x8x32xf32, #tpu.memory_space<hbm>>
    %dma_wait3A_977 = tpu.memref_squeeze %dma_wait3A_976 : memref<1x25x8x32xf32, #tpu.memory_space<hbm>> -> memref<25x8x32xf32, #tpu.memory_space<hbm>>
    %dma_wait3A_978 = arith.constant 0 : i32
    %dma_wait3A_979 = arith.constant 0 : i32
    %dma_wait3A_980 = arith.constant 0 : i32
    %dma_wait3A_981 = tpu.memref_slice %arg5[%add3A_968, %dma_wait3A_978, %dma_wait3A_979, %dma_wait3A_980] : memref<4096x25x8x128xf32, #tpu.memory_space<hbm>> -> memref<1x25x8x32xf32, #tpu.memory_space<hbm>>
    %dma_wait3A_982 = tpu.memref_squeeze %dma_wait3A_981 : memref<1x25x8x32xf32, #tpu.memory_space<hbm>> -> memref<25x8x32xf32, #tpu.memory_space<hbm>>
    %dma_wait3A_983 = arith.constant 75 : i32
    %dma_wait3A_984 = arith.constant 0 : i32
    %dma_wait3A_985 = arith.constant 0 : i32
    %dma_wait3A_986 = tpu.memref_slice %arg17[%dma_wait3A_983, %dma_wait3A_984, %dma_wait3A_985] : memref<201x8x32xf32, #tpu.memory_space<vmem>> -> memref<25x8x32xf32, #tpu.memory_space<vmem>>
    tpu.wait_dma2 semaphore(%arg23 : memref<!tpu.dma_semaphore, #tpu.memory_space<semaphore_mem>>) src(%dma_wait3A_986 : memref<25x8x32xf32, #tpu.memory_space<vmem>>) dst(%dma_wait3A_982 : memref<25x8x32xf32, #tpu.memory_space<hbm>>)
    %add3A_987 = arith.constant 4 : i32
    %add3A_988 = arith.addi %add3A_906, %add3A_987 : i32
    %dma_wait3A_989 = arith.constant 100 : i32
    %dma_wait3A_990 = arith.constant 0 : i32
    %dma_wait3A_991 = arith.constant 0 : i32
    %dma_wait3A_992 = tpu.memref_slice %arg17[%dma_wait3A_989, %dma_wait3A_990, %dma_wait3A_991] : memref<201x8x32xf32, #tpu.memory_space<vmem>> -> memref<25x8x32xf32, #tpu.memory_space<vmem>>
    %dma_wait3A_993 = arith.constant 0 : i32
    %dma_wait3A_994 = arith.constant 0 : i32
    %dma_wait3A_995 = arith.constant 0 : i32
    %dma_wait3A_996 = tpu.memref_slice %arg5[%add3A_988, %dma_wait3A_993, %dma_wait3A_994, %dma_wait3A_995] : memref<4096x25x8x128xf32, #tpu.memory_space<hbm>> -> memref<1x25x8x32xf32, #tpu.memory_space<hbm>>
    %dma_wait3A_997 = tpu.memref_squeeze %dma_wait3A_996 : memref<1x25x8x32xf32, #tpu.memory_space<hbm>> -> memref<25x8x32xf32, #tpu.memory_space<hbm>>
    %dma_wait3A_998 = arith.constant 0 : i32
    %dma_wait3A_999 = arith.constant 0 : i32
    %dma_wait3A_1000 = arith.constant 0 : i32
    %dma_wait3A_1001 = tpu.memref_slice %arg5[%add3A_988, %dma_wait3A_998, %dma_wait3A_999, %dma_wait3A_1000] : memref<4096x25x8x128xf32, #tpu.memory_space<hbm>> -> memref<1x25x8x32xf32, #tpu.memory_space<hbm>>
    %dma_wait3A_1002 = tpu.memref_squeeze %dma_wait3A_1001 : memref<1x25x8x32xf32, #tpu.memory_space<hbm>> -> memref<25x8x32xf32, #tpu.memory_space<hbm>>
    %dma_wait3A_1003 = arith.constant 100 : i32
    %dma_wait3A_1004 = arith.constant 0 : i32
    %dma_wait3A_1005 = arith.constant 0 : i32
    %dma_wait3A_1006 = tpu.memref_slice %arg17[%dma_wait3A_1003, %dma_wait3A_1004, %dma_wait3A_1005] : memref<201x8x32xf32, #tpu.memory_space<vmem>> -> memref<25x8x32xf32, #tpu.memory_space<vmem>>
    tpu.wait_dma2 semaphore(%arg23 : memref<!tpu.dma_semaphore, #tpu.memory_space<semaphore_mem>>) src(%dma_wait3A_1006 : memref<25x8x32xf32, #tpu.memory_space<vmem>>) dst(%dma_wait3A_1002 : memref<25x8x32xf32, #tpu.memory_space<hbm>>)
    %add3A_1007 = arith.constant 5 : i32
    %add3A_1008 = arith.addi %add3A_906, %add3A_1007 : i32
    %dma_wait3A_1009 = arith.constant 125 : i32
    %dma_wait3A_1010 = arith.constant 0 : i32
    %dma_wait3A_1011 = arith.constant 0 : i32
    %dma_wait3A_1012 = tpu.memref_slice %arg17[%dma_wait3A_1009, %dma_wait3A_1010, %dma_wait3A_1011] : memref<201x8x32xf32, #tpu.memory_space<vmem>> -> memref<25x8x32xf32, #tpu.memory_space<vmem>>
    %dma_wait3A_1013 = arith.constant 0 : i32
    %dma_wait3A_1014 = arith.constant 0 : i32
    %dma_wait3A_1015 = arith.constant 0 : i32
    %dma_wait3A_1016 = tpu.memref_slice %arg5[%add3A_1008, %dma_wait3A_1013, %dma_wait3A_1014, %dma_wait3A_1015] : memref<4096x25x8x128xf32, #tpu.memory_space<hbm>> -> memref<1x25x8x32xf32, #tpu.memory_space<hbm>>
    %dma_wait3A_1017 = tpu.memref_squeeze %dma_wait3A_1016 : memref<1x25x8x32xf32, #tpu.memory_space<hbm>> -> memref<25x8x32xf32, #tpu.memory_space<hbm>>
    %dma_wait3A_1018 = arith.constant 0 : i32
    %dma_wait3A_1019 = arith.constant 0 : i32
    %dma_wait3A_1020 = arith.constant 0 : i32
    %dma_wait3A_1021 = tpu.memref_slice %arg5[%add3A_1008, %dma_wait3A_1018, %dma_wait3A_1019, %dma_wait3A_1020] : memref<4096x25x8x128xf32, #tpu.memory_space<hbm>> -> memref<1x25x8x32xf32, #tpu.memory_space<hbm>>
    %dma_wait3A_1022 = tpu.memref_squeeze %dma_wait3A_1021 : memref<1x25x8x32xf32, #tpu.memory_space<hbm>> -> memref<25x8x32xf32, #tpu.memory_space<hbm>>
    %dma_wait3A_1023 = arith.constant 125 : i32
    %dma_wait3A_1024 = arith.constant 0 : i32
    %dma_wait3A_1025 = arith.constant 0 : i32
    %dma_wait3A_1026 = tpu.memref_slice %arg17[%dma_wait3A_1023, %dma_wait3A_1024, %dma_wait3A_1025] : memref<201x8x32xf32, #tpu.memory_space<vmem>> -> memref<25x8x32xf32, #tpu.memory_space<vmem>>
    tpu.wait_dma2 semaphore(%arg23 : memref<!tpu.dma_semaphore, #tpu.memory_space<semaphore_mem>>) src(%dma_wait3A_1026 : memref<25x8x32xf32, #tpu.memory_space<vmem>>) dst(%dma_wait3A_1022 : memref<25x8x32xf32, #tpu.memory_space<hbm>>)
    %add3A_1027 = arith.constant 6 : i32
    %add3A_1028 = arith.addi %add3A_906, %add3A_1027 : i32
    %dma_wait3A_1029 = arith.constant 150 : i32
    %dma_wait3A_1030 = arith.constant 0 : i32
    %dma_wait3A_1031 = arith.constant 0 : i32
    %dma_wait3A_1032 = tpu.memref_slice %arg17[%dma_wait3A_1029, %dma_wait3A_1030, %dma_wait3A_1031] : memref<201x8x32xf32, #tpu.memory_space<vmem>> -> memref<25x8x32xf32, #tpu.memory_space<vmem>>
    %dma_wait3A_1033 = arith.constant 0 : i32
    %dma_wait3A_1034 = arith.constant 0 : i32
    %dma_wait3A_1035 = arith.constant 0 : i32
    %dma_wait3A_1036 = tpu.memref_slice %arg5[%add3A_1028, %dma_wait3A_1033, %dma_wait3A_1034, %dma_wait3A_1035] : memref<4096x25x8x128xf32, #tpu.memory_space<hbm>> -> memref<1x25x8x32xf32, #tpu.memory_space<hbm>>
    %dma_wait3A_1037 = tpu.memref_squeeze %dma_wait3A_1036 : memref<1x25x8x32xf32, #tpu.memory_space<hbm>> -> memref<25x8x32xf32, #tpu.memory_space<hbm>>
    %dma_wait3A_1038 = arith.constant 0 : i32
    %dma_wait3A_1039 = arith.constant 0 : i32
    %dma_wait3A_1040 = arith.constant 0 : i32
    %dma_wait3A_1041 = tpu.memref_slice %arg5[%add3A_1028, %dma_wait3A_1038, %dma_wait3A_1039, %dma_wait3A_1040] : memref<4096x25x8x128xf32, #tpu.memory_space<hbm>> -> memref<1x25x8x32xf32, #tpu.memory_space<hbm>>
    %dma_wait3A_1042 = tpu.memref_squeeze %dma_wait3A_1041 : memref<1x25x8x32xf32, #tpu.memory_space<hbm>> -> memref<25x8x32xf32, #tpu.memory_space<hbm>>
    %dma_wait3A_1043 = arith.constant 150 : i32
    %dma_wait3A_1044 = arith.constant 0 : i32
    %dma_wait3A_1045 = arith.constant 0 : i32
    %dma_wait3A_1046 = tpu.memref_slice %arg17[%dma_wait3A_1043, %dma_wait3A_1044, %dma_wait3A_1045] : memref<201x8x32xf32, #tpu.memory_space<vmem>> -> memref<25x8x32xf32, #tpu.memory_space<vmem>>
    tpu.wait_dma2 semaphore(%arg23 : memref<!tpu.dma_semaphore, #tpu.memory_space<semaphore_mem>>) src(%dma_wait3A_1046 : memref<25x8x32xf32, #tpu.memory_space<vmem>>) dst(%dma_wait3A_1042 : memref<25x8x32xf32, #tpu.memory_space<hbm>>)
    %add3A_1047 = arith.constant 7 : i32
    %add3A_1048 = arith.addi %add3A_906, %add3A_1047 : i32
    %dma_wait3A_1049 = arith.constant 175 : i32
    %dma_wait3A_1050 = arith.constant 0 : i32
    %dma_wait3A_1051 = arith.constant 0 : i32
    %dma_wait3A_1052 = tpu.memref_slice %arg17[%dma_wait3A_1049, %dma_wait3A_1050, %dma_wait3A_1051] : memref<201x8x32xf32, #tpu.memory_space<vmem>> -> memref<25x8x32xf32, #tpu.memory_space<vmem>>
    %dma_wait3A_1053 = arith.constant 0 : i32
    %dma_wait3A_1054 = arith.constant 0 : i32
    %dma_wait3A_1055 = arith.constant 0 : i32
    %dma_wait3A_1056 = tpu.memref_slice %arg5[%add3A_1048, %dma_wait3A_1053, %dma_wait3A_1054, %dma_wait3A_1055] : memref<4096x25x8x128xf32, #tpu.memory_space<hbm>> -> memref<1x25x8x32xf32, #tpu.memory_space<hbm>>
    %dma_wait3A_1057 = tpu.memref_squeeze %dma_wait3A_1056 : memref<1x25x8x32xf32, #tpu.memory_space<hbm>> -> memref<25x8x32xf32, #tpu.memory_space<hbm>>
    %dma_wait3A_1058 = arith.constant 0 : i32
    %dma_wait3A_1059 = arith.constant 0 : i32
    %dma_wait3A_1060 = arith.constant 0 : i32
    %dma_wait3A_1061 = tpu.memref_slice %arg5[%add3A_1048, %dma_wait3A_1058, %dma_wait3A_1059, %dma_wait3A_1060] : memref<4096x25x8x128xf32, #tpu.memory_space<hbm>> -> memref<1x25x8x32xf32, #tpu.memory_space<hbm>>
    %dma_wait3A_1062 = tpu.memref_squeeze %dma_wait3A_1061 : memref<1x25x8x32xf32, #tpu.memory_space<hbm>> -> memref<25x8x32xf32, #tpu.memory_space<hbm>>
    %dma_wait3A_1063 = arith.constant 175 : i32
    %dma_wait3A_1064 = arith.constant 0 : i32
    %dma_wait3A_1065 = arith.constant 0 : i32
    %dma_wait3A_1066 = tpu.memref_slice %arg17[%dma_wait3A_1063, %dma_wait3A_1064, %dma_wait3A_1065] : memref<201x8x32xf32, #tpu.memory_space<vmem>> -> memref<25x8x32xf32, #tpu.memory_space<vmem>>
    tpu.wait_dma2 semaphore(%arg23 : memref<!tpu.dma_semaphore, #tpu.memory_space<semaphore_mem>>) src(%dma_wait3A_1066 : memref<25x8x32xf32, #tpu.memory_space<vmem>>) dst(%dma_wait3A_1062 : memref<25x8x32xf32, #tpu.memory_space<hbm>>)
    return
  }
}

</mosaic_0001>

<sc_bundles>
// kernel: kernel.3.cloned.1.call-start
scs
__scs_entry_jumppad:
0x0: {  	(pc) =	sbr.rel $0x88, $3  }
0x1: {  	(tag) =	ssettag $0x0;
	lr =	simm.s32 $0x1  }
0x2: {  	[smem:$0x3F9E] =	sst lr;
	_ =	strace $0xD0000000  }
0x3: {  	_ = 	snop  }
0x4: {  	_ = 	snop  }
0x5: {  	_ = 	snop  }
0x6: {  	_ = 	snop  }
0x7: {  	_ = 	snop  }
__scs_overlays_trampoline_lowered:
0x8: {  	[smem:$0x3FAD] =	sst s0  }
0x9: {  	[smem:$0x3FAE] =	sst s1  }
0xa: {  	[smem:$0x3FAF] =	sst s2  }
0xb: {  	[smem:$0x3FB0] =	sst s3  }
0xc: {  	[smem:$0x3FB1] =	sst s4  }
0xd: {  	[smem:$0x3FB2] =	sst s5  }
0xe: {  	[smem:$0x3FB3] =	sst s6  }
0xf: {  	[smem:$0x3FB4] =	sst s7  }
0x10: {  	[smem:$0x3FB5] =	sst s8  }
0x11: {  	[smem:$0x3FB6] =	sst s9;
	s0 =	simm.s32 @!p0 $0x0  }
0x12: {  	s1 =	sld [smem:$0x3F9C];
	s0 =	simm.s32 @p0 $0x1  }
0x13: {  	[smem:$0x3FB7] =	sst s0;
	s0 =	simm.s32 @!p1 $0x0  }
0x14: {  	s2 =	sld [smem:$0x3F9B];
	s0 =	simm.s32 @p1 $0x1  }
0x15: {  	[smem:$0x3FB8] =	sst s0;
	s0 =	simm.s32 @!p2 $0x0  }
0x16: {  	s3 =	sld [smem:$0x3FDB];
	s0 =	simm.s32 @p2 $0x1  }
0x17: {  	s4 =	simm.s32 $0x1BF5;
	[smem:$0x3FBA] =	sst s0  }
0x18: {  	s0 =	sld [smem:$0x3F9D];
	_ =	swait.ge [sflag:s4], $0x0  }
0x19: {  	s7 =	sld [smem:$0x3F9E]  }
0x1a: {  	s8 =	sadd.s32 $0xFFFFE003, lr  }
0x1b: {  	s9 =	sadd.s32 $0xFFFFFEF7, lr;
	s5 =	simm.s32 $0xFFFFFFFF;
	p2 =	slt.u32 s8, $0xFFFFF086  }
0x1c: {  	p1 =	slt.u32 s9, $0xF7A;
	s5 =	simm.s32 @!p2 $0x0  }
0x1d: {  	s5 =	simm.s32 @p1 $0x1;
	p0 =	seq.s32 s7, s2  }
0x1e: {  	s7 =	smul.u32 @!p0 $0xF7A, s2;
	p2 =	seq.s32 @!p0 s5, $0x0  }
0x1f: {  	s9 =	smul.u32 $0xF7A, s1;
	s8 =	simm.s32 @!p0 $0x1BF5;
	p2 =	por !p2, p0  }
0x20: {  	[sflag:s8] =	ssyncset.s32 @!p0 $0xFFFFF086;
	s6 =	sadd.s32 @!p0 s3, s7;
	s7 =	simm.s32 @!p0 $0x108  }
0x21: {  	s3 =	sadd.s32 s3, s9;
	s6 =	sadd.s32 @!p0 $0x88, s6;
	s7 =	simm.s32 @p2 $0x1082  }
0x22: {  	[simem:s7], [sflag:s8] =	dma.local @!p0 [hbm:s6], $0xF7A  }
0x23: {  	s9 =	sor.u32 $0xD0000000, s2;
	s6 =	simm.s32 $0x108;
	_ =	swait.ge @!p0 [sflag:s8], $0x0  }
0x24: {  	s3 =	sadd.s32 $0x88, s3;
	s6 =	simm.s32 @!p1 $0x1082;
	[sflag:s4] =	ssyncset.s32 $0xFFFFF086  }
0x25: {  	[simem:s6], [sflag:s4] =	dma.local [hbm:s3], $0xF7A  }
0x26: {  	[smem:$0x3F9E] =	sst s1;
	(tag) =	ssettag s2;
	_ =	strace s9  }
0x27: {  	s1 =	sld [smem:$0x3FAE]  }
0x28: {  	s2 =	sld [smem:$0x3FAF]  }
0x29: {  	s4 =	sld [smem:$0x3FB1]  }
0x2a: {  	p0 =	seq.s32 s5, $0x0;
	s5 =	sld [smem:$0x3FB2]  }
0x2b: {  	s6 =	sld [smem:$0x3FB3]  }
0x2c: {  	s7 =	sld [smem:$0x3FB4]  }
0x2d: {  	s3 =	simm.s32 $0x108;
	s8 =	sld [smem:$0x3FB5]  }
0x2e: {  	s3 =	simm.s32 @!p0 $0x1082;
	s9 =	sld [smem:$0x3FB6]  }
0x2f: {  	lr =	sadd.s32 s0, s3;
	s0 =	sld [smem:$0x3FAD]  }
0x30: {  	s3 =	sld [smem:$0x3FB0]  }
0x31: {  	[smem:$0x3FB9] =	sst s10  }
0x32: {  	s10 =	sld [smem:$0x3FB7];
	_ =	sdelay $0x3  }
0x33: {  	p0 =	seq.s32 s10, $0x1;
	s10 =	sld [smem:$0x3FB9];
	_ =	sdelay $0x3  }
0x34: {  	[smem:$0x3FB9] =	sst s10  }
0x35: {  	s10 =	sld [smem:$0x3FB8];
	_ =	sdelay $0x3  }
0x36: {  	p1 =	seq.s32 s10, $0x1;
	s10 =	sld [smem:$0x3FB9];
	_ =	sdelay $0x3  }
0x37: {  	[smem:$0x3FB9] =	sst s10  }
0x38: {  	s10 =	sld [smem:$0x3FBA]  }
0x39: {  	_ = 	snop;
	(pc) =	sbr.ind lr, $3  }
0x3a: {  	_ = 	snop  }
0x3b: {  	_ = 	snop  }
0x3c: {  	p2 =	seq.s32 s10, $0x1;
	s10 =	sld [smem:$0x3FB9]  }
0x3d: {  	_ =	shalt  }
0x3e: {  	_ =	shalt  }
0x3f: {  	_ =	shalt  }
0x40: {  	_ =	shalt  }
0x41: {  	_ =	shalt  }
0x42: {  	_ =	shalt  }
0x43: {  	_ =	shalt  }
0x44: {  	_ =	shalt  }
0x45: {  	_ =	shalt  }
0x46: {  	_ =	shalt  }
0x47: {  	_ =	shalt  }
0x48: {  	_ =	shalt  }
0x49: {  	_ =	shalt  }
0x4a: {  	_ =	shalt  }
0x4b: {  	_ =	shalt  }
0x4c: {  	_ =	shalt  }
0x4d: {  	_ =	shalt  }
0x4e: {  	_ =	shalt  }
0x4f: {  	_ =	shalt  }
0x50: {  	_ =	shalt  }
0x51: {  	_ =	shalt  }
0x52: {  	_ =	shalt  }
0x53: {  	_ =	shalt  }
0x54: {  	_ =	shalt  }
0x55: {  	_ =	shalt  }
0x56: {  	_ =	shalt  }
0x57: {  	_ =	shalt  }
0x58: {  	_ =	shalt  }
0x59: {  	_ =	shalt  }
0x5a: {  	_ =	shalt  }
0x5b: {  	_ =	shalt  }
0x5c: {  	_ =	shalt  }
0x5d: {  	_ =	shalt  }
0x5e: {  	_ =	shalt  }
0x5f: {  	_ =	shalt  }
0x60: {  	_ =	shalt  }
0x61: {  	_ =	shalt  }
0x62: {  	_ =	shalt  }
0x63: {  	_ =	shalt  }
0x64: {  	_ =	shalt  }
0x65: {  	_ =	shalt  }
0x66: {  	_ =	shalt  }
0x67: {  	_ =	shalt  }
0x68: {  	_ =	shalt  }
0x69: {  	_ =	shalt  }
0x6a: {  	_ =	shalt  }
0x6b: {  	_ =	shalt  }
0x6c: {  	_ =	shalt  }
0x6d: {  	_ =	shalt  }
0x6e: {  	_ =	shalt  }
0x6f: {  	_ =	shalt  }
0x70: {  	_ =	shalt  }
0x71: {  	_ =	shalt  }
0x72: {  	_ =	shalt  }
0x73: {  	_ =	shalt  }
0x74: {  	_ =	shalt  }
0x75: {  	_ =	shalt  }
0x76: {  	_ =	shalt  }
0x77: {  	_ =	shalt  }
0x78: {  	_ =	shalt  }
0x79: {  	_ =	shalt  }
0x7a: {  	_ =	shalt  }
0x7b: {  	_ =	shalt  }
0x7c: {  	_ =	shalt  }
0x7d: {  	_ =	shalt  }
0x7e: {  	_ =	shalt  }
0x7f: {  	_ =	shalt  }
0x80: {  	_ =	shalt  }
0x81: {  	_ =	shalt  }
0x82: {  	_ =	shalt  }
0x83: {  	_ =	shalt  }
0x84: {  	_ =	shalt  }
0x85: {  	_ =	shalt  }
0x86: {  	_ =	shalt  }
0x87: {  	_ =	shalt  }
.Lfunc_end0:
.L_simem_size_0:
called_computation.1_lowered:
.L_overlay_start_0:
0x88: {  	s2 =	sld [smem:$0x3FD9]  }
0x89: {  	s3 =	sld [smem:$0x3FFE];
	_ =	sdelay $0x1  }
0x8a: {  	s1 =	srdreg.scid  }
0x8b: {  	s0 =	sand.u32 $0x1, s1  }
0x8c: {  	s17 =	sshll.u32 s0, $0xA;
	s2 =	sadd.s32 s3, s2  }
0x8d: {  	s2 =	sadd.s32 s2, s17  }
0x8e: {  	[smem:$0x3FC5] =	sst s2  }
0x8f: {  	_ = 	snop  }
0x90: {  	s2 =	sld [smem:$0x3FC9]  }
0x91: {  	s18 =	sld [smem:$0x3FC8]  }
0x92: {  	s4 =	sld [smem:$0x3FD0];
	(tm) =	ssettm $0x1  }
0x93: {  	s5 =	sld [smem:$0x3FFB];
	_ =	sdelay $0x3  }
0x94: {  	_ =	strace s5  }
0x95: {  	s5 =	sld [smem:$0x3FFC];
	_ =	sdelay $0x3  }
0x96: {  	_ =	strace s5  }
0x97: {  	s5 =	sld [smem:$0x3FFD];
	_ =	sdelay $0x3  }
0x98: {  	_ =	strace s5  }
0x99: {  	_ =	strace $0x8FFFFFFF  }
0x9a: {  	s19 =	sld [smem:$0x3FDB];
	_ =	sdelay $0x1  }
0x9b: {  	s6 =	simm.s32 $_scs_section_size  }
0x9c: {  	s7 =	simm.s32 $_size__tile_overlayer_lowered;
	s8 =	simm.s32 $_tile_overlayer_lowered  }
0x9d: {  	s22 =	simm.s32 $0x1BFF;
	s21 =	sshll.u32 s8, $0x1;
	s5 =	sadd.s32 s6, s19  }
0x9e: {  	s9 =	simm.s32 $0x0;
	s20 =	sshll.u32 s7, $0x1;
	s7 =	sadd.s32 s21, s5  }
0x9f: {  	[timem:s9], [sflag:s22] =	dma.local [hbm:s7], s20  }
0xa0: {  	_ =	swait.ge [sflag:s22], s20  }
0xa1: {  	s6 =	ssub.s32 $0x0, s20;
	[sflag:s22] =	ssyncset.done $0x0  }
0xa2: {  	[sflag:s22] =	ssyncadd.s32 s6;
	_ =	sdelay $0x1  }
0xa3: {  	s23 =	simm.s32 $0x1B8B  }
0xa4: {  	_ =	swait.ge [sflag:s23], $0x1  }
0xa5: {  	[sflag:s23] =	ssyncset.done $0x0  }
0xa6: {  	s25 =	simm.s32 $0x1B8E;
	s24 =	sld [smem:$0x3FFE];
	[sflag:s23] =	ssyncadd.s32 $0xFFFFFFFF  }
0xa7: {  	s26 =	simm.s32 $execute0_lowered;
	[smem:$0x3FD2] =	sst s25  }
0xa8: {  	s7 =	sshll.u32 s26, $0x1;
	_ =	strace $0x80000046;
	[dreg:$0x1] =	wrdreg $0xFFFFFFFF  }
0xa9: {  	s28 =	simm.s32 $_size_execute0_lowered;
	s5 =	sadd.s32 s5, s7;
	[dreg:$0x0] =	wrdreg $0x0  }
0xaa: {  	s7 =	sshll.u32 s28, $0x1;
	[dreg:$0x2] =	wrdreg s5  }
0xab: {  	[dreg:$0x3] =	wrdreg s7  }
0xac: {  	[dreg:$0x4] =	wrdreg $0xC0  }
0xad: {  	_ =	task [dreg:s9], $0x5FFFF  }
0xae: {  	[dreg:$0x1] =	wrdreg $0xFFFFFFFF  }
0xaf: {  	[dreg:$0x0] =	wrdreg $0x60  }
0xb0: {  	[dreg:$0x2] =	wrdreg s2  }
0xb1: {  	[dreg:$0x3] =	wrdreg s18  }
0xb2: {  	[dreg:$0x4] =	wrdreg s4  }
0xb3: {  	[dreg:$0x5] =	wrdreg s24  }
0xb4: {  	[dreg:$0x6] =	wrdreg $0x0  }
0xb5: {  	[dreg:$0x7] =	wrdreg $0x3280  }
0xb6: {  	[dreg:$0x8] =	wrdreg $0x9  }
0xb7: {  	_ =	task.clear_ibuf [dreg:s9], $0x9FFFF;
	_ =	strace $0x90000046  }
0xb8: {  	s29 =	simm.s32 $0x9;
	_ =	strace $0x80000048  }
0xb9: {  	_ =	swait.ge [sflag:s29], $0x1  }
0xba: {  	[sflag:s29] =	ssyncadd.s32 $0xFFFFFFFF  }
0xbb: {  	_ =	strace $0x90000048  }
0xbc: {  	_ =	sfence  }
0xbd: {  	s30 =	sld [smem:$0x0];
	_ =	sdelay $0x2  }
0xbe: {  	s31 =	sshll.u32 s1, $0xD;
	s1 =	sshrl.u32 s1, $0x2  }
0xbf: {  	s3 =	sand.u32 $0x4000, s31;
	s1 =	sadd.s32 s1, s30  }
0xc0: {  	s0 =	sor.u32 s3, s0;
	s1 =	sshll.u32 s1, $0x11  }
0xc1: {  	s0 =	sor.u32 s1, s0  }
0xc2: {  	s0 =	sadd.s32 $0x8F2B, s0  }
0xc3: {  	[sflag:s0] =	ssyncadd.remote.s32 $0x1  }
0xc4: {  	_ =	sfence.sel $0xFFFF  }
0xc5: {  	[dreg:$0x0] =	wrdreg $0xFFFFFFFF;
	(pc) =	sbr.abs _section_cstart, $3  }
0xc6: {  	[dreg:$0x1] =	wrdreg $0xFFFFFFFF  }
0xc7: {  	_ =	task.clear_ibuf [dreg:s9], $0x2FFFF;
	_ =	strace $0x9FFFFFFF  }
0xc8: {  	(tm) =	ssettm $0x7FFFFFFF  }
0xc9: {  	_ =	shalt  }
tec
execute0_lowered:
.L_overlay_start_1:
0x0: {  	(tag) =	ssettag $0x1  }
0x1: {  	s4 =	rddreg [dreg:$0x0]  }
0x2: {  	s5 =	rddreg [dreg:$0x1]  }
0x3: {  	s0 =	rddreg [dreg:$0x3]  }
0x4: {  	s12 =	rddreg [dreg:$0x4];
	s2 =	stileid.u32  }
0x5: {  	s17 =	rddreg [dreg:$0x5];
	s9 =	smul.u32 $0x6800, s2  }
0x6: {  	s1 =	simm.s32 $0x0;
	s28 =	srdreg.scid;
	s30 =	smul.u32 $0xD00, s2  }
0x7: {  	[smem:$0x7FF] =	sst s1;
	s6 =	sand.u32 $0x1, s28;
	s31 =	smul.u32 $0xC8000, s2  }
0x8: {  	s3 =	sadd.s32 $0x800, s0;
	s7 =	sshll.u32 s2, $0x8;
	s13 =	smul.u32 $0x640000, s2  }
0x9: {  	_ =	strace $0x80000047;
	s29 =	ssub.s32 $0x2, s6;
	s16 =	smul.u32 $0x320000, s6  }
0xa: {  	s8 =	sshll.u32 s6, $0x7;
	s6 =	smul.u32 $0x64000, s6;
	s10 =	sshrl.u32 s29, $0x1  }
0xb: {  	s7 =	sor.u32 s8, s7;
	s14 =	sshrl.u32 s9, $0x2;
	s15 =	sshrl.u32 s30, $0x2  }
0xc: {  	s19 =	sadd.s32 s31, s3;
	s0 =	ssub.s32 s29, s10;
	s18 =	sadd.s32 $0x1D28, s15  }
0xd: {  	s7 =	sshrl.u32 s7, $0x3;
	s6 =	sadd.s32 s6, s19;
	[smem:$0x7B2] =	sst s18  }
0xe: {  	s4 =	sadd.s32 s4, s7;
	s11 =	sadd.s32 s5, s7;
	[dreg:$0x7] =	wrdreg s6  }
0xf: {  	s5 =	sadd.s32 s16, s13;
	s0 =	smax.u32 s0, $0x1;
	[smem:$0x7AF] =	sst s4  }
0x10: {  	[smem:$0x7B0] =	sst s11;
	s4 =	sadd.s32 s14, s17;
	s20 =	sadd.s32 $0x5DC00, s5  }
0x11: {  	s22 =	sadd.s32 $0x57800, s5;
	s23 =	sadd.s32 $0x51400, s5;
	[smem:$0x7FC] =	sst s0  }
0x12: {  	s31 =	sadd.s32 $0x3E800, s5;
	s15 =	sadd.s32 $0x2BC00, s5;
	[smem:$0x7B1] =	sst s4  }
0x13: {  	s21 =	sshrl.u32 s20, $0x3;
	s18 =	sshrl.u32 s15, $0x3;
	s15 =	simm.s32 $0x55C8  }
0x14: {  	s7 =	sshrl.u32 s22, $0x3;
	s6 =	sadd.s32 s21, s3;
	[dreg:$0x1a] =	wrdreg s15  }
0x15: {  	s25 =	sshrl.u32 s23, $0x3;
	s24 =	sadd.s32 s7, s3;
	[dreg:$0x8] =	wrdreg s6  }
0x16: {  	s9 =	sshrl.u32 s31, $0x3;
	s26 =	sadd.s32 s25, s3;
	[dreg:$0x9] =	wrdreg s24  }
0x17: {  	s1 =	smul.u32 $0x1A, s2;
	s10 =	sadd.s32 s9, s3;
	[dreg:$0xa] =	wrdreg s26  }
0x18: {  	s28 =	sadd.s32 $0x4B000, s5;
	s19 =	sadd.s32 s18, s3;
	[dreg:$0xd] =	wrdreg s10  }
0x19: {  	s30 =	sadd.s32 $0x44C00, s5;
	s9 =	simm.s32 $0x5428;
	[dreg:$0x10] =	wrdreg s19  }
0x1a: {  	s23 =	sor.u32 $0x19000, s5;
	s18 =	simm.s32 $0x55E8;
	[dreg:$0x17] =	wrdreg s9  }
0x1b: {  	s25 =	sshrl.u32 s23, $0x3;
	s23 =	simm.s32 $0x5618;
	[dreg:$0x1c] =	wrdreg s18  }
0x1c: {  	s29 =	sshrl.u32 s28, $0x3;
	s15 =	simm.s32 $0x5668;
	[dreg:$0x1f] =	wrdreg s23  }
0x1d: {  	s7 =	sshrl.u32 s30, $0x3;
	s6 =	sadd.s32 s29, s3;
	[smem:$0x7C8] =	sst s15  }
0x1e: {  	s4 =	sor.u32 $0x1, s1;
	s7 =	sadd.s32 s7, s3;
	[dreg:$0xb] =	wrdreg s6  }
0x1f: {  	s8 =	sshll.u32 s4, $0x8;
	s26 =	sadd.s32 s25, s3;
	[dreg:$0xc] =	wrdreg s7  }
0x20: {  	s4 =	sshll.u32 s4, $0x5;
	s8 =	sadd.s32 s8, s17;
	[dreg:$0x13] =	wrdreg s26  }
0x21: {  	s4 =	sadd.s32 $0x1D28, s4;
	[smem:$0x7B3] =	sst s8  }
0x22: {  	p0 =	sne.s32 s2, $0x0;
	s10 =	simm.s32 $0x54F0;
	[smem:$0x7B4] =	sst s4  }
0x23: {  	p1 =	sne.s32 s2, $0xF;
	s19 =	simm.s32 $0x55F8;
	[dreg:$0x18] =	wrdreg s10  }
0x24: {  	s11 =	sadd.s32 $0x38400, s5;
	s25 =	simm.s32 $0x6FB8;
	[dreg:$0x1d] =	wrdreg s19  }
0x25: {  	s13 =	sshrl.u32 s11, $0x3;
	s23 =	simm.s32 $0x138B8;
	[smem:$0x7BA] =	sst s25  }
0x26: {  	s14 =	sadd.s32 $0x32000, s5;
	s6 =	sadd.s32 s13, s3;
	[smem:$0x7CF] =	sst s23  }
0x27: {  	s20 =	sadd.s32 $0x25800, s5;
	s13 =	simm.s32 $0x55B8;
	[dreg:$0xe] =	wrdreg s6  }
0x28: {  	s22 =	sor.u32 $0x1F400, s5;
	s26 =	simm.s32 $0x88B8;
	[dreg:$0x19] =	wrdreg s13  }
0x29: {  	s28 =	sor.u32 $0x12C00, s5;
	s8 =	simm.s32 $0x105B8;
	[smem:$0x7BB] =	sst s26  }
0x2a: {  	s11 =	sadd.s32 $0x2, s1;
	s10 =	simm.s32 $0x5638;
	[smem:$0x7C2] =	sst s8  }
0x2b: {  	s7 =	sshrl.u32 s14, $0x3;
	s19 =	simm.s32 $0x5688;
	[smem:$0x7C3] =	sst s10  }
0x2c: {  	s21 =	sshrl.u32 s20, $0x3;
	s16 =	sadd.s32 s7, s3;
	[smem:$0x7CA] =	sst s19  }
0x2d: {  	s4 =	sshll.u32 s11, $0x5;
	s6 =	sadd.s32 s21, s3;
	[dreg:$0xf] =	wrdreg s16  }
0x2e: {  	s30 =	sor.u32 $0xC800, s5;
	s4 =	sadd.s32 $0x1D28, s4;
	[dreg:$0x11] =	wrdreg s6  }
0x2f: {  	s5 =	sor.u32 $0x6400, s5;
	s21 =	simm.s32 $0x5608;
	[smem:$0x7B6] =	sst s4  }
0x30: {  	s20 =	sadd.s32 $0x3, s1;
	s13 =	simm.s32 $0x5648;
	[dreg:$0x1e] =	wrdreg s21  }
0x31: {  	s7 =	sshrl.u32 s22, $0x3;
	s26 =	simm.s32 $0x16AB8;
	[smem:$0x7C5] =	sst s13  }
0x32: {  	s29 =	sshrl.u32 s28, $0x3;
	s24 =	sadd.s32 s7, s3;
	[smem:$0x7D1] =	sst s26  }
0x33: {  	s5 =	sshrl.u32 s5, $0x3;
	s6 =	sadd.s32 s29, s3;
	[dreg:$0x12] =	wrdreg s24  }
0x34: {  	s28 =	sadd.s32 $0x4, s1;
	s16 =	simm.s32 $0x55D8;
	[dreg:$0x14] =	wrdreg s6  }
0x35: {  	s9 =	sadd.s32 $0x5, s1;
	s29 =	simm.s32 $0xA1B8;
	[dreg:$0x1b] =	wrdreg s16  }
0x36: {  	s7 =	sshrl.u32 s30, $0x3;
	s21 =	simm.s32 $0x5698;
	[smem:$0x7BC] =	sst s29  }
0x37: {  	s18 =	sadd.s32 $0x6, s1;
	s31 =	sadd.s32 s7, s3;
	[smem:$0x7CC] =	sst s21  }
0x38: {  	s14 =	sshll.u32 s11, $0x8;
	s3 =	sadd.s32 s5, s3;
	[dreg:$0x15] =	wrdreg s31  }
0x39: {  	s11 =	sshll.u32 s9, $0x8;
	s5 =	sadd.s32 s14, s17;
	[dreg:$0x16] =	wrdreg s3  }
0x3a: {  	s4 =	sshll.u32 s20, $0x5;
	s24 =	simm.s32 $0x5628;
	[smem:$0x7B5] =	sst s5  }
0x3b: {  	s25 =	sadd.s32 $0x7, s1;
	s4 =	sadd.s32 $0x1D28, s4;
	[smem:$0x7B8] =	sst s24  }
0x3c: {  	s22 =	sshll.u32 s20, $0x8;
	s6 =	simm.s32 $0xD3B8;
	[smem:$0x7B9] =	sst s4  }
0x3d: {  	s19 =	sadd.s32 $0xD, s1;
	s7 =	simm.s32 $0xECB8;
	[smem:$0x7BF] =	sst s6  }
0x3e: {  	s30 =	sshll.u32 s28, $0x8;
	s14 =	simm.s32 $0x5658;
	[smem:$0x7C1] =	sst s7  }
0x3f: {  	s20 =	sshll.u32 s18, $0x8;
	s16 =	simm.s32 $0x5678;
	[smem:$0x7C6] =	sst s14  }
0x40: {  	s13 =	sadd.s32 $0xB, s1;
	s29 =	simm.s32 $0x19CB8;
	[smem:$0x7C9] =	sst s16  }
0x41: {  	s21 =	sshll.u32 s19, $0x5;
	s5 =	sadd.s32 s22, s17;
	[smem:$0x7D3] =	sst s29  }
0x42: {  	s31 =	simm.s32 $0xBAB8;
	s4 =	sshll.u32 s28, $0x5;
	[smem:$0x7B7] =	sst s5  }
0x43: {  	s22 =	simm.s32 $0x56A8;
	s24 =	simm.s32 $0x151B8;
	[smem:$0x7BE] =	sst s31  }
0x44: {  	s28 =	simm.s32 $0x183B8;
	s7 =	sadd.s32 $0x9, s1;
	[smem:$0x7CD] =	sst s22  }
0x45: {  	s14 =	sshll.u32 s13, $0x8;
	s16 =	sadd.s32 $0xC, s1;
	[smem:$0x7D0] =	sst s24  }
0x46: {  	s5 =	sadd.s32 s30, s17;
	s4 =	sadd.s32 $0x1D28, s4;
	[smem:$0x7D2] =	sst s28  }
0x47: {  	s30 =	sshll.u32 s25, $0x8;
	s31 =	simm.s32 $0x1B5B8;
	s8 =	sshll.u32 s7, $0x8  }
0x48: {  	s22 =	sadd.s32 $0xE, s1;
	s28 =	sadd.s32 $0x10, s1;
	[smem:$0x7BD] =	sst s5  }
0x49: {  	[smem:$0x7C0] =	sst s4;
	s5 =	sadd.s32 s11, s17;
	s4 =	sshll.u32 s9, $0x5  }
0x4a: {  	s3 =	sadd.s32 s30, s17;
	[smem:$0x7D5] =	sst s31;
	s9 =	sadd.s32 $0xA, s1  }
0x4b: {  	s23 =	sshll.u32 s22, $0x8;
	s29 =	sshll.u32 s28, $0x8;
	s30 =	sshll.u32 s28, $0x5  }
0x4c: {  	s31 =	sadd.s32 $0x11, s1;
	[smem:$0x7C4] =	sst s5;
	s4 =	sadd.s32 $0x1D28, s4  }
0x4d: {  	s5 =	sadd.s32 s20, s17;
	[smem:$0x7D4] =	sst s3;
	s3 =	simm.s32 $0x1CEB8  }
0x4e: {  	s10 =	sshll.u32 s9, $0x8;
	s11 =	sshll.u32 s9, $0x5;
	[smem:$0x7C7] =	sst s4  }
0x4f: {  	[smem:$0x7CB] =	sst s5;
	s4 =	sshll.u32 s18, $0x5;
	s5 =	sadd.s32 $0x8, s1  }
0x50: {  	[smem:$0x7D6] =	sst s3;
	s4 =	sadd.s32 $0x1D28, s4;
	s2 =	sshll.u32 s5, $0x5  }
0x51: {  	[smem:$0x7CE] =	sst s4;
	s4 =	sshll.u32 s25, $0x5;
	s2 =	sadd.s32 $0x1D28, s2  }
0x52: {  	s6 =	sshll.u32 s5, $0x8;
	s3 =	sadd.s32 $0x1D28, s4;
	[smem:$0x7D9] =	sst s2  }
0x53: {  	s2 =	sshll.u32 s7, $0x5;
	[smem:$0x7D7] =	sst s3;
	s3 =	sadd.s32 s6, s17  }
0x54: {  	s20 =	sshll.u32 s19, $0x8;
	s2 =	sadd.s32 $0x1D28, s2;
	[smem:$0x7D8] =	sst s3  }
0x55: {  	s18 =	sshll.u32 s16, $0x8;
	s3 =	sadd.s32 s8, s17;
	[smem:$0x7DB] =	sst s2  }
0x56: {  	s25 =	sadd.s32 $0xF, s1;
	s2 =	sadd.s32 s10, s17;
	[smem:$0x7DA] =	sst s3  }
0x57: {  	s26 =	sshll.u32 s25, $0x8;
	[smem:$0x7DC] =	sst s2;
	s2 =	sadd.s32 $0x1D28, s11  }
0x58: {  	s3 =	sshll.u32 s13, $0x5;
	[smem:$0x7DD] =	sst s2;
	s2 =	sadd.s32 s14, s17  }
0x59: {  	s4 =	sshll.u32 s31, $0x8;
	s15 =	sadd.s32 $0x1D28, s3;
	[smem:$0x7DE] =	sst s2  }
0x5a: {  	s3 =	sadd.s32 s18, s17;
	[smem:$0x7DF] =	sst s15;
	s2 =	sshll.u32 s16, $0x5  }
0x5b: {  	[smem:$0x7E0] =	sst s3;
	s3 =	sshll.u32 s22, $0x5;
	s2 =	sadd.s32 $0x1D28, s2  }
0x5c: {  	s6 =	sadd.s32 $0x12, s1;
	s24 =	sadd.s32 $0x1D28, s3;
	[smem:$0x7E1] =	sst s2  }
0x5d: {  	s7 =	sshll.u32 s6, $0x8;
	s3 =	sadd.s32 s26, s17;
	[smem:$0x7E5] =	sst s24  }
0x5e: {  	s8 =	sadd.s32 $0x13, s1;
	s2 =	sadd.s32 s20, s17;
	[smem:$0x7E6] =	sst s3  }
0x5f: {  	s3 =	sshll.u32 s31, $0x5;
	s31 =	sadd.s32 $0x19200, s17;
	[smem:$0x7E2] =	sst s2  }
0x60: {  	s11 =	sadd.s32 $0x14, s1;
	s2 =	sadd.s32 $0x1D28, s21;
	[smem:$0x7FD] =	sst s31  }
0x61: {  	s15 =	sadd.s32 $0x15, s1;
	s5 =	sadd.s32 $0x1D28, s3;
	[smem:$0x7E3] =	sst s2  }
0x62: {  	s16 =	sshll.u32 s15, $0x8;
	s3 =	sadd.s32 s7, s17;
	[smem:$0x7EB] =	sst s5  }
0x63: {  	s2 =	sadd.s32 s23, s17;
	[smem:$0x7EC] =	sst s3;
	s3 =	sshll.u32 s11, $0x5  }
0x64: {  	s23 =	sadd.s32 $0x18, s1;
	[smem:$0x7E4] =	sst s2;
	s14 =	sadd.s32 $0x1D28, s3  }
0x65: {  	s2 =	sshll.u32 s25, $0x5;
	s3 =	sadd.s32 s16, s17;
	[smem:$0x7F1] =	sst s14  }
0x66: {  	s25 =	sshll.u32 s23, $0x8;
	s2 =	sadd.s32 $0x1D28, s2;
	[smem:$0x7F2] =	sst s3  }
0x67: {  	s18 =	sadd.s32 $0x16, s1;
	s26 =	sadd.s32 s25, s17;
	[smem:$0x7E7] =	sst s2  }
0x68: {  	s21 =	sadd.s32 $0x17, s1;
	s2 =	sadd.s32 s29, s17;
	[smem:$0x7F8] =	sst s26  }
0x69: {  	s1 =	sadd.s32 $0x19, s1;
	[smem:$0x7E8] =	sst s2;
	s2 =	sadd.s32 $0x1D28, s30  }
0x6a: {  	s29 =	sshll.u32 s1, $0x8;
	[smem:$0x7E9] =	sst s2;
	s2 =	sadd.s32 s4, s17  }
0x6b: {  	s30 =	sadd.s32 s29, s17;
	[smem:$0x7EA] =	sst s2;
	s2 =	sshll.u32 s6, $0x5  }
0x6c: {  	s9 =	sshll.u32 s8, $0x8;
	[smem:$0x7FA] =	sst s30;
	s2 =	sadd.s32 $0x1D28, s2  }
0x6d: {  	s10 =	sshll.u32 s8, $0x5;
	[smem:$0x7ED] =	sst s2;
	s2 =	sadd.s32 s9, s17  }
0x6e: {  	s13 =	sshll.u32 s11, $0x8;
	[smem:$0x7EE] =	sst s2;
	s2 =	sadd.s32 $0x1D28, s10  }
0x6f: {  	s1 =	sshll.u32 s1, $0x5;
	[smem:$0x7EF] =	sst s2;
	s2 =	sadd.s32 s13, s17  }
0x70: {  	s1 =	sadd.s32 $0x1D28, s1;
	[smem:$0x7F0] =	sst s2;
	s2 =	sshll.u32 s15, $0x5  }
0x71: {  	s19 =	sshll.u32 s18, $0x8;
	[smem:$0x7FB] =	sst s1;
	s2 =	sadd.s32 $0x1D28, s2  }
0x72: {  	s20 =	sshll.u32 s18, $0x5;
	[smem:$0x7F3] =	sst s2;
	s2 =	sadd.s32 s19, s17  }
0x73: {  	s22 =	sshll.u32 s21, $0x8;
	[smem:$0x7F4] =	sst s2;
	s2 =	sadd.s32 $0x1D28, s20  }
0x74: {  	v0 =	vlaneseq.u32;
	s24 =	sshll.u32 s21, $0x5;
	[smem:$0x7F5] =	sst s2;
	s2 =	sadd.s32 s22, s17  }
0x75: {  	v1 =	vmul.u32 $0x8, v0;
	s28 =	sshll.u32 s23, $0x5;
	[smem:$0x7F6] =	sst s2;
	s2 =	sadd.s32 $0x1D28, s24  }
0x76: {  	[smem:$0x7F7] =	sst s2;
	s2 =	sadd.s32 $0x1D28, s28  }
0x77: {  	v2 =	vor.u32 $0x7, v1;
	v3 =	vadd.s32 $0x48, v1;
	v4 =	vadd.s32 $0x4F, v1;
	s26 =	simm.s32 $0x4;
	[smem:$0x7F9] =	sst s2;
	s2 =	simm.s32 $0x0  }
.LBB2_1:
0x78: {  	[smem:$0x7AE] =	sst s2  }
0x79: {  	s0 =	sshrl.u32 @!p0 s12, $0x3;
	s1 =	simm.s32 @!p0 $0x1C07;
	s2 =	rddreg [dreg:$0x2]  }
0x7a: {  	[spmem:s0], [sflag:s1] =	dma.local @!p0 [hbm:s2], $0x648  }
0x7b: {  	s0 =	simm.s32 @!p0 $0x7  }
0x7c: {  	_ =	swait.ge @!p0 [sflag:s0], $0x648  }
0x7d: {  	s18 =	sld [smem:$0x7AF]  }
0x7e: {  	s16 =	simm.s32 $0x0;
	[sflag:s0] =	ssyncset.done @!p0 $0x0  }
0x7f: {  	s19 =	simm.s32 $0x5328;
	s20 =	simm.s32 $0x7;
	[sflag:s0] =	ssyncadd.s32 @!p0 $0xFFFFF9B8  }
0x80: {  	[tilespmem:s19], [sflag:$0x7] =	stream.linear.gather [hbm4b:s18+s16], $0x80, $0x38;
	[tilespmem:$0x1E8B8] =	vst v63  }
0x81: {  	_ =	swait.ge [sflag:s20], $0x80  }
0x82: {  	s21 =	sld [smem:$0x7B0]  }
0x83: {  	[sflag:s20] =	ssyncset.done $0x0  }
0x84: {  	s3 =	simm.s32 $0x53A8;
	[sflag:s20] =	ssyncadd.s32 $0xFFFFFF80  }
0x85: {  	[tilespmem:s3], [sflag:$0x7] =	stream.linear.gather [hbm4b:s21+s16], $0x80, $0x38;
	[tilespmem:$0x1E8B8] =	vst v63  }
0x86: {  	_ =	swait.ge [sflag:s20], $0x80  }
0x87: {  	[sflag:s20] =	ssyncset.done $0x0  }
0x88: {  	[sflag:s20] =	ssyncadd.s32 $0xFFFFFF80  }
0x89: {  	s22 =	simm.s32 $0x1D28;
	[bflag:$0x0] =	sbarrier.arrive $0xFFFF  }
0x8a: {  	[tilespmem:s22], [sflag:$0x7] =	stream.linear.gather [spmem:s12], $0x3240, $0x38;
	[tilespmem:$0x1E8B8] =	vst v63  }
0x8b: {  	_ =	swait.ge [sflag:s20], $0x3240  }
0x8c: {  	[sflag:s20] =	ssyncset.done $0x0  }
0x8d: {  	s23 =	simm.s32 $0x5228;
	[sflag:s20] =	ssyncadd.s32 $0xFFFFCDC0  }
0x8e: {  	[tilespmem:s23], [sflag:$0x7] =	stream.linear.gather [spmem:s12], $0x20, $0x38;
	[tilespmem:$0x1E8B8] =	vst v63  }
0x8f: {  	_ =	swait.ge [sflag:s20], $0x20  }
0x90: {  	[sflag:s20] =	ssyncset.done $0x0  }
0x91: {  	s24 =	simm.s32 $0x5248;
	[sflag:s20] =	ssyncadd.s32 $0xFFFFFFE0  }
0x92: {  	[tilespmem:s24], [sflag:$0x7] =	stream.linear.gather [spmem:s12], $0x20, $0x38;
	[tilespmem:$0x1E8B8] =	vst v63  }
0x93: {  	_ =	swait.ge [sflag:s20], $0x20  }
0x94: {  	[sflag:s20] =	ssyncset.done $0x0  }
0x95: {  	s25 =	simm.s32 $0x5268;
	[sflag:s20] =	ssyncadd.s32 $0xFFFFFFE0  }
0x96: {  	[tilespmem:s25], [sflag:$0x7] =	stream.linear.gather [spmem:s12], $0x20, $0x38;
	[tilespmem:$0x1E8B8] =	vst v63  }
0x97: {  	_ =	swait.ge [sflag:s20], $0x20  }
0x98: {  	[sflag:s20] =	ssyncset.done $0x0  }
0x99: {  	s28 =	simm.s32 $0x5288;
	[sflag:s20] =	ssyncadd.s32 $0xFFFFFFE0  }
0x9a: {  	[tilespmem:s28], [sflag:$0x7] =	stream.linear.gather [spmem:s12], $0x20, $0x38;
	[tilespmem:$0x1E8B8] =	vst v63  }
0x9b: {  	_ =	swait.ge [sflag:s20], $0x20  }
0x9c: {  	[sflag:s20] =	ssyncset.done $0x0  }
0x9d: {  	s29 =	simm.s32 $0x52A8;
	[sflag:s20] =	ssyncadd.s32 $0xFFFFFFE0  }
0x9e: {  	[tilespmem:s29], [sflag:$0x7] =	stream.linear.gather [spmem:s12], $0x20, $0x38;
	[tilespmem:$0x1E8B8] =	vst v63  }
0x9f: {  	_ =	swait.ge [sflag:s20], $0x20  }
0xa0: {  	[sflag:s20] =	ssyncset.done $0x0  }
0xa1: {  	s30 =	simm.s32 $0x52C8;
	[sflag:s20] =	ssyncadd.s32 $0xFFFFFFE0  }
0xa2: {  	[tilespmem:s30], [sflag:$0x7] =	stream.linear.gather [spmem:s12], $0x20, $0x38;
	[tilespmem:$0x1E8B8] =	vst v63  }
0xa3: {  	_ =	swait.ge [sflag:s20], $0x20  }
0xa4: {  	[sflag:s20] =	ssyncset.done $0x0  }
0xa5: {  	s31 =	simm.s32 $0x52E8;
	[sflag:s20] =	ssyncadd.s32 $0xFFFFFFE0  }
0xa6: {  	[tilespmem:s31], [sflag:$0x7] =	stream.linear.gather [spmem:s12], $0x20, $0x38;
	[tilespmem:$0x1E8B8] =	vst v63  }
0xa7: {  	_ =	swait.ge [sflag:s20], $0x20  }
0xa8: {  	[sflag:s20] =	ssyncset.done $0x0  }
0xa9: {  	s1 =	simm.s32 $0x5308;
	[sflag:s20] =	ssyncadd.s32 $0xFFFFFFE0  }
0xaa: {  	[tilespmem:s1], [sflag:$0x7] =	stream.linear.gather [spmem:s12], $0x20, $0x38;
	[tilespmem:$0x1E8B8] =	vst v63  }
0xab: {  	_ =	swait.ge [sflag:s20], $0x20  }
0xac: {  	s2 =	sld [smem:$0x7B1]  }
0xad: {  	s3 =	sld [smem:$0x7B2]  }
0xae: {  	s4 =	sld [smem:$0x7B3]  }
0xaf: {  	s5 =	sld [smem:$0x7B4]  }
0xb0: {  	s6 =	sld [smem:$0x7B5]  }
0xb1: {  	s7 =	sld [smem:$0x7B6]  }
0xb2: {  	s8 =	sld [smem:$0x7B7]  }
0xb3: {  	s9 =	sld [smem:$0x7B9]  }
0xb4: {  	s10 =	sld [smem:$0x7BD]  }
0xb5: {  	s11 =	sld [smem:$0x7C0]  }
0xb6: {  	s13 =	sld [smem:$0x7C4]  }
0xb7: {  	s14 =	sld [smem:$0x7C7]  }
0xb8: {  	s15 =	sld [smem:$0x7CB]  }
0xb9: {  	s16 =	sld [smem:$0x7CE]  }
0xba: {  	s18 =	sld [smem:$0x7D4]  }
0xbb: {  	s19 =	sld [smem:$0x7D7]  }
0xbc: {  	s21 =	sld [smem:$0x7D9]  }
0xbd: {  	s22 =	sld [smem:$0x7DA]  }
0xbe: {  	s23 =	sld [smem:$0x7DB]  }
0xbf: {  	s24 =	sld [smem:$0x7DC]  }
0xc0: {  	s25 =	sld [smem:$0x7DD]  }
0xc1: {  	s28 =	sld [smem:$0x7DE]  }
0xc2: {  	s29 =	sld [smem:$0x7DF]  }
0xc3: {  	s30 =	sld [smem:$0x7E0]  }
0xc4: {  	s31 =	sld [smem:$0x7E1]  }
0xc5: {  	[sflag:s20] =	ssyncset.done $0x0;
	s1 =	sld [smem:$0x7E2]  }
0xc6: {  	[sflag:s20] =	ssyncadd.s32 $0xFFFFFFE0;
	s20 =	sld [smem:$0x7D8]  }
0xc7: {  	[spmem:s2] =	stream.linear.scatter [tilespmem:s3], [sflag:$0x1], $0x100, $0x38;
	[tilespmem:$0x1E8B8] =	vst v63  }
0xc8: {  	s2 =	sld [smem:$0x7E3]  }
0xc9: {  	s3 =	sld [smem:$0x7E4]  }
0xca: {  	[spmem:s4] =	stream.linear.scatter [tilespmem:s5], [sflag:$0x1], $0x100, $0x38;
	[tilespmem:$0x1E8B8] =	vst v63  }
0xcb: {  	s4 =	sld [smem:$0x7E5]  }
0xcc: {  	[spmem:s6] =	stream.linear.scatter [tilespmem:s7], [sflag:$0x1], $0x100, $0x38;
	[tilespmem:$0x1E8B8] =	vst v63  }
0xcd: {  	s5 =	sld [smem:$0x7E6]  }
0xce: {  	[spmem:s8] =	stream.linear.scatter [tilespmem:s9], [sflag:$0x1], $0x100, $0x38;
	[tilespmem:$0x1E8B8] =	vst v63  }
0xcf: {  	s6 =	sld [smem:$0x7E7]  }
0xd0: {  	[spmem:s10] =	stream.linear.scatter [tilespmem:s11], [sflag:$0x1], $0x100, $0x38;
	[tilespmem:$0x1E8B8] =	vst v63  }
0xd1: {  	s7 =	sld [smem:$0x7E8]  }
0xd2: {  	[spmem:s13] =	stream.linear.scatter [tilespmem:s14], [sflag:$0x1], $0x100, $0x38;
	[tilespmem:$0x1E8B8] =	vst v63  }
0xd3: {  	s8 =	sld [smem:$0x7E9]  }
0xd4: {  	[spmem:s15] =	stream.linear.scatter [tilespmem:s16], [sflag:$0x1], $0x100, $0x38;
	[tilespmem:$0x1E8B8] =	vst v63  }
0xd5: {  	s9 =	sld [smem:$0x7EA]  }
0xd6: {  	[spmem:s18] =	stream.linear.scatter [tilespmem:s19], [sflag:$0x1], $0x100, $0x38;
	[tilespmem:$0x1E8B8] =	vst v63  }
0xd7: {  	s10 =	sld [smem:$0x7EB]  }
0xd8: {  	[spmem:s20] =	stream.linear.scatter [tilespmem:s21], [sflag:$0x1], $0x100, $0x38;
	[tilespmem:$0x1E8B8] =	vst v63  }
0xd9: {  	s11 =	sld [smem:$0x7EC]  }
0xda: {  	[spmem:s22] =	stream.linear.scatter [tilespmem:s23], [sflag:$0x1], $0x100, $0x38;
	[tilespmem:$0x1E8B8] =	vst v63  }
0xdb: {  	s13 =	sld [smem:$0x7ED]  }
0xdc: {  	[spmem:s24] =	stream.linear.scatter [tilespmem:s25], [sflag:$0x1], $0x100, $0x38;
	[tilespmem:$0x1E8B8] =	vst v63  }
0xdd: {  	s14 =	sld [smem:$0x7EE]  }
0xde: {  	[spmem:s28] =	stream.linear.scatter [tilespmem:s29], [sflag:$0x1], $0x100, $0x38;
	[tilespmem:$0x1E8B8] =	vst v63  }
0xdf: {  	s15 =	sld [smem:$0x7EF]  }
0xe0: {  	[spmem:s30] =	stream.linear.scatter [tilespmem:s31], [sflag:$0x1], $0x100, $0x38;
	[tilespmem:$0x1E8B8] =	vst v63  }
0xe1: {  	s16 =	sld [smem:$0x7F0]  }
0xe2: {  	[spmem:s1] =	stream.linear.scatter [tilespmem:s2], [sflag:$0x1], $0x100, $0x38;
	[tilespmem:$0x1E8B8] =	vst v63  }
0xe3: {  	s18 =	sld [smem:$0x7F1]  }
0xe4: {  	[spmem:s3] =	stream.linear.scatter [tilespmem:s4], [sflag:$0x1], $0x100, $0x38;
	[tilespmem:$0x1E8B8] =	vst v63  }
0xe5: {  	s19 =	sld [smem:$0x7F2]  }
0xe6: {  	[spmem:s5] =	stream.linear.scatter [tilespmem:s6], [sflag:$0x1], $0x100, $0x38;
	[tilespmem:$0x1E8B8] =	vst v63  }
0xe7: {  	s20 =	sld [smem:$0x7F3]  }
0xe8: {  	[spmem:s7] =	stream.linear.scatter [tilespmem:s8], [sflag:$0x1], $0x100, $0x38;
	[tilespmem:$0x1E8B8] =	vst v63  }
0xe9: {  	s21 =	sld [smem:$0x7F4]  }
0xea: {  	[spmem:s9] =	stream.linear.scatter [tilespmem:s10], [sflag:$0x1], $0x100, $0x38;
	[tilespmem:$0x1E8B8] =	vst v63  }
0xeb: {  	s22 =	sld [smem:$0x7F5]  }
0xec: {  	[spmem:s11] =	stream.linear.scatter [tilespmem:s13], [sflag:$0x1], $0x100, $0x38;
	[tilespmem:$0x1E8B8] =	vst v63  }
0xed: {  	s23 =	sld [smem:$0x7F6]  }
0xee: {  	[spmem:s14] =	stream.linear.scatter [tilespmem:s15], [sflag:$0x1], $0x100, $0x38;
	[tilespmem:$0x1E8B8] =	vst v63  }
0xef: {  	s24 =	sld [smem:$0x7F7]  }
0xf0: {  	[spmem:s16] =	stream.linear.scatter [tilespmem:s18], [sflag:$0x1], $0x100, $0x38;
	[tilespmem:$0x1E8B8] =	vst v63  }
0xf1: {  	s25 =	sld [smem:$0x7F8]  }
0xf2: {  	[spmem:s19] =	stream.linear.scatter [tilespmem:s20], [sflag:$0x1], $0x100, $0x38;
	[tilespmem:$0x1E8B8] =	vst v63  }
0xf3: {  	s28 =	sld [smem:$0x7F9]  }
0xf4: {  	[spmem:s21] =	stream.linear.scatter [tilespmem:s22], [sflag:$0x1], $0x100, $0x38;
	[tilespmem:$0x1E8B8] =	vst v63  }
0xf5: {  	s29 =	sld [smem:$0x7FA]  }
0xf6: {  	[spmem:s23] =	stream.linear.scatter [tilespmem:s24], [sflag:$0x1], $0x100, $0x38;
	[tilespmem:$0x1E8B8] =	vst v63  }
0xf7: {  	s30 =	sld [smem:$0x7FB]  }
0xf8: {  	[spmem:s25] =	stream.linear.scatter [tilespmem:s28], [sflag:$0x1], $0x100, $0x38;
	[tilespmem:$0x1E8B8] =	vst v63  }
0xf9: {  	s31 =	simm.s32 $0x1  }
0xfa: {  	[spmem:s29] =	stream.linear.scatter [tilespmem:s30], [sflag:$0x1], $0x100, $0x38;
	[tilespmem:$0x1E8B8] =	vst v63  }
0xfb: {  	_ =	swait.ge [sflag:s31], $0x100  }
0xfc: {  	[sflag:s31] =	ssyncset.done $0x0  }
0xfd: {  	[sflag:s31] =	ssyncadd.s32 $0xFFFFFF00  }
0xfe: {  	_ =	swait.ge [sflag:s31], $0x100  }
0xff: {  	[sflag:s31] =	ssyncset.done $0x0  }
0x100: {  	[sflag:s31] =	ssyncadd.s32 $0xFFFFFF00  }
0x101: {  	_ =	swait.ge [sflag:s31], $0x100  }
0x102: {  	[sflag:s31] =	ssyncset.done $0x0  }
0x103: {  	[sflag:s31] =	ssyncadd.s32 $0xFFFFFF00  }
0x104: {  	_ =	swait.ge [sflag:s31], $0x100  }
0x105: {  	[sflag:s31] =	ssyncset.done $0x0  }
0x106: {  	[sflag:s31] =	ssyncadd.s32 $0xFFFFFF00  }
0x107: {  	_ =	swait.ge [sflag:s31], $0x100  }
0x108: {  	[sflag:s31] =	ssyncset.done $0x0  }
0x109: {  	[sflag:s31] =	ssyncadd.s32 $0xFFFFFF00  }
0x10a: {  	_ =	swait.ge [sflag:s31], $0x100  }
0x10b: {  	[sflag:s31] =	ssyncset.done $0x0  }
0x10c: {  	[sflag:s31] =	ssyncadd.s32 $0xFFFFFF00  }
0x10d: {  	_ =	swait.ge [sflag:s31], $0x100  }
0x10e: {  	[sflag:s31] =	ssyncset.done $0x0  }
0x10f: {  	[sflag:s31] =	ssyncadd.s32 $0xFFFFFF00  }
0x110: {  	_ =	swait.ge [sflag:s31], $0x100  }
0x111: {  	[sflag:s31] =	ssyncset.done $0x0  }
0x112: {  	[sflag:s31] =	ssyncadd.s32 $0xFFFFFF00  }
0x113: {  	_ =	swait.ge [sflag:s31], $0x100  }
0x114: {  	[sflag:s31] =	ssyncset.done $0x0  }
0x115: {  	[sflag:s31] =	ssyncadd.s32 $0xFFFFFF00  }
0x116: {  	_ =	swait.ge [sflag:s31], $0x100  }
0x117: {  	[sflag:s31] =	ssyncset.done $0x0  }
0x118: {  	[sflag:s31] =	ssyncadd.s32 $0xFFFFFF00  }
0x119: {  	_ =	swait.ge [sflag:s31], $0x100  }
0x11a: {  	[sflag:s31] =	ssyncset.done $0x0  }
0x11b: {  	[sflag:s31] =	ssyncadd.s32 $0xFFFFFF00  }
0x11c: {  	_ =	swait.ge [sflag:s31], $0x100  }
0x11d: {  	[sflag:s31] =	ssyncset.done $0x0  }
0x11e: {  	[sflag:s31] =	ssyncadd.s32 $0xFFFFFF00  }
0x11f: {  	_ =	swait.ge [sflag:s31], $0x100  }
0x120: {  	[sflag:s31] =	ssyncset.done $0x0  }
0x121: {  	[sflag:s31] =	ssyncadd.s32 $0xFFFFFF00  }
0x122: {  	_ =	swait.ge [sflag:s31], $0x100  }
0x123: {  	[sflag:s31] =	ssyncset.done $0x0  }
0x124: {  	[sflag:s31] =	ssyncadd.s32 $0xFFFFFF00  }
0x125: {  	_ =	swait.ge [sflag:s31], $0x100  }
0x126: {  	[sflag:s31] =	ssyncset.done $0x0  }
0x127: {  	[sflag:s31] =	ssyncadd.s32 $0xFFFFFF00  }
0x128: {  	_ =	swait.ge [sflag:s31], $0x100  }
0x129: {  	[sflag:s31] =	ssyncset.done $0x0  }
0x12a: {  	[sflag:s31] =	ssyncadd.s32 $0xFFFFFF00  }
0x12b: {  	_ =	swait.ge [sflag:s31], $0x100  }
0x12c: {  	[sflag:s31] =	ssyncset.done $0x0  }
0x12d: {  	[sflag:s31] =	ssyncadd.s32 $0xFFFFFF00  }
0x12e: {  	_ =	swait.ge [sflag:s31], $0x100  }
0x12f: {  	[sflag:s31] =	ssyncset.done $0x0  }
0x130: {  	[sflag:s31] =	ssyncadd.s32 $0xFFFFFF00  }
0x131: {  	_ =	swait.ge [sflag:s31], $0x100  }
0x132: {  	[sflag:s31] =	ssyncset.done $0x0  }
0x133: {  	[sflag:s31] =	ssyncadd.s32 $0xFFFFFF00  }
0x134: {  	_ =	swait.ge [sflag:s31], $0x100  }
0x135: {  	[sflag:s31] =	ssyncset.done $0x0  }
0x136: {  	[sflag:s31] =	ssyncadd.s32 $0xFFFFFF00  }
0x137: {  	_ =	swait.ge [sflag:s31], $0x100  }
0x138: {  	[sflag:s31] =	ssyncset.done $0x0  }
0x139: {  	[sflag:s31] =	ssyncadd.s32 $0xFFFFFF00  }
0x13a: {  	_ =	swait.ge [sflag:s31], $0x100  }
0x13b: {  	[sflag:s31] =	ssyncset.done $0x0  }
0x13c: {  	[sflag:s31] =	ssyncadd.s32 $0xFFFFFF00  }
0x13d: {  	_ =	swait.ge [sflag:s31], $0x100  }
0x13e: {  	[sflag:s31] =	ssyncset.done $0x0  }
0x13f: {  	[sflag:s31] =	ssyncadd.s32 $0xFFFFFF00  }
0x140: {  	_ =	swait.ge [sflag:s31], $0x100  }
0x141: {  	[sflag:s31] =	ssyncset.done $0x0  }
0x142: {  	[sflag:s31] =	ssyncadd.s32 $0xFFFFFF00  }
0x143: {  	_ =	swait.ge [sflag:s31], $0x100  }
0x144: {  	[sflag:s31] =	ssyncset.done $0x0  }
0x145: {  	[sflag:s31] =	ssyncadd.s32 $0xFFFFFF00  }
0x146: {  	_ =	swait.ge [sflag:s31], $0x100  }
0x147: {  	s1 =	sld [smem:$0x7FD]  }
0x148: {  	[sflag:s31] =	ssyncset.done $0x0  }
0x149: {  	s0 =	simm.s32 @!p1 $0x5228;
	[sflag:s31] =	ssyncadd.s32 $0xFFFFFF00  }
0x14a: {  	[spmem:s1] =	stream.linear.scatter @!p1 [tilespmem:s0], [sflag:$0x7], $0x100, $0x38;
	[tilespmem:$0x1E8B8] =	vst v63  }
0x14b: {  	s0 =	simm.s32 @!p1 $0x7  }
0x14c: {  	_ =	swait.ge @!p1 [sflag:s0], $0x100  }
0x14d: {  	[sflag:s0] =	ssyncset.done @!p1 $0x0  }
0x14e: {  	s19 =	simm.s32 $0x0;
	[sflag:s0] =	ssyncadd.s32 @!p1 $0xFFFFFF00  }
0x14f: {  	s1 =	simm.s32 $0x5328;
	s0 =	simm.s32 $0x53A8;
	[bflag:$0x0] =	sbarrier.arrive $0xFFFF  }
.LBB2_2:
0x150: {  	v5 =	vld [tilespmem:s0+$0x0];
	_ =	sdelay $0x1  }
0x151: {  	v6 =	vld [tilespmem:s1+$0x0];
	_ =	sdelay $0x2  }
0x152: {  	v9 =	vbroadcast v5, $0x0;
	v12 =	vbroadcast v5, $0x1  }
0x153: {  	v15 =	vbroadcast v5, $0x2;
	v18 =	vbroadcast v5, $0x3  }
0x154: {  	v6 =	vsub.s32 $0xC9, v6;
	v29 =	vbroadcast v5, $0x4;
	v32 =	vbroadcast v5, $0x5  }
0x155: {  	v38 =	vbroadcast v5, $0x6;
	v43 =	vbroadcast v5, $0x7;
	(v2sf) =	vpush v6, $0x0  }
0x156: {  	v7 =	vbroadcast v6, $0x0;
	v10 =	vbroadcast v6, $0x1;
	(v2sf) =	vpush v5, $0x0  }
0x157: {  	v13 =	vbroadcast v6, $0x2;
	v16 =	vbroadcast v6, $0x3;
	(v2sf) =	vpush v6, $0x1  }
0x158: {  	v27 =	vbroadcast v6, $0x4;
	v30 =	vbroadcast v6, $0x5;
	(v2sf) =	vpush v5, $0x1  }
0x159: {  	v36 =	vbroadcast v6, $0x6;
	v40 =	vbroadcast v6, $0x7;
	(v2sf) =	vpush v6, $0x2  }
0x15a: {  	vm8 =	vgt.s32 v9, v2;
	vm1 =	vgt.s32 v9, v4;
	(v2sf) =	vpush v5, $0x2  }
0x15b: {  	vm13 =	vgt.s32 v12, v2;
	vm14 =	vgt.s32 v12, v4;
	vm6 =	vgt.s32 v15, v2  }
0x15c: {  	v8 =	vadd.s32 v1, v7;
	v7 =	vadd.s32 v3, v7;
	(v2sf) =	vpush v6, $0x3  }
0x15d: {  	v22 =	vadd.s32 v1, v10;
	v10 =	vadd.s32 v3, v10;
	v14 =	vadd.s32 v1, v13  }
0x15e: {  	v13 =	vadd.s32 v3, v13;
	v26 =	vadd.s32 v1, v16;
	(v2sf) =	vpush v5, $0x3  }
0x15f: {  	v16 =	vadd.s32 v3, v16;
	v31 =	vadd.s32 v1, v30;
	v33 =	vadd.s32 v3, v30  }
0x160: {  	v37 =	vadd.s32 v1, v36;
	v41 =	vadd.s32 v1, v40;
	v44 =	vadd.s32 v3, v40  }
0x161: {  	vm0 =	vgt.s32 v8, $0x0;
	vm7 =	vgt.s32 v7, $0x0;
	vm11 =	vgt.s32 v22, $0x0  }
0x162: {  	vm12 =	vgt.s32 v10, $0x0;
	vm5 =	vgt.s32 v14, $0x0;
	vm2 =	vgt.s32 v13, $0x0  }
0x163: {  	v8 =	vnsel vm0, $0x0, v8;
	v7 =	vnsel vm7, $0x0, v7;
	v10 =	vnsel vm12, $0x0, v10  }
0x164: {  	v14 =	vnsel vm5, $0x0, v14;
	v13 =	vnsel vm2, $0x0, v13;
	vm7 =	vgt.s32 v15, v4;
	s20 =	spop (v2sf)  }
0x165: {  	vm12 =	vgt.s32 v18, v2;
	vm5 =	vgt.s32 v29, v2;
	s2 =	spop (v2sf);
	(v2sf) =	vpush v6, $0x4  }
0x166: {  	v8 =	vmin.u32 v8, $0x192;
	v7 =	vmin.u32 v7, $0x192;
	s21 =	sshra.s32 s2, $0x1F;
	s22 =	spop (v2sf);
	(v2sf) =	vpush v5, $0x4  }
0x167: {  	[smem:$0x7AC] =	sst s1;
	v10 =	vmin.u32 v10, $0x192;
	v14 =	vmin.u32 v14, $0x192;
	s1 =	sshrl.u32 s21, $0x1D;
	s23 =	spop (v2sf);
	(v2sf) =	vpush v6, $0x5  }
0x168: {  	v13 =	vmin.u32 v13, $0x192;
	v8 =	vnsel vm8, $0x192, v8;
	s1 =	sadd.s32 s1, s2;
	s25 =	spop (v2sf);
	(v2sf) =	vpush v5, $0x5  }
0x169: {  	v7 =	vnsel vm1, $0x192, v7;
	v10 =	vnsel vm14, $0x192, v10;
	[smem:$0x799] =	sst s1;
	s1 =	sand.u32 $0xFFFFFFF8, s1;
	s28 =	spop (v2sf);
	(v2sf) =	vpush v6, $0x6  }
0x16a: {  	[smem:$0x7AD] =	sst s0;
	v14 =	vnsel vm6, $0x192, v14;
	v13 =	vnsel vm7, $0x192, v13;
	s0 =	sadd.s32 s2, s20;
	s1 =	ssub.s32 s2, s1;
	(v2sf) =	vpush v5, $0x6  }
0x16b: {  	vm7 =	vgt.s32 v29, v4;
	s30 =	spop (v2sf);
	s0 =	ssub.s32 s0, s1;
	v11 =	vmov s1;
	(v2sf) =	vpush v6, $0x7  }
0x16c: {  	s24 =	sshra.s32 s23, $0x1F;
	v21 =	vadd.s32 s0, v0;
	vm10 =	vgt.s32 v11, v0;
	v11 =	vnsel vm11, $0x0, v22  }
0x16d: {  	s1 =	sshrl.u32 s24, $0x1D;
	s31 =	spop (v2sf);
	vm11 =	vgt.s32 v16, $0x0;
	(v2sf) =	vpush v5, $0x7;
	vm9 =	vgt.s32 v21, $0x0  }
0x16e: {  	s1 =	sadd.s32 s1, s23;
	v11 =	vmin.u32 v11, $0x192;
	v16 =	vnsel vm11, $0x0, v16;
	vm11 =	vgt.s32 v32, v2  }
0x16f: {  	[smem:$0x79B] =	sst s1;
	s1 =	sand.u32 $0xFFFFFFF8, s1;
	v9 =	vnsel vm9, $0x0, v21;
	v11 =	vnsel vm13, $0x192, v11;
	v16 =	vmin.u32 v16, $0x192  }
0x170: {  	s0 =	sadd.s32 s23, s22;
	s1 =	ssub.s32 s23, s1;
	vm13 =	vgt.s32 v18, v4;
	v21 =	vadd.s32 v1, v27;
	v18 =	vadd.s32 v3, v27  }
0x171: {  	s29 =	sshra.s32 s28, $0x1F;
	v9 =	vmin.u32 v9, $0x191;
	s0 =	ssub.s32 s0, s1;
	v23 =	vmov s1;
	v16 =	vnsel vm13, $0x192, v16  }
0x172: {  	vm6 =	vgt.s32 v18, $0x0;
	vm13 =	vgt.s32 v32, v4;
	v24 =	vadd.s32 s0, v0;
	s0 =	sshrl.u32 s29, $0x1D  }
0x173: {  	v9 =	vnsel vm10, $0x0, v9;
	vm15 =	vgt.s32 v23, v0;
	vm10 =	vgt.s32 v26, $0x0;
	s0 =	sadd.s32 s0, s28  }
0x174: {  	v18 =	vnsel vm6, $0x0, v18;
	vm6 =	vgt.s32 v38, v2;
	vm4 =	vgt.s32 v24, $0x0;
	[smem:$0x79D] =	sst s0;
	s0 =	sand.u32 $0xFFFFFFF8, s0  }
0x175: {  	s3 =	sshra.s32 s31, $0x1F;
	s1 =	sadd.s32 s28, s25;
	v18 =	vmin.u32 v18, $0x192;
	v12 =	vnsel vm4, $0x0, v24;
	vm4 =	vgt.s32 v21, $0x0;
	s0 =	ssub.s32 s28, s0  }
0x176: {  	v18 =	vnsel vm7, $0x192, v18;
	vm7 =	vgt.s32 v38, v4;
	s1 =	ssub.s32 s1, s0;
	v17 =	vmov s0;
	s0 =	sshrl.u32 s3, $0x1D  }
0x177: {  	v12 =	vmin.u32 v12, $0x191;
	v28 =	vnsel vm4, $0x0, v21;
	vm4 =	vgt.s32 v37, $0x0;
	s4 =	spop (v2sf);
	s0 =	sadd.s32 s0, s31  }
0x178: {  	[tilespmem:$0x5441] =	vst v11;
	v12 =	vnsel vm15, $0x0, v12;
	v11 =	vnsel vm4, $0x0, v37;
	v25 =	vadd.s32 s1, v0;
	s5 =	spop (v2sf);
	[smem:$0x79F] =	sst s0;
	s0 =	sand.u32 $0xFFFFFFF8, s0  }
0x179: {  	vm9 =	vgt.s32 v17, v0;
	v17 =	vnsel vm10, $0x0, v26;
	s1 =	sadd.s32 s31, s30;
	vm10 =	vgt.s32 v31, $0x0;
	s6 =	sshra.s32 s5, $0x1F;
	s0 =	ssub.s32 s31, s0  }
0x17a: {  	[tilespmem:$0x55C8] =	vst v12;
	v12 =	vadd.s32 v3, v36;
	v11 =	vmin.u32 v11, $0x192;
	s1 =	ssub.s32 s1, s0;
	v20 =	vmov s0;
	s0 =	sshrl.u32 s6, $0x1D  }
0x17b: {  	[tilespmem:$0x5428] =	vst v8;
	vm8 =	vgt.s32 v25, $0x0;
	v17 =	vmin.u32 v17, $0x192;
	s7 =	spop (v2sf);
	v8 =	vnsel vm10, $0x0, v31;
	s0 =	sadd.s32 s0, s5  }
0x17c: {  	v11 =	vnsel vm6, $0x192, v11;
	vm10 =	vgt.s32 v41, $0x0;
	v15 =	vnsel vm8, $0x0, v25;
	s3 =	spop (v2sf);
	[smem:$0x7A1] =	sst s0;
	s0 =	sand.u32 $0xFFFFFFF8, s0  }
0x17d: {  	[tilespmem:$0x545A] =	vst v14;
	v17 =	vnsel vm12, $0x192, v17;
	v8 =	vmin.u32 v8, $0x192;
	s8 =	sshra.s32 s3, $0x1F;
	v19 =	vadd.s32 s1, v0;
	s1 =	sadd.s32 s5, s4;
	s0 =	ssub.s32 s5, s0  }
0x17e: {  	[tilespmem:$0x5431] =	vst v7;
	vm12 =	vgt.s32 v33, $0x0;
	v42 =	vnsel vm10, $0x0, v41;
	s1 =	ssub.s32 s1, s0;
	v22 =	vmov s0;
	s0 =	sshrl.u32 s8, $0x1D  }
0x17f: {  	[smem:$0x7A0] =	sst s31;
	[tilespmem:$0x55B8] =	vst v9;
	v15 =	vmin.u32 v15, $0x191;
	v8 =	vnsel vm11, $0x192, v8;
	v9 =	vnsel vm12, $0x0, v33;
	s10 =	spop (v2sf);
	s0 =	sadd.s32 s0, s3  }
0x180: {  	[tilespmem:$0x5463] =	vst v13;
	vm11 =	vgt.s32 v44, $0x0;
	vm12 =	vgt.s32 v43, v2;
	v15 =	vnsel vm9, $0x0, v15;
	s31 =	spop (v2sf);
	[smem:$0x7A3] =	sst s0;
	s0 =	sand.u32 $0xFFFFFFF8, s0  }
0x181: {  	[tilespmem:$0x544A] =	vst v10;
	s9 =	sadd.s32 s3, s7;
	vm15 =	vgt.s32 v20, v0;
	v20 =	vmin.u32 v28, $0x192;
	v9 =	vmin.u32 v9, $0x192;
	s11 =	sshra.s32 s31, $0x1F;
	s0 =	ssub.s32 s3, s0  }
0x182: {  	[tilespmem:$0x54A5] =	vst v8;
	v8 =	vmin.u32 v42, $0x192;
	v23 =	vadd.s32 s1, v0;
	s1 =	ssub.s32 s9, s0;
	v35 =	vmov s0;
	s0 =	sshrl.u32 s11, $0x1D  }
0x183: {  	[tilespmem:$0x54BE] =	vst v11;
	v45 =	vnsel vm11, $0x0, v44;
	vm14 =	vgt.s32 v19, $0x0;
	v20 =	vnsel vm5, $0x192, v20;
	s0 =	sadd.s32 s0, s31  }
0x184: {  	[tilespmem:$0x5473] =	vst v17;
	v9 =	vnsel vm13, $0x192, v9;
	vm5 =	vgt.s32 v12, $0x0;
	s14 =	spop (v2sf);
	v8 =	vnsel vm12, $0x192, v8;
	[smem:$0x7A5] =	sst s0;
	s0 =	sand.u32 $0xFFFFFFF8, s0  }
0x185: {  	[tilespmem:$0x547C] =	vst v16;
	s13 =	sadd.s32 s31, s10;
	v19 =	vnsel vm14, $0x0, v19;
	v12 =	vnsel vm5, $0x0, v12;
	s29 =	spop (v2sf);
	vm9 =	vgt.s32 v23, $0x0;
	s0 =	ssub.s32 s31, s0  }
0x186: {  	[tilespmem:$0x55D8] =	vst v15;
	v19 =	vmin.u32 v19, $0x191;
	s15 =	sshra.s32 s29, $0x1F;
	v7 =	vnsel vm9, $0x0, v23;
	v34 =	vadd.s32 s1, v0;
	s1 =	ssub.s32 s13, s0  }
0x187: {  	[tilespmem:$0x548C] =	vst v20;
	vm8 =	vgt.s32 v22, v0;
	v7 =	vmin.u32 v7, $0x191;
	v39 =	vadd.s32 s1, v0;
	s1 =	sshrl.u32 s15, $0x1D  }
0x188: {  	[tilespmem:$0x54AE] =	vst v9;
	v12 =	vmin.u32 v12, $0x192;
	v7 =	vnsel vm8, $0x0, v7;
	vm14 =	vgt.s32 v34, $0x0;
	s16 =	sadd.s32 s1, s29  }
0x189: {  	v19 =	vnsel vm15, $0x0, v19;
	[tilespmem:$0x55F8] =	vst v7;
	v10 =	vnsel vm14, $0x0, v34;
	v7 =	vmov s0;
	s0 =	sand.u32 $0xFFFFFFF8, s16  }
0x18a: {  	[tilespmem:$0x54D7] =	vst v8;
	s18 =	sadd.s32 s29, s14;
	vm15 =	vgt.s32 v35, v0;
	v10 =	vmin.u32 v10, $0x191;
	vm8 =	vgt.s32 v39, $0x0;
	s0 =	ssub.s32 s29, s0  }
0x18b: {  	[tilespmem:$0x5495] =	vst v18;
	v12 =	vnsel vm7, $0x192, v12;
	v10 =	vnsel vm15, $0x0, v10;
	v13 =	vnsel vm8, $0x0, v39;
	s1 =	ssub.s32 s18, s0  }
0x18c: {  	[smem:$0x79A] =	sst s2;
	[tilespmem:$0x55E8] =	vst v19;
	vm9 =	vgt.s32 v7, v0;
	v7 =	vmin.u32 v13, $0x191;
	v46 =	vadd.s32 s1, v0  }
0x18d: {  	[smem:$0x79C] =	sst s23;
	vm14 =	vgt.s32 v43, v4;
	[tilespmem:$0x5608] =	vst v10;
	v7 =	vnsel vm9, $0x0, v7;
	vm13 =	vgt.s32 v46, $0x0  }
0x18e: {  	[smem:$0x79E] =	sst s28;
	v10 =	vmin.u32 v45, $0x192;
	[tilespmem:$0x5618] =	vst v7;
	v7 =	vmov s0;
	v47 =	vnsel vm13, $0x0, v46  }
0x18f: {  	[smem:$0x7A2] =	sst s5;
	[tilespmem:$0x54C7] =	vst v12;
	v48 =	vnsel vm14, $0x192, v10;
	vm15 =	vgt.s32 v7, v0;
	v7 =	vmin.u32 v47, $0x191  }
0x190: {  	p2 =	seq.s32 s19, $0x0;
	[smem:$0x7A4] =	sst s3;
	[tilespmem:$0x54E0] =	vst v48;
	v7 =	vnsel vm15, $0x0, v7  }
0x191: {  	[smem:$0x7A6] =	sst s16;
	s0 =	simm.s32 @!p2 $0x5;
	[tilespmem:$0x5628] =	vst v7  }
0x192: {  	_ =	swait.ge @!p2 [sflag:s0], $0x1900  }
0x193: {  	[sflag:s0] =	ssyncset.done @!p2 $0x0  }
0x194: {  	[sflag:s0] =	ssyncadd.s32 @!p2 $0xFFFFE700  }
0x195: {  	_ =	swait.ge @!p2 [sflag:s0], $0x1900  }
0x196: {  	[sflag:s0] =	ssyncset.done @!p2 $0x0  }
0x197: {  	[sflag:s0] =	ssyncadd.s32 @!p2 $0xFFFFE700  }
0x198: {  	_ =	swait.ge @!p2 [sflag:s0], $0x1900  }
0x199: {  	[sflag:s0] =	ssyncset.done @!p2 $0x0  }
0x19a: {  	[sflag:s0] =	ssyncadd.s32 @!p2 $0xFFFFE700  }
0x19b: {  	_ =	swait.ge @!p2 [sflag:s0], $0x1900  }
0x19c: {  	[sflag:s0] =	ssyncset.done @!p2 $0x0  }
0x19d: {  	[sflag:s0] =	ssyncadd.s32 @!p2 $0xFFFFE700  }
0x19e: {  	_ =	swait.ge @!p2 [sflag:s0], $0x1900  }
0x19f: {  	[sflag:s0] =	ssyncset.done @!p2 $0x0  }
0x1a0: {  	[sflag:s0] =	ssyncadd.s32 @!p2 $0xFFFFE700  }
0x1a1: {  	_ =	swait.ge @!p2 [sflag:s0], $0x1900  }
0x1a2: {  	[sflag:s0] =	ssyncset.done @!p2 $0x0  }
0x1a3: {  	[sflag:s0] =	ssyncadd.s32 @!p2 $0xFFFFE700  }
0x1a4: {  	_ =	swait.ge @!p2 [sflag:s0], $0x1900  }
0x1a5: {  	[sflag:s0] =	ssyncset.done @!p2 $0x0  }
0x1a6: {  	v59 =	vbroadcast v6, $0x8;
	v29 =	vbroadcast v5, $0xC;
	[sflag:s0] =	ssyncadd.s32 @!p2 $0xFFFFE700  }
0x1a7: {  	v27 =	vbroadcast v5, $0xA;
	v24 =	vbroadcast v5, $0x8;
	_ =	swait.ge @!p2 [sflag:s0], $0x1900  }
0x1a8: {  	v26 =	vbroadcast v5, $0x9;
	v36 =	vbroadcast v6, $0xA;
	(v2sf) =	vpush v6, $0x8  }
0x1a9: {  	v31 =	vadd.s32 v1, v59;
	vm6 =	vgt.s32 v24, v2;
	(v2sf) =	vpush v5, $0x8  }
0x1aa: {  	vm4 =	vgt.s32 v31, $0x0;
	v25 =	vadd.s32 v3, v59;
	(v2sf) =	vpush v6, $0x9  }
0x1ab: {  	v38 =	vadd.s32 v1, v36;
	v59 =	vbroadcast v5, $0xE;
	(v2sf) =	vpush v5, $0x9  }
0x1ac: {  	v33 =	vbroadcast v6, $0x9;
	vm5 =	vgt.s32 v25, $0x0;
	(v2sf) =	vpush v6, $0xA  }
0x1ad: {  	v28 =	vbroadcast v5, $0xB;
	v42 =	vbroadcast v6, $0xC;
	v25 =	vnsel vm5, $0x0, v25  }
0x1ae: {  	vm12 =	vgt.s32 v26, v2;
	v25 =	vmin.u32 v25, $0x192;
	(v2sf) =	vpush v5, $0xA  }
0x1af: {  	vm7 =	vgt.s32 v24, v4;
	v24 =	vadd.s32 v3, v33;
	(v2sf) =	vpush v6, $0xB  }
0x1b0: {  	v44 =	vadd.s32 v1, v42;
	v25 =	vnsel vm7, $0x192, v25;
	vm11 =	vgt.s32 v24, $0x0  }
0x1b1: {  	vm7 =	vgt.s32 v27, v4;
	v23 =	vnsel vm4, $0x0, v31;
	(v2sf) =	vpush v5, $0xB  }
0x1b2: {  	v24 =	vnsel vm11, $0x0, v24;
	vm4 =	vgt.s32 v38, $0x0;
	v23 =	vmin.u32 v23, $0x192  }
0x1b3: {  	v24 =	vmin.u32 v24, $0x192;
	v16 =	vnsel vm4, $0x0, v38;
	(v2sf) =	vpush v6, $0xC  }
0x1b4: {  	vm4 =	vgt.s32 v44, $0x0;
	v23 =	vnsel vm6, $0x192, v23;
	v35 =	vadd.s32 v1, v33  }
0x1b5: {  	v16 =	vmin.u32 v16, $0x192;
	vm6 =	vgt.s32 v27, v2;
	(v2sf) =	vpush v5, $0xC  }
0x1b6: {  	v20 =	vnsel vm4, $0x0, v44;
	vm10 =	vgt.s32 v35, $0x0;
	(v2sf) =	vpush v6, $0xD  }
0x1b7: {  	v16 =	vnsel vm6, $0x192, v16;
	v20 =	vmin.u32 v20, $0x192;
	v14 =	vnsel vm10, $0x0, v35;
	s20 =	spop (v2sf)  }
0x1b8: {  	s3 =	smov.u32 s12;
	vm6 =	vgt.s32 v29, v2;
	v14 =	vmin.u32 v14, $0x192;
	v39 =	vbroadcast v6, $0xB;
	[sflag:s0] =	ssyncset.done @!p2 $0x0;
	s5 =	spop (v2sf)  }
0x1b9: {  	v20 =	vnsel vm6, $0x192, v20;
	vm6 =	vgt.s32 v59, v2;
	v14 =	vnsel vm12, $0x192, v14;
	[sflag:s0] =	ssyncadd.s32 @!p2 $0xFFFFE700;
	s21 =	sshra.s32 s5, $0x1F;
	s4 =	spop (v2sf)  }
0x1ba: {  	vm12 =	vgt.s32 v28, v2;
	v41 =	vadd.s32 v1, v39;
	(v2sf) =	vpush v5, $0xD;
	s1 =	sadd.s32 s5, s20;
	s2 =	sshrl.u32 s21, $0x1D;
	s16 =	spop (v2sf)  }
0x1bb: {  	v27 =	vadd.s32 v3, v39;
	vm10 =	vgt.s32 v41, $0x0;
	(v2sf) =	vpush v6, $0xE;
	s22 =	sadd.s32 s2, s5;
	s23 =	sshra.s32 s16, $0x1F;
	s8 =	spop (v2sf)  }
0x1bc: {  	vm11 =	vgt.s32 v27, $0x0;
	vm13 =	vgt.s32 v26, v4;
	(v2sf) =	vpush v5, $0xE;
	s4 =	sadd.s32 s16, s4;
	[smem:$0x7A7] =	sst s22;
	s6 =	sand.u32 $0xFFFFFFF8, s22  }
0x1bd: {  	v27 =	vnsel vm11, $0x0, v27;
	v26 =	vadd.s32 v3, v36;
	v24 =	vnsel vm13, $0x192, v24;
	s2 =	sshrl.u32 s23, $0x1D;
	s15 =	spop (v2sf);
	s14 =	ssub.s32 s5, s6  }
0x1be: {  	vm5 =	vgt.s32 v26, $0x0;
	vm13 =	vgt.s32 v28, v4;
	v28 =	vadd.s32 v3, v42;
	s2 =	sadd.s32 s2, s16;
	s24 =	spop (v2sf);
	s7 =	sshra.s32 s15, $0x1F  }
0x1bf: {  	v27 =	vmin.u32 v27, $0x192;
	v26 =	vnsel vm5, $0x0, v26;
	vm5 =	vgt.s32 v28, $0x0;
	s8 =	sadd.s32 s15, s8;
	[smem:$0x7A8] =	sst s2;
	s1 =	ssub.s32 s1, s14  }
0x1c0: {  	v46 =	vbroadcast v6, $0xD;
	v26 =	vmin.u32 v26, $0x192;
	v28 =	vnsel vm5, $0x0, v28;
	s2 =	sand.u32 $0xFFFFFFF8, s2;
	s13 =	sshrl.u32 s7, $0x1D;
	s7 =	spop (v2sf)  }
0x1c1: {  	v26 =	vnsel vm7, $0x192, v26;
	v45 =	vmin.u32 v28, $0x192;
	vm7 =	vgt.s32 v29, v4;
	s9 =	ssub.s32 s16, s2;
	s30 =	sadd.s32 s13, s15;
	s6 =	sshra.s32 s7, $0x1F  }
0x1c2: {  	v27 =	vnsel vm13, $0x192, v27;
	v47 =	vnsel vm7, $0x192, v45;
	vm7 =	vgt.s32 v59, v4;
	s10 =	spop (v2sf);
	s2 =	sadd.s32 s7, s24;
	s23 =	ssub.s32 s4, s9  }
0x1c3: {  	(v2sf) =	vpush v6, $0xF;
	v49 =	vmov s14;
	v50 =	vadd.s32 s1, v0;
	[smem:$0x7A9] =	sst s30;
	s4 =	sshrl.u32 s6, $0x1D;
	s21 =	sand.u32 $0xFFFFFFF8, s30  }
0x1c4: {  	(v2sf) =	vpush v5, $0xF;
	vm9 =	vgt.s32 v49, v0;
	s6 =	spop (v2sf);
	vm8 =	vgt.s32 v50, $0x0;
	s25 =	ssub.s32 s15, s21;
	s18 =	sadd.s32 s4, s7  }
0x1c5: {  	v51 =	vmov s9;
	s28 =	sshra.s32 s6, $0x1F;
	s11 =	spop (v2sf);
	s10 =	sadd.s32 s6, s10;
	v52 =	vadd.s32 s23, v0;
	v34 =	vnsel vm8, $0x0, v50  }
0x1c6: {  	vm15 =	vgt.s32 v51, v0;
	v50 =	vadd.s32 v1, v46;
	v51 =	vadd.s32 v3, v46;
	[smem:$0x7AA] =	sst s18;
	s20 =	sand.u32 $0xFFFFFFF8, s18;
	s22 =	sshrl.u32 s28, $0x1D  }
0x1c7: {  	s30 =	ssub.s32 s8, s25;
	v53 =	vmov s25;
	v13 =	vmin.u32 v34, $0x191;
	vm14 =	vgt.s32 v52, $0x0;
	s21 =	ssub.s32 s7, s20;
	s8 =	sadd.s32 s22, s6  }
0x1c8: {  	vm11 =	vgt.s32 v51, $0x0;
	v54 =	vadd.s32 s30, v0;
	v13 =	vnsel vm9, $0x0, v13;
	[smem:$0x7AB] =	sst s8;
	s12 =	ssub.s32 s2, s21;
	s8 =	sand.u32 $0xFFFFFFF8, s8  }
0x1c9: {  	v37 =	vnsel vm14, $0x0, v52;
	vm9 =	vgt.s32 v53, v0;
	v52 =	vbroadcast v5, $0xD;
	s2 =	smov.u32 s17;
	s17 =	ssub.s32 s6, s8;
	s4 =	spop (v2sf)  }
0x1ca: {  	v5 =	vbroadcast v5, $0xF;
	v55 =	vmov s21;
	s10 =	ssub.s32 s10, s17;
	v57 =	vmov s17;
	s17 =	smov.u32 s2;
	s18 =	spop (v2sf)  }
0x1cb: {  	v15 =	vmin.u32 v37, $0x191;
	vm8 =	vgt.s32 v54, $0x0;
	v56 =	vadd.s32 s12, v0;
	s2 =	simm.s32 $0xC8;
	s23 =	sadd.s32 s4, s11;
	s13 =	spop (v2sf)  }
0x1cc: {  	v15 =	vnsel vm15, $0x0, v15;
	v18 =	vnsel vm8, $0x0, v54;
	vm15 =	vgt.s32 v55, v0;
	s11 =	rddreg [dreg:$0x17];
	s12 =	sadd.s32 s13, s18;
	s18 =	simm.s32 $0x56B8  }
0x1cd: {  	v54 =	vnsel vm11, $0x0, v51;
	vm13 =	vgt.s32 v52, v4;
	vm11 =	vgt.s32 v5, v2;
	[tilespmem:s18], [sflag:$0x2] =	stream.indirect.gather [spmem:s17], $0x100, s11, s2, $0xb8;
	[tilespmem:$0x1E8B8] =	vst v63  }
0x1ce: {  	v40 =	vmin.u32 v18, $0x191;
	v18 =	vnsel vm10, $0x0, v41;
	vm14 =	vgt.s32 v56, $0x0;
	[tilespmem:$0x54F0] =	vst v23  }
0x1cf: {  	vm10 =	vgt.s32 v50, $0x0;
	v55 =	vmin.u32 v54, $0x192;
	v58 =	vadd.s32 s10, v0;
	[tilespmem:$0x5638] =	vst v13  }
0x1d0: {  	v17 =	vnsel vm9, $0x0, v40;
	v18 =	vmin.u32 v18, $0x192;
	v43 =	vnsel vm14, $0x0, v56;
	[tilespmem:$0x5509] =	vst v14  }
0x1d1: {  	s24 =	sshra.s32 s4, $0x1F;
	vm9 =	vgt.s32 v57, v0;
	v53 =	vnsel vm10, $0x0, v50;
	v56 =	vbroadcast v6, $0xE;
	[tilespmem:$0x5648] =	vst v15  }
0x1d2: {  	v6 =	vbroadcast v6, $0xF;
	s8 =	sshrl.u32 s24, $0x1D;
	v18 =	vnsel vm12, $0x192, v18;
	vm8 =	vgt.s32 v58, $0x0;
	[tilespmem:$0x5522] =	vst v16  }
0x1d3: {  	v19 =	vmin.u32 v43, $0x191;
	vm12 =	vgt.s32 v52, v2;
	s28 =	sadd.s32 s8, s4;
	s20 =	spop (v2sf);
	s24 =	sshra.s32 s13, $0x1F;
	v48 =	vnsel vm8, $0x0, v58;
	[tilespmem:$0x5658] =	vst v17  }
0x1d4: {  	v19 =	vnsel vm15, $0x0, v19;
	v58 =	vadd.s32 v1, v56;
	s22 =	sand.u32 $0xFFFFFFF8, s28;
	s8 =	spop (v2sf);
	s14 =	sshrl.u32 s24, $0x1D;
	v49 =	vmin.u32 v48, $0x191;
	[tilespmem:$0x553B] =	vst v18  }
0x1d5: {  	vm4 =	vgt.s32 v58, $0x0;
	s22 =	ssub.s32 s4, s22;
	s24 =	sshra.s32 s8, $0x1F;
	s14 =	sadd.s32 s14, s13;
	v14 =	vnsel vm9, $0x0, v49;
	v15 =	vmin.u32 v53, $0x192;
	[tilespmem:$0x5668] =	vst v19  }
0x1d6: {  	v16 =	vnsel vm13, $0x192, v55;
	[tilespmem:$0x5554] =	vst v20;
	s24 =	sshrl.u32 s24, $0x1D;
	s9 =	ssub.s32 s23, s22;
	s25 =	sand.u32 $0xFFFFFFF8, s14;
	v60 =	vmov s22;
	v15 =	vnsel vm12, $0x192, v15  }
0x1d7: {  	[tilespmem:$0x54F9] =	vst v25;
	s1 =	sadd.s32 s24, s8;
	s30 =	ssub.s32 s13, s25;
	v61 =	vadd.s32 s9, v0;
	vm15 =	vgt.s32 v60, v0;
	v60 =	vadd.s32 v3, v56  }
0x1d8: {  	[tilespmem:$0x5512] =	vst v24;
	s23 =	sand.u32 $0xFFFFFFF8, s1;
	s24 =	ssub.s32 s12, s30;
	v62 =	vmov s30;
	vm14 =	vgt.s32 v61, $0x0;
	vm5 =	vgt.s32 v60, $0x0  }
0x1d9: {  	[tilespmem:$0x552B] =	vst v26;
	s25 =	ssub.s32 s8, s23;
	v63 =	vadd.s32 s24, v0;
	v12 =	vnsel vm14, $0x0, v61;
	v18 =	vnsel vm5, $0x0, v60  }
0x1da: {  	[tilespmem:$0x5544] =	vst v27;
	s30 =	sadd.s32 s8, s20;
	vm9 =	vgt.s32 v62, v0;
	vm14 =	vgt.s32 v5, v4;
	v7 =	vmov s25  }
0x1db: {  	[tilespmem:$0x555D] =	vst v47;
	s9 =	ssub.s32 s30, s25;
	v57 =	vmin.u32 v12, $0x191;
	v12 =	vnsel vm4, $0x0, v58;
	v61 =	vmin.u32 v18, $0x192  }
0x1dc: {  	[tilespmem:$0x5678] =	vst v14;
	vm8 =	vgt.s32 v63, $0x0;
	v32 =	vadd.s32 s9, v0;
	v11 =	vnsel vm15, $0x0, v57  }
0x1dd: {  	[tilespmem:$0x556D] =	vst v15;
	v12 =	vmin.u32 v12, $0x192;
	v13 =	vnsel vm7, $0x192, v61;
	v62 =	vnsel vm8, $0x0, v63  }
0x1de: {  	[tilespmem:$0x5576] =	vst v16;
	v63 =	vadd.s32 v1, v6;
	v6 =	vadd.s32 v3, v6;
	vm15 =	vgt.s32 v7, v0  }
0x1df: {  	v12 =	vnsel vm6, $0x192, v12;
	v9 =	vmin.u32 v62, $0x191;
	vm10 =	vgt.s32 v63, $0x0;
	[tilespmem:$0x5688] =	vst v11  }
0x1e0: {  	vm12 =	vgt.s32 v6, $0x0;
	vm13 =	vgt.s32 v32, $0x0;
	v10 =	vnsel vm10, $0x0, v63;
	[tilespmem:$0x5586] =	vst v12  }
0x1e1: {  	v9 =	vnsel vm9, $0x0, v9;
	v5 =	vnsel vm13, $0x0, v32;
	v10 =	vmin.u32 v10, $0x192;
	[tilespmem:$0x558F] =	vst v13  }
0x1e2: {  	v6 =	vnsel vm12, $0x0, v6;
	[tilespmem:$0x5698] =	vst v9;
	v5 =	vmin.u32 v5, $0x191;
	v10 =	vnsel vm11, $0x192, v10  }
0x1e3: {  	v6 =	vmin.u32 v6, $0x192;
	v5 =	vnsel vm15, $0x0, v5;
	[tilespmem:$0x559F] =	vst v10  }
0x1e4: {  	v6 =	vnsel vm14, $0x192, v6;
	[tilespmem:$0x56A8] =	vst v5  }
0x1e5: {  	s0 =	simm.s32 @!p2 $0x6;
	[tilespmem:$0x55A8] =	vst v6  }
0x1e6: {  	_ =	swait.ge @!p2 [sflag:s0], $0x1900  }
0x1e7: {  	[sflag:s0] =	ssyncset.done @!p2 $0x0  }
0x1e8: {  	[sflag:s0] =	ssyncadd.s32 @!p2 $0xFFFFE700  }
0x1e9: {  	_ =	swait.ge @!p2 [sflag:s0], $0x1900  }
0x1ea: {  	[sflag:s0] =	ssyncset.done @!p2 $0x0  }
0x1eb: {  	[sflag:s0] =	ssyncadd.s32 @!p2 $0xFFFFE700  }
0x1ec: {  	_ =	swait.ge @!p2 [sflag:s0], $0x1900  }
0x1ed: {  	[sflag:s0] =	ssyncset.done @!p2 $0x0  }
0x1ee: {  	[sflag:s0] =	ssyncadd.s32 @!p2 $0xFFFFE700  }
0x1ef: {  	_ =	swait.ge @!p2 [sflag:s0], $0x1900  }
0x1f0: {  	[sflag:s0] =	ssyncset.done @!p2 $0x0  }
0x1f1: {  	[sflag:s0] =	ssyncadd.s32 @!p2 $0xFFFFE700  }
0x1f2: {  	_ =	swait.ge @!p2 [sflag:s0], $0x1900  }
0x1f3: {  	[sflag:s0] =	ssyncset.done @!p2 $0x0  }
0x1f4: {  	[sflag:s0] =	ssyncadd.s32 @!p2 $0xFFFFE700  }
0x1f5: {  	_ =	swait.ge @!p2 [sflag:s0], $0x1900  }
0x1f6: {  	[sflag:s0] =	ssyncset.done @!p2 $0x0  }
0x1f7: {  	[sflag:s0] =	ssyncadd.s32 @!p2 $0xFFFFE700  }
0x1f8: {  	_ =	swait.ge @!p2 [sflag:s0], $0x1900  }
0x1f9: {  	[sflag:s0] =	ssyncset.done @!p2 $0x0  }
0x1fa: {  	[sflag:s0] =	ssyncadd.s32 @!p2 $0xFFFFE700  }
0x1fb: {  	_ =	swait.ge @!p2 [sflag:s0], $0x1900  }
0x1fc: {  	s21 =	simm.s32 $0x2;
	[sflag:s0] =	ssyncset.done @!p2 $0x0  }
0x1fd: {  	s20 =	simm.s32 $0x11FB8;
	s23 =	rddreg [dreg:$0x18];
	[sflag:s0] =	ssyncadd.s32 @!p2 $0xFFFFE700  }
0x1fe: {  	[tilespmem:s20], [sflag:$0x3] =	stream.indirect.gather [spmem:s17], $0x100, s23, s2, $0xb8;
	[tilespmem:$0x1E8B8] =	vst v63  }
0x1ff: {  	s24 =	sld [smem:$0x799];
	_ =	swait.ge [sflag:s21], $0xC800  }
0x200: {  	s25 =	sld [smem:$0x79A];
	_ =	sdelay $0x1  }
0x201: {  	s0 =	sshra.s32 s24, $0x3;
	s30 =	rddreg [dreg:$0x19]  }
0x202: {  	s0 =	sshll.u32 s0, $0x8;
	s2 =	sld [smem:$0x79B];
	p2 =	slt.s32 s25, $0xC8  }
0x203: {  	[sflag:s21] =	ssyncset.done $0x0;
	s9 =	sld [smem:$0x79C];
	s0 =	simm.s32 @!p2 $0xC800  }
0x204: {  	[sflag:s21] =	ssyncadd.s32 $0xFFFF3800;
	s21 =	simm.s32 $0x8;
	s0 =	sadd.s32 $0x56B8, s0  }
0x205: {  	[tilespmem:s0], [sflag:$0x4] =	stream.indirect.gather [spmem:s3], $0x20, s30, s21, $0xb8;
	[tilespmem:$0x1E8B8] =	vst v63  }
0x206: {  	s0 =	sshra.s32 s2, $0x3  }
0x207: {  	s0 =	sshll.u32 s0, $0x8  }
0x208: {  	s10 =	rddreg [dreg:$0x1a];
	p2 =	slt.s32 s9, $0xC8;
	s0 =	sadd.s32 $0x1900, s0  }
0x209: {  	s11 =	sld [smem:$0x79D];
	s0 =	simm.s32 @!p2 $0xC800  }
0x20a: {  	s23 =	sld [smem:$0x79E];
	s0 =	sadd.s32 $0x56B8, s0  }
0x20b: {  	[tilespmem:s0], [sflag:$0x4] =	stream.indirect.gather [spmem:s3], $0x20, s10, s21, $0xb8;
	[tilespmem:$0x1E8B8] =	vst v63  }
0x20c: {  	s0 =	sshra.s32 s11, $0x3  }
0x20d: {  	s0 =	sshll.u32 s0, $0x8  }
0x20e: {  	s24 =	rddreg [dreg:$0x1b];
	p2 =	slt.s32 s23, $0xC8;
	s0 =	sadd.s32 $0x3200, s0  }
0x20f: {  	s25 =	sld [smem:$0x79F];
	s0 =	simm.s32 @!p2 $0xC800  }
0x210: {  	s30 =	sld [smem:$0x7A0];
	s0 =	sadd.s32 $0x56B8, s0  }
0x211: {  	[tilespmem:s0], [sflag:$0x4] =	stream.indirect.gather [spmem:s3], $0x20, s24, s21, $0xb8;
	[tilespmem:$0x1E8B8] =	vst v63  }
0x212: {  	s0 =	sshra.s32 s25, $0x3  }
0x213: {  	s0 =	sshll.u32 s0, $0x8  }
0x214: {  	s9 =	sld [smem:$0x7A1];
	p2 =	slt.s32 s30, $0xC8;
	s0 =	sadd.s32 $0x4B00, s0  }
0x215: {  	s2 =	rddreg [dreg:$0x1c];
	s0 =	simm.s32 @!p2 $0xC800  }
0x216: {  	s10 =	sld [smem:$0x7A2];
	s0 =	sadd.s32 $0x56B8, s0  }
0x217: {  	[tilespmem:s0], [sflag:$0x4] =	stream.indirect.gather [spmem:s3], $0x20, s2, s21, $0xb8;
	[tilespmem:$0x1E8B8] =	vst v63  }
0x218: {  	s0 =	sshra.s32 s9, $0x3  }
0x219: {  	s0 =	sshll.u32 s0, $0x8  }
0x21a: {  	s23 =	sld [smem:$0x7A3];
	p2 =	slt.s32 s10, $0xC8;
	s0 =	sadd.s32 $0x6400, s0  }
0x21b: {  	s11 =	rddreg [dreg:$0x1d];
	s0 =	simm.s32 @!p2 $0xC800  }
0x21c: {  	s24 =	sld [smem:$0x7A4];
	s0 =	sadd.s32 $0x56B8, s0  }
0x21d: {  	[tilespmem:s0], [sflag:$0x4] =	stream.indirect.gather [spmem:s3], $0x20, s11, s21, $0xb8;
	[tilespmem:$0x1E8B8] =	vst v63  }
0x21e: {  	s0 =	sshra.s32 s23, $0x3  }
0x21f: {  	s0 =	sshll.u32 s0, $0x8  }
0x220: {  	p2 =	slt.s32 s24, $0xC8;
	s0 =	sadd.s32 $0x7D00, s0  }
0x221: {  	s30 =	sld [smem:$0x7A5];
	s0 =	simm.s32 @!p2 $0xC800  }
0x222: {  	s25 =	rddreg [dreg:$0x1e];
	s0 =	sadd.s32 $0x56B8, s0  }
0x223: {  	[tilespmem:s0], [sflag:$0x4] =	stream.indirect.gather [spmem:s3], $0x20, s25, s21, $0xb8;
	[tilespmem:$0x1E8B8] =	vst v63  }
0x224: {  	s10 =	sld [smem:$0x7A6];
	s0 =	sshra.s32 s30, $0x3  }
0x225: {  	s0 =	sshll.u32 s0, $0x8  }
0x226: {  	p2 =	slt.s32 s31, $0xC8;
	s0 =	sadd.s32 $0x9600, s0  }
0x227: {  	s11 =	sshra.s32 s10, $0x3;
	s0 =	simm.s32 @!p2 $0xC800  }
0x228: {  	s23 =	sshll.u32 s11, $0x8;
	s31 =	rddreg [dreg:$0x1f];
	s0 =	sadd.s32 $0x56B8, s0  }
0x229: {  	[tilespmem:s0], [sflag:$0x4] =	stream.indirect.gather [spmem:s3], $0x20, s31, s21, $0xb8;
	[tilespmem:$0x1E8B8] =	vst v63  }
0x22a: {  	s24 =	sld [smem:$0x7B8];
	p2 =	slt.s32 s29, $0xC8;
	s0 =	sadd.s32 $0xAF00, s23  }
0x22b: {  	s0 =	simm.s32 @!p2 $0xC800  }
0x22c: {  	s0 =	sadd.s32 $0x56B8, s0  }
0x22d: {  	[tilespmem:s0], [sflag:$0x4] =	stream.indirect.gather [spmem:s3], $0x20, s24, s21, $0xb8;
	[tilespmem:$0x1E8B8] =	vst v63  }
0x22e: {  	_ =	swait.ge [sflag:s26], $0x100  }
0x22f: {  	[sflag:s26] =	ssyncset.done $0x0  }
0x230: {  	[sflag:s26] =	ssyncadd.s32 $0xFFFFFF00  }
0x231: {  	_ =	swait.ge [sflag:s26], $0x100  }
0x232: {  	[sflag:s26] =	ssyncset.done $0x0  }
0x233: {  	[sflag:s26] =	ssyncadd.s32 $0xFFFFFF00  }
0x234: {  	_ =	swait.ge [sflag:s26], $0x100  }
0x235: {  	[sflag:s26] =	ssyncset.done $0x0  }
0x236: {  	[sflag:s26] =	ssyncadd.s32 $0xFFFFFF00  }
0x237: {  	_ =	swait.ge [sflag:s26], $0x100  }
0x238: {  	[sflag:s26] =	ssyncset.done $0x0  }
0x239: {  	[sflag:s26] =	ssyncadd.s32 $0xFFFFFF00  }
0x23a: {  	_ =	swait.ge [sflag:s26], $0x100  }
0x23b: {  	[sflag:s26] =	ssyncset.done $0x0  }
0x23c: {  	[sflag:s26] =	ssyncadd.s32 $0xFFFFFF00  }
0x23d: {  	_ =	swait.ge [sflag:s26], $0x100  }
0x23e: {  	[sflag:s26] =	ssyncset.done $0x0  }
0x23f: {  	[sflag:s26] =	ssyncadd.s32 $0xFFFFFF00  }
0x240: {  	_ =	swait.ge [sflag:s26], $0x100  }
0x241: {  	[sflag:s26] =	ssyncset.done $0x0  }
0x242: {  	[sflag:s26] =	ssyncadd.s32 $0xFFFFFF00  }
0x243: {  	_ =	swait.ge [sflag:s26], $0x100  }
0x244: {  	s25 =	rddreg [dreg:$0x7]  }
0x245: {  	s29 =	rddreg [dreg:$0x16]  }
0x246: {  	s30 =	sld [smem:$0x7BA]  }
0x247: {  	s10 =	rddreg [dreg:$0x15]  }
0x248: {  	s11 =	sld [smem:$0x7BB]  }
0x249: {  	s23 =	rddreg [dreg:$0x14]  }
0x24a: {  	s22 =	simm.s32 $0x80;
	s24 =	sld [smem:$0x7BC]  }
0x24b: {  	s31 =	simm.s32 $0x20;
	[sflag:s26] =	ssyncset.done $0x0;
	s2 =	sld [smem:$0x7BF]  }
0x24c: {  	[sflag:s26] =	ssyncadd.s32 $0xFFFFFF00;
	s9 =	sadd.s32 s19, s29;
	s29 =	rddreg [dreg:$0x13]  }
0x24d: {  	s0 =	sadd.s32 s19, s25;
	s25 =	sadd.s32 s19, s23;
	s23 =	rddreg [dreg:$0x10]  }
0x24e: {  	[hbm4b:s0+s31] =	stream.strided.scatter [tilespmem:s18], [sflag:$0x5], $0x1900, s22, s31, $0x38;
	[tilespmem:$0x1E8B8] =	vst v63  }
0x24f: {  	s18 =	simm.s32 $0x20;
	s31 =	rddreg [dreg:$0x12]  }
0x250: {  	[hbm4b:s9+s18] =	stream.strided.scatter [tilespmem:s30], [sflag:$0x5], $0x1900, s22, s18, $0x38;
	[tilespmem:$0x1E8B8] =	vst v63  }
0x251: {  	s0 =	sadd.s32 s19, s10;
	s10 =	rddreg [dreg:$0x11]  }
0x252: {  	[hbm4b:s0+s18] =	stream.strided.scatter [tilespmem:s11], [sflag:$0x5], $0x1900, s22, s18, $0x38;
	[tilespmem:$0x1E8B8] =	vst v63  }
0x253: {  	s30 =	sld [smem:$0x7BE]  }
0x254: {  	[hbm4b:s25+s18] =	stream.strided.scatter [tilespmem:s24], [sflag:$0x5], $0x1900, s22, s18, $0x38;
	[tilespmem:$0x1E8B8] =	vst v63  }
0x255: {  	s0 =	sadd.s32 s19, s29;
	s11 =	sld [smem:$0x7C1]  }
0x256: {  	[hbm4b:s0+s18] =	stream.strided.scatter [tilespmem:s30], [sflag:$0x5], $0x1900, s22, s18, $0x38;
	[tilespmem:$0x1E8B8] =	vst v63  }
0x257: {  	s9 =	sadd.s32 s19, s31;
	s24 =	sld [smem:$0x7C2]  }
0x258: {  	[hbm4b:s9+s18] =	stream.strided.scatter [tilespmem:s2], [sflag:$0x5], $0x1900, s22, s18, $0x38;
	[tilespmem:$0x1E8B8] =	vst v63  }
0x259: {  	s0 =	sadd.s32 s19, s10;
	s30 =	sld [smem:$0x7A7]  }
0x25a: {  	[hbm4b:s0+s18] =	stream.strided.scatter [tilespmem:s11], [sflag:$0x5], $0x1900, s22, s18, $0x38;
	[tilespmem:$0x1E8B8] =	vst v63  }
0x25b: {  	s29 =	sadd.s32 s19, s23;
	s25 =	simm.s32 $0x3  }
0x25c: {  	[hbm4b:s29+s18] =	stream.strided.scatter [tilespmem:s24], [sflag:$0x5], $0x1900, s22, s18, $0x38;
	[tilespmem:$0x1E8B8] =	vst v63  }
0x25d: {  	s0 =	sshra.s32 s30, $0x3;
	_ =	swait.ge [sflag:s25], $0xC800  }
0x25e: {  	p2 =	slt.s32 s5, $0xC8;
	s0 =	sshll.u32 s0, $0x8;
	s31 =	sld [smem:$0x7C3]  }
0x25f: {  	s0 =	simm.s32 @!p2 $0xC800;
	[sflag:s25] =	ssyncset.done $0x0;
	s9 =	sld [smem:$0x7A8]  }
0x260: {  	s0 =	sadd.s32 $0x11FB8, s0;
	[sflag:s25] =	ssyncadd.s32 $0xFFFF3800  }
0x261: {  	[tilespmem:s0], [sflag:$0x4] =	stream.indirect.gather [spmem:s3], $0x20, s31, s21, $0xb8;
	[tilespmem:$0x1E8B8] =	vst v63  }
0x262: {  	s0 =	sshra.s32 s9, $0x3  }
0x263: {  	s0 =	sshll.u32 s0, $0x8  }
0x264: {  	p2 =	slt.s32 s16, $0xC8;
	s10 =	sld [smem:$0x7C5];
	s0 =	sadd.s32 $0x1900, s0  }
0x265: {  	s11 =	sld [smem:$0x7A9];
	s0 =	simm.s32 @!p2 $0xC800  }
0x266: {  	s12 =	smov.u32 s3;
	s0 =	sadd.s32 $0x11FB8, s0  }
0x267: {  	[tilespmem:s0], [sflag:$0x4] =	stream.indirect.gather [spmem:s12], $0x20, s10, s21, $0xb8;
	[tilespmem:$0x1E8B8] =	vst v63  }
0x268: {  	s0 =	sshra.s32 s11, $0x3  }
0x269: {  	s0 =	sshll.u32 s0, $0x8  }
0x26a: {  	p2 =	slt.s32 s15, $0xC8;
	s15 =	sld [smem:$0x7C6];
	s0 =	sadd.s32 $0x3200, s0  }
0x26b: {  	s16 =	sld [smem:$0x7AA];
	s0 =	simm.s32 @!p2 $0xC800  }
0x26c: {  	s0 =	sadd.s32 $0x11FB8, s0  }
0x26d: {  	[tilespmem:s0], [sflag:$0x4] =	stream.indirect.gather [spmem:s12], $0x20, s15, s21, $0xb8;
	[tilespmem:$0x1E8B8] =	vst v63  }
0x26e: {  	s0 =	sshra.s32 s16, $0x3  }
0x26f: {  	s0 =	sshll.u32 s0, $0x8  }
0x270: {  	s23 =	sld [smem:$0x7C8];
	p2 =	slt.s32 s7, $0xC8;
	s0 =	sadd.s32 $0x4B00, s0  }
0x271: {  	s24 =	sld [smem:$0x7AB];
	s0 =	simm.s32 @!p2 $0xC800  }
0x272: {  	s0 =	sadd.s32 $0x11FB8, s0  }
0x273: {  	[tilespmem:s0], [sflag:$0x4] =	stream.indirect.gather [spmem:s12], $0x20, s23, s21, $0xb8;
	[tilespmem:$0x1E8B8] =	vst v63  }
0x274: {  	s0 =	sshra.s32 s24, $0x3  }
0x275: {  	s0 =	sshll.u32 s0, $0x8  }
0x276: {  	s25 =	sld [smem:$0x7C9];
	p2 =	slt.s32 s6, $0xC8;
	s0 =	sadd.s32 $0x6400, s0  }
0x277: {  	s0 =	simm.s32 @!p2 $0xC800  }
0x278: {  	s28 =	sshra.s32 s28, $0x3;
	s0 =	sadd.s32 $0x11FB8, s0  }
0x279: {  	[tilespmem:s0], [sflag:$0x4] =	stream.indirect.gather [spmem:s12], $0x20, s25, s21, $0xb8;
	[tilespmem:$0x1E8B8] =	vst v63  }
0x27a: {  	s0 =	sshll.u32 s28, $0x8  }
0x27b: {  	s29 =	sld [smem:$0x7CA];
	p2 =	slt.s32 s4, $0xC8;
	s0 =	sadd.s32 $0x7D00, s0  }
0x27c: {  	s0 =	simm.s32 @!p2 $0xC800  }
0x27d: {  	s30 =	sshra.s32 s14, $0x3;
	s0 =	sadd.s32 $0x11FB8, s0  }
0x27e: {  	[tilespmem:s0], [sflag:$0x4] =	stream.indirect.gather [spmem:s12], $0x20, s29, s21, $0xb8;
	[tilespmem:$0x1E8B8] =	vst v63  }
0x27f: {  	s0 =	sshll.u32 s30, $0x8  }
0x280: {  	s31 =	sld [smem:$0x7CC];
	p2 =	slt.s32 s13, $0xC8;
	s0 =	sadd.s32 $0x9600, s0  }
0x281: {  	s1 =	sshra.s32 s1, $0x3;
	s0 =	simm.s32 @!p2 $0xC800  }
0x282: {  	s2 =	sshll.u32 s1, $0x8;
	s0 =	sadd.s32 $0x11FB8, s0  }
0x283: {  	[tilespmem:s0], [sflag:$0x4] =	stream.indirect.gather [spmem:s12], $0x20, s31, s21, $0xb8;
	[tilespmem:$0x1E8B8] =	vst v63  }
0x284: {  	s3 =	sld [smem:$0x7CD];
	p2 =	slt.s32 s8, $0xC8;
	s0 =	sadd.s32 $0xAF00, s2  }
0x285: {  	s0 =	simm.s32 @!p2 $0xC800  }
0x286: {  	s0 =	sadd.s32 $0x11FB8, s0  }
0x287: {  	[tilespmem:s0], [sflag:$0x4] =	stream.indirect.gather [spmem:s12], $0x20, s3, s21, $0xb8;
	[tilespmem:$0x1E8B8] =	vst v63  }
0x288: {  	_ =	swait.ge [sflag:s26], $0x100  }
0x289: {  	[sflag:s26] =	ssyncset.done $0x0  }
0x28a: {  	[sflag:s26] =	ssyncadd.s32 $0xFFFFFF00  }
0x28b: {  	_ =	swait.ge [sflag:s26], $0x100  }
0x28c: {  	[sflag:s26] =	ssyncset.done $0x0  }
0x28d: {  	[sflag:s26] =	ssyncadd.s32 $0xFFFFFF00  }
0x28e: {  	_ =	swait.ge [sflag:s26], $0x100  }
0x28f: {  	[sflag:s26] =	ssyncset.done $0x0  }
0x290: {  	[sflag:s26] =	ssyncadd.s32 $0xFFFFFF00  }
0x291: {  	_ =	swait.ge [sflag:s26], $0x100  }
0x292: {  	[sflag:s26] =	ssyncset.done $0x0  }
0x293: {  	[sflag:s26] =	ssyncadd.s32 $0xFFFFFF00  }
0x294: {  	_ =	swait.ge [sflag:s26], $0x100  }
0x295: {  	[sflag:s26] =	ssyncset.done $0x0  }
0x296: {  	[sflag:s26] =	ssyncadd.s32 $0xFFFFFF00  }
0x297: {  	_ =	swait.ge [sflag:s26], $0x100  }
0x298: {  	[sflag:s26] =	ssyncset.done $0x0  }
0x299: {  	[sflag:s26] =	ssyncadd.s32 $0xFFFFFF00  }
0x29a: {  	_ =	swait.ge [sflag:s26], $0x100  }
0x29b: {  	[sflag:s26] =	ssyncset.done $0x0  }
0x29c: {  	[sflag:s26] =	ssyncadd.s32 $0xFFFFFF00  }
0x29d: {  	_ =	swait.ge [sflag:s26], $0x100  }
0x29e: {  	s4 =	rddreg [dreg:$0xf]  }
0x29f: {  	s5 =	rddreg [dreg:$0xe]  }
0x2a0: {  	s6 =	sld [smem:$0x7CF]  }
0x2a1: {  	s8 =	rddreg [dreg:$0xd]  }
0x2a2: {  	s9 =	sld [smem:$0x7D0]  }
0x2a3: {  	s10 =	rddreg [dreg:$0xc]  }
0x2a4: {  	s11 =	sld [smem:$0x7D1]  }
0x2a5: {  	s14 =	rddreg [dreg:$0xb]  }
0x2a6: {  	[sflag:s26] =	ssyncset.done $0x0;
	s15 =	sld [smem:$0x7D2]  }
0x2a7: {  	s16 =	rddreg [dreg:$0xa];
	[sflag:s26] =	ssyncadd.s32 $0xFFFFFF00;
	s0 =	sadd.s32 s19, s4  }
0x2a8: {  	[hbm4b:s0+s18] =	stream.strided.scatter [tilespmem:s20], [sflag:$0x6], $0x1900, s22, s18, $0x38;
	[tilespmem:$0x1E8B8] =	vst v63  }
0x2a9: {  	s23 =	rddreg [dreg:$0x9];
	s7 =	sadd.s32 s19, s5  }
0x2aa: {  	[hbm4b:s7+s18] =	stream.strided.scatter [tilespmem:s6], [sflag:$0x6], $0x1900, s22, s18, $0x38;
	[tilespmem:$0x1E8B8] =	vst v63  }
0x2ab: {  	s24 =	sld [smem:$0x7D5];
	s0 =	sadd.s32 s19, s8  }
0x2ac: {  	[hbm4b:s0+s18] =	stream.strided.scatter [tilespmem:s9], [sflag:$0x6], $0x1900, s22, s18, $0x38;
	[tilespmem:$0x1E8B8] =	vst v63  }
0x2ad: {  	s25 =	rddreg [dreg:$0x8];
	s13 =	sadd.s32 s19, s10  }
0x2ae: {  	[hbm4b:s13+s18] =	stream.strided.scatter [tilespmem:s11], [sflag:$0x6], $0x1900, s22, s18, $0x38;
	[tilespmem:$0x1E8B8] =	vst v63  }
0x2af: {  	s21 =	sadd.s32 s19, s16;
	s20 =	sld [smem:$0x7D3];
	s0 =	sadd.s32 s19, s14  }
0x2b0: {  	[hbm4b:s0+s18] =	stream.strided.scatter [tilespmem:s15], [sflag:$0x6], $0x1900, s22, s18, $0x38;
	[tilespmem:$0x1E8B8] =	vst v63  }
0x2b1: {  	s30 =	sadd.s32 s19, s25;
	s0 =	sadd.s32 s19, s23;
	s19 =	sadd.s32 $0xC800, s19  }
0x2b2: {  	s29 =	sld [smem:$0x7AC];
	p2 =	sne.s32 s19, $0x64000  }
0x2b3: {  	[hbm4b:s21+s18] =	stream.strided.scatter [tilespmem:s20], [sflag:$0x6], $0x1900, s22, s18, $0x38;
	[tilespmem:$0x1E8B8] =	vst v63  }
.Ltmp0:
0x2b4: {  	s31 =	sld [smem:$0x7AD];
	(pc) =	sbr.rel @p2 .LBB2_2-.Ltmp0, $4  }
0x2b5: {  	s28 =	sld [smem:$0x7D6]  }
0x2b6: {  	[hbm4b:s0+s18] =	stream.strided.scatter [tilespmem:s24], [sflag:$0x6], $0x1900, s22, s18, $0x38;
	[tilespmem:$0x1E8B8] =	vst v63  }
0x2b7: {  	s1 =	sadd.s32 $0x10, s29;
	s0 =	sadd.s32 $0x10, s31  }
0x2b8: {  	[hbm4b:s30+s18] =	stream.strided.scatter [tilespmem:s28], [sflag:$0x6], $0x1900, s22, s18, $0x38;
	[tilespmem:$0x1E8B8] =	vst v63  }
0x2b9: {  	s0 =	simm.s32 $0x5  }
0x2ba: {  	_ =	swait.ge [sflag:s0], $0x1900  }
0x2bb: {  	[sflag:s0] =	ssyncset.done $0x0  }
0x2bc: {  	[sflag:s0] =	ssyncadd.s32 $0xFFFFE700  }
0x2bd: {  	_ =	swait.ge [sflag:s0], $0x1900  }
0x2be: {  	[sflag:s0] =	ssyncset.done $0x0  }
0x2bf: {  	[sflag:s0] =	ssyncadd.s32 $0xFFFFE700  }
0x2c0: {  	_ =	swait.ge [sflag:s0], $0x1900  }
0x2c1: {  	[sflag:s0] =	ssyncset.done $0x0  }
0x2c2: {  	[sflag:s0] =	ssyncadd.s32 $0xFFFFE700  }
0x2c3: {  	_ =	swait.ge [sflag:s0], $0x1900  }
0x2c4: {  	[sflag:s0] =	ssyncset.done $0x0  }
0x2c5: {  	[sflag:s0] =	ssyncadd.s32 $0xFFFFE700  }
0x2c6: {  	_ =	swait.ge [sflag:s0], $0x1900  }
0x2c7: {  	[sflag:s0] =	ssyncset.done $0x0  }
0x2c8: {  	[sflag:s0] =	ssyncadd.s32 $0xFFFFE700  }
0x2c9: {  	_ =	swait.ge [sflag:s0], $0x1900  }
0x2ca: {  	[sflag:s0] =	ssyncset.done $0x0  }
0x2cb: {  	[sflag:s0] =	ssyncadd.s32 $0xFFFFE700  }
0x2cc: {  	_ =	swait.ge [sflag:s0], $0x1900  }
0x2cd: {  	[sflag:s0] =	ssyncset.done $0x0  }
0x2ce: {  	[sflag:s0] =	ssyncadd.s32 $0xFFFFE700  }
0x2cf: {  	_ =	swait.ge [sflag:s0], $0x1900  }
0x2d0: {  	[sflag:s0] =	ssyncset.done $0x0  }
0x2d1: {  	s1 =	simm.s32 $0x6;
	[sflag:s0] =	ssyncadd.s32 $0xFFFFE700  }
0x2d2: {  	_ =	swait.ge [sflag:s1], $0x1900  }
0x2d3: {  	[sflag:s1] =	ssyncset.done $0x0  }
0x2d4: {  	[sflag:s1] =	ssyncadd.s32 $0xFFFFE700  }
0x2d5: {  	_ =	swait.ge [sflag:s1], $0x1900  }
0x2d6: {  	[sflag:s1] =	ssyncset.done $0x0  }
0x2d7: {  	[sflag:s1] =	ssyncadd.s32 $0xFFFFE700  }
0x2d8: {  	_ =	swait.ge [sflag:s1], $0x1900  }
0x2d9: {  	[sflag:s1] =	ssyncset.done $0x0  }
0x2da: {  	[sflag:s1] =	ssyncadd.s32 $0xFFFFE700  }
0x2db: {  	_ =	swait.ge [sflag:s1], $0x1900  }
0x2dc: {  	[sflag:s1] =	ssyncset.done $0x0  }
0x2dd: {  	[sflag:s1] =	ssyncadd.s32 $0xFFFFE700  }
0x2de: {  	_ =	swait.ge [sflag:s1], $0x1900  }
0x2df: {  	[sflag:s1] =	ssyncset.done $0x0  }
0x2e0: {  	[sflag:s1] =	ssyncadd.s32 $0xFFFFE700  }
0x2e1: {  	_ =	swait.ge [sflag:s1], $0x1900  }
0x2e2: {  	[sflag:s1] =	ssyncset.done $0x0  }
0x2e3: {  	[sflag:s1] =	ssyncadd.s32 $0xFFFFE700  }
0x2e4: {  	_ =	swait.ge [sflag:s1], $0x1900  }
0x2e5: {  	[sflag:s1] =	ssyncset.done $0x0  }
0x2e6: {  	[sflag:s1] =	ssyncadd.s32 $0xFFFFE700  }
0x2e7: {  	_ =	swait.ge [sflag:s1], $0x1900  }
0x2e8: {  	s2 =	sld [smem:$0x7AE]  }
0x2e9: {  	s31 =	sld [smem:$0x7FC];
	_ =	sdelay $0x1  }
0x2ea: {  	s2 =	sadd.s32 $0x1, s2  }
0x2eb: {  	p2 =	sne.s32 s2, s31  }
.Ltmp1:
0x2ec: {  	_ = 	snop;
	(pc) =	sbr.rel @p2 .LBB2_1-.Ltmp1, $3  }
0x2ed: {  	_ =	sdelay $0x1  }
0x2ee: {  	[sflag:s1] =	ssyncset.done $0x0  }
0x2ef: {  	[sflag:s1] =	ssyncadd.s32 $0xFFFFE700  }
0x2f0: {  	_ =	sfence.sel $0x180000  }
0x2f1: {  	[bflag:$0x0] =	sbarrier.arrive $0xFFFF  }
0x2f2: {  	_ =	strace $0x90000047  }
0x2f3: {  	[bflag:$0x2] =	sbarrier.arrive $0xFFFF  }
0x2f4: {  	s0 =	rddreg [dreg:$0x6]  }
0x2f5: {  	s0 =	sadd.s32 @!p0 $0x100000, s0  }
0x2f6: {  	[sflag:s0] =	ssyncadd.tile.s32 @!p0 $0x1;
	_ =	shalt  }
.Lfunc_end2:
_tile_overlayer_lowered:
.L_overlay_start_2:
0x2f7: {  	(tag) =	ssettag $0x2  }
0x2f8: {  	s0 =	rddreg [dreg:$0x0];
	s2 =	stileid.u32  }
0x2f9: {  	s1 =	rddreg [dreg:$0x1];
	p0 =	sne.s32 s2, $0x0  }
0x2fa: {  	s3 =	rddreg [dreg:$0x2];
	[bflag:$0x3] =	sbarrier.arrive $0xFFFF;
	s2 =	simm.s32 @!p0 $0x1C07  }
0x2fb: {  	[timem:s3], [sflag:s2] =	dma.local @!p0 [hbm:s0], s1  }
0x2fc: {  	s0 =	simm.s32 @!p0 $0x7  }
0x2fd: {  	_ =	swait.ge @!p0 [sflag:s0], s1  }
0x2fe: {  	s1 =	ssub.s32 @!p0 $0x0, s1;
	[sflag:s0] =	ssyncset.done @!p0 $0x0  }
0x2ff: {  	[sflag:s0] =	ssyncadd.s32 @!p0 s1  }
0x300: {  	[bflag:$0x3] =	sbarrier.arrive $0xFFFF  }
0x301: {  	_ =	shalt  }

// kernel: sparse-core-data-format-call.cloned.1.call-start
scs
called_computation_lowered:
.L_overlay_start_0:
0x0: {  	s2 =	sld [smem:$0x3FD9]  }
0x1: {  	s3 =	sld [smem:$0x3FFE];
	_ =	sdelay $0x1  }
0x2: {  	s1 =	srdreg.scid  }
0x3: {  	s0 =	sand.u32 $0x1, s1  }
0x4: {  	s18 =	sshll.u32 s0, $0xA;
	s2 =	sadd.s32 s3, s2  }
0x5: {  	s2 =	sadd.s32 s2, s18  }
0x6: {  	[smem:$0x3FC5] =	sst s2  }
0x7: {  	_ = 	snop  }
0x8: {  	s2 =	sld [smem:$0x3FD0];
	(tm) =	ssettm $0x1  }
0x9: {  	s19 =	sld [smem:$0x3FFB];
	_ =	sdelay $0x3  }
0xa: {  	_ =	strace s19  }
0xb: {  	s3 =	sld [smem:$0x3FFC];
	_ =	sdelay $0x3  }
0xc: {  	_ =	strace s3  }
0xd: {  	s3 =	sld [smem:$0x3FFD];
	_ =	sdelay $0x3  }
0xe: {  	_ =	strace s3  }
0xf: {  	_ =	strace $0x8FFFFFFF  }
0x10: {  	s20 =	sld [smem:$0x3FDB];
	_ =	sdelay $0x1  }
0x11: {  	s4 =	simm.s32 $_scs_section_size  }
0x12: {  	s5 =	simm.s32 $_size__tile_overlayer_lowered;
	s6 =	simm.s32 $_tile_overlayer_lowered  }
0x13: {  	s23 =	simm.s32 $0x1BFF;
	s22 =	sshll.u32 s6, $0x1;
	s3 =	sadd.s32 s4, s20  }
0x14: {  	s7 =	simm.s32 $0x0;
	s21 =	sshll.u32 s5, $0x1;
	s5 =	sadd.s32 s22, s3  }
0x15: {  	[timem:s7], [sflag:s23] =	dma.local [hbm:s5], s21  }
0x16: {  	_ =	swait.ge [sflag:s23], s21  }
0x17: {  	s4 =	ssub.s32 $0x0, s21;
	[sflag:s23] =	ssyncset.done $0x0  }
0x18: {  	[sflag:s23] =	ssyncadd.s32 s4;
	_ =	sdelay $0x1  }
0x19: {  	s24 =	simm.s32 $0x1B8B  }
0x1a: {  	_ =	swait.ge [sflag:s24], $0x1  }
0x1b: {  	[sflag:s24] =	ssyncset.done $0x0  }
0x1c: {  	s26 =	simm.s32 $0x1B8E;
	s25 =	sld [smem:$0x3FFE];
	[sflag:s24] =	ssyncadd.s32 $0xFFFFFFFF  }
0x1d: {  	s27 =	simm.s32 $execute0_lowered;
	[smem:$0x3FD2] =	sst s26  }
0x1e: {  	s5 =	sshll.u32 s27, $0x1;
	_ =	strace $0x80000049;
	[dreg:$0x1] =	wrdreg $0xFFFFFFFF  }
0x1f: {  	s28 =	simm.s32 $_size_execute0_lowered;
	s3 =	sadd.s32 s3, s5;
	[dreg:$0x0] =	wrdreg $0x0  }
0x20: {  	s5 =	sshll.u32 s28, $0x1;
	[dreg:$0x2] =	wrdreg s3  }
0x21: {  	[dreg:$0x3] =	wrdreg s5  }
0x22: {  	[dreg:$0x4] =	wrdreg $0xC0  }
0x23: {  	_ =	task [dreg:s7], $0x5FFFF  }
0x24: {  	[dreg:$0x1] =	wrdreg $0xFFFFFFFF  }
0x25: {  	[dreg:$0x0] =	wrdreg $0x60  }
0x26: {  	[dreg:$0x2] =	wrdreg s25  }
0x27: {  	[dreg:$0x3] =	wrdreg s2  }
0x28: {  	[dreg:$0x4] =	wrdreg $0x9  }
0x29: {  	_ =	task.clear_ibuf [dreg:s7], $0x5FFFF;
	_ =	strace $0x90000049  }
0x2a: {  	s29 =	simm.s32 $0x9;
	_ =	strace $0x8000004B  }
0x2b: {  	_ =	swait.ge [sflag:s29], $0x1  }
0x2c: {  	[sflag:s29] =	ssyncadd.s32 $0xFFFFFFFF  }
0x2d: {  	_ =	strace $0x9000004B  }
0x2e: {  	_ =	sfence  }
0x2f: {  	s30 =	sld [smem:$0x0];
	_ =	sdelay $0x2  }
0x30: {  	s31 =	sshll.u32 s1, $0xD;
	s1 =	sshrl.u32 s1, $0x2  }
0x31: {  	s3 =	sand.u32 $0x4000, s31;
	s1 =	sadd.s32 s1, s30  }
0x32: {  	s0 =	sor.u32 s3, s0;
	s1 =	sshll.u32 s1, $0x11  }
0x33: {  	s0 =	sor.u32 s1, s0  }
0x34: {  	s0 =	sadd.s32 $0x8F2B, s0  }
0x35: {  	[sflag:s0] =	ssyncadd.remote.s32 $0x1  }
0x36: {  	_ =	sfence.sel $0xFFFF  }
0x37: {  	[dreg:$0x0] =	wrdreg $0xFFFFFFFF;
	(pc) =	sbr.abs _section_cstart, $3  }
0x38: {  	[dreg:$0x1] =	wrdreg $0xFFFFFFFF  }
0x39: {  	_ =	task.clear_ibuf [dreg:s7], $0x2FFFF;
	_ =	strace $0x9FFFFFFF  }
0x3a: {  	(tm) =	ssettm $0x7FFFFFFF  }
0x3b: {  	_ =	shalt  }
tec
execute0_lowered:
.L_overlay_start_1:
0x0: {  	(tag) =	ssettag $0x1  }
0x1: {  	s0 =	srdreg.scid  }
0x2: {  	s1 =	sshll.u32 s0, $0x4  }
0x3: {  	s0 =	stileid.u32;
	s1 =	sand.u32 $0x10, s1  }
0x4: {  	s1 =	sor.u32 s0, s1  }
0x5: {  	s6 =	rddreg [dreg:$0x0];
	s4 =	simm.s32 $0x1;
	s2 =	sshll.u32 s1, $0x7  }
0x6: {  	s7 =	simm.s32 $0x2;
	s12 =	simm.s32 $0x0;
	s1 =	ssub.s32 $0x1000, s2  }
0x7: {  	s8 =	simm.s32 $0x8000;
	s13 =	simm.s32 $0x0;
	s3 =	sand.u32 $0xF80, s1  }
0x8: {  	s9 =	simm.s32 $0x0;
	s5 =	sshrl.u32 s1, $0xC;
	p0 =	sne.s32 s3, $0x0  }
.Ltmp0:
0x9: {  	s1 =	rddreg [dreg:$0x2];
	s4 =	simm.s32 @!p0 $0x0;
	(pc) =	sbr.rel .LBB1_1-.Ltmp0, $4  }
0xa: {  	s11 =	simm.s32 $0x0;
	s3 =	rddreg [dreg:$0x1];
	s5 =	sadd.s32 s4, s5  }
0xb: {  	_ =	strace $0x8000004A;
	s4 =	simm.s32 $0x1;
	s5 =	smul.u32 $0xC8, s5  }
0xc: {  	s6 =	sadd.s32 $0x800, s6;
	s10 =	smov.u32 s2;
	[sflag:s4] =	ssyncpa.u1 $0x0  }
0xd: {  	p0 =	por $0x0, $0x0;
	[sflag:s7] =	ssyncpa.u1 $0x0;
	s7 =	sor.u32 $0x1, s5  }
.LBB1_4:
0xe: {  	s16 =	sshll.u32 s13, $0x3;
	s17 =	sand.u32 $0x78, s13  }
0xf: {  	s30 =	sand.u32 $0x3E00, s13;
	s12 =	sshll.u32 s12, $0xE;
	s16 =	sand.u32 $0xC00, s16  }
0x10: {  	s31 =	sand.u32 $0x7, s13;
	s16 =	sor.u32 s17, s16;
	s17 =	sadd.s32 s3, s30  }
0x11: {  	s13 =	sshll.u32 s31, $0x12;
	s16 =	sshrl.u32 s16, $0x3;
	s12 =	sadd.s32 s12, s17  }
0x12: {  	[tilespmem:s15+$0x0 ss:$0x81] =	vst.msk $0xffff, v0;
	s13 =	sor.u32 $0x400, s13;
	s12 =	sadd.s32 s16, s12  }
0x13: {  	[hbm4b:s12+s13] =	stream.strided.scatter [tilespmem:s14], [sflag:$0x2], $0x1000, s8, s13, $0x20;
	[tilespmem:$0x4040] =	vst v63  }
.LBB1_5:
0x14: {  	s14 =	sadd.s32 $0x1, s9  }
0x15: {  	s12 =	sadd.s32 $0x1000, s10;
	s16 =	smov.u32 s10;
	p2 =	sgt.s32 s14, $0xC7  }
0x16: {  	s16 =	smov.u32 @p2 s12  }
0x17: {  	s14 =	simm.s32 @p2 $0x0;
	p2 =	sgt.s32 s16, $0xFFF  }
0x18: {  	s16 =	smov.u32 @p2 s2;
	p2 =	sne.s32 s11, s7  }
.Ltmp1:
0x19: {  	p1 =	slt.u32 s11, $0x2;
	(pc) =	sbr.rel @!p2 .LBB1_6-.Ltmp1, $4  }
0x1a: {  	s15 =	simm.s32 @!p1 $0x2  }
0x1b: {  	s13 =	smov.u32 s10;
	p0 =	por !p0, !p0;
	_ =	swait.ge @!p1 [sflag:s15], $0x1000  }
0x1c: {  	s12 =	smov.u32 s9;
	[sflag:s15] =	ssyncset.done @!p1 $0x0;
	s9 =	smov.u32 s14  }
0x1d: {  	s11 =	sadd.s32 $0x1, s11;
	[sflag:s15] =	ssyncadd.s32 @!p1 $0xFFFFF000;
	s10 =	smov.u32 s16  }
.LBB1_1:
0x1e: {  	p1 =	sge.u32 s11, s5  }
0x1f: {  	s14 =	sand.u32 @!p1 $0x1FFFFFF, s9  }
0x20: {  	s15 =	smulhi.u32 @!p1 $0x147AE15, s14;
	_ =	sdelay $0x1  }
0x21: {  	s15 =	smul.u32 @!p1 $0xC8, s15  }
0x22: {  	s16 =	sxor.u32 @!p1 $0xFFFFFFFF, s11;
	s17 =	smul.u32 @!p1 $0xC80, s10  }
0x23: {  	s31 =	sadd.s32 $0xFFFFFFFF, s11;
	s16 =	sshll.u32 @!p1 s16, $0xC;
	s14 =	ssub.s32 @!p1 s14, s15  }
0x24: {  	s15 =	sand.u32 @!p1 $0x1000, s16;
	s16 =	sadd.s32 @!p1 s6, s17;
	s14 =	sshll.u32 @!p1 s14, $0x4  }
0x25: {  	s17 =	simm.s32 @!p1 $0x6400;
	s14 =	sadd.s32 @!p1 s14, s16;
	s16 =	simm.s32 @!p1 $0x20  }
0x26: {  	[tilespmem:s15], [sflag:$0x1] =	stream.strided.gather @!p1 [hbm4b:s14+s16], $0x1000, s17, s16, $0x38;
	[tilespmem:$0x4040] =	vst v63  }
0x27: {  	p1 =	sge.u32 s31, s5  }
.Ltmp2:
0x28: {  	_ = 	snop;
	(pc) =	sbr.rel @p1 .LBB1_5-.Ltmp2, $1  }
0x29: {  	_ =	sdelay $0x3  }
0x2a: {  	s14 =	simm.s32 $0x1  }
0x2b: {  	_ =	swait.ge [sflag:s4], $0x1000;
	s14 =	simm.s32 @!p0 $0x0  }
0x2c: {  	[sflag:s4] =	ssyncset.done $0x0;
	s15 =	sshll.u32 s14, $0xC  }
0x2d: {  	[sflag:s4] =	ssyncadd.s32 $0xFFFFF000;
	s18 =	sor.u32 $0x10, s15  }
0x2e: {  	s14 =	smul.u32 $0x4080, s14;
	v1 =	vld [tilespmem:s18+$0x0]  }
0x2f: {  	s30 =	sand.u32 $0x1, s11;
	v0 =	vld [tilespmem:s18+$0xFFFFFFF0]  }
0x30: {  	s15 =	smul.u32 $0x4080, s30;
	s14 =	sshrl.u32 s14, $0x2  }
0x31: {  	s16 =	sor.u32 $0x2000, s14  }
0x32: {  	s31 =	sshrl.u32 s15, $0x2;
	s15 =	sadd.s32 $0x0, s16  }
0x33: {  	s17 =	simm.s32 $0x4;
	s18 =	sadd.s32 $0x20, s18;
	s14 =	sor.u32 $0x2000, s31;
	[tilespmem:s15+$0x810 ss:$0x81] =	vst.msk $0xffff, v1  }
.LBB1_3:
0x34: {  	v1 =	vld [tilespmem:s18+$0x0];
	p1 =	sne.s32 s17, $0x1FC;
	[tilespmem:s15+$0x0 ss:$0x81] =	vst.msk $0xffff, v0;
	s15 =	smov.u32 s17;
	s17 =	sadd.s32 $0x4, s17  }
.Ltmp3:
0x35: {  	v0 =	vld [tilespmem:s18+$0xFFFFFFF0];
	(pc) =	sbr.rel @p1 .LBB1_3-.Ltmp3, $4  }
0x36: {  	_ = 	snop  }
0x37: {  	s15 =	sshra.s32 s15, $0x2  }
0x38: {  	s15 =	sadd.s32 s15, s16  }
0x39: {  	s18 =	sadd.s32 $0x20, s18;
	[tilespmem:s15+$0x810 ss:$0x81] =	vst.msk $0xffff, v1  }
.Ltmp4:
0x3a: {  	_ = 	snop;
	(pc) =	sbr.rel .LBB1_4-.Ltmp4, $1  }
0x3b: {  	_ =	sdelay $0x3  }
.LBB1_6:
0x3c: {  	_ =	sfence.sel $0x180000  }
0x3d: {  	s2 =	simm.s32 $0x1;
	[bflag:$0x0] =	sbarrier.arrive $0xFFFF  }
0x3e: {  	s31 =	simm.s32 $0x2;
	[sflag:s2] =	ssyncpa.u1 $0x1  }
0x3f: {  	[sflag:s31] =	ssyncpa.u1 $0x1  }
0x40: {  	p0 =	sne.s32 s0, $0x0;
	_ =	strace $0x9000004A  }
0x41: {  	s0 =	sadd.s32 @!p0 $0x100000, s1;
	[bflag:$0x2] =	sbarrier.arrive $0xFFFF  }
0x42: {  	[sflag:s0] =	ssyncadd.tile.s32 @!p0 $0x1;
	_ =	shalt  }
.Lfunc_end1:
_tile_overlayer_lowered:
.L_overlay_start_2:
0x43: {  	(tag) =	ssettag $0x2  }
0x44: {  	s0 =	rddreg [dreg:$0x0];
	s2 =	stileid.u32  }
0x45: {  	s1 =	rddreg [dreg:$0x1];
	p0 =	sne.s32 s2, $0x0  }
0x46: {  	s3 =	rddreg [dreg:$0x2];
	[bflag:$0x3] =	sbarrier.arrive $0xFFFF;
	s2 =	simm.s32 @!p0 $0x1C01  }
0x47: {  	[timem:s3], [sflag:s2] =	dma.local @!p0 [hbm:s0], s1  }
0x48: {  	s0 =	simm.s32 @!p0 $0x1  }
0x49: {  	_ =	swait.ge @!p0 [sflag:s0], s1  }
0x4a: {  	s1 =	ssub.s32 @!p0 $0x0, s1;
	[sflag:s0] =	ssyncset.done @!p0 $0x0  }
0x4b: {  	[sflag:s0] =	ssyncadd.s32 @!p0 s1  }
0x4c: {  	[bflag:$0x3] =	sbarrier.arrive $0xFFFF  }
0x4d: {  	_ =	shalt  }

</sc_bundles>
